<compile_context>
chip_gen: v7x
topology: tpu7x:2x2x1
jax: 0.10.2.dev20260603
libtpu: 0.0.44.dev20260713+nightly
codegen_flags: <defaults>
</compile_context>

<pallas_src>
import functools

import jax
import jax.numpy as jnp
import numpy as np
from jax import lax
from jax.experimental import pallas as pl
from jax.experimental.pallas import tpu as pltpu
from jax.experimental.pallas import tpu_sc as plsc

_CHU = 128
_CHD = 64
_NT = 16
_NC = 2


def _lane_gather(vec, idx):
    dnums = lax.GatherDimensionNumbers(
        offset_dims=(), collapsed_slice_dims=(0,), start_index_map=(0,))
    return lax.gather(vec, idx[:, None], dnums, (1,),
                      mode=lax.GatherScatterMode.PROMISE_IN_BOUNDS)



def _linear(x, w, b, relu, blk=1024):
    n, kdim = x.shape
    m = w.shape[1]
    b2 = b.reshape(1, -1) if b is not None else None

    def body(x_ref, w_ref, *rest):
        if b2 is not None:
            b_ref, o_ref = rest
            acc = x_ref[...] @ w_ref[...] + b_ref[...]
        else:
            (o_ref,) = rest
            acc = x_ref[...] @ w_ref[...]
        if relu:
            acc = jnp.maximum(acc, 0.0)
        o_ref[...] = acc

    in_specs = [pl.BlockSpec((blk, kdim), lambda i: (i, 0)),
                pl.BlockSpec((kdim, m), lambda i: (0, 0))]
    args = [x, w]
    if b2 is not None:
        in_specs.append(pl.BlockSpec((1, m), lambda i: (0, 0)))
        args.append(b2)
    return pl.pallas_call(
        body, grid=(n // blk,),
        in_specs=in_specs,
        out_specs=pl.BlockSpec((blk, m), lambda i: (i, 0)),
        out_shape=jax.ShapeDtypeStruct((n, m), jnp.float32),
    )(*args)


def _als_proj(xw, asd, blk=1024):
    n, kdim = xw.shape
    m = asd.shape[1]

    def body(x_ref, a_ref, t_ref, mx_ref):
        i = pl.program_id(0)
        t = x_ref[...] @ a_ref[...]
        t_ref[...] = t
        bm = jnp.max(t, axis=0, keepdims=True)

        @pl.when(i == 0)
        def _():
            mx_ref[...] = bm

        @pl.when(i != 0)
        def _():
            mx_ref[...] = jnp.maximum(mx_ref[...], bm)

    return pl.pallas_call(
        body, grid=(n // blk,),
        in_specs=[pl.BlockSpec((blk, kdim), lambda i: (i, 0)),
                  pl.BlockSpec((kdim, m), lambda i: (0, 0))],
        out_specs=[pl.BlockSpec((blk, m), lambda i: (i, 0)),
                   pl.BlockSpec((1, m), lambda i: (0, 0))],
        out_shape=[jax.ShapeDtypeStruct((n, m), jnp.float32),
                   jax.ShapeDtypeStruct((1, m), jnp.float32)],
    )(xw, asd)


def _epilogue(u_parts, d_parts, erep, bias, elu, blk=1024):
    n = u_parts[0].shape[1]
    widths = [up.shape[2] for up in u_parts]
    m = erep.shape[1]
    b2 = bias.reshape(1, -1)
    h4 = erep.shape[0]

    def body(*refs):
        d0, d1, e_ref, b_ref = refs[0], refs[1], refs[2], refs[3]
        urefs = refs[4:-1]
        o_ref = refs[-1]
        dex = (d0[0] + d1[0]) @ e_ref[...] + 1e-16
        cols = [urefs[2 * i][0] + urefs[2 * i + 1][0]
                for i in range(len(widths))]
        u = cols[0] if len(cols) == 1 else jnp.concatenate(cols, axis=1)
        res = u[:, :m] / dex + b_ref[...]
        if elu:
            res = jnp.where(res > 0, res, jnp.exp(jnp.minimum(res, 0.0)) - 1.0)
        o_ref[...] = res

    in_specs = [pl.BlockSpec((1, blk, h4), lambda i: (0, i, 0)),
                pl.BlockSpec((1, blk, h4), lambda i: (1, i, 0)),
                pl.BlockSpec(erep.shape, lambda i: (0, 0)),
                pl.BlockSpec((1, m), lambda i: (0, 0))]
    args = [d_parts, d_parts, erep, b2]
    for up, w in zip(u_parts, widths):
        in_specs.append(pl.BlockSpec((1, blk, w), lambda i: (0, i, 0)))
        in_specs.append(pl.BlockSpec((1, blk, w), lambda i: (1, i, 0)))
        args.extend([up, up])
    return pl.pallas_call(
        body, grid=(n // blk,),
        in_specs=in_specs,
        out_specs=pl.BlockSpec((blk, m), lambda i: (i, 0)),
        out_shape=jax.ShapeDtypeStruct((n, m), jnp.float32),
    )(*args)



def _make_edge_kernel(N, W, H, Cw, E_pad, E_tot):
    n_chunks = E_pad // (_NC * _NT * _CHU)
    rows_per_tile = N // _NT
    mesh = plsc.VectorSubcoreMesh(core_axis_name="c", subcore_axis_name="s")

    @functools.partial(
        pl.kernel, mesh=mesh,
        out_type=jax.ShapeDtypeStruct((_NC, N, W), jnp.float32),
        scratch_types=[
            pltpu.VMEM_SHARED((N, W), jnp.float32),
            pltpu.VMEM((_CHU,), jnp.int32),
            pltpu.VMEM((_CHU,), jnp.int32),
            pltpu.VMEM((_CHU, 16), jnp.float32),
            pltpu.VMEM((_CHU, W), jnp.float32),
            pltpu.SemaphoreType.DMA,
        ],
    )
    def kern(src_hbm, dst_hbm, p_hbm, xw_hbm, zu_hbm,
             u_out, U_sh, sidx, didx, P, XG, sem3):
        c = lax.axis_index("c")
        s = lax.axis_index("s")
        wid = s * _NC + c
        r0 = s * rows_per_tile
        pltpu.sync_copy(zu_hbm, U_sh.at[pl.ds(r0, rows_per_tile)])
        plsc.subcore_barrier()

        def chunk_body(j, carry):
            base = (wid * n_chunks + j) * _CHU
            pltpu.sync_copy(src_hbm.at[pl.ds(base, _CHU)], sidx)
            pltpu.sync_copy(dst_hbm.at[pl.ds(base, _CHU)], didx)
            cp_x = pltpu.async_copy(xw_hbm.at[sidx], XG, sem3)
            pltpu.sync_copy(p_hbm.at[pl.ds(base, _CHU)], P)
            cp_x.wait()

            def ebody(e, carry2):
                pr = P[e]
                for k in range(W // 16):
                    h = (k * 16) // Cw
                    pv = _lane_gather(pr, jnp.full((16,), h, jnp.int32))
                    xv = XG[e, pl.ds(k * 16, 16)]
                    XG[e, pl.ds(k * 16, 16)] = xv * pv
                return carry2

            lax.fori_loop(0, _CHU, ebody, 0)
            pltpu.sync_copy(XG, U_sh.at[didx], add=True)
            return carry

        lax.fori_loop(0, n_chunks, chunk_body, 0)
        plsc.subcore_barrier()
        pltpu.sync_copy(U_sh.at[pl.ds(r0, rows_per_tile)],
                        u_out.at[c, pl.ds(r0, rows_per_tile)])

    return kern


def _make_denom_kernel(N, E_pad):
    n_chunks = E_pad // (_NC * _NT * _CHD)
    rows_per_tile = N // _NT
    mesh = plsc.VectorSubcoreMesh(core_axis_name="c", subcore_axis_name="s")

    @functools.partial(
        pl.kernel, mesh=mesh,
        out_type=[jax.ShapeDtypeStruct((_NC, N, 128), jnp.float32),
                  jax.ShapeDtypeStruct((E_pad, 16), jnp.float32)],
        scratch_types=[
            pltpu.VMEM_SHARED((N, 128), jnp.float32),
            pltpu.VMEM((_CHD,), jnp.int32),
            pltpu.VMEM((_CHD,), jnp.int32),
            pltpu.VMEM((_CHD, 128), jnp.float32),
            pltpu.VMEM((_CHD, 128), jnp.float32),
            pltpu.VMEM((_CHD, 128), jnp.float32),
            pltpu.VMEM((_CHD, 16), jnp.float32),
            pltpu.VMEM((16,), jnp.float32),
            pltpu.SemaphoreType.DMA,
            pltpu.SemaphoreType.DMA,
        ],
    )
    def kern(src_hbm, dst_hbm, ts_hbm, td_hbm, bt_hbm, zu_hbm,
             d_out, p_out, D_sh, sidx, didx, Gs, Gd, P, P16, Bt, sem1, sem2):
        c = lax.axis_index("c")
        s = lax.axis_index("s")
        wid = s * _NC + c
        r0 = s * rows_per_tile
        pltpu.sync_copy(zu_hbm, D_sh.at[pl.ds(r0, rows_per_tile)])
        pltpu.sync_copy(bt_hbm, Bt)
        plsc.subcore_barrier()
        btv = Bt[...]
        zero16 = jnp.zeros((16,), jnp.float32)

        def z0(e, carry):
            for k in range(1, 8):
                P[e, pl.ds(k * 16, 16)] = zero16
            return carry

        lax.fori_loop(0, _CHD, z0, 0)

        def chunk_body(j, carry):
            base = (wid * n_chunks + j) * _CHD
            pltpu.sync_copy(src_hbm.at[pl.ds(base, _CHD)], sidx)
            pltpu.sync_copy(dst_hbm.at[pl.ds(base, _CHD)], didx)
            cp_s = pltpu.async_copy(ts_hbm.at[sidx], Gs, sem1)
            cp_d = pltpu.async_copy(td_hbm.at[didx], Gd, sem2)
            cp_s.wait()
            cp_d.wait()

            def pbody(e, carry2):
                t = Gs[e, pl.ds(0, 16)] + Gd[e, pl.ds(0, 16)]
                a = jnp.maximum(t, 0.2 * t)
                pv = jnp.exp(a - btv)
                P[e, pl.ds(0, 16)] = pv
                P16[e] = pv
                return carry2

            lax.fori_loop(0, _CHD, pbody, 0)
            pltpu.sync_copy(P, D_sh.at[didx], add=True)
            pltpu.sync_copy(P16, p_out.at[pl.ds(base, _CHD)])
            return carry

        lax.fori_loop(0, n_chunks, chunk_body, 0)
        plsc.subcore_barrier()
        pltpu.sync_copy(D_sh.at[pl.ds(r0, rows_per_tile)],
                        d_out.at[c, pl.ds(r0, rows_per_tile)])

    return kern



def _bt16(mx, H):
    g = mx[0]
    t = g[:4] + g[4:]
    b4 = jnp.maximum(t, 0.2 * t)
    if H == 4:
        return jnp.tile(b4, 4)
    return jnp.full((16,), b4[0], jnp.float32)


def _gat_layer(h, src, dst, E_tot, E_pad, W, asrc, adst, bias, H, C,
               perm, elu, zu, zu128, n_true):
    N = h.shape[0]
    HC = W.shape[1]
    Wp = W[:, jnp.asarray(perm)] if perm is not None else W
    xw = _linear(h, Wp, None, relu=False)

    pj = np.asarray(perm) if perm is not None else np.arange(HC)
    hh = pj // C
    cc = pj % C
    rows = jnp.arange(HC)
    asd = jnp.zeros((HC, 8), jnp.float32)
    asd = asd.at[rows, jnp.asarray(hh)].set(asrc[jnp.asarray(hh), jnp.asarray(cc)])
    asd = asd.at[rows, jnp.asarray(hh) + 4].set(adst[jnp.asarray(hh), jnp.asarray(cc)])

    T, mx = _als_proj(xw, asd)
    Ts = jnp.zeros((N, 128), jnp.float32).at[:, :4].set(T[:, :4])
    Ts = Ts.at[n_true:, :4].set(-1e30)
    Td = jnp.zeros((N, 128), jnp.float32).at[:, :4].set(T[:, 4:])
    bt = _bt16(mx, H)

    Cw = 32 if H == 4 else 16
    dkern = _make_denom_kernel(N, E_pad)
    d_parts, p_lin = dkern(src, dst, Ts, Td, bt, zu128)
    u_parts = []
    if HC > 128:
        for xh in (xw[:, :128], xw[:, 128:]):
            kern = _make_edge_kernel(N, 128, H, Cw, E_pad, E_tot)
            u_parts.append(kern(src, dst, p_lin, xh, zu))
    else:
        xw_p = xw if HC == 128 else jnp.pad(xw, ((0, 0), (0, 128 - HC)))
        kern = _make_edge_kernel(N, 128, H, Cw, E_pad, E_tot)
        u_parts.append(kern(src, dst, p_lin, xw_p, zu))

    erep = np.zeros((128, HC), np.float32)
    for i in range(HC):
        erep[hh[i] if H == 4 else 0, i] = 1.0
    bias_p = bias[jnp.asarray(pj)] if perm is not None else bias
    return _epilogue(u_parts, d_parts, jnp.asarray(erep), bias_p, elu=elu)


def kernel(x, edge_index, lin1_W, lin1_b, lin2_W, lin2_b, lin3_W, lin3_b,
           conv1_W, conv1_asrc, conv1_adst, conv1_b,
           conv2_W, conv2_asrc, conv2_adst, conv2_b,
           conv3_W, conv3_asrc, conv3_adst, conv3_b):
    N = x.shape[0]
    N_pad = ((N + 1023) // 1024) * 1024
    E = edge_index.shape[1]
    E_tot = E + N
    gran = _NC * _NT * _CHU
    E_pad = ((E_tot + gran - 1) // gran) * gran
    ar = jnp.arange(N, dtype=edge_index.dtype)
    pad = jnp.full((E_pad - E_tot,), N, edge_index.dtype)
    src = jnp.concatenate([edge_index[0], ar, pad])
    dst = jnp.concatenate([edge_index[1], ar, pad])

    x = jnp.pad(x, ((0, N_pad - N), (0, 0)))
    h = _linear(x, lin1_W, lin1_b, relu=True)
    h = _linear(h, lin2_W, lin2_b, relu=True)
    h = _linear(h, lin3_W, lin3_b, relu=True)

    rows_per_tile = N_pad // _NT
    zu = jnp.zeros((rows_per_tile, 128), jnp.float32)
    zu16 = jnp.zeros((rows_per_tile, 16), jnp.float32)

    perm1 = np.concatenate([
        np.asarray([hh * 64 + c for hh in range(4) for c in range(32)]),
        np.asarray([hh * 64 + 32 + c for hh in range(4) for c in range(32)]),
    ])
    h = _gat_layer(h, src, dst, E_tot, E_pad, conv1_W, conv1_asrc, conv1_adst,
                   conv1_b, 4, 64, perm1, elu=True, zu=zu, zu128=zu, n_true=N)
    conv2_Wp = conv2_W[jnp.asarray(perm1), :]

    h = _gat_layer(h, src, dst, E_tot, E_pad, conv2_Wp, conv2_asrc, conv2_adst,
                   conv2_b, 4, 32, None, elu=True, zu=zu, zu128=zu, n_true=N)

    out = _gat_layer(h, src, dst, E_tot, E_pad, conv3_W, conv3_asrc,
                     conv3_adst, conv3_b, 1, 16, None, elu=False,
                     zu=zu, zu128=zu, n_true=N)
    return out[:N]

# --- scband reference (transcript-rebuilt; emitter-appended) ---
"""Pipeline reference for scband-gat-66202625901208 (READ-ONLY COPY).

The authoritative reference and input builder live on the scoring server;
editing this copy changes nothing except your own understanding.
"""

import jax, jax.numpy as jnp
import numpy as np


def gat_conv(x, ei, W, a_src, a_dst, b, H, C, concat):
    N = x.shape[0]
    src, dst = ei[0], ei[1]
    xw = (x @ W).reshape(N, H, C)
    al_s = (xw * a_src[None]).sum(-1)  # [N,H]
    al_d = (xw * a_dst[None]).sum(-1)  # [N,H]
    alpha = al_s[src] + al_d[dst]      # [E,H]
    alpha = jax.nn.leaky_relu(alpha, 0.2)
    amax = jax.ops.segment_max(alpha, dst, num_segments=N)
    alpha = jnp.exp(alpha - amax[dst])
    denom = jax.ops.segment_sum(alpha, dst, num_segments=N)
    alpha = alpha / (denom[dst] + 1e-16)
    msg = xw[src] * alpha[..., None]   # [E,H,C]
    out = jax.ops.segment_sum(msg, dst, num_segments=N)
    out = out.reshape(N, H * C) if concat else out.mean(axis=1)
    return out + b


def setup_inputs(seed: int = 0) -> dict:
    key = jax.random.key(seed)
    ks = jax.random.split(key, 24)
    N, E, F0 = 10000, 160000, 256
    hid = 32
    x = jax.random.normal(ks[0], (N, F0), jnp.float32)
    edge_index = jax.random.randint(ks[1], (2, E), 0, N, dtype=jnp.int32)

    def w(k, shape, fan):
        return jax.random.normal(k, shape, jnp.float32) * (1.0 / np.sqrt(fan))

    inp = {
        'x': x,
        'edge_index': edge_index,
        'lin1_W': w(ks[2], (256, 512), 256), 'lin1_b': jnp.zeros((512,), jnp.float32),
        'lin2_W': w(ks[3], (512, 256), 512), 'lin2_b': jnp.zeros((256,), jnp.float32),
        'lin3_W': w(ks[4], (256, 128), 256), 'lin3_b': jnp.zeros((128,), jnp.float32),
        'conv1_W': w(ks[5], (128, 4 * 64), 128),
        'conv1_asrc': w(ks[6], (4, 64), 64), 'conv1_adst': w(ks[7], (4, 64), 64),
        'conv1_b': jnp.zeros((256,), jnp.float32),
        'conv2_W': w(ks[8], (256, 4 * 32), 256),
        'conv2_asrc': w(ks[9], (4, 32), 32), 'conv2_adst': w(ks[10], (4, 32), 32),
        'conv2_b': jnp.zeros((128,), jnp.float32),
        'conv3_W': w(ks[11], (128, 16), 128),
        'conv3_asrc': w(ks[12], (1, 16), 16), 'conv3_adst': w(ks[13], (1, 16), 16),
        'conv3_b': jnp.zeros((16,), jnp.float32),
    }
    return inp


def reference(x, edge_index, lin1_W, lin1_b, lin2_W, lin2_b, lin3_W, lin3_b,
              conv1_W, conv1_asrc, conv1_adst, conv1_b,
              conv2_W, conv2_asrc, conv2_adst, conv2_b,
              conv3_W, conv3_asrc, conv3_adst, conv3_b):
    N = x.shape[0]
    ar = jnp.arange(N, dtype=edge_index.dtype)
    ei = jnp.concatenate([edge_index, jnp.stack([ar, ar])], axis=1)  # add self-loops (PyG default)
    h = jax.nn.relu(x @ lin1_W + lin1_b)
    h = jax.nn.relu(h @ lin2_W + lin2_b)
    h = jax.nn.relu(h @ lin3_W + lin3_b)
    # dropout is identity in eval mode
    h = jax.nn.elu(gat_conv(h, ei, conv1_W, conv1_asrc, conv1_adst, conv1_b, 4, 64, True))
    h = jax.nn.elu(gat_conv(h, ei, conv2_W, conv2_asrc, conv2_adst, conv2_b, 4, 32, True))
    out = gat_conv(h, ei, conv3_W, conv3_asrc, conv3_adst, conv3_b, 1, 16, False)
    return out

if __name__ == "__main__":
    import jax
    _d = setup_inputs()
    print(jax.jit(kernel)(*tuple(_d.values())))

</pallas_src>

<mosaic_0001>
#map = affine_map<(d0, d1) -> (0)>
#map1 = affine_map<(d0, d1) -> (0, 0)>
#map2 = affine_map<(d0, d1) -> (0, 0, 0)>
module attributes {stable_mosaic.version = 14 : i64} {
  func.func @kern(%arg0: i32, %arg1: i32, %arg2: memref<172032xi32, #tpu.memory_space<hbm>>, %arg3: memref<172032xi32, #tpu.memory_space<hbm>>, %arg4: memref<10240x128xf32, #tpu.memory_space<hbm>>, %arg5: memref<10240x128xf32, #tpu.memory_space<hbm>>, %arg6: memref<16xf32, #tpu.memory_space<hbm>>, %arg7: memref<640x128xf32, #tpu.memory_space<hbm>>, %arg8: memref<2x10240x128xf32, #tpu.memory_space<hbm>>, %arg9: memref<172032x16xf32, #tpu.memory_space<hbm>>, %arg10: memref<10240x128xf32, #tpu.memory_space<vmem_shared>>, %arg11: memref<64xi32, #tpu.memory_space<vmem>>, %arg12: memref<64xi32, #tpu.memory_space<vmem>>, %arg13: memref<64x128xf32, #tpu.memory_space<vmem>>, %arg14: memref<64x128xf32, #tpu.memory_space<vmem>>, %arg15: memref<64x128xf32, #tpu.memory_space<vmem>>, %arg16: memref<64x16xf32, #tpu.memory_space<vmem>>, %arg17: memref<16xf32, #tpu.memory_space<vmem>>, %arg18: memref<!tpu.dma_semaphore, #tpu.memory_space<semaphore_mem>>, %arg19: memref<!tpu.dma_semaphore, #tpu.memory_space<semaphore_mem>>) attributes {dimension_semantics = [#tpu.dimension_semantics<core_parallel>, #tpu.dimension_semantics<subcore_parallel>], iteration_bounds = array<i64: 2, 16>, scalar_prefetch = 0 : i64, scratch_operands = 10 : i64, tpu.core_type = #tpu.core_type<sc_vector_subcore>, window_params = [{transform_indices = #map}, {transform_indices = #map}, {transform_indices = #map1}, {transform_indices = #map1}, {transform_indices = #map}, {transform_indices = #map1}, {transform_indices = #map2}, {transform_indices = #map1}]} {
    %mul3A = arith.constant 2 : i32
    %mul3A_0 = arith.muli %arg1, %mul3A : i32
    %add3A = arith.addi %mul3A_0, %arg0 : i32
    %mul3A_1 = arith.constant 640 : i32
    %mul3A_2 = arith.muli %arg1, %mul3A_1 : i32
    "tpu.region"() ({
      %run_scoped3A = tpu.sem_alloc : memref<!tpu.dma_semaphore, #tpu.memory_space<semaphore_mem>>
      %dma_start3A = arith.constant 0 : i32
      %dma_start3A_18 = tpu.memref_slice %arg10[%mul3A_2, %dma_start3A] : memref<10240x128xf32, #tpu.memory_space<vmem_shared>> -> memref<640x128xf32, #tpu.memory_space<vmem_shared>>
      tpu.enqueue_dma source(%arg7 : memref<640x128xf32, #tpu.memory_space<hbm>>) target(%dma_start3A_18 : memref<640x128xf32, #tpu.memory_space<vmem_shared>>) target_semaphore(%run_scoped3A : memref<!tpu.dma_semaphore, #tpu.memory_space<semaphore_mem>>)
      %dma_wait3A = arith.constant 0 : i32
      %dma_wait3A_19 = tpu.memref_slice %arg10[%mul3A_2, %dma_wait3A] : memref<10240x128xf32, #tpu.memory_space<vmem_shared>> -> memref<640x128xf32, #tpu.memory_space<vmem_shared>>
      tpu.wait_dma2 semaphore(%run_scoped3A : memref<!tpu.dma_semaphore, #tpu.memory_space<semaphore_mem>>) src(%arg7 : memref<640x128xf32, #tpu.memory_space<hbm>>) dst(%dma_wait3A_19 : memref<640x128xf32, #tpu.memory_space<vmem_shared>>)
      tpu.yield
    }) : () -> ()
    "tpu.region"() ({
      %run_scoped3A = tpu.sem_alloc : memref<!tpu.dma_semaphore, #tpu.memory_space<semaphore_mem>>
      tpu.enqueue_dma source(%arg6 : memref<16xf32, #tpu.memory_space<hbm>>) target(%arg17 : memref<16xf32, #tpu.memory_space<vmem>>) target_semaphore(%run_scoped3A : memref<!tpu.dma_semaphore, #tpu.memory_space<semaphore_mem>>)
      tpu.wait_dma2 semaphore(%run_scoped3A : memref<!tpu.dma_semaphore, #tpu.memory_space<semaphore_mem>>) src(%arg6 : memref<16xf32, #tpu.memory_space<hbm>>) dst(%arg17 : memref<16xf32, #tpu.memory_space<vmem>>)
      tpu.yield
    }) : () -> ()
    %barrier3A = arith.constant 0 : index
    tpu.barrier barrier_id(%barrier3A)
    %get3A = arith.constant 0 : index
    %get3A_3 = tpu.vector_load %arg17[%get3A] {strides = array<i32>} : memref<16xf32, #tpu.memory_space<vmem>>, vector<16xf32>,
    %get3A_4 = vector.shape_cast %get3A_3 : vector<16xf32> to vector<16xf32>
    %broadcast_in_dim3A = arith.constant 0.000000e+00 : f32
    %broadcast_in_dim3A_5 = vector.broadcast %broadcast_in_dim3A : f32 to vector<16xf32>
    %scan3A = arith.constant 0 : i32
    %scan3A_6 = arith.constant 0 : i32
    %scan3A_7 = arith.constant 64 : i32
    %scan3A_8 = arith.addi %scan3A_6, %scan3A_7 : i32
    %scan3A_9 = arith.constant 1 : i32
    scf.for %scan3A_18 = %scan3A_6 to %scan3A_8 step %scan3A_9  : i32 {
      %swap3A = arith.index_cast %scan3A_18 : i32 to index
      %swap3A_19 = arith.constant 16 : index
      %swap3A_20 = tpu.vector_load %arg15[%swap3A, %swap3A_19] {strides = array<i32>} : memref<64x128xf32, #tpu.memory_space<vmem>>, vector<1x16xf32>,
      %swap3A_21 = vector.shape_cast %swap3A_20 : vector<1x16xf32> to vector<16xf32>
      %swap3A_22 = vector.shape_cast %broadcast_in_dim3A_5 : vector<16xf32> to vector<1x16xf32>
      tpu.vector_store %arg15[%swap3A, %swap3A_19], %swap3A_22 {strides = array<i32>} : memref<64x128xf32, #tpu.memory_space<vmem>>, vector<1x16xf32>,
      %swap3A_23 = arith.index_cast %scan3A_18 : i32 to index
      %swap3A_24 = arith.constant 32 : index
      %swap3A_25 = tpu.vector_load %arg15[%swap3A_23, %swap3A_24] {strides = array<i32>} : memref<64x128xf32, #tpu.memory_space<vmem>>, vector<1x16xf32>,
      %swap3A_26 = vector.shape_cast %swap3A_25 : vector<1x16xf32> to vector<16xf32>
      %swap3A_27 = vector.shape_cast %broadcast_in_dim3A_5 : vector<16xf32> to vector<1x16xf32>
      tpu.vector_store %arg15[%swap3A_23, %swap3A_24], %swap3A_27 {strides = array<i32>} : memref<64x128xf32, #tpu.memory_space<vmem>>, vector<1x16xf32>,
      %swap3A_28 = arith.index_cast %scan3A_18 : i32 to index
      %swap3A_29 = arith.constant 48 : index
      %swap3A_30 = tpu.vector_load %arg15[%swap3A_28, %swap3A_29] {strides = array<i32>} : memref<64x128xf32, #tpu.memory_space<vmem>>, vector<1x16xf32>,
      %swap3A_31 = vector.shape_cast %swap3A_30 : vector<1x16xf32> to vector<16xf32>
      %swap3A_32 = vector.shape_cast %broadcast_in_dim3A_5 : vector<16xf32> to vector<1x16xf32>
      tpu.vector_store %arg15[%swap3A_28, %swap3A_29], %swap3A_32 {strides = array<i32>} : memref<64x128xf32, #tpu.memory_space<vmem>>, vector<1x16xf32>,
      %swap3A_33 = arith.index_cast %scan3A_18 : i32 to index
      %swap3A_34 = arith.constant 64 : index
      %swap3A_35 = tpu.vector_load %arg15[%swap3A_33, %swap3A_34] {strides = array<i32>} : memref<64x128xf32, #tpu.memory_space<vmem>>, vector<1x16xf32>,
      %swap3A_36 = vector.shape_cast %swap3A_35 : vector<1x16xf32> to vector<16xf32>
      %swap3A_37 = vector.shape_cast %broadcast_in_dim3A_5 : vector<16xf32> to vector<1x16xf32>
      tpu.vector_store %arg15[%swap3A_33, %swap3A_34], %swap3A_37 {strides = array<i32>} : memref<64x128xf32, #tpu.memory_space<vmem>>, vector<1x16xf32>,
      %swap3A_38 = arith.index_cast %scan3A_18 : i32 to index
      %swap3A_39 = arith.constant 80 : index
      %swap3A_40 = tpu.vector_load %arg15[%swap3A_38, %swap3A_39] {strides = array<i32>} : memref<64x128xf32, #tpu.memory_space<vmem>>, vector<1x16xf32>,
      %swap3A_41 = vector.shape_cast %swap3A_40 : vector<1x16xf32> to vector<16xf32>
      %swap3A_42 = vector.shape_cast %broadcast_in_dim3A_5 : vector<16xf32> to vector<1x16xf32>
      tpu.vector_store %arg15[%swap3A_38, %swap3A_39], %swap3A_42 {strides = array<i32>} : memref<64x128xf32, #tpu.memory_space<vmem>>, vector<1x16xf32>,
      %swap3A_43 = arith.index_cast %scan3A_18 : i32 to index
      %swap3A_44 = arith.constant 96 : index
      %swap3A_45 = tpu.vector_load %arg15[%swap3A_43, %swap3A_44] {strides = array<i32>} : memref<64x128xf32, #tpu.memory_space<vmem>>, vector<1x16xf32>,
      %swap3A_46 = vector.shape_cast %swap3A_45 : vector<1x16xf32> to vector<16xf32>
      %swap3A_47 = vector.shape_cast %broadcast_in_dim3A_5 : vector<16xf32> to vector<1x16xf32>
      tpu.vector_store %arg15[%swap3A_43, %swap3A_44], %swap3A_47 {strides = array<i32>} : memref<64x128xf32, #tpu.memory_space<vmem>>, vector<1x16xf32>,
      %swap3A_48 = arith.index_cast %scan3A_18 : i32 to index
      %swap3A_49 = arith.constant 112 : index
      %swap3A_50 = tpu.vector_load %arg15[%swap3A_48, %swap3A_49] {strides = array<i32>} : memref<64x128xf32, #tpu.memory_space<vmem>>, vector<1x16xf32>,
      %swap3A_51 = vector.shape_cast %swap3A_50 : vector<1x16xf32> to vector<16xf32>
      %swap3A_52 = vector.shape_cast %broadcast_in_dim3A_5 : vector<16xf32> to vector<1x16xf32>
      tpu.vector_store %arg15[%swap3A_48, %swap3A_49], %swap3A_52 {strides = array<i32>} : memref<64x128xf32, #tpu.memory_space<vmem>>, vector<1x16xf32>,
    }
    %scan3A_10 = arith.constant 64 : i32
    %scan3A_11 = arith.constant 0 : i32
    %scan3A_12 = arith.constant 0 : i32
    %scan3A_13 = arith.constant 84 : i32
    %scan3A_14 = arith.addi %scan3A_12, %scan3A_13 : i32
    %scan3A_15 = arith.constant 1 : i32
    scf.for %scan3A_18 = %scan3A_12 to %scan3A_14 step %scan3A_15  : i32 {
      %mul3A_19 = arith.constant 84 : i32
      %mul3A_20 = arith.muli %add3A, %mul3A_19 : i32
      %add3A_21 = arith.addi %mul3A_20, %scan3A_18 : i32
      %mul3A_22 = arith.constant 64 : i32
      %mul3A_23 = arith.muli %add3A_21, %mul3A_22 : i32
      "tpu.region"() ({
        %run_scoped3A = tpu.sem_alloc : memref<!tpu.dma_semaphore, #tpu.memory_space<semaphore_mem>>
        %dma_start3A_40 = tpu.memref_slice %arg2[%mul3A_23] : memref<172032xi32, #tpu.memory_space<hbm>> -> memref<64xi32, #tpu.memory_space<hbm>>
        %dma_start3A_41 = tpu.memref_slice %arg2[%mul3A_23] : memref<172032xi32, #tpu.memory_space<hbm>> -> memref<64xi32, #tpu.memory_space<hbm>>
        tpu.enqueue_dma source(%dma_start3A_41 : memref<64xi32, #tpu.memory_space<hbm>>) target(%arg11 : memref<64xi32, #tpu.memory_space<vmem>>) target_semaphore(%run_scoped3A : memref<!tpu.dma_semaphore, #tpu.memory_space<semaphore_mem>>)
        %dma_wait3A_42 = tpu.memref_slice %arg2[%mul3A_23] : memref<172032xi32, #tpu.memory_space<hbm>> -> memref<64xi32, #tpu.memory_space<hbm>>
        %dma_wait3A_43 = tpu.memref_slice %arg2[%mul3A_23] : memref<172032xi32, #tpu.memory_space<hbm>> -> memref<64xi32, #tpu.memory_space<hbm>>
        tpu.wait_dma2 semaphore(%run_scoped3A : memref<!tpu.dma_semaphore, #tpu.memory_space<semaphore_mem>>) src(%dma_wait3A_43 : memref<64xi32, #tpu.memory_space<hbm>>) dst(%arg11 : memref<64xi32, #tpu.memory_space<vmem>>)
        tpu.yield
      }) : () -> ()
      "tpu.region"() ({
        %run_scoped3A = tpu.sem_alloc : memref<!tpu.dma_semaphore, #tpu.memory_space<semaphore_mem>>
        %dma_start3A_40 = tpu.memref_slice %arg3[%mul3A_23] : memref<172032xi32, #tpu.memory_space<hbm>> -> memref<64xi32, #tpu.memory_space<hbm>>
        %dma_start3A_41 = tpu.memref_slice %arg3[%mul3A_23] : memref<172032xi32, #tpu.memory_space<hbm>> -> memref<64xi32, #tpu.memory_space<hbm>>
        tpu.enqueue_dma source(%dma_start3A_41 : memref<64xi32, #tpu.memory_space<hbm>>) target(%arg12 : memref<64xi32, #tpu.memory_space<vmem>>) target_semaphore(%run_scoped3A : memref<!tpu.dma_semaphore, #tpu.memory_space<semaphore_mem>>)
        %dma_wait3A_42 = tpu.memref_slice %arg3[%mul3A_23] : memref<172032xi32, #tpu.memory_space<hbm>> -> memref<64xi32, #tpu.memory_space<hbm>>
        %dma_wait3A_43 = tpu.memref_slice %arg3[%mul3A_23] : memref<172032xi32, #tpu.memory_space<hbm>> -> memref<64xi32, #tpu.memory_space<hbm>>
        tpu.wait_dma2 semaphore(%run_scoped3A : memref<!tpu.dma_semaphore, #tpu.memory_space<semaphore_mem>>) src(%dma_wait3A_43 : memref<64xi32, #tpu.memory_space<hbm>>) dst(%arg12 : memref<64xi32, #tpu.memory_space<vmem>>)
        tpu.yield
      }) : () -> ()
      %dma_start3A = arith.constant 0 : i32
      %dma_start3A_24 = arith.constant 0 : i32
      %dma_start3A_25 = tpu.memref_slice %arg4[%dma_start3A, %dma_start3A_24] : memref<10240x128xf32, #tpu.memory_space<hbm>> -> memref<10240x128xf32, #tpu.memory_space<hbm>>
      tpu.enqueue_indirect_dma source(%dma_start3A_25 : memref<10240x128xf32, #tpu.memory_space<hbm>>) target(%arg13 : memref<64x128xf32, #tpu.memory_space<vmem>>) offsets(%arg11 : memref<64xi32, #tpu.memory_space<vmem>>) semaphore(%arg18 : memref<!tpu.dma_semaphore, #tpu.memory_space<semaphore_mem>>)
      %dma_start3A_26 = arith.constant 0 : i32
      %dma_start3A_27 = arith.constant 0 : i32
      %dma_start3A_28 = tpu.memref_slice %arg5[%dma_start3A_26, %dma_start3A_27] : memref<10240x128xf32, #tpu.memory_space<hbm>> -> memref<10240x128xf32, #tpu.memory_space<hbm>>
      tpu.enqueue_indirect_dma source(%dma_start3A_28 : memref<10240x128xf32, #tpu.memory_space<hbm>>) target(%arg14 : memref<64x128xf32, #tpu.memory_space<vmem>>) offsets(%arg12 : memref<64xi32, #tpu.memory_space<vmem>>) semaphore(%arg19 : memref<!tpu.dma_semaphore, #tpu.memory_space<semaphore_mem>>)
      %dma_wait3A = arith.constant 0 : i32
      %dma_wait3A_29 = arith.constant 0 : i32
      %dma_wait3A_30 = tpu.memref_slice %arg4[%dma_wait3A, %dma_wait3A_29] : memref<10240x128xf32, #tpu.memory_space<hbm>> -> memref<10240x128xf32, #tpu.memory_space<hbm>>
      tpu.wait_indirect_dma semaphore(%arg18 : memref<!tpu.dma_semaphore, #tpu.memory_space<semaphore_mem>>) src(%dma_wait3A_30 : memref<10240x128xf32, #tpu.memory_space<hbm>>) dst(%arg13 : memref<64x128xf32, #tpu.memory_space<vmem>>)
      %dma_wait3A_31 = arith.constant 0 : i32
      %dma_wait3A_32 = arith.constant 0 : i32
      %dma_wait3A_33 = tpu.memref_slice %arg5[%dma_wait3A_31, %dma_wait3A_32] : memref<10240x128xf32, #tpu.memory_space<hbm>> -> memref<10240x128xf32, #tpu.memory_space<hbm>>
      tpu.wait_indirect_dma semaphore(%arg19 : memref<!tpu.dma_semaphore, #tpu.memory_space<semaphore_mem>>) src(%dma_wait3A_33 : memref<10240x128xf32, #tpu.memory_space<hbm>>) dst(%arg14 : memref<64x128xf32, #tpu.memory_space<vmem>>)
      %scan3A_34 = arith.constant 0 : i32
      %scan3A_35 = arith.constant 0 : i32
      %scan3A_36 = arith.constant 64 : i32
      %scan3A_37 = arith.addi %scan3A_35, %scan3A_36 : i32
      %scan3A_38 = arith.constant 1 : i32
      scf.for %scan3A_40 = %scan3A_35 to %scan3A_37 step %scan3A_38  : i32 {
        %get3A_41 = arith.index_cast %scan3A_40 : i32 to index
        %get3A_42 = arith.constant 0 : index
        %get3A_43 = tpu.vector_load %arg13[%get3A_41, %get3A_42] {strides = array<i32>} : memref<64x128xf32, #tpu.memory_space<vmem>>, vector<1x16xf32>,
        %get3A_44 = vector.shape_cast %get3A_43 : vector<1x16xf32> to vector<16xf32>
        %get3A_45 = arith.index_cast %scan3A_40 : i32 to index
        %get3A_46 = arith.constant 0 : index
        %get3A_47 = tpu.vector_load %arg14[%get3A_45, %get3A_46] {strides = array<i32>} : memref<64x128xf32, #tpu.memory_space<vmem>>, vector<1x16xf32>,
        %get3A_48 = vector.shape_cast %get3A_47 : vector<1x16xf32> to vector<16xf32>
        %add3A_49 = arith.addf %get3A_44, %get3A_48 : vector<16xf32>
        %mul3A_50 = arith.constant 2.000000e-01 : f32
        %mul3A_51 = vector.broadcast %mul3A_50 : f32 to vector<16xf32>
        %mul3A_52 = arith.mulf %mul3A_51, %add3A_49 : vector<16xf32>
        %max3A = arith.maximumf %add3A_49, %mul3A_52 : vector<16xf32>
        %sub3A = arith.subf %max3A, %get3A_4 : vector<16xf32>
        %exp3A = math.exp %sub3A : vector<16xf32>
        %swap3A = arith.index_cast %scan3A_40 : i32 to index
        %swap3A_53 = arith.constant 0 : index
        %swap3A_54 = tpu.vector_load %arg15[%swap3A, %swap3A_53] {strides = array<i32>} : memref<64x128xf32, #tpu.memory_space<vmem>>, vector<1x16xf32>,
        %swap3A_55 = vector.shape_cast %swap3A_54 : vector<1x16xf32> to vector<16xf32>
        %swap3A_56 = vector.shape_cast %exp3A : vector<16xf32> to vector<1x16xf32>
        tpu.vector_store %arg15[%swap3A, %swap3A_53], %swap3A_56 {strides = array<i32>} : memref<64x128xf32, #tpu.memory_space<vmem>>, vector<1x16xf32>,
        %swap3A_57 = arith.index_cast %scan3A_40 : i32 to index
        %swap3A_58 = arith.constant 0 : index
        %swap3A_59 = tpu.vector_load %arg16[%swap3A_57, %swap3A_58] {strides = array<i32>} : memref<64x16xf32, #tpu.memory_space<vmem>>, vector<1x16xf32>,
        %swap3A_60 = vector.shape_cast %swap3A_59 : vector<1x16xf32> to vector<16xf32>
        %swap3A_61 = vector.shape_cast %exp3A : vector<16xf32> to vector<1x16xf32>
        tpu.vector_store %arg16[%swap3A_57, %swap3A_58], %swap3A_61 {strides = array<i32>} : memref<64x16xf32, #tpu.memory_space<vmem>>, vector<1x16xf32>,
      }
      %scan3A_39 = arith.constant 64 : i32
      "tpu.region"() ({
        %run_scoped3A = tpu.sem_alloc : memref<!tpu.dma_semaphore, #tpu.memory_space<semaphore_mem>>
        %dma_start3A_40 = arith.constant 0 : i32
        %dma_start3A_41 = arith.constant 0 : i32
        %dma_start3A_42 = tpu.memref_slice %arg10[%dma_start3A_40, %dma_start3A_41] : memref<10240x128xf32, #tpu.memory_space<vmem_shared>> -> memref<10240x128xf32, #tpu.memory_space<vmem_shared>>
        tpu.enqueue_indirect_dma source(%arg15 : memref<64x128xf32, #tpu.memory_space<vmem>>) target(%dma_start3A_42 : memref<10240x128xf32, #tpu.memory_space<vmem_shared>>) offsets(%arg12 : memref<64xi32, #tpu.memory_space<vmem>>) semaphore(%run_scoped3A : memref<!tpu.dma_semaphore, #tpu.memory_space<semaphore_mem>>) {add = true}
        %dma_wait3A_43 = arith.constant 0 : i32
        %dma_wait3A_44 = arith.constant 0 : i32
        %dma_wait3A_45 = tpu.memref_slice %arg10[%dma_wait3A_43, %dma_wait3A_44] : memref<10240x128xf32, #tpu.memory_space<vmem_shared>> -> memref<10240x128xf32, #tpu.memory_space<vmem_shared>>
        tpu.wait_indirect_dma semaphore(%run_scoped3A : memref<!tpu.dma_semaphore, #tpu.memory_space<semaphore_mem>>) src(%arg15 : memref<64x128xf32, #tpu.memory_space<vmem>>) dst(%dma_wait3A_45 : memref<10240x128xf32, #tpu.memory_space<vmem_shared>>)
        tpu.yield
      }) : () -> ()
      "tpu.region"() ({
        %run_scoped3A = tpu.sem_alloc : memref<!tpu.dma_semaphore, #tpu.memory_space<semaphore_mem>>
        %dma_start3A_40 = arith.constant 0 : i32
        %dma_start3A_41 = tpu.memref_slice %arg9[%mul3A_23, %dma_start3A_40] : memref<172032x16xf32, #tpu.memory_space<hbm>> -> memref<64x16xf32, #tpu.memory_space<hbm>>
        %dma_start3A_42 = arith.constant 0 : i32
        %dma_start3A_43 = tpu.memref_slice %arg9[%mul3A_23, %dma_start3A_42] : memref<172032x16xf32, #tpu.memory_space<hbm>> -> memref<64x16xf32, #tpu.memory_space<hbm>>
        tpu.enqueue_dma source(%arg16 : memref<64x16xf32, #tpu.memory_space<vmem>>) target(%dma_start3A_43 : memref<64x16xf32, #tpu.memory_space<hbm>>) target_semaphore(%run_scoped3A : memref<!tpu.dma_semaphore, #tpu.memory_space<semaphore_mem>>)
        %dma_wait3A_44 = arith.constant 0 : i32
        %dma_wait3A_45 = tpu.memref_slice %arg9[%mul3A_23, %dma_wait3A_44] : memref<172032x16xf32, #tpu.memory_space<hbm>> -> memref<64x16xf32, #tpu.memory_space<hbm>>
        %dma_wait3A_46 = arith.constant 0 : i32
        %dma_wait3A_47 = tpu.memref_slice %arg9[%mul3A_23, %dma_wait3A_46] : memref<172032x16xf32, #tpu.memory_space<hbm>> -> memref<64x16xf32, #tpu.memory_space<hbm>>
        tpu.wait_dma2 semaphore(%run_scoped3A : memref<!tpu.dma_semaphore, #tpu.memory_space<semaphore_mem>>) src(%arg16 : memref<64x16xf32, #tpu.memory_space<vmem>>) dst(%dma_wait3A_47 : memref<64x16xf32, #tpu.memory_space<hbm>>)
        tpu.yield
      }) : () -> ()
    }
    %scan3A_16 = arith.constant 84 : i32
    %barrier3A_17 = arith.constant 0 : index
    tpu.barrier barrier_id(%barrier3A_17)
    "tpu.region"() ({
      %run_scoped3A = tpu.sem_alloc : memref<!tpu.dma_semaphore, #tpu.memory_space<semaphore_mem>>
      %dma_start3A = arith.constant 0 : i32
      %dma_start3A_18 = tpu.memref_slice %arg8[%arg0, %mul3A_2, %dma_start3A] : memref<2x10240x128xf32, #tpu.memory_space<hbm>> -> memref<1x640x128xf32, #tpu.memory_space<hbm>>
      %dma_start3A_19 = tpu.memref_squeeze %dma_start3A_18 : memref<1x640x128xf32, #tpu.memory_space<hbm>> -> memref<640x128xf32, #tpu.memory_space<hbm>>
      %dma_start3A_20 = arith.constant 0 : i32
      %dma_start3A_21 = tpu.memref_slice %arg10[%mul3A_2, %dma_start3A_20] : memref<10240x128xf32, #tpu.memory_space<vmem_shared>> -> memref<640x128xf32, #tpu.memory_space<vmem_shared>>
      tpu.enqueue_dma source(%dma_start3A_21 : memref<640x128xf32, #tpu.memory_space<vmem_shared>>) target(%dma_start3A_19 : memref<640x128xf32, #tpu.memory_space<hbm>>) target_semaphore(%run_scoped3A : memref<!tpu.dma_semaphore, #tpu.memory_space<semaphore_mem>>)
      %dma_wait3A = arith.constant 0 : i32
      %dma_wait3A_22 = tpu.memref_slice %arg8[%arg0, %mul3A_2, %dma_wait3A] : memref<2x10240x128xf32, #tpu.memory_space<hbm>> -> memref<1x640x128xf32, #tpu.memory_space<hbm>>
      %dma_wait3A_23 = tpu.memref_squeeze %dma_wait3A_22 : memref<1x640x128xf32, #tpu.memory_space<hbm>> -> memref<640x128xf32, #tpu.memory_space<hbm>>
      %dma_wait3A_24 = arith.constant 0 : i32
      %dma_wait3A_25 = tpu.memref_slice %arg10[%mul3A_2, %dma_wait3A_24] : memref<10240x128xf32, #tpu.memory_space<vmem_shared>> -> memref<640x128xf32, #tpu.memory_space<vmem_shared>>
      tpu.wait_dma2 semaphore(%run_scoped3A : memref<!tpu.dma_semaphore, #tpu.memory_space<semaphore_mem>>) src(%dma_wait3A_25 : memref<640x128xf32, #tpu.memory_space<vmem_shared>>) dst(%dma_wait3A_23 : memref<640x128xf32, #tpu.memory_space<hbm>>)
      tpu.yield
    }) : () -> ()
    return
  }
}

#map = affine_map<(d0, d1) -> (0)>
#map1 = affine_map<(d0, d1) -> (0, 0)>
#map2 = affine_map<(d0, d1) -> (0, 0, 0)>
module attributes {stable_mosaic.version = 14 : i64} {
  func.func @kern(%arg0: i32, %arg1: i32, %arg2: memref<172032xi32, #tpu.memory_space<hbm>>, %arg3: memref<172032xi32, #tpu.memory_space<hbm>>, %arg4: memref<172032x16xf32, #tpu.memory_space<hbm>>, %arg5: memref<10240x128xf32, #tpu.memory_space<hbm>>, %arg6: memref<640x128xf32, #tpu.memory_space<hbm>>, %arg7: memref<2x10240x128xf32, #tpu.memory_space<hbm>>, %arg8: memref<10240x128xf32, #tpu.memory_space<vmem_shared>>, %arg9: memref<128xi32, #tpu.memory_space<vmem>>, %arg10: memref<128xi32, #tpu.memory_space<vmem>>, %arg11: memref<128x16xf32, #tpu.memory_space<vmem>>, %arg12: memref<128x128xf32, #tpu.memory_space<vmem>>, %arg13: memref<!tpu.dma_semaphore, #tpu.memory_space<semaphore_mem>>) attributes {dimension_semantics = [#tpu.dimension_semantics<core_parallel>, #tpu.dimension_semantics<subcore_parallel>], iteration_bounds = array<i64: 2, 16>, scalar_prefetch = 0 : i64, scratch_operands = 6 : i64, tpu.core_type = #tpu.core_type<sc_vector_subcore>, window_params = [{transform_indices = #map}, {transform_indices = #map}, {transform_indices = #map1}, {transform_indices = #map1}, {transform_indices = #map1}, {transform_indices = #map2}]} {
    %mul3A = arith.constant 2 : i32
    %mul3A_0 = arith.muli %arg1, %mul3A : i32
    %add3A = arith.addi %mul3A_0, %arg0 : i32
    %mul3A_1 = arith.constant 640 : i32
    %mul3A_2 = arith.muli %arg1, %mul3A_1 : i32
    "tpu.region"() ({
      %run_scoped3A = tpu.sem_alloc : memref<!tpu.dma_semaphore, #tpu.memory_space<semaphore_mem>>
      %dma_start3A = arith.constant 0 : i32
      %dma_start3A_9 = tpu.memref_slice %arg8[%mul3A_2, %dma_start3A] : memref<10240x128xf32, #tpu.memory_space<vmem_shared>> -> memref<640x128xf32, #tpu.memory_space<vmem_shared>>
      tpu.enqueue_dma source(%arg6 : memref<640x128xf32, #tpu.memory_space<hbm>>) target(%dma_start3A_9 : memref<640x128xf32, #tpu.memory_space<vmem_shared>>) target_semaphore(%run_scoped3A : memref<!tpu.dma_semaphore, #tpu.memory_space<semaphore_mem>>)
      %dma_wait3A = arith.constant 0 : i32
      %dma_wait3A_10 = tpu.memref_slice %arg8[%mul3A_2, %dma_wait3A] : memref<10240x128xf32, #tpu.memory_space<vmem_shared>> -> memref<640x128xf32, #tpu.memory_space<vmem_shared>>
      tpu.wait_dma2 semaphore(%run_scoped3A : memref<!tpu.dma_semaphore, #tpu.memory_space<semaphore_mem>>) src(%arg6 : memref<640x128xf32, #tpu.memory_space<hbm>>) dst(%dma_wait3A_10 : memref<640x128xf32, #tpu.memory_space<vmem_shared>>)
      tpu.yield
    }) : () -> ()
    %barrier3A = arith.constant 0 : index
    tpu.barrier barrier_id(%barrier3A)
    %scan3A = arith.constant 0 : i32
    %scan3A_3 = arith.constant 0 : i32
    %scan3A_4 = arith.constant 42 : i32
    %scan3A_5 = arith.addi %scan3A_3, %scan3A_4 : i32
    %scan3A_6 = arith.constant 1 : i32
    scf.for %scan3A_9 = %scan3A_3 to %scan3A_5 step %scan3A_6  : i32 {
      %mul3A_10 = arith.constant 42 : i32
      %mul3A_11 = arith.muli %add3A, %mul3A_10 : i32
      %add3A_12 = arith.addi %mul3A_11, %scan3A_9 : i32
      %mul3A_13 = arith.constant 128 : i32
      %mul3A_14 = arith.muli %add3A_12, %mul3A_13 : i32
      "tpu.region"() ({
        %run_scoped3A = tpu.sem_alloc : memref<!tpu.dma_semaphore, #tpu.memory_space<semaphore_mem>>
        %dma_start3A_25 = tpu.memref_slice %arg2[%mul3A_14] : memref<172032xi32, #tpu.memory_space<hbm>> -> memref<128xi32, #tpu.memory_space<hbm>>
        %dma_start3A_26 = tpu.memref_slice %arg2[%mul3A_14] : memref<172032xi32, #tpu.memory_space<hbm>> -> memref<128xi32, #tpu.memory_space<hbm>>
        tpu.enqueue_dma source(%dma_start3A_26 : memref<128xi32, #tpu.memory_space<hbm>>) target(%arg9 : memref<128xi32, #tpu.memory_space<vmem>>) target_semaphore(%run_scoped3A : memref<!tpu.dma_semaphore, #tpu.memory_space<semaphore_mem>>)
        %dma_wait3A_27 = tpu.memref_slice %arg2[%mul3A_14] : memref<172032xi32, #tpu.memory_space<hbm>> -> memref<128xi32, #tpu.memory_space<hbm>>
        %dma_wait3A_28 = tpu.memref_slice %arg2[%mul3A_14] : memref<172032xi32, #tpu.memory_space<hbm>> -> memref<128xi32, #tpu.memory_space<hbm>>
        tpu.wait_dma2 semaphore(%run_scoped3A : memref<!tpu.dma_semaphore, #tpu.memory_space<semaphore_mem>>) src(%dma_wait3A_28 : memref<128xi32, #tpu.memory_space<hbm>>) dst(%arg9 : memref<128xi32, #tpu.memory_space<vmem>>)
        tpu.yield
      }) : () -> ()
      "tpu.region"() ({
        %run_scoped3A = tpu.sem_alloc : memref<!tpu.dma_semaphore, #tpu.memory_space<semaphore_mem>>
        %dma_start3A_25 = tpu.memref_slice %arg3[%mul3A_14] : memref<172032xi32, #tpu.memory_space<hbm>> -> memref<128xi32, #tpu.memory_space<hbm>>
        %dma_start3A_26 = tpu.memref_slice %arg3[%mul3A_14] : memref<172032xi32, #tpu.memory_space<hbm>> -> memref<128xi32, #tpu.memory_space<hbm>>
        tpu.enqueue_dma source(%dma_start3A_26 : memref<128xi32, #tpu.memory_space<hbm>>) target(%arg10 : memref<128xi32, #tpu.memory_space<vmem>>) target_semaphore(%run_scoped3A : memref<!tpu.dma_semaphore, #tpu.memory_space<semaphore_mem>>)
        %dma_wait3A_27 = tpu.memref_slice %arg3[%mul3A_14] : memref<172032xi32, #tpu.memory_space<hbm>> -> memref<128xi32, #tpu.memory_space<hbm>>
        %dma_wait3A_28 = tpu.memref_slice %arg3[%mul3A_14] : memref<172032xi32, #tpu.memory_space<hbm>> -> memref<128xi32, #tpu.memory_space<hbm>>
        tpu.wait_dma2 semaphore(%run_scoped3A : memref<!tpu.dma_semaphore, #tpu.memory_space<semaphore_mem>>) src(%dma_wait3A_28 : memref<128xi32, #tpu.memory_space<hbm>>) dst(%arg10 : memref<128xi32, #tpu.memory_space<vmem>>)
        tpu.yield
      }) : () -> ()
      %dma_start3A = arith.constant 0 : i32
      %dma_start3A_15 = arith.constant 0 : i32
      %dma_start3A_16 = tpu.memref_slice %arg5[%dma_start3A, %dma_start3A_15] : memref<10240x128xf32, #tpu.memory_space<hbm>> -> memref<10240x128xf32, #tpu.memory_space<hbm>>
      tpu.enqueue_indirect_dma source(%dma_start3A_16 : memref<10240x128xf32, #tpu.memory_space<hbm>>) target(%arg12 : memref<128x128xf32, #tpu.memory_space<vmem>>) offsets(%arg9 : memref<128xi32, #tpu.memory_space<vmem>>) semaphore(%arg13 : memref<!tpu.dma_semaphore, #tpu.memory_space<semaphore_mem>>)
      "tpu.region"() ({
        %run_scoped3A = tpu.sem_alloc : memref<!tpu.dma_semaphore, #tpu.memory_space<semaphore_mem>>
        %dma_start3A_25 = arith.constant 0 : i32
        %dma_start3A_26 = tpu.memref_slice %arg4[%mul3A_14, %dma_start3A_25] : memref<172032x16xf32, #tpu.memory_space<hbm>> -> memref<128x16xf32, #tpu.memory_space<hbm>>
        %dma_start3A_27 = arith.constant 0 : i32
        %dma_start3A_28 = tpu.memref_slice %arg4[%mul3A_14, %dma_start3A_27] : memref<172032x16xf32, #tpu.memory_space<hbm>> -> memref<128x16xf32, #tpu.memory_space<hbm>>
        tpu.enqueue_dma source(%dma_start3A_28 : memref<128x16xf32, #tpu.memory_space<hbm>>) target(%arg11 : memref<128x16xf32, #tpu.memory_space<vmem>>) target_semaphore(%run_scoped3A : memref<!tpu.dma_semaphore, #tpu.memory_space<semaphore_mem>>)
        %dma_wait3A_29 = arith.constant 0 : i32
        %dma_wait3A_30 = tpu.memref_slice %arg4[%mul3A_14, %dma_wait3A_29] : memref<172032x16xf32, #tpu.memory_space<hbm>> -> memref<128x16xf32, #tpu.memory_space<hbm>>
        %dma_wait3A_31 = arith.constant 0 : i32
        %dma_wait3A_32 = tpu.memref_slice %arg4[%mul3A_14, %dma_wait3A_31] : memref<172032x16xf32, #tpu.memory_space<hbm>> -> memref<128x16xf32, #tpu.memory_space<hbm>>
        tpu.wait_dma2 semaphore(%run_scoped3A : memref<!tpu.dma_semaphore, #tpu.memory_space<semaphore_mem>>) src(%dma_wait3A_32 : memref<128x16xf32, #tpu.memory_space<hbm>>) dst(%arg11 : memref<128x16xf32, #tpu.memory_space<vmem>>)
        tpu.yield
      }) : () -> ()
      %dma_wait3A = arith.constant 0 : i32
      %dma_wait3A_17 = arith.constant 0 : i32
      %dma_wait3A_18 = tpu.memref_slice %arg5[%dma_wait3A, %dma_wait3A_17] : memref<10240x128xf32, #tpu.memory_space<hbm>> -> memref<10240x128xf32, #tpu.memory_space<hbm>>
      tpu.wait_indirect_dma semaphore(%arg13 : memref<!tpu.dma_semaphore, #tpu.memory_space<semaphore_mem>>) src(%dma_wait3A_18 : memref<10240x128xf32, #tpu.memory_space<hbm>>) dst(%arg12 : memref<128x128xf32, #tpu.memory_space<vmem>>)
      %scan3A_19 = arith.constant 0 : i32
      %scan3A_20 = arith.constant 0 : i32
      %scan3A_21 = arith.constant 128 : i32
      %scan3A_22 = arith.addi %scan3A_20, %scan3A_21 : i32
      %scan3A_23 = arith.constant 1 : i32
      scf.for %scan3A_25 = %scan3A_20 to %scan3A_22 step %scan3A_23  : i32 {
        %get3A = arith.index_cast %scan3A_25 : i32 to index
        %get3A_26 = arith.constant 0 : index
        %get3A_27 = tpu.vector_load %arg11[%get3A, %get3A_26] {strides = array<i32>} : memref<128x16xf32, #tpu.memory_space<vmem>>, vector<1x16xf32>,
        %get3A_28 = vector.shape_cast %get3A_27 : vector<1x16xf32> to vector<16xf32>
        %broadcast_in_dim3A = arith.constant 0 : i32
        %broadcast_in_dim3A_29 = vector.broadcast %broadcast_in_dim3A : i32 to vector<16xi32>
        %broadcast_in_dim3A_30 = vector.shape_cast %broadcast_in_dim3A_29 : vector<16xi32> to vector<16x1xi32>
        %gather3A = vector.shape_cast %broadcast_in_dim3A_30 : vector<16x1xi32> to vector<16xi32>
        %gather3A_31 = tpu.dynamic_gather %get3A_28[%gather3A] in [0] : vector<16xf32>, vector<16xi32> -> vector<16xf32>
        %get3A_32 = arith.index_cast %scan3A_25 : i32 to index
        %get3A_33 = arith.constant 0 : index
        %get3A_34 = tpu.vector_load %arg12[%get3A_32, %get3A_33] {strides = array<i32>} : memref<128x128xf32, #tpu.memory_space<vmem>>, vector<1x16xf32>,
        %get3A_35 = vector.shape_cast %get3A_34 : vector<1x16xf32> to vector<16xf32>
        %mul3A_36 = arith.mulf %get3A_35, %gather3A_31 : vector<16xf32>
        %swap3A = arith.index_cast %scan3A_25 : i32 to index
        %swap3A_37 = arith.constant 0 : index
        %swap3A_38 = tpu.vector_load %arg12[%swap3A, %swap3A_37] {strides = array<i32>} : memref<128x128xf32, #tpu.memory_space<vmem>>, vector<1x16xf32>,
        %swap3A_39 = vector.shape_cast %swap3A_38 : vector<1x16xf32> to vector<16xf32>
        %swap3A_40 = vector.shape_cast %mul3A_36 : vector<16xf32> to vector<1x16xf32>
        tpu.vector_store %arg12[%swap3A, %swap3A_37], %swap3A_40 {strides = array<i32>} : memref<128x128xf32, #tpu.memory_space<vmem>>, vector<1x16xf32>,
        %broadcast_in_dim3A_41 = arith.constant 0 : i32
        %broadcast_in_dim3A_42 = vector.broadcast %broadcast_in_dim3A_41 : i32 to vector<16xi32>
        %broadcast_in_dim3A_43 = vector.shape_cast %broadcast_in_dim3A_42 : vector<16xi32> to vector<16x1xi32>
        %gather3A_44 = vector.shape_cast %broadcast_in_dim3A_43 : vector<16x1xi32> to vector<16xi32>
        %gather3A_45 = tpu.dynamic_gather %get3A_28[%gather3A_44] in [0] : vector<16xf32>, vector<16xi32> -> vector<16xf32>
        %get3A_46 = arith.index_cast %scan3A_25 : i32 to index
        %get3A_47 = arith.constant 16 : index
        %get3A_48 = tpu.vector_load %arg12[%get3A_46, %get3A_47] {strides = array<i32>} : memref<128x128xf32, #tpu.memory_space<vmem>>, vector<1x16xf32>,
        %get3A_49 = vector.shape_cast %get3A_48 : vector<1x16xf32> to vector<16xf32>
        %mul3A_50 = arith.mulf %get3A_49, %gather3A_45 : vector<16xf32>
        %swap3A_51 = arith.index_cast %scan3A_25 : i32 to index
        %swap3A_52 = arith.constant 16 : index
        %swap3A_53 = tpu.vector_load %arg12[%swap3A_51, %swap3A_52] {strides = array<i32>} : memref<128x128xf32, #tpu.memory_space<vmem>>, vector<1x16xf32>,
        %swap3A_54 = vector.shape_cast %swap3A_53 : vector<1x16xf32> to vector<16xf32>
        %swap3A_55 = vector.shape_cast %mul3A_50 : vector<16xf32> to vector<1x16xf32>
        tpu.vector_store %arg12[%swap3A_51, %swap3A_52], %swap3A_55 {strides = array<i32>} : memref<128x128xf32, #tpu.memory_space<vmem>>, vector<1x16xf32>,
        %broadcast_in_dim3A_56 = arith.constant 1 : i32
        %broadcast_in_dim3A_57 = vector.broadcast %broadcast_in_dim3A_56 : i32 to vector<16xi32>
        %broadcast_in_dim3A_58 = vector.shape_cast %broadcast_in_dim3A_57 : vector<16xi32> to vector<16x1xi32>
        %gather3A_59 = vector.shape_cast %broadcast_in_dim3A_58 : vector<16x1xi32> to vector<16xi32>
        %gather3A_60 = tpu.dynamic_gather %get3A_28[%gather3A_59] in [0] : vector<16xf32>, vector<16xi32> -> vector<16xf32>
        %get3A_61 = arith.index_cast %scan3A_25 : i32 to index
        %get3A_62 = arith.constant 32 : index
        %get3A_63 = tpu.vector_load %arg12[%get3A_61, %get3A_62] {strides = array<i32>} : memref<128x128xf32, #tpu.memory_space<vmem>>, vector<1x16xf32>,
        %get3A_64 = vector.shape_cast %get3A_63 : vector<1x16xf32> to vector<16xf32>
        %mul3A_65 = arith.mulf %get3A_64, %gather3A_60 : vector<16xf32>
        %swap3A_66 = arith.index_cast %scan3A_25 : i32 to index
        %swap3A_67 = arith.constant 32 : index
        %swap3A_68 = tpu.vector_load %arg12[%swap3A_66, %swap3A_67] {strides = array<i32>} : memref<128x128xf32, #tpu.memory_space<vmem>>, vector<1x16xf32>,
        %swap3A_69 = vector.shape_cast %swap3A_68 : vector<1x16xf32> to vector<16xf32>
        %swap3A_70 = vector.shape_cast %mul3A_65 : vector<16xf32> to vector<1x16xf32>
        tpu.vector_store %arg12[%swap3A_66, %swap3A_67], %swap3A_70 {strides = array<i32>} : memref<128x128xf32, #tpu.memory_space<vmem>>, vector<1x16xf32>,
        %broadcast_in_dim3A_71 = arith.constant 1 : i32
        %broadcast_in_dim3A_72 = vector.broadcast %broadcast_in_dim3A_71 : i32 to vector<16xi32>
        %broadcast_in_dim3A_73 = vector.shape_cast %broadcast_in_dim3A_72 : vector<16xi32> to vector<16x1xi32>
        %gather3A_74 = vector.shape_cast %broadcast_in_dim3A_73 : vector<16x1xi32> to vector<16xi32>
        %gather3A_75 = tpu.dynamic_gather %get3A_28[%gather3A_74] in [0] : vector<16xf32>, vector<16xi32> -> vector<16xf32>
        %get3A_76 = arith.index_cast %scan3A_25 : i32 to index
        %get3A_77 = arith.constant 48 : index
        %get3A_78 = tpu.vector_load %arg12[%get3A_76, %get3A_77] {strides = array<i32>} : memref<128x128xf32, #tpu.memory_space<vmem>>, vector<1x16xf32>,
        %get3A_79 = vector.shape_cast %get3A_78 : vector<1x16xf32> to vector<16xf32>
        %mul3A_80 = arith.mulf %get3A_79, %gather3A_75 : vector<16xf32>
        %swap3A_81 = arith.index_cast %scan3A_25 : i32 to index
        %swap3A_82 = arith.constant 48 : index
        %swap3A_83 = tpu.vector_load %arg12[%swap3A_81, %swap3A_82] {strides = array<i32>} : memref<128x128xf32, #tpu.memory_space<vmem>>, vector<1x16xf32>,
        %swap3A_84 = vector.shape_cast %swap3A_83 : vector<1x16xf32> to vector<16xf32>
        %swap3A_85 = vector.shape_cast %mul3A_80 : vector<16xf32> to vector<1x16xf32>
        tpu.vector_store %arg12[%swap3A_81, %swap3A_82], %swap3A_85 {strides = array<i32>} : memref<128x128xf32, #tpu.memory_space<vmem>>, vector<1x16xf32>,
        %broadcast_in_dim3A_86 = arith.constant 2 : i32
        %broadcast_in_dim3A_87 = vector.broadcast %broadcast_in_dim3A_86 : i32 to vector<16xi32>
        %broadcast_in_dim3A_88 = vector.shape_cast %broadcast_in_dim3A_87 : vector<16xi32> to vector<16x1xi32>
        %gather3A_89 = vector.shape_cast %broadcast_in_dim3A_88 : vector<16x1xi32> to vector<16xi32>
        %gather3A_90 = tpu.dynamic_gather %get3A_28[%gather3A_89] in [0] : vector<16xf32>, vector<16xi32> -> vector<16xf32>
        %get3A_91 = arith.index_cast %scan3A_25 : i32 to index
        %get3A_92 = arith.constant 64 : index
        %get3A_93 = tpu.vector_load %arg12[%get3A_91, %get3A_92] {strides = array<i32>} : memref<128x128xf32, #tpu.memory_space<vmem>>, vector<1x16xf32>,
        %get3A_94 = vector.shape_cast %get3A_93 : vector<1x16xf32> to vector<16xf32>
        %mul3A_95 = arith.mulf %get3A_94, %gather3A_90 : vector<16xf32>
        %swap3A_96 = arith.index_cast %scan3A_25 : i32 to index
        %swap3A_97 = arith.constant 64 : index
        %swap3A_98 = tpu.vector_load %arg12[%swap3A_96, %swap3A_97] {strides = array<i32>} : memref<128x128xf32, #tpu.memory_space<vmem>>, vector<1x16xf32>,
        %swap3A_99 = vector.shape_cast %swap3A_98 : vector<1x16xf32> to vector<16xf32>
        %swap3A_100 = vector.shape_cast %mul3A_95 : vector<16xf32> to vector<1x16xf32>
        tpu.vector_store %arg12[%swap3A_96, %swap3A_97], %swap3A_100 {strides = array<i32>} : memref<128x128xf32, #tpu.memory_space<vmem>>, vector<1x16xf32>,
        %broadcast_in_dim3A_101 = arith.constant 2 : i32
        %broadcast_in_dim3A_102 = vector.broadcast %broadcast_in_dim3A_101 : i32 to vector<16xi32>
        %broadcast_in_dim3A_103 = vector.shape_cast %broadcast_in_dim3A_102 : vector<16xi32> to vector<16x1xi32>
        %gather3A_104 = vector.shape_cast %broadcast_in_dim3A_103 : vector<16x1xi32> to vector<16xi32>
        %gather3A_105 = tpu.dynamic_gather %get3A_28[%gather3A_104] in [0] : vector<16xf32>, vector<16xi32> -> vector<16xf32>
        %get3A_106 = arith.index_cast %scan3A_25 : i32 to index
        %get3A_107 = arith.constant 80 : index
        %get3A_108 = tpu.vector_load %arg12[%get3A_106, %get3A_107] {strides = array<i32>} : memref<128x128xf32, #tpu.memory_space<vmem>>, vector<1x16xf32>,
        %get3A_109 = vector.shape_cast %get3A_108 : vector<1x16xf32> to vector<16xf32>
        %mul3A_110 = arith.mulf %get3A_109, %gather3A_105 : vector<16xf32>
        %swap3A_111 = arith.index_cast %scan3A_25 : i32 to index
        %swap3A_112 = arith.constant 80 : index
        %swap3A_113 = tpu.vector_load %arg12[%swap3A_111, %swap3A_112] {strides = array<i32>} : memref<128x128xf32, #tpu.memory_space<vmem>>, vector<1x16xf32>,
        %swap3A_114 = vector.shape_cast %swap3A_113 : vector<1x16xf32> to vector<16xf32>
        %swap3A_115 = vector.shape_cast %mul3A_110 : vector<16xf32> to vector<1x16xf32>
        tpu.vector_store %arg12[%swap3A_111, %swap3A_112], %swap3A_115 {strides = array<i32>} : memref<128x128xf32, #tpu.memory_space<vmem>>, vector<1x16xf32>,
        %broadcast_in_dim3A_116 = arith.constant 3 : i32
        %broadcast_in_dim3A_117 = vector.broadcast %broadcast_in_dim3A_116 : i32 to vector<16xi32>
        %broadcast_in_dim3A_118 = vector.shape_cast %broadcast_in_dim3A_117 : vector<16xi32> to vector<16x1xi32>
        %gather3A_119 = vector.shape_cast %broadcast_in_dim3A_118 : vector<16x1xi32> to vector<16xi32>
        %gather3A_120 = tpu.dynamic_gather %get3A_28[%gather3A_119] in [0] : vector<16xf32>, vector<16xi32> -> vector<16xf32>
        %get3A_121 = arith.index_cast %scan3A_25 : i32 to index
        %get3A_122 = arith.constant 96 : index
        %get3A_123 = tpu.vector_load %arg12[%get3A_121, %get3A_122] {strides = array<i32>} : memref<128x128xf32, #tpu.memory_space<vmem>>, vector<1x16xf32>,
        %get3A_124 = vector.shape_cast %get3A_123 : vector<1x16xf32> to vector<16xf32>
        %mul3A_125 = arith.mulf %get3A_124, %gather3A_120 : vector<16xf32>
        %swap3A_126 = arith.index_cast %scan3A_25 : i32 to index
        %swap3A_127 = arith.constant 96 : index
        %swap3A_128 = tpu.vector_load %arg12[%swap3A_126, %swap3A_127] {strides = array<i32>} : memref<128x128xf32, #tpu.memory_space<vmem>>, vector<1x16xf32>,
        %swap3A_129 = vector.shape_cast %swap3A_128 : vector<1x16xf32> to vector<16xf32>
        %swap3A_130 = vector.shape_cast %mul3A_125 : vector<16xf32> to vector<1x16xf32>
        tpu.vector_store %arg12[%swap3A_126, %swap3A_127], %swap3A_130 {strides = array<i32>} : memref<128x128xf32, #tpu.memory_space<vmem>>, vector<1x16xf32>,
        %broadcast_in_dim3A_131 = arith.constant 3 : i32
        %broadcast_in_dim3A_132 = vector.broadcast %broadcast_in_dim3A_131 : i32 to vector<16xi32>
        %broadcast_in_dim3A_133 = vector.shape_cast %broadcast_in_dim3A_132 : vector<16xi32> to vector<16x1xi32>
        %gather3A_134 = vector.shape_cast %broadcast_in_dim3A_133 : vector<16x1xi32> to vector<16xi32>
        %gather3A_135 = tpu.dynamic_gather %get3A_28[%gather3A_134] in [0] : vector<16xf32>, vector<16xi32> -> vector<16xf32>
        %get3A_136 = arith.index_cast %scan3A_25 : i32 to index
        %get3A_137 = arith.constant 112 : index
        %get3A_138 = tpu.vector_load %arg12[%get3A_136, %get3A_137] {strides = array<i32>} : memref<128x128xf32, #tpu.memory_space<vmem>>, vector<1x16xf32>,
        %get3A_139 = vector.shape_cast %get3A_138 : vector<1x16xf32> to vector<16xf32>
        %mul3A_140 = arith.mulf %get3A_139, %gather3A_135 : vector<16xf32>
        %swap3A_141 = arith.index_cast %scan3A_25 : i32 to index
        %swap3A_142 = arith.constant 112 : index
        %swap3A_143 = tpu.vector_load %arg12[%swap3A_141, %swap3A_142] {strides = array<i32>} : memref<128x128xf32, #tpu.memory_space<vmem>>, vector<1x16xf32>,
        %swap3A_144 = vector.shape_cast %swap3A_143 : vector<1x16xf32> to vector<16xf32>
        %swap3A_145 = vector.shape_cast %mul3A_140 : vector<16xf32> to vector<1x16xf32>
        tpu.vector_store %arg12[%swap3A_141, %swap3A_142], %swap3A_145 {strides = array<i32>} : memref<128x128xf32, #tpu.memory_space<vmem>>, vector<1x16xf32>,
      }
      %scan3A_24 = arith.constant 128 : i32
      "tpu.region"() ({
        %run_scoped3A = tpu.sem_alloc : memref<!tpu.dma_semaphore, #tpu.memory_space<semaphore_mem>>
        %dma_start3A_25 = arith.constant 0 : i32
        %dma_start3A_26 = arith.constant 0 : i32
        %dma_start3A_27 = tpu.memref_slice %arg8[%dma_start3A_25, %dma_start3A_26] : memref<10240x128xf32, #tpu.memory_space<vmem_shared>> -> memref<10240x128xf32, #tpu.memory_space<vmem_shared>>
        tpu.enqueue_indirect_dma source(%arg12 : memref<128x128xf32, #tpu.memory_space<vmem>>) target(%dma_start3A_27 : memref<10240x128xf32, #tpu.memory_space<vmem_shared>>) offsets(%arg10 : memref<128xi32, #tpu.memory_space<vmem>>) semaphore(%run_scoped3A : memref<!tpu.dma_semaphore, #tpu.memory_space<semaphore_mem>>) {add = true}
        %dma_wait3A_28 = arith.constant 0 : i32
        %dma_wait3A_29 = arith.constant 0 : i32
        %dma_wait3A_30 = tpu.memref_slice %arg8[%dma_wait3A_28, %dma_wait3A_29] : memref<10240x128xf32, #tpu.memory_space<vmem_shared>> -> memref<10240x128xf32, #tpu.memory_space<vmem_shared>>
        tpu.wait_indirect_dma semaphore(%run_scoped3A : memref<!tpu.dma_semaphore, #tpu.memory_space<semaphore_mem>>) src(%arg12 : memref<128x128xf32, #tpu.memory_space<vmem>>) dst(%dma_wait3A_30 : memref<10240x128xf32, #tpu.memory_space<vmem_shared>>)
        tpu.yield
      }) : () -> ()
    }
    %scan3A_7 = arith.constant 42 : i32
    %barrier3A_8 = arith.constant 0 : index
    tpu.barrier barrier_id(%barrier3A_8)
    "tpu.region"() ({
      %run_scoped3A = tpu.sem_alloc : memref<!tpu.dma_semaphore, #tpu.memory_space<semaphore_mem>>
      %dma_start3A = arith.constant 0 : i32
      %dma_start3A_9 = tpu.memref_slice %arg7[%arg0, %mul3A_2, %dma_start3A] : memref<2x10240x128xf32, #tpu.memory_space<hbm>> -> memref<1x640x128xf32, #tpu.memory_space<hbm>>
      %dma_start3A_10 = tpu.memref_squeeze %dma_start3A_9 : memref<1x640x128xf32, #tpu.memory_space<hbm>> -> memref<640x128xf32, #tpu.memory_space<hbm>>
      %dma_start3A_11 = arith.constant 0 : i32
      %dma_start3A_12 = tpu.memref_slice %arg8[%mul3A_2, %dma_start3A_11] : memref<10240x128xf32, #tpu.memory_space<vmem_shared>> -> memref<640x128xf32, #tpu.memory_space<vmem_shared>>
      tpu.enqueue_dma source(%dma_start3A_12 : memref<640x128xf32, #tpu.memory_space<vmem_shared>>) target(%dma_start3A_10 : memref<640x128xf32, #tpu.memory_space<hbm>>) target_semaphore(%run_scoped3A : memref<!tpu.dma_semaphore, #tpu.memory_space<semaphore_mem>>)
      %dma_wait3A = arith.constant 0 : i32
      %dma_wait3A_13 = tpu.memref_slice %arg7[%arg0, %mul3A_2, %dma_wait3A] : memref<2x10240x128xf32, #tpu.memory_space<hbm>> -> memref<1x640x128xf32, #tpu.memory_space<hbm>>
      %dma_wait3A_14 = tpu.memref_squeeze %dma_wait3A_13 : memref<1x640x128xf32, #tpu.memory_space<hbm>> -> memref<640x128xf32, #tpu.memory_space<hbm>>
      %dma_wait3A_15 = arith.constant 0 : i32
      %dma_wait3A_16 = tpu.memref_slice %arg8[%mul3A_2, %dma_wait3A_15] : memref<10240x128xf32, #tpu.memory_space<vmem_shared>> -> memref<640x128xf32, #tpu.memory_space<vmem_shared>>
      tpu.wait_dma2 semaphore(%run_scoped3A : memref<!tpu.dma_semaphore, #tpu.memory_space<semaphore_mem>>) src(%dma_wait3A_16 : memref<640x128xf32, #tpu.memory_space<vmem_shared>>) dst(%dma_wait3A_14 : memref<640x128xf32, #tpu.memory_space<hbm>>)
      tpu.yield
    }) : () -> ()
    return
  }
}

#map = affine_map<(d0, d1) -> (0)>
#map1 = affine_map<(d0, d1) -> (0, 0)>
#map2 = affine_map<(d0, d1) -> (0, 0, 0)>
module attributes {stable_mosaic.version = 14 : i64} {
  func.func @kern(%arg0: i32, %arg1: i32, %arg2: memref<172032xi32, #tpu.memory_space<hbm>>, %arg3: memref<172032xi32, #tpu.memory_space<hbm>>, %arg4: memref<10240x128xf32, #tpu.memory_space<hbm>>, %arg5: memref<10240x128xf32, #tpu.memory_space<hbm>>, %arg6: memref<16xf32, #tpu.memory_space<hbm>>, %arg7: memref<640x128xf32, #tpu.memory_space<hbm>>, %arg8: memref<2x10240x128xf32, #tpu.memory_space<hbm>>, %arg9: memref<172032x16xf32, #tpu.memory_space<hbm>>, %arg10: memref<10240x128xf32, #tpu.memory_space<vmem_shared>>, %arg11: memref<64xi32, #tpu.memory_space<vmem>>, %arg12: memref<64xi32, #tpu.memory_space<vmem>>, %arg13: memref<64x128xf32, #tpu.memory_space<vmem>>, %arg14: memref<64x128xf32, #tpu.memory_space<vmem>>, %arg15: memref<64x128xf32, #tpu.memory_space<vmem>>, %arg16: memref<64x16xf32, #tpu.memory_space<vmem>>, %arg17: memref<16xf32, #tpu.memory_space<vmem>>, %arg18: memref<!tpu.dma_semaphore, #tpu.memory_space<semaphore_mem>>, %arg19: memref<!tpu.dma_semaphore, #tpu.memory_space<semaphore_mem>>) attributes {dimension_semantics = [#tpu.dimension_semantics<core_parallel>, #tpu.dimension_semantics<subcore_parallel>], iteration_bounds = array<i64: 2, 16>, scalar_prefetch = 0 : i64, scratch_operands = 10 : i64, tpu.core_type = #tpu.core_type<sc_vector_subcore>, window_params = [{transform_indices = #map}, {transform_indices = #map}, {transform_indices = #map1}, {transform_indices = #map1}, {transform_indices = #map}, {transform_indices = #map1}, {transform_indices = #map2}, {transform_indices = #map1}]} {
    %mul3A = arith.constant 2 : i32
    %mul3A_0 = arith.muli %arg1, %mul3A : i32
    %add3A = arith.addi %mul3A_0, %arg0 : i32
    %mul3A_1 = arith.constant 640 : i32
    %mul3A_2 = arith.muli %arg1, %mul3A_1 : i32
    "tpu.region"() ({
      %run_scoped3A = tpu.sem_alloc : memref<!tpu.dma_semaphore, #tpu.memory_space<semaphore_mem>>
      %dma_start3A = arith.constant 0 : i32
      %dma_start3A_18 = tpu.memref_slice %arg10[%mul3A_2, %dma_start3A] : memref<10240x128xf32, #tpu.memory_space<vmem_shared>> -> memref<640x128xf32, #tpu.memory_space<vmem_shared>>
      tpu.enqueue_dma source(%arg7 : memref<640x128xf32, #tpu.memory_space<hbm>>) target(%dma_start3A_18 : memref<640x128xf32, #tpu.memory_space<vmem_shared>>) target_semaphore(%run_scoped3A : memref<!tpu.dma_semaphore, #tpu.memory_space<semaphore_mem>>)
      %dma_wait3A = arith.constant 0 : i32
      %dma_wait3A_19 = tpu.memref_slice %arg10[%mul3A_2, %dma_wait3A] : memref<10240x128xf32, #tpu.memory_space<vmem_shared>> -> memref<640x128xf32, #tpu.memory_space<vmem_shared>>
      tpu.wait_dma2 semaphore(%run_scoped3A : memref<!tpu.dma_semaphore, #tpu.memory_space<semaphore_mem>>) src(%arg7 : memref<640x128xf32, #tpu.memory_space<hbm>>) dst(%dma_wait3A_19 : memref<640x128xf32, #tpu.memory_space<vmem_shared>>)
      tpu.yield
    }) : () -> ()
    "tpu.region"() ({
      %run_scoped3A = tpu.sem_alloc : memref<!tpu.dma_semaphore, #tpu.memory_space<semaphore_mem>>
      tpu.enqueue_dma source(%arg6 : memref<16xf32, #tpu.memory_space<hbm>>) target(%arg17 : memref<16xf32, #tpu.memory_space<vmem>>) target_semaphore(%run_scoped3A : memref<!tpu.dma_semaphore, #tpu.memory_space<semaphore_mem>>)
      tpu.wait_dma2 semaphore(%run_scoped3A : memref<!tpu.dma_semaphore, #tpu.memory_space<semaphore_mem>>) src(%arg6 : memref<16xf32, #tpu.memory_space<hbm>>) dst(%arg17 : memref<16xf32, #tpu.memory_space<vmem>>)
      tpu.yield
    }) : () -> ()
    %barrier3A = arith.constant 0 : index
    tpu.barrier barrier_id(%barrier3A)
    %get3A = arith.constant 0 : index
    %get3A_3 = tpu.vector_load %arg17[%get3A] {strides = array<i32>} : memref<16xf32, #tpu.memory_space<vmem>>, vector<16xf32>,
    %get3A_4 = vector.shape_cast %get3A_3 : vector<16xf32> to vector<16xf32>
    %broadcast_in_dim3A = arith.constant 0.000000e+00 : f32
    %broadcast_in_dim3A_5 = vector.broadcast %broadcast_in_dim3A : f32 to vector<16xf32>
    %scan3A = arith.constant 0 : i32
    %scan3A_6 = arith.constant 0 : i32
    %scan3A_7 = arith.constant 64 : i32
    %scan3A_8 = arith.addi %scan3A_6, %scan3A_7 : i32
    %scan3A_9 = arith.constant 1 : i32
    scf.for %scan3A_18 = %scan3A_6 to %scan3A_8 step %scan3A_9  : i32 {
      %swap3A = arith.index_cast %scan3A_18 : i32 to index
      %swap3A_19 = arith.constant 16 : index
      %swap3A_20 = tpu.vector_load %arg15[%swap3A, %swap3A_19] {strides = array<i32>} : memref<64x128xf32, #tpu.memory_space<vmem>>, vector<1x16xf32>,
      %swap3A_21 = vector.shape_cast %swap3A_20 : vector<1x16xf32> to vector<16xf32>
      %swap3A_22 = vector.shape_cast %broadcast_in_dim3A_5 : vector<16xf32> to vector<1x16xf32>
      tpu.vector_store %arg15[%swap3A, %swap3A_19], %swap3A_22 {strides = array<i32>} : memref<64x128xf32, #tpu.memory_space<vmem>>, vector<1x16xf32>,
      %swap3A_23 = arith.index_cast %scan3A_18 : i32 to index
      %swap3A_24 = arith.constant 32 : index
      %swap3A_25 = tpu.vector_load %arg15[%swap3A_23, %swap3A_24] {strides = array<i32>} : memref<64x128xf32, #tpu.memory_space<vmem>>, vector<1x16xf32>,
      %swap3A_26 = vector.shape_cast %swap3A_25 : vector<1x16xf32> to vector<16xf32>
      %swap3A_27 = vector.shape_cast %broadcast_in_dim3A_5 : vector<16xf32> to vector<1x16xf32>
      tpu.vector_store %arg15[%swap3A_23, %swap3A_24], %swap3A_27 {strides = array<i32>} : memref<64x128xf32, #tpu.memory_space<vmem>>, vector<1x16xf32>,
      %swap3A_28 = arith.index_cast %scan3A_18 : i32 to index
      %swap3A_29 = arith.constant 48 : index
      %swap3A_30 = tpu.vector_load %arg15[%swap3A_28, %swap3A_29] {strides = array<i32>} : memref<64x128xf32, #tpu.memory_space<vmem>>, vector<1x16xf32>,
      %swap3A_31 = vector.shape_cast %swap3A_30 : vector<1x16xf32> to vector<16xf32>
      %swap3A_32 = vector.shape_cast %broadcast_in_dim3A_5 : vector<16xf32> to vector<1x16xf32>
      tpu.vector_store %arg15[%swap3A_28, %swap3A_29], %swap3A_32 {strides = array<i32>} : memref<64x128xf32, #tpu.memory_space<vmem>>, vector<1x16xf32>,
      %swap3A_33 = arith.index_cast %scan3A_18 : i32 to index
      %swap3A_34 = arith.constant 64 : index
      %swap3A_35 = tpu.vector_load %arg15[%swap3A_33, %swap3A_34] {strides = array<i32>} : memref<64x128xf32, #tpu.memory_space<vmem>>, vector<1x16xf32>,
      %swap3A_36 = vector.shape_cast %swap3A_35 : vector<1x16xf32> to vector<16xf32>
      %swap3A_37 = vector.shape_cast %broadcast_in_dim3A_5 : vector<16xf32> to vector<1x16xf32>
      tpu.vector_store %arg15[%swap3A_33, %swap3A_34], %swap3A_37 {strides = array<i32>} : memref<64x128xf32, #tpu.memory_space<vmem>>, vector<1x16xf32>,
      %swap3A_38 = arith.index_cast %scan3A_18 : i32 to index
      %swap3A_39 = arith.constant 80 : index
      %swap3A_40 = tpu.vector_load %arg15[%swap3A_38, %swap3A_39] {strides = array<i32>} : memref<64x128xf32, #tpu.memory_space<vmem>>, vector<1x16xf32>,
      %swap3A_41 = vector.shape_cast %swap3A_40 : vector<1x16xf32> to vector<16xf32>
      %swap3A_42 = vector.shape_cast %broadcast_in_dim3A_5 : vector<16xf32> to vector<1x16xf32>
      tpu.vector_store %arg15[%swap3A_38, %swap3A_39], %swap3A_42 {strides = array<i32>} : memref<64x128xf32, #tpu.memory_space<vmem>>, vector<1x16xf32>,
      %swap3A_43 = arith.index_cast %scan3A_18 : i32 to index
      %swap3A_44 = arith.constant 96 : index
      %swap3A_45 = tpu.vector_load %arg15[%swap3A_43, %swap3A_44] {strides = array<i32>} : memref<64x128xf32, #tpu.memory_space<vmem>>, vector<1x16xf32>,
      %swap3A_46 = vector.shape_cast %swap3A_45 : vector<1x16xf32> to vector<16xf32>
      %swap3A_47 = vector.shape_cast %broadcast_in_dim3A_5 : vector<16xf32> to vector<1x16xf32>
      tpu.vector_store %arg15[%swap3A_43, %swap3A_44], %swap3A_47 {strides = array<i32>} : memref<64x128xf32, #tpu.memory_space<vmem>>, vector<1x16xf32>,
      %swap3A_48 = arith.index_cast %scan3A_18 : i32 to index
      %swap3A_49 = arith.constant 112 : index
      %swap3A_50 = tpu.vector_load %arg15[%swap3A_48, %swap3A_49] {strides = array<i32>} : memref<64x128xf32, #tpu.memory_space<vmem>>, vector<1x16xf32>,
      %swap3A_51 = vector.shape_cast %swap3A_50 : vector<1x16xf32> to vector<16xf32>
      %swap3A_52 = vector.shape_cast %broadcast_in_dim3A_5 : vector<16xf32> to vector<1x16xf32>
      tpu.vector_store %arg15[%swap3A_48, %swap3A_49], %swap3A_52 {strides = array<i32>} : memref<64x128xf32, #tpu.memory_space<vmem>>, vector<1x16xf32>,
    }
    %scan3A_10 = arith.constant 64 : i32
    %scan3A_11 = arith.constant 0 : i32
    %scan3A_12 = arith.constant 0 : i32
    %scan3A_13 = arith.constant 84 : i32
    %scan3A_14 = arith.addi %scan3A_12, %scan3A_13 : i32
    %scan3A_15 = arith.constant 1 : i32
    scf.for %scan3A_18 = %scan3A_12 to %scan3A_14 step %scan3A_15  : i32 {
      %mul3A_19 = arith.constant 84 : i32
      %mul3A_20 = arith.muli %add3A, %mul3A_19 : i32
      %add3A_21 = arith.addi %mul3A_20, %scan3A_18 : i32
      %mul3A_22 = arith.constant 64 : i32
      %mul3A_23 = arith.muli %add3A_21, %mul3A_22 : i32
      "tpu.region"() ({
        %run_scoped3A = tpu.sem_alloc : memref<!tpu.dma_semaphore, #tpu.memory_space<semaphore_mem>>
        %dma_start3A_40 = tpu.memref_slice %arg2[%mul3A_23] : memref<172032xi32, #tpu.memory_space<hbm>> -> memref<64xi32, #tpu.memory_space<hbm>>
        %dma_start3A_41 = tpu.memref_slice %arg2[%mul3A_23] : memref<172032xi32, #tpu.memory_space<hbm>> -> memref<64xi32, #tpu.memory_space<hbm>>
        tpu.enqueue_dma source(%dma_start3A_41 : memref<64xi32, #tpu.memory_space<hbm>>) target(%arg11 : memref<64xi32, #tpu.memory_space<vmem>>) target_semaphore(%run_scoped3A : memref<!tpu.dma_semaphore, #tpu.memory_space<semaphore_mem>>)
        %dma_wait3A_42 = tpu.memref_slice %arg2[%mul3A_23] : memref<172032xi32, #tpu.memory_space<hbm>> -> memref<64xi32, #tpu.memory_space<hbm>>
        %dma_wait3A_43 = tpu.memref_slice %arg2[%mul3A_23] : memref<172032xi32, #tpu.memory_space<hbm>> -> memref<64xi32, #tpu.memory_space<hbm>>
        tpu.wait_dma2 semaphore(%run_scoped3A : memref<!tpu.dma_semaphore, #tpu.memory_space<semaphore_mem>>) src(%dma_wait3A_43 : memref<64xi32, #tpu.memory_space<hbm>>) dst(%arg11 : memref<64xi32, #tpu.memory_space<vmem>>)
        tpu.yield
      }) : () -> ()
      "tpu.region"() ({
        %run_scoped3A = tpu.sem_alloc : memref<!tpu.dma_semaphore, #tpu.memory_space<semaphore_mem>>
        %dma_start3A_40 = tpu.memref_slice %arg3[%mul3A_23] : memref<172032xi32, #tpu.memory_space<hbm>> -> memref<64xi32, #tpu.memory_space<hbm>>
        %dma_start3A_41 = tpu.memref_slice %arg3[%mul3A_23] : memref<172032xi32, #tpu.memory_space<hbm>> -> memref<64xi32, #tpu.memory_space<hbm>>
        tpu.enqueue_dma source(%dma_start3A_41 : memref<64xi32, #tpu.memory_space<hbm>>) target(%arg12 : memref<64xi32, #tpu.memory_space<vmem>>) target_semaphore(%run_scoped3A : memref<!tpu.dma_semaphore, #tpu.memory_space<semaphore_mem>>)
        %dma_wait3A_42 = tpu.memref_slice %arg3[%mul3A_23] : memref<172032xi32, #tpu.memory_space<hbm>> -> memref<64xi32, #tpu.memory_space<hbm>>
        %dma_wait3A_43 = tpu.memref_slice %arg3[%mul3A_23] : memref<172032xi32, #tpu.memory_space<hbm>> -> memref<64xi32, #tpu.memory_space<hbm>>
        tpu.wait_dma2 semaphore(%run_scoped3A : memref<!tpu.dma_semaphore, #tpu.memory_space<semaphore_mem>>) src(%dma_wait3A_43 : memref<64xi32, #tpu.memory_space<hbm>>) dst(%arg12 : memref<64xi32, #tpu.memory_space<vmem>>)
        tpu.yield
      }) : () -> ()
      %dma_start3A = arith.constant 0 : i32
      %dma_start3A_24 = arith.constant 0 : i32
      %dma_start3A_25 = tpu.memref_slice %arg4[%dma_start3A, %dma_start3A_24] : memref<10240x128xf32, #tpu.memory_space<hbm>> -> memref<10240x128xf32, #tpu.memory_space<hbm>>
      tpu.enqueue_indirect_dma source(%dma_start3A_25 : memref<10240x128xf32, #tpu.memory_space<hbm>>) target(%arg13 : memref<64x128xf32, #tpu.memory_space<vmem>>) offsets(%arg11 : memref<64xi32, #tpu.memory_space<vmem>>) semaphore(%arg18 : memref<!tpu.dma_semaphore, #tpu.memory_space<semaphore_mem>>)
      %dma_start3A_26 = arith.constant 0 : i32
      %dma_start3A_27 = arith.constant 0 : i32
      %dma_start3A_28 = tpu.memref_slice %arg5[%dma_start3A_26, %dma_start3A_27] : memref<10240x128xf32, #tpu.memory_space<hbm>> -> memref<10240x128xf32, #tpu.memory_space<hbm>>
      tpu.enqueue_indirect_dma source(%dma_start3A_28 : memref<10240x128xf32, #tpu.memory_space<hbm>>) target(%arg14 : memref<64x128xf32, #tpu.memory_space<vmem>>) offsets(%arg12 : memref<64xi32, #tpu.memory_space<vmem>>) semaphore(%arg19 : memref<!tpu.dma_semaphore, #tpu.memory_space<semaphore_mem>>)
      %dma_wait3A = arith.constant 0 : i32
      %dma_wait3A_29 = arith.constant 0 : i32
      %dma_wait3A_30 = tpu.memref_slice %arg4[%dma_wait3A, %dma_wait3A_29] : memref<10240x128xf32, #tpu.memory_space<hbm>> -> memref<10240x128xf32, #tpu.memory_space<hbm>>
      tpu.wait_indirect_dma semaphore(%arg18 : memref<!tpu.dma_semaphore, #tpu.memory_space<semaphore_mem>>) src(%dma_wait3A_30 : memref<10240x128xf32, #tpu.memory_space<hbm>>) dst(%arg13 : memref<64x128xf32, #tpu.memory_space<vmem>>)
      %dma_wait3A_31 = arith.constant 0 : i32
      %dma_wait3A_32 = arith.constant 0 : i32
      %dma_wait3A_33 = tpu.memref_slice %arg5[%dma_wait3A_31, %dma_wait3A_32] : memref<10240x128xf32, #tpu.memory_space<hbm>> -> memref<10240x128xf32, #tpu.memory_space<hbm>>
      tpu.wait_indirect_dma semaphore(%arg19 : memref<!tpu.dma_semaphore, #tpu.memory_space<semaphore_mem>>) src(%dma_wait3A_33 : memref<10240x128xf32, #tpu.memory_space<hbm>>) dst(%arg14 : memref<64x128xf32, #tpu.memory_space<vmem>>)
      %scan3A_34 = arith.constant 0 : i32
      %scan3A_35 = arith.constant 0 : i32
      %scan3A_36 = arith.constant 64 : i32
      %scan3A_37 = arith.addi %scan3A_35, %scan3A_36 : i32
      %scan3A_38 = arith.constant 1 : i32
      scf.for %scan3A_40 = %scan3A_35 to %scan3A_37 step %scan3A_38  : i32 {
        %get3A_41 = arith.index_cast %scan3A_40 : i32 to index
        %get3A_42 = arith.constant 0 : index
        %get3A_43 = tpu.vector_load %arg13[%get3A_41, %get3A_42] {strides = array<i32>} : memref<64x128xf32, #tpu.memory_space<vmem>>, vector<1x16xf32>,
        %get3A_44 = vector.shape_cast %get3A_43 : vector<1x16xf32> to vector<16xf32>
        %get3A_45 = arith.index_cast %scan3A_40 : i32 to index
        %get3A_46 = arith.constant 0 : index
        %get3A_47 = tpu.vector_load %arg14[%get3A_45, %get3A_46] {strides = array<i32>} : memref<64x128xf32, #tpu.memory_space<vmem>>, vector<1x16xf32>,
        %get3A_48 = vector.shape_cast %get3A_47 : vector<1x16xf32> to vector<16xf32>
        %add3A_49 = arith.addf %get3A_44, %get3A_48 : vector<16xf32>
        %mul3A_50 = arith.constant 2.000000e-01 : f32
        %mul3A_51 = vector.broadcast %mul3A_50 : f32 to vector<16xf32>
        %mul3A_52 = arith.mulf %mul3A_51, %add3A_49 : vector<16xf32>
        %max3A = arith.maximumf %add3A_49, %mul3A_52 : vector<16xf32>
        %sub3A = arith.subf %max3A, %get3A_4 : vector<16xf32>
        %exp3A = math.exp %sub3A : vector<16xf32>
        %swap3A = arith.index_cast %scan3A_40 : i32 to index
        %swap3A_53 = arith.constant 0 : index
        %swap3A_54 = tpu.vector_load %arg15[%swap3A, %swap3A_53] {strides = array<i32>} : memref<64x128xf32, #tpu.memory_space<vmem>>, vector<1x16xf32>,
        %swap3A_55 = vector.shape_cast %swap3A_54 : vector<1x16xf32> to vector<16xf32>
        %swap3A_56 = vector.shape_cast %exp3A : vector<16xf32> to vector<1x16xf32>
        tpu.vector_store %arg15[%swap3A, %swap3A_53], %swap3A_56 {strides = array<i32>} : memref<64x128xf32, #tpu.memory_space<vmem>>, vector<1x16xf32>,
        %swap3A_57 = arith.index_cast %scan3A_40 : i32 to index
        %swap3A_58 = arith.constant 0 : index
        %swap3A_59 = tpu.vector_load %arg16[%swap3A_57, %swap3A_58] {strides = array<i32>} : memref<64x16xf32, #tpu.memory_space<vmem>>, vector<1x16xf32>,
        %swap3A_60 = vector.shape_cast %swap3A_59 : vector<1x16xf32> to vector<16xf32>
        %swap3A_61 = vector.shape_cast %exp3A : vector<16xf32> to vector<1x16xf32>
        tpu.vector_store %arg16[%swap3A_57, %swap3A_58], %swap3A_61 {strides = array<i32>} : memref<64x16xf32, #tpu.memory_space<vmem>>, vector<1x16xf32>,
      }
      %scan3A_39 = arith.constant 64 : i32
      "tpu.region"() ({
        %run_scoped3A = tpu.sem_alloc : memref<!tpu.dma_semaphore, #tpu.memory_space<semaphore_mem>>
        %dma_start3A_40 = arith.constant 0 : i32
        %dma_start3A_41 = arith.constant 0 : i32
        %dma_start3A_42 = tpu.memref_slice %arg10[%dma_start3A_40, %dma_start3A_41] : memref<10240x128xf32, #tpu.memory_space<vmem_shared>> -> memref<10240x128xf32, #tpu.memory_space<vmem_shared>>
        tpu.enqueue_indirect_dma source(%arg15 : memref<64x128xf32, #tpu.memory_space<vmem>>) target(%dma_start3A_42 : memref<10240x128xf32, #tpu.memory_space<vmem_shared>>) offsets(%arg12 : memref<64xi32, #tpu.memory_space<vmem>>) semaphore(%run_scoped3A : memref<!tpu.dma_semaphore, #tpu.memory_space<semaphore_mem>>) {add = true}
        %dma_wait3A_43 = arith.constant 0 : i32
        %dma_wait3A_44 = arith.constant 0 : i32
        %dma_wait3A_45 = tpu.memref_slice %arg10[%dma_wait3A_43, %dma_wait3A_44] : memref<10240x128xf32, #tpu.memory_space<vmem_shared>> -> memref<10240x128xf32, #tpu.memory_space<vmem_shared>>
        tpu.wait_indirect_dma semaphore(%run_scoped3A : memref<!tpu.dma_semaphore, #tpu.memory_space<semaphore_mem>>) src(%arg15 : memref<64x128xf32, #tpu.memory_space<vmem>>) dst(%dma_wait3A_45 : memref<10240x128xf32, #tpu.memory_space<vmem_shared>>)
        tpu.yield
      }) : () -> ()
      "tpu.region"() ({
        %run_scoped3A = tpu.sem_alloc : memref<!tpu.dma_semaphore, #tpu.memory_space<semaphore_mem>>
        %dma_start3A_40 = arith.constant 0 : i32
        %dma_start3A_41 = tpu.memref_slice %arg9[%mul3A_23, %dma_start3A_40] : memref<172032x16xf32, #tpu.memory_space<hbm>> -> memref<64x16xf32, #tpu.memory_space<hbm>>
        %dma_start3A_42 = arith.constant 0 : i32
        %dma_start3A_43 = tpu.memref_slice %arg9[%mul3A_23, %dma_start3A_42] : memref<172032x16xf32, #tpu.memory_space<hbm>> -> memref<64x16xf32, #tpu.memory_space<hbm>>
        tpu.enqueue_dma source(%arg16 : memref<64x16xf32, #tpu.memory_space<vmem>>) target(%dma_start3A_43 : memref<64x16xf32, #tpu.memory_space<hbm>>) target_semaphore(%run_scoped3A : memref<!tpu.dma_semaphore, #tpu.memory_space<semaphore_mem>>)
        %dma_wait3A_44 = arith.constant 0 : i32
        %dma_wait3A_45 = tpu.memref_slice %arg9[%mul3A_23, %dma_wait3A_44] : memref<172032x16xf32, #tpu.memory_space<hbm>> -> memref<64x16xf32, #tpu.memory_space<hbm>>
        %dma_wait3A_46 = arith.constant 0 : i32
        %dma_wait3A_47 = tpu.memref_slice %arg9[%mul3A_23, %dma_wait3A_46] : memref<172032x16xf32, #tpu.memory_space<hbm>> -> memref<64x16xf32, #tpu.memory_space<hbm>>
        tpu.wait_dma2 semaphore(%run_scoped3A : memref<!tpu.dma_semaphore, #tpu.memory_space<semaphore_mem>>) src(%arg16 : memref<64x16xf32, #tpu.memory_space<vmem>>) dst(%dma_wait3A_47 : memref<64x16xf32, #tpu.memory_space<hbm>>)
        tpu.yield
      }) : () -> ()
    }
    %scan3A_16 = arith.constant 84 : i32
    %barrier3A_17 = arith.constant 0 : index
    tpu.barrier barrier_id(%barrier3A_17)
    "tpu.region"() ({
      %run_scoped3A = tpu.sem_alloc : memref<!tpu.dma_semaphore, #tpu.memory_space<semaphore_mem>>
      %dma_start3A = arith.constant 0 : i32
      %dma_start3A_18 = tpu.memref_slice %arg8[%arg0, %mul3A_2, %dma_start3A] : memref<2x10240x128xf32, #tpu.memory_space<hbm>> -> memref<1x640x128xf32, #tpu.memory_space<hbm>>
      %dma_start3A_19 = tpu.memref_squeeze %dma_start3A_18 : memref<1x640x128xf32, #tpu.memory_space<hbm>> -> memref<640x128xf32, #tpu.memory_space<hbm>>
      %dma_start3A_20 = arith.constant 0 : i32
      %dma_start3A_21 = tpu.memref_slice %arg10[%mul3A_2, %dma_start3A_20] : memref<10240x128xf32, #tpu.memory_space<vmem_shared>> -> memref<640x128xf32, #tpu.memory_space<vmem_shared>>
      tpu.enqueue_dma source(%dma_start3A_21 : memref<640x128xf32, #tpu.memory_space<vmem_shared>>) target(%dma_start3A_19 : memref<640x128xf32, #tpu.memory_space<hbm>>) target_semaphore(%run_scoped3A : memref<!tpu.dma_semaphore, #tpu.memory_space<semaphore_mem>>)
      %dma_wait3A = arith.constant 0 : i32
      %dma_wait3A_22 = tpu.memref_slice %arg8[%arg0, %mul3A_2, %dma_wait3A] : memref<2x10240x128xf32, #tpu.memory_space<hbm>> -> memref<1x640x128xf32, #tpu.memory_space<hbm>>
      %dma_wait3A_23 = tpu.memref_squeeze %dma_wait3A_22 : memref<1x640x128xf32, #tpu.memory_space<hbm>> -> memref<640x128xf32, #tpu.memory_space<hbm>>
      %dma_wait3A_24 = arith.constant 0 : i32
      %dma_wait3A_25 = tpu.memref_slice %arg10[%mul3A_2, %dma_wait3A_24] : memref<10240x128xf32, #tpu.memory_space<vmem_shared>> -> memref<640x128xf32, #tpu.memory_space<vmem_shared>>
      tpu.wait_dma2 semaphore(%run_scoped3A : memref<!tpu.dma_semaphore, #tpu.memory_space<semaphore_mem>>) src(%dma_wait3A_25 : memref<640x128xf32, #tpu.memory_space<vmem_shared>>) dst(%dma_wait3A_23 : memref<640x128xf32, #tpu.memory_space<hbm>>)
      tpu.yield
    }) : () -> ()
    return
  }
}

#map = affine_map<(d0, d1) -> (0)>
#map1 = affine_map<(d0, d1) -> (0, 0)>
#map2 = affine_map<(d0, d1) -> (0, 0, 0)>
module attributes {stable_mosaic.version = 14 : i64} {
  func.func @kern(%arg0: i32, %arg1: i32, %arg2: memref<172032xi32, #tpu.memory_space<hbm>>, %arg3: memref<172032xi32, #tpu.memory_space<hbm>>, %arg4: memref<172032x16xf32, #tpu.memory_space<hbm>>, %arg5: memref<10240x128xf32, #tpu.memory_space<hbm>>, %arg6: memref<640x128xf32, #tpu.memory_space<hbm>>, %arg7: memref<2x10240x128xf32, #tpu.memory_space<hbm>>, %arg8: memref<10240x128xf32, #tpu.memory_space<vmem_shared>>, %arg9: memref<128xi32, #tpu.memory_space<vmem>>, %arg10: memref<128xi32, #tpu.memory_space<vmem>>, %arg11: memref<128x16xf32, #tpu.memory_space<vmem>>, %arg12: memref<128x128xf32, #tpu.memory_space<vmem>>, %arg13: memref<!tpu.dma_semaphore, #tpu.memory_space<semaphore_mem>>) attributes {dimension_semantics = [#tpu.dimension_semantics<core_parallel>, #tpu.dimension_semantics<subcore_parallel>], iteration_bounds = array<i64: 2, 16>, scalar_prefetch = 0 : i64, scratch_operands = 6 : i64, tpu.core_type = #tpu.core_type<sc_vector_subcore>, window_params = [{transform_indices = #map}, {transform_indices = #map}, {transform_indices = #map1}, {transform_indices = #map1}, {transform_indices = #map1}, {transform_indices = #map2}]} {
    %mul3A = arith.constant 2 : i32
    %mul3A_0 = arith.muli %arg1, %mul3A : i32
    %add3A = arith.addi %mul3A_0, %arg0 : i32
    %mul3A_1 = arith.constant 640 : i32
    %mul3A_2 = arith.muli %arg1, %mul3A_1 : i32
    "tpu.region"() ({
      %run_scoped3A = tpu.sem_alloc : memref<!tpu.dma_semaphore, #tpu.memory_space<semaphore_mem>>
      %dma_start3A = arith.constant 0 : i32
      %dma_start3A_9 = tpu.memref_slice %arg8[%mul3A_2, %dma_start3A] : memref<10240x128xf32, #tpu.memory_space<vmem_shared>> -> memref<640x128xf32, #tpu.memory_space<vmem_shared>>
      tpu.enqueue_dma source(%arg6 : memref<640x128xf32, #tpu.memory_space<hbm>>) target(%dma_start3A_9 : memref<640x128xf32, #tpu.memory_space<vmem_shared>>) target_semaphore(%run_scoped3A : memref<!tpu.dma_semaphore, #tpu.memory_space<semaphore_mem>>)
      %dma_wait3A = arith.constant 0 : i32
      %dma_wait3A_10 = tpu.memref_slice %arg8[%mul3A_2, %dma_wait3A] : memref<10240x128xf32, #tpu.memory_space<vmem_shared>> -> memref<640x128xf32, #tpu.memory_space<vmem_shared>>
      tpu.wait_dma2 semaphore(%run_scoped3A : memref<!tpu.dma_semaphore, #tpu.memory_space<semaphore_mem>>) src(%arg6 : memref<640x128xf32, #tpu.memory_space<hbm>>) dst(%dma_wait3A_10 : memref<640x128xf32, #tpu.memory_space<vmem_shared>>)
      tpu.yield
    }) : () -> ()
    %barrier3A = arith.constant 0 : index
    tpu.barrier barrier_id(%barrier3A)
    %scan3A = arith.constant 0 : i32
    %scan3A_3 = arith.constant 0 : i32
    %scan3A_4 = arith.constant 42 : i32
    %scan3A_5 = arith.addi %scan3A_3, %scan3A_4 : i32
    %scan3A_6 = arith.constant 1 : i32
    scf.for %scan3A_9 = %scan3A_3 to %scan3A_5 step %scan3A_6  : i32 {
      %mul3A_10 = arith.constant 42 : i32
      %mul3A_11 = arith.muli %add3A, %mul3A_10 : i32
      %add3A_12 = arith.addi %mul3A_11, %scan3A_9 : i32
      %mul3A_13 = arith.constant 128 : i32
      %mul3A_14 = arith.muli %add3A_12, %mul3A_13 : i32
      "tpu.region"() ({
        %run_scoped3A = tpu.sem_alloc : memref<!tpu.dma_semaphore, #tpu.memory_space<semaphore_mem>>
        %dma_start3A_25 = tpu.memref_slice %arg2[%mul3A_14] : memref<172032xi32, #tpu.memory_space<hbm>> -> memref<128xi32, #tpu.memory_space<hbm>>
        %dma_start3A_26 = tpu.memref_slice %arg2[%mul3A_14] : memref<172032xi32, #tpu.memory_space<hbm>> -> memref<128xi32, #tpu.memory_space<hbm>>
        tpu.enqueue_dma source(%dma_start3A_26 : memref<128xi32, #tpu.memory_space<hbm>>) target(%arg9 : memref<128xi32, #tpu.memory_space<vmem>>) target_semaphore(%run_scoped3A : memref<!tpu.dma_semaphore, #tpu.memory_space<semaphore_mem>>)
        %dma_wait3A_27 = tpu.memref_slice %arg2[%mul3A_14] : memref<172032xi32, #tpu.memory_space<hbm>> -> memref<128xi32, #tpu.memory_space<hbm>>
        %dma_wait3A_28 = tpu.memref_slice %arg2[%mul3A_14] : memref<172032xi32, #tpu.memory_space<hbm>> -> memref<128xi32, #tpu.memory_space<hbm>>
        tpu.wait_dma2 semaphore(%run_scoped3A : memref<!tpu.dma_semaphore, #tpu.memory_space<semaphore_mem>>) src(%dma_wait3A_28 : memref<128xi32, #tpu.memory_space<hbm>>) dst(%arg9 : memref<128xi32, #tpu.memory_space<vmem>>)
        tpu.yield
      }) : () -> ()
      "tpu.region"() ({
        %run_scoped3A = tpu.sem_alloc : memref<!tpu.dma_semaphore, #tpu.memory_space<semaphore_mem>>
        %dma_start3A_25 = tpu.memref_slice %arg3[%mul3A_14] : memref<172032xi32, #tpu.memory_space<hbm>> -> memref<128xi32, #tpu.memory_space<hbm>>
        %dma_start3A_26 = tpu.memref_slice %arg3[%mul3A_14] : memref<172032xi32, #tpu.memory_space<hbm>> -> memref<128xi32, #tpu.memory_space<hbm>>
        tpu.enqueue_dma source(%dma_start3A_26 : memref<128xi32, #tpu.memory_space<hbm>>) target(%arg10 : memref<128xi32, #tpu.memory_space<vmem>>) target_semaphore(%run_scoped3A : memref<!tpu.dma_semaphore, #tpu.memory_space<semaphore_mem>>)
        %dma_wait3A_27 = tpu.memref_slice %arg3[%mul3A_14] : memref<172032xi32, #tpu.memory_space<hbm>> -> memref<128xi32, #tpu.memory_space<hbm>>
        %dma_wait3A_28 = tpu.memref_slice %arg3[%mul3A_14] : memref<172032xi32, #tpu.memory_space<hbm>> -> memref<128xi32, #tpu.memory_space<hbm>>
        tpu.wait_dma2 semaphore(%run_scoped3A : memref<!tpu.dma_semaphore, #tpu.memory_space<semaphore_mem>>) src(%dma_wait3A_28 : memref<128xi32, #tpu.memory_space<hbm>>) dst(%arg10 : memref<128xi32, #tpu.memory_space<vmem>>)
        tpu.yield
      }) : () -> ()
      %dma_start3A = arith.constant 0 : i32
      %dma_start3A_15 = arith.constant 0 : i32
      %dma_start3A_16 = tpu.memref_slice %arg5[%dma_start3A, %dma_start3A_15] : memref<10240x128xf32, #tpu.memory_space<hbm>> -> memref<10240x128xf32, #tpu.memory_space<hbm>>
      tpu.enqueue_indirect_dma source(%dma_start3A_16 : memref<10240x128xf32, #tpu.memory_space<hbm>>) target(%arg12 : memref<128x128xf32, #tpu.memory_space<vmem>>) offsets(%arg9 : memref<128xi32, #tpu.memory_space<vmem>>) semaphore(%arg13 : memref<!tpu.dma_semaphore, #tpu.memory_space<semaphore_mem>>)
      "tpu.region"() ({
        %run_scoped3A = tpu.sem_alloc : memref<!tpu.dma_semaphore, #tpu.memory_space<semaphore_mem>>
        %dma_start3A_25 = arith.constant 0 : i32
        %dma_start3A_26 = tpu.memref_slice %arg4[%mul3A_14, %dma_start3A_25] : memref<172032x16xf32, #tpu.memory_space<hbm>> -> memref<128x16xf32, #tpu.memory_space<hbm>>
        %dma_start3A_27 = arith.constant 0 : i32
        %dma_start3A_28 = tpu.memref_slice %arg4[%mul3A_14, %dma_start3A_27] : memref<172032x16xf32, #tpu.memory_space<hbm>> -> memref<128x16xf32, #tpu.memory_space<hbm>>
        tpu.enqueue_dma source(%dma_start3A_28 : memref<128x16xf32, #tpu.memory_space<hbm>>) target(%arg11 : memref<128x16xf32, #tpu.memory_space<vmem>>) target_semaphore(%run_scoped3A : memref<!tpu.dma_semaphore, #tpu.memory_space<semaphore_mem>>)
        %dma_wait3A_29 = arith.constant 0 : i32
        %dma_wait3A_30 = tpu.memref_slice %arg4[%mul3A_14, %dma_wait3A_29] : memref<172032x16xf32, #tpu.memory_space<hbm>> -> memref<128x16xf32, #tpu.memory_space<hbm>>
        %dma_wait3A_31 = arith.constant 0 : i32
        %dma_wait3A_32 = tpu.memref_slice %arg4[%mul3A_14, %dma_wait3A_31] : memref<172032x16xf32, #tpu.memory_space<hbm>> -> memref<128x16xf32, #tpu.memory_space<hbm>>
        tpu.wait_dma2 semaphore(%run_scoped3A : memref<!tpu.dma_semaphore, #tpu.memory_space<semaphore_mem>>) src(%dma_wait3A_32 : memref<128x16xf32, #tpu.memory_space<hbm>>) dst(%arg11 : memref<128x16xf32, #tpu.memory_space<vmem>>)
        tpu.yield
      }) : () -> ()
      %dma_wait3A = arith.constant 0 : i32
      %dma_wait3A_17 = arith.constant 0 : i32
      %dma_wait3A_18 = tpu.memref_slice %arg5[%dma_wait3A, %dma_wait3A_17] : memref<10240x128xf32, #tpu.memory_space<hbm>> -> memref<10240x128xf32, #tpu.memory_space<hbm>>
      tpu.wait_indirect_dma semaphore(%arg13 : memref<!tpu.dma_semaphore, #tpu.memory_space<semaphore_mem>>) src(%dma_wait3A_18 : memref<10240x128xf32, #tpu.memory_space<hbm>>) dst(%arg12 : memref<128x128xf32, #tpu.memory_space<vmem>>)
      %scan3A_19 = arith.constant 0 : i32
      %scan3A_20 = arith.constant 0 : i32
      %scan3A_21 = arith.constant 128 : i32
      %scan3A_22 = arith.addi %scan3A_20, %scan3A_21 : i32
      %scan3A_23 = arith.constant 1 : i32
      scf.for %scan3A_25 = %scan3A_20 to %scan3A_22 step %scan3A_23  : i32 {
        %get3A = arith.index_cast %scan3A_25 : i32 to index
        %get3A_26 = arith.constant 0 : index
        %get3A_27 = tpu.vector_load %arg11[%get3A, %get3A_26] {strides = array<i32>} : memref<128x16xf32, #tpu.memory_space<vmem>>, vector<1x16xf32>,
        %get3A_28 = vector.shape_cast %get3A_27 : vector<1x16xf32> to vector<16xf32>
        %broadcast_in_dim3A = arith.constant 0 : i32
        %broadcast_in_dim3A_29 = vector.broadcast %broadcast_in_dim3A : i32 to vector<16xi32>
        %broadcast_in_dim3A_30 = vector.shape_cast %broadcast_in_dim3A_29 : vector<16xi32> to vector<16x1xi32>
        %gather3A = vector.shape_cast %broadcast_in_dim3A_30 : vector<16x1xi32> to vector<16xi32>
        %gather3A_31 = tpu.dynamic_gather %get3A_28[%gather3A] in [0] : vector<16xf32>, vector<16xi32> -> vector<16xf32>
        %get3A_32 = arith.index_cast %scan3A_25 : i32 to index
        %get3A_33 = arith.constant 0 : index
        %get3A_34 = tpu.vector_load %arg12[%get3A_32, %get3A_33] {strides = array<i32>} : memref<128x128xf32, #tpu.memory_space<vmem>>, vector<1x16xf32>,
        %get3A_35 = vector.shape_cast %get3A_34 : vector<1x16xf32> to vector<16xf32>
        %mul3A_36 = arith.mulf %get3A_35, %gather3A_31 : vector<16xf32>
        %swap3A = arith.index_cast %scan3A_25 : i32 to index
        %swap3A_37 = arith.constant 0 : index
        %swap3A_38 = tpu.vector_load %arg12[%swap3A, %swap3A_37] {strides = array<i32>} : memref<128x128xf32, #tpu.memory_space<vmem>>, vector<1x16xf32>,
        %swap3A_39 = vector.shape_cast %swap3A_38 : vector<1x16xf32> to vector<16xf32>
        %swap3A_40 = vector.shape_cast %mul3A_36 : vector<16xf32> to vector<1x16xf32>
        tpu.vector_store %arg12[%swap3A, %swap3A_37], %swap3A_40 {strides = array<i32>} : memref<128x128xf32, #tpu.memory_space<vmem>>, vector<1x16xf32>,
        %broadcast_in_dim3A_41 = arith.constant 0 : i32
        %broadcast_in_dim3A_42 = vector.broadcast %broadcast_in_dim3A_41 : i32 to vector<16xi32>
        %broadcast_in_dim3A_43 = vector.shape_cast %broadcast_in_dim3A_42 : vector<16xi32> to vector<16x1xi32>
        %gather3A_44 = vector.shape_cast %broadcast_in_dim3A_43 : vector<16x1xi32> to vector<16xi32>
        %gather3A_45 = tpu.dynamic_gather %get3A_28[%gather3A_44] in [0] : vector<16xf32>, vector<16xi32> -> vector<16xf32>
        %get3A_46 = arith.index_cast %scan3A_25 : i32 to index
        %get3A_47 = arith.constant 16 : index
        %get3A_48 = tpu.vector_load %arg12[%get3A_46, %get3A_47] {strides = array<i32>} : memref<128x128xf32, #tpu.memory_space<vmem>>, vector<1x16xf32>,
        %get3A_49 = vector.shape_cast %get3A_48 : vector<1x16xf32> to vector<16xf32>
        %mul3A_50 = arith.mulf %get3A_49, %gather3A_45 : vector<16xf32>
        %swap3A_51 = arith.index_cast %scan3A_25 : i32 to index
        %swap3A_52 = arith.constant 16 : index
        %swap3A_53 = tpu.vector_load %arg12[%swap3A_51, %swap3A_52] {strides = array<i32>} : memref<128x128xf32, #tpu.memory_space<vmem>>, vector<1x16xf32>,
        %swap3A_54 = vector.shape_cast %swap3A_53 : vector<1x16xf32> to vector<16xf32>
        %swap3A_55 = vector.shape_cast %mul3A_50 : vector<16xf32> to vector<1x16xf32>
        tpu.vector_store %arg12[%swap3A_51, %swap3A_52], %swap3A_55 {strides = array<i32>} : memref<128x128xf32, #tpu.memory_space<vmem>>, vector<1x16xf32>,
        %broadcast_in_dim3A_56 = arith.constant 1 : i32
        %broadcast_in_dim3A_57 = vector.broadcast %broadcast_in_dim3A_56 : i32 to vector<16xi32>
        %broadcast_in_dim3A_58 = vector.shape_cast %broadcast_in_dim3A_57 : vector<16xi32> to vector<16x1xi32>
        %gather3A_59 = vector.shape_cast %broadcast_in_dim3A_58 : vector<16x1xi32> to vector<16xi32>
        %gather3A_60 = tpu.dynamic_gather %get3A_28[%gather3A_59] in [0] : vector<16xf32>, vector<16xi32> -> vector<16xf32>
        %get3A_61 = arith.index_cast %scan3A_25 : i32 to index
        %get3A_62 = arith.constant 32 : index
        %get3A_63 = tpu.vector_load %arg12[%get3A_61, %get3A_62] {strides = array<i32>} : memref<128x128xf32, #tpu.memory_space<vmem>>, vector<1x16xf32>,
        %get3A_64 = vector.shape_cast %get3A_63 : vector<1x16xf32> to vector<16xf32>
        %mul3A_65 = arith.mulf %get3A_64, %gather3A_60 : vector<16xf32>
        %swap3A_66 = arith.index_cast %scan3A_25 : i32 to index
        %swap3A_67 = arith.constant 32 : index
        %swap3A_68 = tpu.vector_load %arg12[%swap3A_66, %swap3A_67] {strides = array<i32>} : memref<128x128xf32, #tpu.memory_space<vmem>>, vector<1x16xf32>,
        %swap3A_69 = vector.shape_cast %swap3A_68 : vector<1x16xf32> to vector<16xf32>
        %swap3A_70 = vector.shape_cast %mul3A_65 : vector<16xf32> to vector<1x16xf32>
        tpu.vector_store %arg12[%swap3A_66, %swap3A_67], %swap3A_70 {strides = array<i32>} : memref<128x128xf32, #tpu.memory_space<vmem>>, vector<1x16xf32>,
        %broadcast_in_dim3A_71 = arith.constant 1 : i32
        %broadcast_in_dim3A_72 = vector.broadcast %broadcast_in_dim3A_71 : i32 to vector<16xi32>
        %broadcast_in_dim3A_73 = vector.shape_cast %broadcast_in_dim3A_72 : vector<16xi32> to vector<16x1xi32>
        %gather3A_74 = vector.shape_cast %broadcast_in_dim3A_73 : vector<16x1xi32> to vector<16xi32>
        %gather3A_75 = tpu.dynamic_gather %get3A_28[%gather3A_74] in [0] : vector<16xf32>, vector<16xi32> -> vector<16xf32>
        %get3A_76 = arith.index_cast %scan3A_25 : i32 to index
        %get3A_77 = arith.constant 48 : index
        %get3A_78 = tpu.vector_load %arg12[%get3A_76, %get3A_77] {strides = array<i32>} : memref<128x128xf32, #tpu.memory_space<vmem>>, vector<1x16xf32>,
        %get3A_79 = vector.shape_cast %get3A_78 : vector<1x16xf32> to vector<16xf32>
        %mul3A_80 = arith.mulf %get3A_79, %gather3A_75 : vector<16xf32>
        %swap3A_81 = arith.index_cast %scan3A_25 : i32 to index
        %swap3A_82 = arith.constant 48 : index
        %swap3A_83 = tpu.vector_load %arg12[%swap3A_81, %swap3A_82] {strides = array<i32>} : memref<128x128xf32, #tpu.memory_space<vmem>>, vector<1x16xf32>,
        %swap3A_84 = vector.shape_cast %swap3A_83 : vector<1x16xf32> to vector<16xf32>
        %swap3A_85 = vector.shape_cast %mul3A_80 : vector<16xf32> to vector<1x16xf32>
        tpu.vector_store %arg12[%swap3A_81, %swap3A_82], %swap3A_85 {strides = array<i32>} : memref<128x128xf32, #tpu.memory_space<vmem>>, vector<1x16xf32>,
        %broadcast_in_dim3A_86 = arith.constant 2 : i32
        %broadcast_in_dim3A_87 = vector.broadcast %broadcast_in_dim3A_86 : i32 to vector<16xi32>
        %broadcast_in_dim3A_88 = vector.shape_cast %broadcast_in_dim3A_87 : vector<16xi32> to vector<16x1xi32>
        %gather3A_89 = vector.shape_cast %broadcast_in_dim3A_88 : vector<16x1xi32> to vector<16xi32>
        %gather3A_90 = tpu.dynamic_gather %get3A_28[%gather3A_89] in [0] : vector<16xf32>, vector<16xi32> -> vector<16xf32>
        %get3A_91 = arith.index_cast %scan3A_25 : i32 to index
        %get3A_92 = arith.constant 64 : index
        %get3A_93 = tpu.vector_load %arg12[%get3A_91, %get3A_92] {strides = array<i32>} : memref<128x128xf32, #tpu.memory_space<vmem>>, vector<1x16xf32>,
        %get3A_94 = vector.shape_cast %get3A_93 : vector<1x16xf32> to vector<16xf32>
        %mul3A_95 = arith.mulf %get3A_94, %gather3A_90 : vector<16xf32>
        %swap3A_96 = arith.index_cast %scan3A_25 : i32 to index
        %swap3A_97 = arith.constant 64 : index
        %swap3A_98 = tpu.vector_load %arg12[%swap3A_96, %swap3A_97] {strides = array<i32>} : memref<128x128xf32, #tpu.memory_space<vmem>>, vector<1x16xf32>,
        %swap3A_99 = vector.shape_cast %swap3A_98 : vector<1x16xf32> to vector<16xf32>
        %swap3A_100 = vector.shape_cast %mul3A_95 : vector<16xf32> to vector<1x16xf32>
        tpu.vector_store %arg12[%swap3A_96, %swap3A_97], %swap3A_100 {strides = array<i32>} : memref<128x128xf32, #tpu.memory_space<vmem>>, vector<1x16xf32>,
        %broadcast_in_dim3A_101 = arith.constant 2 : i32
        %broadcast_in_dim3A_102 = vector.broadcast %broadcast_in_dim3A_101 : i32 to vector<16xi32>
        %broadcast_in_dim3A_103 = vector.shape_cast %broadcast_in_dim3A_102 : vector<16xi32> to vector<16x1xi32>
        %gather3A_104 = vector.shape_cast %broadcast_in_dim3A_103 : vector<16x1xi32> to vector<16xi32>
        %gather3A_105 = tpu.dynamic_gather %get3A_28[%gather3A_104] in [0] : vector<16xf32>, vector<16xi32> -> vector<16xf32>
        %get3A_106 = arith.index_cast %scan3A_25 : i32 to index
        %get3A_107 = arith.constant 80 : index
        %get3A_108 = tpu.vector_load %arg12[%get3A_106, %get3A_107] {strides = array<i32>} : memref<128x128xf32, #tpu.memory_space<vmem>>, vector<1x16xf32>,
        %get3A_109 = vector.shape_cast %get3A_108 : vector<1x16xf32> to vector<16xf32>
        %mul3A_110 = arith.mulf %get3A_109, %gather3A_105 : vector<16xf32>
        %swap3A_111 = arith.index_cast %scan3A_25 : i32 to index
        %swap3A_112 = arith.constant 80 : index
        %swap3A_113 = tpu.vector_load %arg12[%swap3A_111, %swap3A_112] {strides = array<i32>} : memref<128x128xf32, #tpu.memory_space<vmem>>, vector<1x16xf32>,
        %swap3A_114 = vector.shape_cast %swap3A_113 : vector<1x16xf32> to vector<16xf32>
        %swap3A_115 = vector.shape_cast %mul3A_110 : vector<16xf32> to vector<1x16xf32>
        tpu.vector_store %arg12[%swap3A_111, %swap3A_112], %swap3A_115 {strides = array<i32>} : memref<128x128xf32, #tpu.memory_space<vmem>>, vector<1x16xf32>,
        %broadcast_in_dim3A_116 = arith.constant 3 : i32
        %broadcast_in_dim3A_117 = vector.broadcast %broadcast_in_dim3A_116 : i32 to vector<16xi32>
        %broadcast_in_dim3A_118 = vector.shape_cast %broadcast_in_dim3A_117 : vector<16xi32> to vector<16x1xi32>
        %gather3A_119 = vector.shape_cast %broadcast_in_dim3A_118 : vector<16x1xi32> to vector<16xi32>
        %gather3A_120 = tpu.dynamic_gather %get3A_28[%gather3A_119] in [0] : vector<16xf32>, vector<16xi32> -> vector<16xf32>
        %get3A_121 = arith.index_cast %scan3A_25 : i32 to index
        %get3A_122 = arith.constant 96 : index
        %get3A_123 = tpu.vector_load %arg12[%get3A_121, %get3A_122] {strides = array<i32>} : memref<128x128xf32, #tpu.memory_space<vmem>>, vector<1x16xf32>,
        %get3A_124 = vector.shape_cast %get3A_123 : vector<1x16xf32> to vector<16xf32>
        %mul3A_125 = arith.mulf %get3A_124, %gather3A_120 : vector<16xf32>
        %swap3A_126 = arith.index_cast %scan3A_25 : i32 to index
        %swap3A_127 = arith.constant 96 : index
        %swap3A_128 = tpu.vector_load %arg12[%swap3A_126, %swap3A_127] {strides = array<i32>} : memref<128x128xf32, #tpu.memory_space<vmem>>, vector<1x16xf32>,
        %swap3A_129 = vector.shape_cast %swap3A_128 : vector<1x16xf32> to vector<16xf32>
        %swap3A_130 = vector.shape_cast %mul3A_125 : vector<16xf32> to vector<1x16xf32>
        tpu.vector_store %arg12[%swap3A_126, %swap3A_127], %swap3A_130 {strides = array<i32>} : memref<128x128xf32, #tpu.memory_space<vmem>>, vector<1x16xf32>,
        %broadcast_in_dim3A_131 = arith.constant 3 : i32
        %broadcast_in_dim3A_132 = vector.broadcast %broadcast_in_dim3A_131 : i32 to vector<16xi32>
        %broadcast_in_dim3A_133 = vector.shape_cast %broadcast_in_dim3A_132 : vector<16xi32> to vector<16x1xi32>
        %gather3A_134 = vector.shape_cast %broadcast_in_dim3A_133 : vector<16x1xi32> to vector<16xi32>
        %gather3A_135 = tpu.dynamic_gather %get3A_28[%gather3A_134] in [0] : vector<16xf32>, vector<16xi32> -> vector<16xf32>
        %get3A_136 = arith.index_cast %scan3A_25 : i32 to index
        %get3A_137 = arith.constant 112 : index
        %get3A_138 = tpu.vector_load %arg12[%get3A_136, %get3A_137] {strides = array<i32>} : memref<128x128xf32, #tpu.memory_space<vmem>>, vector<1x16xf32>,
        %get3A_139 = vector.shape_cast %get3A_138 : vector<1x16xf32> to vector<16xf32>
        %mul3A_140 = arith.mulf %get3A_139, %gather3A_135 : vector<16xf32>
        %swap3A_141 = arith.index_cast %scan3A_25 : i32 to index
        %swap3A_142 = arith.constant 112 : index
        %swap3A_143 = tpu.vector_load %arg12[%swap3A_141, %swap3A_142] {strides = array<i32>} : memref<128x128xf32, #tpu.memory_space<vmem>>, vector<1x16xf32>,
        %swap3A_144 = vector.shape_cast %swap3A_143 : vector<1x16xf32> to vector<16xf32>
        %swap3A_145 = vector.shape_cast %mul3A_140 : vector<16xf32> to vector<1x16xf32>
        tpu.vector_store %arg12[%swap3A_141, %swap3A_142], %swap3A_145 {strides = array<i32>} : memref<128x128xf32, #tpu.memory_space<vmem>>, vector<1x16xf32>,
      }
      %scan3A_24 = arith.constant 128 : i32
      "tpu.region"() ({
        %run_scoped3A = tpu.sem_alloc : memref<!tpu.dma_semaphore, #tpu.memory_space<semaphore_mem>>
        %dma_start3A_25 = arith.constant 0 : i32
        %dma_start3A_26 = arith.constant 0 : i32
        %dma_start3A_27 = tpu.memref_slice %arg8[%dma_start3A_25, %dma_start3A_26] : memref<10240x128xf32, #tpu.memory_space<vmem_shared>> -> memref<10240x128xf32, #tpu.memory_space<vmem_shared>>
        tpu.enqueue_indirect_dma source(%arg12 : memref<128x128xf32, #tpu.memory_space<vmem>>) target(%dma_start3A_27 : memref<10240x128xf32, #tpu.memory_space<vmem_shared>>) offsets(%arg10 : memref<128xi32, #tpu.memory_space<vmem>>) semaphore(%run_scoped3A : memref<!tpu.dma_semaphore, #tpu.memory_space<semaphore_mem>>) {add = true}
        %dma_wait3A_28 = arith.constant 0 : i32
        %dma_wait3A_29 = arith.constant 0 : i32
        %dma_wait3A_30 = tpu.memref_slice %arg8[%dma_wait3A_28, %dma_wait3A_29] : memref<10240x128xf32, #tpu.memory_space<vmem_shared>> -> memref<10240x128xf32, #tpu.memory_space<vmem_shared>>
        tpu.wait_indirect_dma semaphore(%run_scoped3A : memref<!tpu.dma_semaphore, #tpu.memory_space<semaphore_mem>>) src(%arg12 : memref<128x128xf32, #tpu.memory_space<vmem>>) dst(%dma_wait3A_30 : memref<10240x128xf32, #tpu.memory_space<vmem_shared>>)
        tpu.yield
      }) : () -> ()
    }
    %scan3A_7 = arith.constant 42 : i32
    %barrier3A_8 = arith.constant 0 : index
    tpu.barrier barrier_id(%barrier3A_8)
    "tpu.region"() ({
      %run_scoped3A = tpu.sem_alloc : memref<!tpu.dma_semaphore, #tpu.memory_space<semaphore_mem>>
      %dma_start3A = arith.constant 0 : i32
      %dma_start3A_9 = tpu.memref_slice %arg7[%arg0, %mul3A_2, %dma_start3A] : memref<2x10240x128xf32, #tpu.memory_space<hbm>> -> memref<1x640x128xf32, #tpu.memory_space<hbm>>
      %dma_start3A_10 = tpu.memref_squeeze %dma_start3A_9 : memref<1x640x128xf32, #tpu.memory_space<hbm>> -> memref<640x128xf32, #tpu.memory_space<hbm>>
      %dma_start3A_11 = arith.constant 0 : i32
      %dma_start3A_12 = tpu.memref_slice %arg8[%mul3A_2, %dma_start3A_11] : memref<10240x128xf32, #tpu.memory_space<vmem_shared>> -> memref<640x128xf32, #tpu.memory_space<vmem_shared>>
      tpu.enqueue_dma source(%dma_start3A_12 : memref<640x128xf32, #tpu.memory_space<vmem_shared>>) target(%dma_start3A_10 : memref<640x128xf32, #tpu.memory_space<hbm>>) target_semaphore(%run_scoped3A : memref<!tpu.dma_semaphore, #tpu.memory_space<semaphore_mem>>)
      %dma_wait3A = arith.constant 0 : i32
      %dma_wait3A_13 = tpu.memref_slice %arg7[%arg0, %mul3A_2, %dma_wait3A] : memref<2x10240x128xf32, #tpu.memory_space<hbm>> -> memref<1x640x128xf32, #tpu.memory_space<hbm>>
      %dma_wait3A_14 = tpu.memref_squeeze %dma_wait3A_13 : memref<1x640x128xf32, #tpu.memory_space<hbm>> -> memref<640x128xf32, #tpu.memory_space<hbm>>
      %dma_wait3A_15 = arith.constant 0 : i32
      %dma_wait3A_16 = tpu.memref_slice %arg8[%mul3A_2, %dma_wait3A_15] : memref<10240x128xf32, #tpu.memory_space<vmem_shared>> -> memref<640x128xf32, #tpu.memory_space<vmem_shared>>
      tpu.wait_dma2 semaphore(%run_scoped3A : memref<!tpu.dma_semaphore, #tpu.memory_space<semaphore_mem>>) src(%dma_wait3A_16 : memref<640x128xf32, #tpu.memory_space<vmem_shared>>) dst(%dma_wait3A_14 : memref<640x128xf32, #tpu.memory_space<hbm>>)
      tpu.yield
    }) : () -> ()
    return
  }
}

#map = affine_map<(d0, d1) -> (0)>
#map1 = affine_map<(d0, d1) -> (0, 0)>
#map2 = affine_map<(d0, d1) -> (0, 0, 0)>
module attributes {stable_mosaic.version = 14 : i64} {
  func.func @kern(%arg0: i32, %arg1: i32, %arg2: memref<172032xi32, #tpu.memory_space<hbm>>, %arg3: memref<172032xi32, #tpu.memory_space<hbm>>, %arg4: memref<172032x16xf32, #tpu.memory_space<hbm>>, %arg5: memref<10240x128xf32, #tpu.memory_space<hbm>>, %arg6: memref<640x128xf32, #tpu.memory_space<hbm>>, %arg7: memref<2x10240x128xf32, #tpu.memory_space<hbm>>, %arg8: memref<10240x128xf32, #tpu.memory_space<vmem_shared>>, %arg9: memref<128xi32, #tpu.memory_space<vmem>>, %arg10: memref<128xi32, #tpu.memory_space<vmem>>, %arg11: memref<128x16xf32, #tpu.memory_space<vmem>>, %arg12: memref<128x128xf32, #tpu.memory_space<vmem>>, %arg13: memref<!tpu.dma_semaphore, #tpu.memory_space<semaphore_mem>>) attributes {dimension_semantics = [#tpu.dimension_semantics<core_parallel>, #tpu.dimension_semantics<subcore_parallel>], iteration_bounds = array<i64: 2, 16>, scalar_prefetch = 0 : i64, scratch_operands = 6 : i64, tpu.core_type = #tpu.core_type<sc_vector_subcore>, window_params = [{transform_indices = #map}, {transform_indices = #map}, {transform_indices = #map1}, {transform_indices = #map1}, {transform_indices = #map1}, {transform_indices = #map2}]} {
    %mul3A = arith.constant 2 : i32
    %mul3A_0 = arith.muli %arg1, %mul3A : i32
    %add3A = arith.addi %mul3A_0, %arg0 : i32
    %mul3A_1 = arith.constant 640 : i32
    %mul3A_2 = arith.muli %arg1, %mul3A_1 : i32
    "tpu.region"() ({
      %run_scoped3A = tpu.sem_alloc : memref<!tpu.dma_semaphore, #tpu.memory_space<semaphore_mem>>
      %dma_start3A = arith.constant 0 : i32
      %dma_start3A_9 = tpu.memref_slice %arg8[%mul3A_2, %dma_start3A] : memref<10240x128xf32, #tpu.memory_space<vmem_shared>> -> memref<640x128xf32, #tpu.memory_space<vmem_shared>>
      tpu.enqueue_dma source(%arg6 : memref<640x128xf32, #tpu.memory_space<hbm>>) target(%dma_start3A_9 : memref<640x128xf32, #tpu.memory_space<vmem_shared>>) target_semaphore(%run_scoped3A : memref<!tpu.dma_semaphore, #tpu.memory_space<semaphore_mem>>)
      %dma_wait3A = arith.constant 0 : i32
      %dma_wait3A_10 = tpu.memref_slice %arg8[%mul3A_2, %dma_wait3A] : memref<10240x128xf32, #tpu.memory_space<vmem_shared>> -> memref<640x128xf32, #tpu.memory_space<vmem_shared>>
      tpu.wait_dma2 semaphore(%run_scoped3A : memref<!tpu.dma_semaphore, #tpu.memory_space<semaphore_mem>>) src(%arg6 : memref<640x128xf32, #tpu.memory_space<hbm>>) dst(%dma_wait3A_10 : memref<640x128xf32, #tpu.memory_space<vmem_shared>>)
      tpu.yield
    }) : () -> ()
    %barrier3A = arith.constant 0 : index
    tpu.barrier barrier_id(%barrier3A)
    %scan3A = arith.constant 0 : i32
    %scan3A_3 = arith.constant 0 : i32
    %scan3A_4 = arith.constant 42 : i32
    %scan3A_5 = arith.addi %scan3A_3, %scan3A_4 : i32
    %scan3A_6 = arith.constant 1 : i32
    scf.for %scan3A_9 = %scan3A_3 to %scan3A_5 step %scan3A_6  : i32 {
      %mul3A_10 = arith.constant 42 : i32
      %mul3A_11 = arith.muli %add3A, %mul3A_10 : i32
      %add3A_12 = arith.addi %mul3A_11, %scan3A_9 : i32
      %mul3A_13 = arith.constant 128 : i32
      %mul3A_14 = arith.muli %add3A_12, %mul3A_13 : i32
      "tpu.region"() ({
        %run_scoped3A = tpu.sem_alloc : memref<!tpu.dma_semaphore, #tpu.memory_space<semaphore_mem>>
        %dma_start3A_25 = tpu.memref_slice %arg2[%mul3A_14] : memref<172032xi32, #tpu.memory_space<hbm>> -> memref<128xi32, #tpu.memory_space<hbm>>
        %dma_start3A_26 = tpu.memref_slice %arg2[%mul3A_14] : memref<172032xi32, #tpu.memory_space<hbm>> -> memref<128xi32, #tpu.memory_space<hbm>>
        tpu.enqueue_dma source(%dma_start3A_26 : memref<128xi32, #tpu.memory_space<hbm>>) target(%arg9 : memref<128xi32, #tpu.memory_space<vmem>>) target_semaphore(%run_scoped3A : memref<!tpu.dma_semaphore, #tpu.memory_space<semaphore_mem>>)
        %dma_wait3A_27 = tpu.memref_slice %arg2[%mul3A_14] : memref<172032xi32, #tpu.memory_space<hbm>> -> memref<128xi32, #tpu.memory_space<hbm>>
        %dma_wait3A_28 = tpu.memref_slice %arg2[%mul3A_14] : memref<172032xi32, #tpu.memory_space<hbm>> -> memref<128xi32, #tpu.memory_space<hbm>>
        tpu.wait_dma2 semaphore(%run_scoped3A : memref<!tpu.dma_semaphore, #tpu.memory_space<semaphore_mem>>) src(%dma_wait3A_28 : memref<128xi32, #tpu.memory_space<hbm>>) dst(%arg9 : memref<128xi32, #tpu.memory_space<vmem>>)
        tpu.yield
      }) : () -> ()
      "tpu.region"() ({
        %run_scoped3A = tpu.sem_alloc : memref<!tpu.dma_semaphore, #tpu.memory_space<semaphore_mem>>
        %dma_start3A_25 = tpu.memref_slice %arg3[%mul3A_14] : memref<172032xi32, #tpu.memory_space<hbm>> -> memref<128xi32, #tpu.memory_space<hbm>>
        %dma_start3A_26 = tpu.memref_slice %arg3[%mul3A_14] : memref<172032xi32, #tpu.memory_space<hbm>> -> memref<128xi32, #tpu.memory_space<hbm>>
        tpu.enqueue_dma source(%dma_start3A_26 : memref<128xi32, #tpu.memory_space<hbm>>) target(%arg10 : memref<128xi32, #tpu.memory_space<vmem>>) target_semaphore(%run_scoped3A : memref<!tpu.dma_semaphore, #tpu.memory_space<semaphore_mem>>)
        %dma_wait3A_27 = tpu.memref_slice %arg3[%mul3A_14] : memref<172032xi32, #tpu.memory_space<hbm>> -> memref<128xi32, #tpu.memory_space<hbm>>
        %dma_wait3A_28 = tpu.memref_slice %arg3[%mul3A_14] : memref<172032xi32, #tpu.memory_space<hbm>> -> memref<128xi32, #tpu.memory_space<hbm>>
        tpu.wait_dma2 semaphore(%run_scoped3A : memref<!tpu.dma_semaphore, #tpu.memory_space<semaphore_mem>>) src(%dma_wait3A_28 : memref<128xi32, #tpu.memory_space<hbm>>) dst(%arg10 : memref<128xi32, #tpu.memory_space<vmem>>)
        tpu.yield
      }) : () -> ()
      %dma_start3A = arith.constant 0 : i32
      %dma_start3A_15 = arith.constant 0 : i32
      %dma_start3A_16 = tpu.memref_slice %arg5[%dma_start3A, %dma_start3A_15] : memref<10240x128xf32, #tpu.memory_space<hbm>> -> memref<10240x128xf32, #tpu.memory_space<hbm>>
      tpu.enqueue_indirect_dma source(%dma_start3A_16 : memref<10240x128xf32, #tpu.memory_space<hbm>>) target(%arg12 : memref<128x128xf32, #tpu.memory_space<vmem>>) offsets(%arg9 : memref<128xi32, #tpu.memory_space<vmem>>) semaphore(%arg13 : memref<!tpu.dma_semaphore, #tpu.memory_space<semaphore_mem>>)
      "tpu.region"() ({
        %run_scoped3A = tpu.sem_alloc : memref<!tpu.dma_semaphore, #tpu.memory_space<semaphore_mem>>
        %dma_start3A_25 = arith.constant 0 : i32
        %dma_start3A_26 = tpu.memref_slice %arg4[%mul3A_14, %dma_start3A_25] : memref<172032x16xf32, #tpu.memory_space<hbm>> -> memref<128x16xf32, #tpu.memory_space<hbm>>
        %dma_start3A_27 = arith.constant 0 : i32
        %dma_start3A_28 = tpu.memref_slice %arg4[%mul3A_14, %dma_start3A_27] : memref<172032x16xf32, #tpu.memory_space<hbm>> -> memref<128x16xf32, #tpu.memory_space<hbm>>
        tpu.enqueue_dma source(%dma_start3A_28 : memref<128x16xf32, #tpu.memory_space<hbm>>) target(%arg11 : memref<128x16xf32, #tpu.memory_space<vmem>>) target_semaphore(%run_scoped3A : memref<!tpu.dma_semaphore, #tpu.memory_space<semaphore_mem>>)
        %dma_wait3A_29 = arith.constant 0 : i32
        %dma_wait3A_30 = tpu.memref_slice %arg4[%mul3A_14, %dma_wait3A_29] : memref<172032x16xf32, #tpu.memory_space<hbm>> -> memref<128x16xf32, #tpu.memory_space<hbm>>
        %dma_wait3A_31 = arith.constant 0 : i32
        %dma_wait3A_32 = tpu.memref_slice %arg4[%mul3A_14, %dma_wait3A_31] : memref<172032x16xf32, #tpu.memory_space<hbm>> -> memref<128x16xf32, #tpu.memory_space<hbm>>
        tpu.wait_dma2 semaphore(%run_scoped3A : memref<!tpu.dma_semaphore, #tpu.memory_space<semaphore_mem>>) src(%dma_wait3A_32 : memref<128x16xf32, #tpu.memory_space<hbm>>) dst(%arg11 : memref<128x16xf32, #tpu.memory_space<vmem>>)
        tpu.yield
      }) : () -> ()
      %dma_wait3A = arith.constant 0 : i32
      %dma_wait3A_17 = arith.constant 0 : i32
      %dma_wait3A_18 = tpu.memref_slice %arg5[%dma_wait3A, %dma_wait3A_17] : memref<10240x128xf32, #tpu.memory_space<hbm>> -> memref<10240x128xf32, #tpu.memory_space<hbm>>
      tpu.wait_indirect_dma semaphore(%arg13 : memref<!tpu.dma_semaphore, #tpu.memory_space<semaphore_mem>>) src(%dma_wait3A_18 : memref<10240x128xf32, #tpu.memory_space<hbm>>) dst(%arg12 : memref<128x128xf32, #tpu.memory_space<vmem>>)
      %scan3A_19 = arith.constant 0 : i32
      %scan3A_20 = arith.constant 0 : i32
      %scan3A_21 = arith.constant 128 : i32
      %scan3A_22 = arith.addi %scan3A_20, %scan3A_21 : i32
      %scan3A_23 = arith.constant 1 : i32
      scf.for %scan3A_25 = %scan3A_20 to %scan3A_22 step %scan3A_23  : i32 {
        %get3A = arith.index_cast %scan3A_25 : i32 to index
        %get3A_26 = arith.constant 0 : index
        %get3A_27 = tpu.vector_load %arg11[%get3A, %get3A_26] {strides = array<i32>} : memref<128x16xf32, #tpu.memory_space<vmem>>, vector<1x16xf32>,
        %get3A_28 = vector.shape_cast %get3A_27 : vector<1x16xf32> to vector<16xf32>
        %broadcast_in_dim3A = arith.constant 0 : i32
        %broadcast_in_dim3A_29 = vector.broadcast %broadcast_in_dim3A : i32 to vector<16xi32>
        %broadcast_in_dim3A_30 = vector.shape_cast %broadcast_in_dim3A_29 : vector<16xi32> to vector<16x1xi32>
        %gather3A = vector.shape_cast %broadcast_in_dim3A_30 : vector<16x1xi32> to vector<16xi32>
        %gather3A_31 = tpu.dynamic_gather %get3A_28[%gather3A] in [0] : vector<16xf32>, vector<16xi32> -> vector<16xf32>
        %get3A_32 = arith.index_cast %scan3A_25 : i32 to index
        %get3A_33 = arith.constant 0 : index
        %get3A_34 = tpu.vector_load %arg12[%get3A_32, %get3A_33] {strides = array<i32>} : memref<128x128xf32, #tpu.memory_space<vmem>>, vector<1x16xf32>,
        %get3A_35 = vector.shape_cast %get3A_34 : vector<1x16xf32> to vector<16xf32>
        %mul3A_36 = arith.mulf %get3A_35, %gather3A_31 : vector<16xf32>
        %swap3A = arith.index_cast %scan3A_25 : i32 to index
        %swap3A_37 = arith.constant 0 : index
        %swap3A_38 = tpu.vector_load %arg12[%swap3A, %swap3A_37] {strides = array<i32>} : memref<128x128xf32, #tpu.memory_space<vmem>>, vector<1x16xf32>,
        %swap3A_39 = vector.shape_cast %swap3A_38 : vector<1x16xf32> to vector<16xf32>
        %swap3A_40 = vector.shape_cast %mul3A_36 : vector<16xf32> to vector<1x16xf32>
        tpu.vector_store %arg12[%swap3A, %swap3A_37], %swap3A_40 {strides = array<i32>} : memref<128x128xf32, #tpu.memory_space<vmem>>, vector<1x16xf32>,
        %broadcast_in_dim3A_41 = arith.constant 0 : i32
        %broadcast_in_dim3A_42 = vector.broadcast %broadcast_in_dim3A_41 : i32 to vector<16xi32>
        %broadcast_in_dim3A_43 = vector.shape_cast %broadcast_in_dim3A_42 : vector<16xi32> to vector<16x1xi32>
        %gather3A_44 = vector.shape_cast %broadcast_in_dim3A_43 : vector<16x1xi32> to vector<16xi32>
        %gather3A_45 = tpu.dynamic_gather %get3A_28[%gather3A_44] in [0] : vector<16xf32>, vector<16xi32> -> vector<16xf32>
        %get3A_46 = arith.index_cast %scan3A_25 : i32 to index
        %get3A_47 = arith.constant 16 : index
        %get3A_48 = tpu.vector_load %arg12[%get3A_46, %get3A_47] {strides = array<i32>} : memref<128x128xf32, #tpu.memory_space<vmem>>, vector<1x16xf32>,
        %get3A_49 = vector.shape_cast %get3A_48 : vector<1x16xf32> to vector<16xf32>
        %mul3A_50 = arith.mulf %get3A_49, %gather3A_45 : vector<16xf32>
        %swap3A_51 = arith.index_cast %scan3A_25 : i32 to index
        %swap3A_52 = arith.constant 16 : index
        %swap3A_53 = tpu.vector_load %arg12[%swap3A_51, %swap3A_52] {strides = array<i32>} : memref<128x128xf32, #tpu.memory_space<vmem>>, vector<1x16xf32>,
        %swap3A_54 = vector.shape_cast %swap3A_53 : vector<1x16xf32> to vector<16xf32>
        %swap3A_55 = vector.shape_cast %mul3A_50 : vector<16xf32> to vector<1x16xf32>
        tpu.vector_store %arg12[%swap3A_51, %swap3A_52], %swap3A_55 {strides = array<i32>} : memref<128x128xf32, #tpu.memory_space<vmem>>, vector<1x16xf32>,
        %broadcast_in_dim3A_56 = arith.constant 1 : i32
        %broadcast_in_dim3A_57 = vector.broadcast %broadcast_in_dim3A_56 : i32 to vector<16xi32>
        %broadcast_in_dim3A_58 = vector.shape_cast %broadcast_in_dim3A_57 : vector<16xi32> to vector<16x1xi32>
        %gather3A_59 = vector.shape_cast %broadcast_in_dim3A_58 : vector<16x1xi32> to vector<16xi32>
        %gather3A_60 = tpu.dynamic_gather %get3A_28[%gather3A_59] in [0] : vector<16xf32>, vector<16xi32> -> vector<16xf32>
        %get3A_61 = arith.index_cast %scan3A_25 : i32 to index
        %get3A_62 = arith.constant 32 : index
        %get3A_63 = tpu.vector_load %arg12[%get3A_61, %get3A_62] {strides = array<i32>} : memref<128x128xf32, #tpu.memory_space<vmem>>, vector<1x16xf32>,
        %get3A_64 = vector.shape_cast %get3A_63 : vector<1x16xf32> to vector<16xf32>
        %mul3A_65 = arith.mulf %get3A_64, %gather3A_60 : vector<16xf32>
        %swap3A_66 = arith.index_cast %scan3A_25 : i32 to index
        %swap3A_67 = arith.constant 32 : index
        %swap3A_68 = tpu.vector_load %arg12[%swap3A_66, %swap3A_67] {strides = array<i32>} : memref<128x128xf32, #tpu.memory_space<vmem>>, vector<1x16xf32>,
        %swap3A_69 = vector.shape_cast %swap3A_68 : vector<1x16xf32> to vector<16xf32>
        %swap3A_70 = vector.shape_cast %mul3A_65 : vector<16xf32> to vector<1x16xf32>
        tpu.vector_store %arg12[%swap3A_66, %swap3A_67], %swap3A_70 {strides = array<i32>} : memref<128x128xf32, #tpu.memory_space<vmem>>, vector<1x16xf32>,
        %broadcast_in_dim3A_71 = arith.constant 1 : i32
        %broadcast_in_dim3A_72 = vector.broadcast %broadcast_in_dim3A_71 : i32 to vector<16xi32>
        %broadcast_in_dim3A_73 = vector.shape_cast %broadcast_in_dim3A_72 : vector<16xi32> to vector<16x1xi32>
        %gather3A_74 = vector.shape_cast %broadcast_in_dim3A_73 : vector<16x1xi32> to vector<16xi32>
        %gather3A_75 = tpu.dynamic_gather %get3A_28[%gather3A_74] in [0] : vector<16xf32>, vector<16xi32> -> vector<16xf32>
        %get3A_76 = arith.index_cast %scan3A_25 : i32 to index
        %get3A_77 = arith.constant 48 : index
        %get3A_78 = tpu.vector_load %arg12[%get3A_76, %get3A_77] {strides = array<i32>} : memref<128x128xf32, #tpu.memory_space<vmem>>, vector<1x16xf32>,
        %get3A_79 = vector.shape_cast %get3A_78 : vector<1x16xf32> to vector<16xf32>
        %mul3A_80 = arith.mulf %get3A_79, %gather3A_75 : vector<16xf32>
        %swap3A_81 = arith.index_cast %scan3A_25 : i32 to index
        %swap3A_82 = arith.constant 48 : index
        %swap3A_83 = tpu.vector_load %arg12[%swap3A_81, %swap3A_82] {strides = array<i32>} : memref<128x128xf32, #tpu.memory_space<vmem>>, vector<1x16xf32>,
        %swap3A_84 = vector.shape_cast %swap3A_83 : vector<1x16xf32> to vector<16xf32>
        %swap3A_85 = vector.shape_cast %mul3A_80 : vector<16xf32> to vector<1x16xf32>
        tpu.vector_store %arg12[%swap3A_81, %swap3A_82], %swap3A_85 {strides = array<i32>} : memref<128x128xf32, #tpu.memory_space<vmem>>, vector<1x16xf32>,
        %broadcast_in_dim3A_86 = arith.constant 2 : i32
        %broadcast_in_dim3A_87 = vector.broadcast %broadcast_in_dim3A_86 : i32 to vector<16xi32>
        %broadcast_in_dim3A_88 = vector.shape_cast %broadcast_in_dim3A_87 : vector<16xi32> to vector<16x1xi32>
        %gather3A_89 = vector.shape_cast %broadcast_in_dim3A_88 : vector<16x1xi32> to vector<16xi32>
        %gather3A_90 = tpu.dynamic_gather %get3A_28[%gather3A_89] in [0] : vector<16xf32>, vector<16xi32> -> vector<16xf32>
        %get3A_91 = arith.index_cast %scan3A_25 : i32 to index
        %get3A_92 = arith.constant 64 : index
        %get3A_93 = tpu.vector_load %arg12[%get3A_91, %get3A_92] {strides = array<i32>} : memref<128x128xf32, #tpu.memory_space<vmem>>, vector<1x16xf32>,
        %get3A_94 = vector.shape_cast %get3A_93 : vector<1x16xf32> to vector<16xf32>
        %mul3A_95 = arith.mulf %get3A_94, %gather3A_90 : vector<16xf32>
        %swap3A_96 = arith.index_cast %scan3A_25 : i32 to index
        %swap3A_97 = arith.constant 64 : index
        %swap3A_98 = tpu.vector_load %arg12[%swap3A_96, %swap3A_97] {strides = array<i32>} : memref<128x128xf32, #tpu.memory_space<vmem>>, vector<1x16xf32>,
        %swap3A_99 = vector.shape_cast %swap3A_98 : vector<1x16xf32> to vector<16xf32>
        %swap3A_100 = vector.shape_cast %mul3A_95 : vector<16xf32> to vector<1x16xf32>
        tpu.vector_store %arg12[%swap3A_96, %swap3A_97], %swap3A_100 {strides = array<i32>} : memref<128x128xf32, #tpu.memory_space<vmem>>, vector<1x16xf32>,
        %broadcast_in_dim3A_101 = arith.constant 2 : i32
        %broadcast_in_dim3A_102 = vector.broadcast %broadcast_in_dim3A_101 : i32 to vector<16xi32>
        %broadcast_in_dim3A_103 = vector.shape_cast %broadcast_in_dim3A_102 : vector<16xi32> to vector<16x1xi32>
        %gather3A_104 = vector.shape_cast %broadcast_in_dim3A_103 : vector<16x1xi32> to vector<16xi32>
        %gather3A_105 = tpu.dynamic_gather %get3A_28[%gather3A_104] in [0] : vector<16xf32>, vector<16xi32> -> vector<16xf32>
        %get3A_106 = arith.index_cast %scan3A_25 : i32 to index
        %get3A_107 = arith.constant 80 : index
        %get3A_108 = tpu.vector_load %arg12[%get3A_106, %get3A_107] {strides = array<i32>} : memref<128x128xf32, #tpu.memory_space<vmem>>, vector<1x16xf32>,
        %get3A_109 = vector.shape_cast %get3A_108 : vector<1x16xf32> to vector<16xf32>
        %mul3A_110 = arith.mulf %get3A_109, %gather3A_105 : vector<16xf32>
        %swap3A_111 = arith.index_cast %scan3A_25 : i32 to index
        %swap3A_112 = arith.constant 80 : index
        %swap3A_113 = tpu.vector_load %arg12[%swap3A_111, %swap3A_112] {strides = array<i32>} : memref<128x128xf32, #tpu.memory_space<vmem>>, vector<1x16xf32>,
        %swap3A_114 = vector.shape_cast %swap3A_113 : vector<1x16xf32> to vector<16xf32>
        %swap3A_115 = vector.shape_cast %mul3A_110 : vector<16xf32> to vector<1x16xf32>
        tpu.vector_store %arg12[%swap3A_111, %swap3A_112], %swap3A_115 {strides = array<i32>} : memref<128x128xf32, #tpu.memory_space<vmem>>, vector<1x16xf32>,
        %broadcast_in_dim3A_116 = arith.constant 3 : i32
        %broadcast_in_dim3A_117 = vector.broadcast %broadcast_in_dim3A_116 : i32 to vector<16xi32>
        %broadcast_in_dim3A_118 = vector.shape_cast %broadcast_in_dim3A_117 : vector<16xi32> to vector<16x1xi32>
        %gather3A_119 = vector.shape_cast %broadcast_in_dim3A_118 : vector<16x1xi32> to vector<16xi32>
        %gather3A_120 = tpu.dynamic_gather %get3A_28[%gather3A_119] in [0] : vector<16xf32>, vector<16xi32> -> vector<16xf32>
        %get3A_121 = arith.index_cast %scan3A_25 : i32 to index
        %get3A_122 = arith.constant 96 : index
        %get3A_123 = tpu.vector_load %arg12[%get3A_121, %get3A_122] {strides = array<i32>} : memref<128x128xf32, #tpu.memory_space<vmem>>, vector<1x16xf32>,
        %get3A_124 = vector.shape_cast %get3A_123 : vector<1x16xf32> to vector<16xf32>
        %mul3A_125 = arith.mulf %get3A_124, %gather3A_120 : vector<16xf32>
        %swap3A_126 = arith.index_cast %scan3A_25 : i32 to index
        %swap3A_127 = arith.constant 96 : index
        %swap3A_128 = tpu.vector_load %arg12[%swap3A_126, %swap3A_127] {strides = array<i32>} : memref<128x128xf32, #tpu.memory_space<vmem>>, vector<1x16xf32>,
        %swap3A_129 = vector.shape_cast %swap3A_128 : vector<1x16xf32> to vector<16xf32>
        %swap3A_130 = vector.shape_cast %mul3A_125 : vector<16xf32> to vector<1x16xf32>
        tpu.vector_store %arg12[%swap3A_126, %swap3A_127], %swap3A_130 {strides = array<i32>} : memref<128x128xf32, #tpu.memory_space<vmem>>, vector<1x16xf32>,
        %broadcast_in_dim3A_131 = arith.constant 3 : i32
        %broadcast_in_dim3A_132 = vector.broadcast %broadcast_in_dim3A_131 : i32 to vector<16xi32>
        %broadcast_in_dim3A_133 = vector.shape_cast %broadcast_in_dim3A_132 : vector<16xi32> to vector<16x1xi32>
        %gather3A_134 = vector.shape_cast %broadcast_in_dim3A_133 : vector<16x1xi32> to vector<16xi32>
        %gather3A_135 = tpu.dynamic_gather %get3A_28[%gather3A_134] in [0] : vector<16xf32>, vector<16xi32> -> vector<16xf32>
        %get3A_136 = arith.index_cast %scan3A_25 : i32 to index
        %get3A_137 = arith.constant 112 : index
        %get3A_138 = tpu.vector_load %arg12[%get3A_136, %get3A_137] {strides = array<i32>} : memref<128x128xf32, #tpu.memory_space<vmem>>, vector<1x16xf32>,
        %get3A_139 = vector.shape_cast %get3A_138 : vector<1x16xf32> to vector<16xf32>
        %mul3A_140 = arith.mulf %get3A_139, %gather3A_135 : vector<16xf32>
        %swap3A_141 = arith.index_cast %scan3A_25 : i32 to index
        %swap3A_142 = arith.constant 112 : index
        %swap3A_143 = tpu.vector_load %arg12[%swap3A_141, %swap3A_142] {strides = array<i32>} : memref<128x128xf32, #tpu.memory_space<vmem>>, vector<1x16xf32>,
        %swap3A_144 = vector.shape_cast %swap3A_143 : vector<1x16xf32> to vector<16xf32>
        %swap3A_145 = vector.shape_cast %mul3A_140 : vector<16xf32> to vector<1x16xf32>
        tpu.vector_store %arg12[%swap3A_141, %swap3A_142], %swap3A_145 {strides = array<i32>} : memref<128x128xf32, #tpu.memory_space<vmem>>, vector<1x16xf32>,
      }
      %scan3A_24 = arith.constant 128 : i32
      "tpu.region"() ({
        %run_scoped3A = tpu.sem_alloc : memref<!tpu.dma_semaphore, #tpu.memory_space<semaphore_mem>>
        %dma_start3A_25 = arith.constant 0 : i32
        %dma_start3A_26 = arith.constant 0 : i32
        %dma_start3A_27 = tpu.memref_slice %arg8[%dma_start3A_25, %dma_start3A_26] : memref<10240x128xf32, #tpu.memory_space<vmem_shared>> -> memref<10240x128xf32, #tpu.memory_space<vmem_shared>>
        tpu.enqueue_indirect_dma source(%arg12 : memref<128x128xf32, #tpu.memory_space<vmem>>) target(%dma_start3A_27 : memref<10240x128xf32, #tpu.memory_space<vmem_shared>>) offsets(%arg10 : memref<128xi32, #tpu.memory_space<vmem>>) semaphore(%run_scoped3A : memref<!tpu.dma_semaphore, #tpu.memory_space<semaphore_mem>>) {add = true}
        %dma_wait3A_28 = arith.constant 0 : i32
        %dma_wait3A_29 = arith.constant 0 : i32
        %dma_wait3A_30 = tpu.memref_slice %arg8[%dma_wait3A_28, %dma_wait3A_29] : memref<10240x128xf32, #tpu.memory_space<vmem_shared>> -> memref<10240x128xf32, #tpu.memory_space<vmem_shared>>
        tpu.wait_indirect_dma semaphore(%run_scoped3A : memref<!tpu.dma_semaphore, #tpu.memory_space<semaphore_mem>>) src(%arg12 : memref<128x128xf32, #tpu.memory_space<vmem>>) dst(%dma_wait3A_30 : memref<10240x128xf32, #tpu.memory_space<vmem_shared>>)
        tpu.yield
      }) : () -> ()
    }
    %scan3A_7 = arith.constant 42 : i32
    %barrier3A_8 = arith.constant 0 : index
    tpu.barrier barrier_id(%barrier3A_8)
    "tpu.region"() ({
      %run_scoped3A = tpu.sem_alloc : memref<!tpu.dma_semaphore, #tpu.memory_space<semaphore_mem>>
      %dma_start3A = arith.constant 0 : i32
      %dma_start3A_9 = tpu.memref_slice %arg7[%arg0, %mul3A_2, %dma_start3A] : memref<2x10240x128xf32, #tpu.memory_space<hbm>> -> memref<1x640x128xf32, #tpu.memory_space<hbm>>
      %dma_start3A_10 = tpu.memref_squeeze %dma_start3A_9 : memref<1x640x128xf32, #tpu.memory_space<hbm>> -> memref<640x128xf32, #tpu.memory_space<hbm>>
      %dma_start3A_11 = arith.constant 0 : i32
      %dma_start3A_12 = tpu.memref_slice %arg8[%mul3A_2, %dma_start3A_11] : memref<10240x128xf32, #tpu.memory_space<vmem_shared>> -> memref<640x128xf32, #tpu.memory_space<vmem_shared>>
      tpu.enqueue_dma source(%dma_start3A_12 : memref<640x128xf32, #tpu.memory_space<vmem_shared>>) target(%dma_start3A_10 : memref<640x128xf32, #tpu.memory_space<hbm>>) target_semaphore(%run_scoped3A : memref<!tpu.dma_semaphore, #tpu.memory_space<semaphore_mem>>)
      %dma_wait3A = arith.constant 0 : i32
      %dma_wait3A_13 = tpu.memref_slice %arg7[%arg0, %mul3A_2, %dma_wait3A] : memref<2x10240x128xf32, #tpu.memory_space<hbm>> -> memref<1x640x128xf32, #tpu.memory_space<hbm>>
      %dma_wait3A_14 = tpu.memref_squeeze %dma_wait3A_13 : memref<1x640x128xf32, #tpu.memory_space<hbm>> -> memref<640x128xf32, #tpu.memory_space<hbm>>
      %dma_wait3A_15 = arith.constant 0 : i32
      %dma_wait3A_16 = tpu.memref_slice %arg8[%mul3A_2, %dma_wait3A_15] : memref<10240x128xf32, #tpu.memory_space<vmem_shared>> -> memref<640x128xf32, #tpu.memory_space<vmem_shared>>
      tpu.wait_dma2 semaphore(%run_scoped3A : memref<!tpu.dma_semaphore, #tpu.memory_space<semaphore_mem>>) src(%dma_wait3A_16 : memref<640x128xf32, #tpu.memory_space<vmem_shared>>) dst(%dma_wait3A_14 : memref<640x128xf32, #tpu.memory_space<hbm>>)
      tpu.yield
    }) : () -> ()
    return
  }
}

#map = affine_map<(d0, d1) -> (0)>
#map1 = affine_map<(d0, d1) -> (0, 0)>
#map2 = affine_map<(d0, d1) -> (0, 0, 0)>
module attributes {stable_mosaic.version = 14 : i64} {
  func.func @kern(%arg0: i32, %arg1: i32, %arg2: memref<172032xi32, #tpu.memory_space<hbm>>, %arg3: memref<172032xi32, #tpu.memory_space<hbm>>, %arg4: memref<10240x128xf32, #tpu.memory_space<hbm>>, %arg5: memref<10240x128xf32, #tpu.memory_space<hbm>>, %arg6: memref<16xf32, #tpu.memory_space<hbm>>, %arg7: memref<640x128xf32, #tpu.memory_space<hbm>>, %arg8: memref<2x10240x128xf32, #tpu.memory_space<hbm>>, %arg9: memref<172032x16xf32, #tpu.memory_space<hbm>>, %arg10: memref<10240x128xf32, #tpu.memory_space<vmem_shared>>, %arg11: memref<64xi32, #tpu.memory_space<vmem>>, %arg12: memref<64xi32, #tpu.memory_space<vmem>>, %arg13: memref<64x128xf32, #tpu.memory_space<vmem>>, %arg14: memref<64x128xf32, #tpu.memory_space<vmem>>, %arg15: memref<64x128xf32, #tpu.memory_space<vmem>>, %arg16: memref<64x16xf32, #tpu.memory_space<vmem>>, %arg17: memref<16xf32, #tpu.memory_space<vmem>>, %arg18: memref<!tpu.dma_semaphore, #tpu.memory_space<semaphore_mem>>, %arg19: memref<!tpu.dma_semaphore, #tpu.memory_space<semaphore_mem>>) attributes {dimension_semantics = [#tpu.dimension_semantics<core_parallel>, #tpu.dimension_semantics<subcore_parallel>], iteration_bounds = array<i64: 2, 16>, scalar_prefetch = 0 : i64, scratch_operands = 10 : i64, tpu.core_type = #tpu.core_type<sc_vector_subcore>, window_params = [{transform_indices = #map}, {transform_indices = #map}, {transform_indices = #map1}, {transform_indices = #map1}, {transform_indices = #map}, {transform_indices = #map1}, {transform_indices = #map2}, {transform_indices = #map1}]} {
    %mul3A = arith.constant 2 : i32
    %mul3A_0 = arith.muli %arg1, %mul3A : i32
    %add3A = arith.addi %mul3A_0, %arg0 : i32
    %mul3A_1 = arith.constant 640 : i32
    %mul3A_2 = arith.muli %arg1, %mul3A_1 : i32
    "tpu.region"() ({
      %run_scoped3A = tpu.sem_alloc : memref<!tpu.dma_semaphore, #tpu.memory_space<semaphore_mem>>
      %dma_start3A = arith.constant 0 : i32
      %dma_start3A_18 = tpu.memref_slice %arg10[%mul3A_2, %dma_start3A] : memref<10240x128xf32, #tpu.memory_space<vmem_shared>> -> memref<640x128xf32, #tpu.memory_space<vmem_shared>>
      tpu.enqueue_dma source(%arg7 : memref<640x128xf32, #tpu.memory_space<hbm>>) target(%dma_start3A_18 : memref<640x128xf32, #tpu.memory_space<vmem_shared>>) target_semaphore(%run_scoped3A : memref<!tpu.dma_semaphore, #tpu.memory_space<semaphore_mem>>)
      %dma_wait3A = arith.constant 0 : i32
      %dma_wait3A_19 = tpu.memref_slice %arg10[%mul3A_2, %dma_wait3A] : memref<10240x128xf32, #tpu.memory_space<vmem_shared>> -> memref<640x128xf32, #tpu.memory_space<vmem_shared>>
      tpu.wait_dma2 semaphore(%run_scoped3A : memref<!tpu.dma_semaphore, #tpu.memory_space<semaphore_mem>>) src(%arg7 : memref<640x128xf32, #tpu.memory_space<hbm>>) dst(%dma_wait3A_19 : memref<640x128xf32, #tpu.memory_space<vmem_shared>>)
      tpu.yield
    }) : () -> ()
    "tpu.region"() ({
      %run_scoped3A = tpu.sem_alloc : memref<!tpu.dma_semaphore, #tpu.memory_space<semaphore_mem>>
      tpu.enqueue_dma source(%arg6 : memref<16xf32, #tpu.memory_space<hbm>>) target(%arg17 : memref<16xf32, #tpu.memory_space<vmem>>) target_semaphore(%run_scoped3A : memref<!tpu.dma_semaphore, #tpu.memory_space<semaphore_mem>>)
      tpu.wait_dma2 semaphore(%run_scoped3A : memref<!tpu.dma_semaphore, #tpu.memory_space<semaphore_mem>>) src(%arg6 : memref<16xf32, #tpu.memory_space<hbm>>) dst(%arg17 : memref<16xf32, #tpu.memory_space<vmem>>)
      tpu.yield
    }) : () -> ()
    %barrier3A = arith.constant 0 : index
    tpu.barrier barrier_id(%barrier3A)
    %get3A = arith.constant 0 : index
    %get3A_3 = tpu.vector_load %arg17[%get3A] {strides = array<i32>} : memref<16xf32, #tpu.memory_space<vmem>>, vector<16xf32>,
    %get3A_4 = vector.shape_cast %get3A_3 : vector<16xf32> to vector<16xf32>
    %broadcast_in_dim3A = arith.constant 0.000000e+00 : f32
    %broadcast_in_dim3A_5 = vector.broadcast %broadcast_in_dim3A : f32 to vector<16xf32>
    %scan3A = arith.constant 0 : i32
    %scan3A_6 = arith.constant 0 : i32
    %scan3A_7 = arith.constant 64 : i32
    %scan3A_8 = arith.addi %scan3A_6, %scan3A_7 : i32
    %scan3A_9 = arith.constant 1 : i32
    scf.for %scan3A_18 = %scan3A_6 to %scan3A_8 step %scan3A_9  : i32 {
      %swap3A = arith.index_cast %scan3A_18 : i32 to index
      %swap3A_19 = arith.constant 16 : index
      %swap3A_20 = tpu.vector_load %arg15[%swap3A, %swap3A_19] {strides = array<i32>} : memref<64x128xf32, #tpu.memory_space<vmem>>, vector<1x16xf32>,
      %swap3A_21 = vector.shape_cast %swap3A_20 : vector<1x16xf32> to vector<16xf32>
      %swap3A_22 = vector.shape_cast %broadcast_in_dim3A_5 : vector<16xf32> to vector<1x16xf32>
      tpu.vector_store %arg15[%swap3A, %swap3A_19], %swap3A_22 {strides = array<i32>} : memref<64x128xf32, #tpu.memory_space<vmem>>, vector<1x16xf32>,
      %swap3A_23 = arith.index_cast %scan3A_18 : i32 to index
      %swap3A_24 = arith.constant 32 : index
      %swap3A_25 = tpu.vector_load %arg15[%swap3A_23, %swap3A_24] {strides = array<i32>} : memref<64x128xf32, #tpu.memory_space<vmem>>, vector<1x16xf32>,
      %swap3A_26 = vector.shape_cast %swap3A_25 : vector<1x16xf32> to vector<16xf32>
      %swap3A_27 = vector.shape_cast %broadcast_in_dim3A_5 : vector<16xf32> to vector<1x16xf32>
      tpu.vector_store %arg15[%swap3A_23, %swap3A_24], %swap3A_27 {strides = array<i32>} : memref<64x128xf32, #tpu.memory_space<vmem>>, vector<1x16xf32>,
      %swap3A_28 = arith.index_cast %scan3A_18 : i32 to index
      %swap3A_29 = arith.constant 48 : index
      %swap3A_30 = tpu.vector_load %arg15[%swap3A_28, %swap3A_29] {strides = array<i32>} : memref<64x128xf32, #tpu.memory_space<vmem>>, vector<1x16xf32>,
      %swap3A_31 = vector.shape_cast %swap3A_30 : vector<1x16xf32> to vector<16xf32>
      %swap3A_32 = vector.shape_cast %broadcast_in_dim3A_5 : vector<16xf32> to vector<1x16xf32>
      tpu.vector_store %arg15[%swap3A_28, %swap3A_29], %swap3A_32 {strides = array<i32>} : memref<64x128xf32, #tpu.memory_space<vmem>>, vector<1x16xf32>,
      %swap3A_33 = arith.index_cast %scan3A_18 : i32 to index
      %swap3A_34 = arith.constant 64 : index
      %swap3A_35 = tpu.vector_load %arg15[%swap3A_33, %swap3A_34] {strides = array<i32>} : memref<64x128xf32, #tpu.memory_space<vmem>>, vector<1x16xf32>,
      %swap3A_36 = vector.shape_cast %swap3A_35 : vector<1x16xf32> to vector<16xf32>
      %swap3A_37 = vector.shape_cast %broadcast_in_dim3A_5 : vector<16xf32> to vector<1x16xf32>
      tpu.vector_store %arg15[%swap3A_33, %swap3A_34], %swap3A_37 {strides = array<i32>} : memref<64x128xf32, #tpu.memory_space<vmem>>, vector<1x16xf32>,
      %swap3A_38 = arith.index_cast %scan3A_18 : i32 to index
      %swap3A_39 = arith.constant 80 : index
      %swap3A_40 = tpu.vector_load %arg15[%swap3A_38, %swap3A_39] {strides = array<i32>} : memref<64x128xf32, #tpu.memory_space<vmem>>, vector<1x16xf32>,
      %swap3A_41 = vector.shape_cast %swap3A_40 : vector<1x16xf32> to vector<16xf32>
      %swap3A_42 = vector.shape_cast %broadcast_in_dim3A_5 : vector<16xf32> to vector<1x16xf32>
      tpu.vector_store %arg15[%swap3A_38, %swap3A_39], %swap3A_42 {strides = array<i32>} : memref<64x128xf32, #tpu.memory_space<vmem>>, vector<1x16xf32>,
      %swap3A_43 = arith.index_cast %scan3A_18 : i32 to index
      %swap3A_44 = arith.constant 96 : index
      %swap3A_45 = tpu.vector_load %arg15[%swap3A_43, %swap3A_44] {strides = array<i32>} : memref<64x128xf32, #tpu.memory_space<vmem>>, vector<1x16xf32>,
      %swap3A_46 = vector.shape_cast %swap3A_45 : vector<1x16xf32> to vector<16xf32>
      %swap3A_47 = vector.shape_cast %broadcast_in_dim3A_5 : vector<16xf32> to vector<1x16xf32>
      tpu.vector_store %arg15[%swap3A_43, %swap3A_44], %swap3A_47 {strides = array<i32>} : memref<64x128xf32, #tpu.memory_space<vmem>>, vector<1x16xf32>,
      %swap3A_48 = arith.index_cast %scan3A_18 : i32 to index
      %swap3A_49 = arith.constant 112 : index
      %swap3A_50 = tpu.vector_load %arg15[%swap3A_48, %swap3A_49] {strides = array<i32>} : memref<64x128xf32, #tpu.memory_space<vmem>>, vector<1x16xf32>,
      %swap3A_51 = vector.shape_cast %swap3A_50 : vector<1x16xf32> to vector<16xf32>
      %swap3A_52 = vector.shape_cast %broadcast_in_dim3A_5 : vector<16xf32> to vector<1x16xf32>
      tpu.vector_store %arg15[%swap3A_48, %swap3A_49], %swap3A_52 {strides = array<i32>} : memref<64x128xf32, #tpu.memory_space<vmem>>, vector<1x16xf32>,
    }
    %scan3A_10 = arith.constant 64 : i32
    %scan3A_11 = arith.constant 0 : i32
    %scan3A_12 = arith.constant 0 : i32
    %scan3A_13 = arith.constant 84 : i32
    %scan3A_14 = arith.addi %scan3A_12, %scan3A_13 : i32
    %scan3A_15 = arith.constant 1 : i32
    scf.for %scan3A_18 = %scan3A_12 to %scan3A_14 step %scan3A_15  : i32 {
      %mul3A_19 = arith.constant 84 : i32
      %mul3A_20 = arith.muli %add3A, %mul3A_19 : i32
      %add3A_21 = arith.addi %mul3A_20, %scan3A_18 : i32
      %mul3A_22 = arith.constant 64 : i32
      %mul3A_23 = arith.muli %add3A_21, %mul3A_22 : i32
      "tpu.region"() ({
        %run_scoped3A = tpu.sem_alloc : memref<!tpu.dma_semaphore, #tpu.memory_space<semaphore_mem>>
        %dma_start3A_40 = tpu.memref_slice %arg2[%mul3A_23] : memref<172032xi32, #tpu.memory_space<hbm>> -> memref<64xi32, #tpu.memory_space<hbm>>
        %dma_start3A_41 = tpu.memref_slice %arg2[%mul3A_23] : memref<172032xi32, #tpu.memory_space<hbm>> -> memref<64xi32, #tpu.memory_space<hbm>>
        tpu.enqueue_dma source(%dma_start3A_41 : memref<64xi32, #tpu.memory_space<hbm>>) target(%arg11 : memref<64xi32, #tpu.memory_space<vmem>>) target_semaphore(%run_scoped3A : memref<!tpu.dma_semaphore, #tpu.memory_space<semaphore_mem>>)
        %dma_wait3A_42 = tpu.memref_slice %arg2[%mul3A_23] : memref<172032xi32, #tpu.memory_space<hbm>> -> memref<64xi32, #tpu.memory_space<hbm>>
        %dma_wait3A_43 = tpu.memref_slice %arg2[%mul3A_23] : memref<172032xi32, #tpu.memory_space<hbm>> -> memref<64xi32, #tpu.memory_space<hbm>>
        tpu.wait_dma2 semaphore(%run_scoped3A : memref<!tpu.dma_semaphore, #tpu.memory_space<semaphore_mem>>) src(%dma_wait3A_43 : memref<64xi32, #tpu.memory_space<hbm>>) dst(%arg11 : memref<64xi32, #tpu.memory_space<vmem>>)
        tpu.yield
      }) : () -> ()
      "tpu.region"() ({
        %run_scoped3A = tpu.sem_alloc : memref<!tpu.dma_semaphore, #tpu.memory_space<semaphore_mem>>
        %dma_start3A_40 = tpu.memref_slice %arg3[%mul3A_23] : memref<172032xi32, #tpu.memory_space<hbm>> -> memref<64xi32, #tpu.memory_space<hbm>>
        %dma_start3A_41 = tpu.memref_slice %arg3[%mul3A_23] : memref<172032xi32, #tpu.memory_space<hbm>> -> memref<64xi32, #tpu.memory_space<hbm>>
        tpu.enqueue_dma source(%dma_start3A_41 : memref<64xi32, #tpu.memory_space<hbm>>) target(%arg12 : memref<64xi32, #tpu.memory_space<vmem>>) target_semaphore(%run_scoped3A : memref<!tpu.dma_semaphore, #tpu.memory_space<semaphore_mem>>)
        %dma_wait3A_42 = tpu.memref_slice %arg3[%mul3A_23] : memref<172032xi32, #tpu.memory_space<hbm>> -> memref<64xi32, #tpu.memory_space<hbm>>
        %dma_wait3A_43 = tpu.memref_slice %arg3[%mul3A_23] : memref<172032xi32, #tpu.memory_space<hbm>> -> memref<64xi32, #tpu.memory_space<hbm>>
        tpu.wait_dma2 semaphore(%run_scoped3A : memref<!tpu.dma_semaphore, #tpu.memory_space<semaphore_mem>>) src(%dma_wait3A_43 : memref<64xi32, #tpu.memory_space<hbm>>) dst(%arg12 : memref<64xi32, #tpu.memory_space<vmem>>)
        tpu.yield
      }) : () -> ()
      %dma_start3A = arith.constant 0 : i32
      %dma_start3A_24 = arith.constant 0 : i32
      %dma_start3A_25 = tpu.memref_slice %arg4[%dma_start3A, %dma_start3A_24] : memref<10240x128xf32, #tpu.memory_space<hbm>> -> memref<10240x128xf32, #tpu.memory_space<hbm>>
      tpu.enqueue_indirect_dma source(%dma_start3A_25 : memref<10240x128xf32, #tpu.memory_space<hbm>>) target(%arg13 : memref<64x128xf32, #tpu.memory_space<vmem>>) offsets(%arg11 : memref<64xi32, #tpu.memory_space<vmem>>) semaphore(%arg18 : memref<!tpu.dma_semaphore, #tpu.memory_space<semaphore_mem>>)
      %dma_start3A_26 = arith.constant 0 : i32
      %dma_start3A_27 = arith.constant 0 : i32
      %dma_start3A_28 = tpu.memref_slice %arg5[%dma_start3A_26, %dma_start3A_27] : memref<10240x128xf32, #tpu.memory_space<hbm>> -> memref<10240x128xf32, #tpu.memory_space<hbm>>
      tpu.enqueue_indirect_dma source(%dma_start3A_28 : memref<10240x128xf32, #tpu.memory_space<hbm>>) target(%arg14 : memref<64x128xf32, #tpu.memory_space<vmem>>) offsets(%arg12 : memref<64xi32, #tpu.memory_space<vmem>>) semaphore(%arg19 : memref<!tpu.dma_semaphore, #tpu.memory_space<semaphore_mem>>)
      %dma_wait3A = arith.constant 0 : i32
      %dma_wait3A_29 = arith.constant 0 : i32
      %dma_wait3A_30 = tpu.memref_slice %arg4[%dma_wait3A, %dma_wait3A_29] : memref<10240x128xf32, #tpu.memory_space<hbm>> -> memref<10240x128xf32, #tpu.memory_space<hbm>>
      tpu.wait_indirect_dma semaphore(%arg18 : memref<!tpu.dma_semaphore, #tpu.memory_space<semaphore_mem>>) src(%dma_wait3A_30 : memref<10240x128xf32, #tpu.memory_space<hbm>>) dst(%arg13 : memref<64x128xf32, #tpu.memory_space<vmem>>)
      %dma_wait3A_31 = arith.constant 0 : i32
      %dma_wait3A_32 = arith.constant 0 : i32
      %dma_wait3A_33 = tpu.memref_slice %arg5[%dma_wait3A_31, %dma_wait3A_32] : memref<10240x128xf32, #tpu.memory_space<hbm>> -> memref<10240x128xf32, #tpu.memory_space<hbm>>
      tpu.wait_indirect_dma semaphore(%arg19 : memref<!tpu.dma_semaphore, #tpu.memory_space<semaphore_mem>>) src(%dma_wait3A_33 : memref<10240x128xf32, #tpu.memory_space<hbm>>) dst(%arg14 : memref<64x128xf32, #tpu.memory_space<vmem>>)
      %scan3A_34 = arith.constant 0 : i32
      %scan3A_35 = arith.constant 0 : i32
      %scan3A_36 = arith.constant 64 : i32
      %scan3A_37 = arith.addi %scan3A_35, %scan3A_36 : i32
      %scan3A_38 = arith.constant 1 : i32
      scf.for %scan3A_40 = %scan3A_35 to %scan3A_37 step %scan3A_38  : i32 {
        %get3A_41 = arith.index_cast %scan3A_40 : i32 to index
        %get3A_42 = arith.constant 0 : index
        %get3A_43 = tpu.vector_load %arg13[%get3A_41, %get3A_42] {strides = array<i32>} : memref<64x128xf32, #tpu.memory_space<vmem>>, vector<1x16xf32>,
        %get3A_44 = vector.shape_cast %get3A_43 : vector<1x16xf32> to vector<16xf32>
        %get3A_45 = arith.index_cast %scan3A_40 : i32 to index
        %get3A_46 = arith.constant 0 : index
        %get3A_47 = tpu.vector_load %arg14[%get3A_45, %get3A_46] {strides = array<i32>} : memref<64x128xf32, #tpu.memory_space<vmem>>, vector<1x16xf32>,
        %get3A_48 = vector.shape_cast %get3A_47 : vector<1x16xf32> to vector<16xf32>
        %add3A_49 = arith.addf %get3A_44, %get3A_48 : vector<16xf32>
        %mul3A_50 = arith.constant 2.000000e-01 : f32
        %mul3A_51 = vector.broadcast %mul3A_50 : f32 to vector<16xf32>
        %mul3A_52 = arith.mulf %mul3A_51, %add3A_49 : vector<16xf32>
        %max3A = arith.maximumf %add3A_49, %mul3A_52 : vector<16xf32>
        %sub3A = arith.subf %max3A, %get3A_4 : vector<16xf32>
        %exp3A = math.exp %sub3A : vector<16xf32>
        %swap3A = arith.index_cast %scan3A_40 : i32 to index
        %swap3A_53 = arith.constant 0 : index
        %swap3A_54 = tpu.vector_load %arg15[%swap3A, %swap3A_53] {strides = array<i32>} : memref<64x128xf32, #tpu.memory_space<vmem>>, vector<1x16xf32>,
        %swap3A_55 = vector.shape_cast %swap3A_54 : vector<1x16xf32> to vector<16xf32>
        %swap3A_56 = vector.shape_cast %exp3A : vector<16xf32> to vector<1x16xf32>
        tpu.vector_store %arg15[%swap3A, %swap3A_53], %swap3A_56 {strides = array<i32>} : memref<64x128xf32, #tpu.memory_space<vmem>>, vector<1x16xf32>,
        %swap3A_57 = arith.index_cast %scan3A_40 : i32 to index
        %swap3A_58 = arith.constant 0 : index
        %swap3A_59 = tpu.vector_load %arg16[%swap3A_57, %swap3A_58] {strides = array<i32>} : memref<64x16xf32, #tpu.memory_space<vmem>>, vector<1x16xf32>,
        %swap3A_60 = vector.shape_cast %swap3A_59 : vector<1x16xf32> to vector<16xf32>
        %swap3A_61 = vector.shape_cast %exp3A : vector<16xf32> to vector<1x16xf32>
        tpu.vector_store %arg16[%swap3A_57, %swap3A_58], %swap3A_61 {strides = array<i32>} : memref<64x16xf32, #tpu.memory_space<vmem>>, vector<1x16xf32>,
      }
      %scan3A_39 = arith.constant 64 : i32
      "tpu.region"() ({
        %run_scoped3A = tpu.sem_alloc : memref<!tpu.dma_semaphore, #tpu.memory_space<semaphore_mem>>
        %dma_start3A_40 = arith.constant 0 : i32
        %dma_start3A_41 = arith.constant 0 : i32
        %dma_start3A_42 = tpu.memref_slice %arg10[%dma_start3A_40, %dma_start3A_41] : memref<10240x128xf32, #tpu.memory_space<vmem_shared>> -> memref<10240x128xf32, #tpu.memory_space<vmem_shared>>
        tpu.enqueue_indirect_dma source(%arg15 : memref<64x128xf32, #tpu.memory_space<vmem>>) target(%dma_start3A_42 : memref<10240x128xf32, #tpu.memory_space<vmem_shared>>) offsets(%arg12 : memref<64xi32, #tpu.memory_space<vmem>>) semaphore(%run_scoped3A : memref<!tpu.dma_semaphore, #tpu.memory_space<semaphore_mem>>) {add = true}
        %dma_wait3A_43 = arith.constant 0 : i32
        %dma_wait3A_44 = arith.constant 0 : i32
        %dma_wait3A_45 = tpu.memref_slice %arg10[%dma_wait3A_43, %dma_wait3A_44] : memref<10240x128xf32, #tpu.memory_space<vmem_shared>> -> memref<10240x128xf32, #tpu.memory_space<vmem_shared>>
        tpu.wait_indirect_dma semaphore(%run_scoped3A : memref<!tpu.dma_semaphore, #tpu.memory_space<semaphore_mem>>) src(%arg15 : memref<64x128xf32, #tpu.memory_space<vmem>>) dst(%dma_wait3A_45 : memref<10240x128xf32, #tpu.memory_space<vmem_shared>>)
        tpu.yield
      }) : () -> ()
      "tpu.region"() ({
        %run_scoped3A = tpu.sem_alloc : memref<!tpu.dma_semaphore, #tpu.memory_space<semaphore_mem>>
        %dma_start3A_40 = arith.constant 0 : i32
        %dma_start3A_41 = tpu.memref_slice %arg9[%mul3A_23, %dma_start3A_40] : memref<172032x16xf32, #tpu.memory_space<hbm>> -> memref<64x16xf32, #tpu.memory_space<hbm>>
        %dma_start3A_42 = arith.constant 0 : i32
        %dma_start3A_43 = tpu.memref_slice %arg9[%mul3A_23, %dma_start3A_42] : memref<172032x16xf32, #tpu.memory_space<hbm>> -> memref<64x16xf32, #tpu.memory_space<hbm>>
        tpu.enqueue_dma source(%arg16 : memref<64x16xf32, #tpu.memory_space<vmem>>) target(%dma_start3A_43 : memref<64x16xf32, #tpu.memory_space<hbm>>) target_semaphore(%run_scoped3A : memref<!tpu.dma_semaphore, #tpu.memory_space<semaphore_mem>>)
        %dma_wait3A_44 = arith.constant 0 : i32
        %dma_wait3A_45 = tpu.memref_slice %arg9[%mul3A_23, %dma_wait3A_44] : memref<172032x16xf32, #tpu.memory_space<hbm>> -> memref<64x16xf32, #tpu.memory_space<hbm>>
        %dma_wait3A_46 = arith.constant 0 : i32
        %dma_wait3A_47 = tpu.memref_slice %arg9[%mul3A_23, %dma_wait3A_46] : memref<172032x16xf32, #tpu.memory_space<hbm>> -> memref<64x16xf32, #tpu.memory_space<hbm>>
        tpu.wait_dma2 semaphore(%run_scoped3A : memref<!tpu.dma_semaphore, #tpu.memory_space<semaphore_mem>>) src(%arg16 : memref<64x16xf32, #tpu.memory_space<vmem>>) dst(%dma_wait3A_47 : memref<64x16xf32, #tpu.memory_space<hbm>>)
        tpu.yield
      }) : () -> ()
    }
    %scan3A_16 = arith.constant 84 : i32
    %barrier3A_17 = arith.constant 0 : index
    tpu.barrier barrier_id(%barrier3A_17)
    "tpu.region"() ({
      %run_scoped3A = tpu.sem_alloc : memref<!tpu.dma_semaphore, #tpu.memory_space<semaphore_mem>>
      %dma_start3A = arith.constant 0 : i32
      %dma_start3A_18 = tpu.memref_slice %arg8[%arg0, %mul3A_2, %dma_start3A] : memref<2x10240x128xf32, #tpu.memory_space<hbm>> -> memref<1x640x128xf32, #tpu.memory_space<hbm>>
      %dma_start3A_19 = tpu.memref_squeeze %dma_start3A_18 : memref<1x640x128xf32, #tpu.memory_space<hbm>> -> memref<640x128xf32, #tpu.memory_space<hbm>>
      %dma_start3A_20 = arith.constant 0 : i32
      %dma_start3A_21 = tpu.memref_slice %arg10[%mul3A_2, %dma_start3A_20] : memref<10240x128xf32, #tpu.memory_space<vmem_shared>> -> memref<640x128xf32, #tpu.memory_space<vmem_shared>>
      tpu.enqueue_dma source(%dma_start3A_21 : memref<640x128xf32, #tpu.memory_space<vmem_shared>>) target(%dma_start3A_19 : memref<640x128xf32, #tpu.memory_space<hbm>>) target_semaphore(%run_scoped3A : memref<!tpu.dma_semaphore, #tpu.memory_space<semaphore_mem>>)
      %dma_wait3A = arith.constant 0 : i32
      %dma_wait3A_22 = tpu.memref_slice %arg8[%arg0, %mul3A_2, %dma_wait3A] : memref<2x10240x128xf32, #tpu.memory_space<hbm>> -> memref<1x640x128xf32, #tpu.memory_space<hbm>>
      %dma_wait3A_23 = tpu.memref_squeeze %dma_wait3A_22 : memref<1x640x128xf32, #tpu.memory_space<hbm>> -> memref<640x128xf32, #tpu.memory_space<hbm>>
      %dma_wait3A_24 = arith.constant 0 : i32
      %dma_wait3A_25 = tpu.memref_slice %arg10[%mul3A_2, %dma_wait3A_24] : memref<10240x128xf32, #tpu.memory_space<vmem_shared>> -> memref<640x128xf32, #tpu.memory_space<vmem_shared>>
      tpu.wait_dma2 semaphore(%run_scoped3A : memref<!tpu.dma_semaphore, #tpu.memory_space<semaphore_mem>>) src(%dma_wait3A_25 : memref<640x128xf32, #tpu.memory_space<vmem_shared>>) dst(%dma_wait3A_23 : memref<640x128xf32, #tpu.memory_space<hbm>>)
      tpu.yield
    }) : () -> ()
    return
  }
}

#map = affine_map<(d0, d1) -> (0)>
#map1 = affine_map<(d0, d1) -> (0, 0)>
#map2 = affine_map<(d0, d1) -> (0, 0, 0)>
module attributes {stable_mosaic.version = 14 : i64} {
  func.func @kern(%arg0: i32, %arg1: i32, %arg2: memref<172032xi32, #tpu.memory_space<hbm>>, %arg3: memref<172032xi32, #tpu.memory_space<hbm>>, %arg4: memref<172032x16xf32, #tpu.memory_space<hbm>>, %arg5: memref<10240x128xf32, #tpu.memory_space<hbm>>, %arg6: memref<640x128xf32, #tpu.memory_space<hbm>>, %arg7: memref<2x10240x128xf32, #tpu.memory_space<hbm>>, %arg8: memref<10240x128xf32, #tpu.memory_space<vmem_shared>>, %arg9: memref<128xi32, #tpu.memory_space<vmem>>, %arg10: memref<128xi32, #tpu.memory_space<vmem>>, %arg11: memref<128x16xf32, #tpu.memory_space<vmem>>, %arg12: memref<128x128xf32, #tpu.memory_space<vmem>>, %arg13: memref<!tpu.dma_semaphore, #tpu.memory_space<semaphore_mem>>) attributes {dimension_semantics = [#tpu.dimension_semantics<core_parallel>, #tpu.dimension_semantics<subcore_parallel>], iteration_bounds = array<i64: 2, 16>, scalar_prefetch = 0 : i64, scratch_operands = 6 : i64, tpu.core_type = #tpu.core_type<sc_vector_subcore>, window_params = [{transform_indices = #map}, {transform_indices = #map}, {transform_indices = #map1}, {transform_indices = #map1}, {transform_indices = #map1}, {transform_indices = #map2}]} {
    %mul3A = arith.constant 2 : i32
    %mul3A_0 = arith.muli %arg1, %mul3A : i32
    %add3A = arith.addi %mul3A_0, %arg0 : i32
    %mul3A_1 = arith.constant 640 : i32
    %mul3A_2 = arith.muli %arg1, %mul3A_1 : i32
    "tpu.region"() ({
      %run_scoped3A = tpu.sem_alloc : memref<!tpu.dma_semaphore, #tpu.memory_space<semaphore_mem>>
      %dma_start3A = arith.constant 0 : i32
      %dma_start3A_9 = tpu.memref_slice %arg8[%mul3A_2, %dma_start3A] : memref<10240x128xf32, #tpu.memory_space<vmem_shared>> -> memref<640x128xf32, #tpu.memory_space<vmem_shared>>
      tpu.enqueue_dma source(%arg6 : memref<640x128xf32, #tpu.memory_space<hbm>>) target(%dma_start3A_9 : memref<640x128xf32, #tpu.memory_space<vmem_shared>>) target_semaphore(%run_scoped3A : memref<!tpu.dma_semaphore, #tpu.memory_space<semaphore_mem>>)
      %dma_wait3A = arith.constant 0 : i32
      %dma_wait3A_10 = tpu.memref_slice %arg8[%mul3A_2, %dma_wait3A] : memref<10240x128xf32, #tpu.memory_space<vmem_shared>> -> memref<640x128xf32, #tpu.memory_space<vmem_shared>>
      tpu.wait_dma2 semaphore(%run_scoped3A : memref<!tpu.dma_semaphore, #tpu.memory_space<semaphore_mem>>) src(%arg6 : memref<640x128xf32, #tpu.memory_space<hbm>>) dst(%dma_wait3A_10 : memref<640x128xf32, #tpu.memory_space<vmem_shared>>)
      tpu.yield
    }) : () -> ()
    %barrier3A = arith.constant 0 : index
    tpu.barrier barrier_id(%barrier3A)
    %scan3A = arith.constant 0 : i32
    %scan3A_3 = arith.constant 0 : i32
    %scan3A_4 = arith.constant 42 : i32
    %scan3A_5 = arith.addi %scan3A_3, %scan3A_4 : i32
    %scan3A_6 = arith.constant 1 : i32
    scf.for %scan3A_9 = %scan3A_3 to %scan3A_5 step %scan3A_6  : i32 {
      %mul3A_10 = arith.constant 42 : i32
      %mul3A_11 = arith.muli %add3A, %mul3A_10 : i32
      %add3A_12 = arith.addi %mul3A_11, %scan3A_9 : i32
      %mul3A_13 = arith.constant 128 : i32
      %mul3A_14 = arith.muli %add3A_12, %mul3A_13 : i32
      "tpu.region"() ({
        %run_scoped3A = tpu.sem_alloc : memref<!tpu.dma_semaphore, #tpu.memory_space<semaphore_mem>>
        %dma_start3A_25 = tpu.memref_slice %arg2[%mul3A_14] : memref<172032xi32, #tpu.memory_space<hbm>> -> memref<128xi32, #tpu.memory_space<hbm>>
        %dma_start3A_26 = tpu.memref_slice %arg2[%mul3A_14] : memref<172032xi32, #tpu.memory_space<hbm>> -> memref<128xi32, #tpu.memory_space<hbm>>
        tpu.enqueue_dma source(%dma_start3A_26 : memref<128xi32, #tpu.memory_space<hbm>>) target(%arg9 : memref<128xi32, #tpu.memory_space<vmem>>) target_semaphore(%run_scoped3A : memref<!tpu.dma_semaphore, #tpu.memory_space<semaphore_mem>>)
        %dma_wait3A_27 = tpu.memref_slice %arg2[%mul3A_14] : memref<172032xi32, #tpu.memory_space<hbm>> -> memref<128xi32, #tpu.memory_space<hbm>>
        %dma_wait3A_28 = tpu.memref_slice %arg2[%mul3A_14] : memref<172032xi32, #tpu.memory_space<hbm>> -> memref<128xi32, #tpu.memory_space<hbm>>
        tpu.wait_dma2 semaphore(%run_scoped3A : memref<!tpu.dma_semaphore, #tpu.memory_space<semaphore_mem>>) src(%dma_wait3A_28 : memref<128xi32, #tpu.memory_space<hbm>>) dst(%arg9 : memref<128xi32, #tpu.memory_space<vmem>>)
        tpu.yield
      }) : () -> ()
      "tpu.region"() ({
        %run_scoped3A = tpu.sem_alloc : memref<!tpu.dma_semaphore, #tpu.memory_space<semaphore_mem>>
        %dma_start3A_25 = tpu.memref_slice %arg3[%mul3A_14] : memref<172032xi32, #tpu.memory_space<hbm>> -> memref<128xi32, #tpu.memory_space<hbm>>
        %dma_start3A_26 = tpu.memref_slice %arg3[%mul3A_14] : memref<172032xi32, #tpu.memory_space<hbm>> -> memref<128xi32, #tpu.memory_space<hbm>>
        tpu.enqueue_dma source(%dma_start3A_26 : memref<128xi32, #tpu.memory_space<hbm>>) target(%arg10 : memref<128xi32, #tpu.memory_space<vmem>>) target_semaphore(%run_scoped3A : memref<!tpu.dma_semaphore, #tpu.memory_space<semaphore_mem>>)
        %dma_wait3A_27 = tpu.memref_slice %arg3[%mul3A_14] : memref<172032xi32, #tpu.memory_space<hbm>> -> memref<128xi32, #tpu.memory_space<hbm>>
        %dma_wait3A_28 = tpu.memref_slice %arg3[%mul3A_14] : memref<172032xi32, #tpu.memory_space<hbm>> -> memref<128xi32, #tpu.memory_space<hbm>>
        tpu.wait_dma2 semaphore(%run_scoped3A : memref<!tpu.dma_semaphore, #tpu.memory_space<semaphore_mem>>) src(%dma_wait3A_28 : memref<128xi32, #tpu.memory_space<hbm>>) dst(%arg10 : memref<128xi32, #tpu.memory_space<vmem>>)
        tpu.yield
      }) : () -> ()
      %dma_start3A = arith.constant 0 : i32
      %dma_start3A_15 = arith.constant 0 : i32
      %dma_start3A_16 = tpu.memref_slice %arg5[%dma_start3A, %dma_start3A_15] : memref<10240x128xf32, #tpu.memory_space<hbm>> -> memref<10240x128xf32, #tpu.memory_space<hbm>>
      tpu.enqueue_indirect_dma source(%dma_start3A_16 : memref<10240x128xf32, #tpu.memory_space<hbm>>) target(%arg12 : memref<128x128xf32, #tpu.memory_space<vmem>>) offsets(%arg9 : memref<128xi32, #tpu.memory_space<vmem>>) semaphore(%arg13 : memref<!tpu.dma_semaphore, #tpu.memory_space<semaphore_mem>>)
      "tpu.region"() ({
        %run_scoped3A = tpu.sem_alloc : memref<!tpu.dma_semaphore, #tpu.memory_space<semaphore_mem>>
        %dma_start3A_25 = arith.constant 0 : i32
        %dma_start3A_26 = tpu.memref_slice %arg4[%mul3A_14, %dma_start3A_25] : memref<172032x16xf32, #tpu.memory_space<hbm>> -> memref<128x16xf32, #tpu.memory_space<hbm>>
        %dma_start3A_27 = arith.constant 0 : i32
        %dma_start3A_28 = tpu.memref_slice %arg4[%mul3A_14, %dma_start3A_27] : memref<172032x16xf32, #tpu.memory_space<hbm>> -> memref<128x16xf32, #tpu.memory_space<hbm>>
        tpu.enqueue_dma source(%dma_start3A_28 : memref<128x16xf32, #tpu.memory_space<hbm>>) target(%arg11 : memref<128x16xf32, #tpu.memory_space<vmem>>) target_semaphore(%run_scoped3A : memref<!tpu.dma_semaphore, #tpu.memory_space<semaphore_mem>>)
        %dma_wait3A_29 = arith.constant 0 : i32
        %dma_wait3A_30 = tpu.memref_slice %arg4[%mul3A_14, %dma_wait3A_29] : memref<172032x16xf32, #tpu.memory_space<hbm>> -> memref<128x16xf32, #tpu.memory_space<hbm>>
        %dma_wait3A_31 = arith.constant 0 : i32
        %dma_wait3A_32 = tpu.memref_slice %arg4[%mul3A_14, %dma_wait3A_31] : memref<172032x16xf32, #tpu.memory_space<hbm>> -> memref<128x16xf32, #tpu.memory_space<hbm>>
        tpu.wait_dma2 semaphore(%run_scoped3A : memref<!tpu.dma_semaphore, #tpu.memory_space<semaphore_mem>>) src(%dma_wait3A_32 : memref<128x16xf32, #tpu.memory_space<hbm>>) dst(%arg11 : memref<128x16xf32, #tpu.memory_space<vmem>>)
        tpu.yield
      }) : () -> ()
      %dma_wait3A = arith.constant 0 : i32
      %dma_wait3A_17 = arith.constant 0 : i32
      %dma_wait3A_18 = tpu.memref_slice %arg5[%dma_wait3A, %dma_wait3A_17] : memref<10240x128xf32, #tpu.memory_space<hbm>> -> memref<10240x128xf32, #tpu.memory_space<hbm>>
      tpu.wait_indirect_dma semaphore(%arg13 : memref<!tpu.dma_semaphore, #tpu.memory_space<semaphore_mem>>) src(%dma_wait3A_18 : memref<10240x128xf32, #tpu.memory_space<hbm>>) dst(%arg12 : memref<128x128xf32, #tpu.memory_space<vmem>>)
      %scan3A_19 = arith.constant 0 : i32
      %scan3A_20 = arith.constant 0 : i32
      %scan3A_21 = arith.constant 128 : i32
      %scan3A_22 = arith.addi %scan3A_20, %scan3A_21 : i32
      %scan3A_23 = arith.constant 1 : i32
      scf.for %scan3A_25 = %scan3A_20 to %scan3A_22 step %scan3A_23  : i32 {
        %get3A = arith.index_cast %scan3A_25 : i32 to index
        %get3A_26 = arith.constant 0 : index
        %get3A_27 = tpu.vector_load %arg11[%get3A, %get3A_26] {strides = array<i32>} : memref<128x16xf32, #tpu.memory_space<vmem>>, vector<1x16xf32>,
        %get3A_28 = vector.shape_cast %get3A_27 : vector<1x16xf32> to vector<16xf32>
        %broadcast_in_dim3A = arith.constant 0 : i32
        %broadcast_in_dim3A_29 = vector.broadcast %broadcast_in_dim3A : i32 to vector<16xi32>
        %broadcast_in_dim3A_30 = vector.shape_cast %broadcast_in_dim3A_29 : vector<16xi32> to vector<16x1xi32>
        %gather3A = vector.shape_cast %broadcast_in_dim3A_30 : vector<16x1xi32> to vector<16xi32>
        %gather3A_31 = tpu.dynamic_gather %get3A_28[%gather3A] in [0] : vector<16xf32>, vector<16xi32> -> vector<16xf32>
        %get3A_32 = arith.index_cast %scan3A_25 : i32 to index
        %get3A_33 = arith.constant 0 : index
        %get3A_34 = tpu.vector_load %arg12[%get3A_32, %get3A_33] {strides = array<i32>} : memref<128x128xf32, #tpu.memory_space<vmem>>, vector<1x16xf32>,
        %get3A_35 = vector.shape_cast %get3A_34 : vector<1x16xf32> to vector<16xf32>
        %mul3A_36 = arith.mulf %get3A_35, %gather3A_31 : vector<16xf32>
        %swap3A = arith.index_cast %scan3A_25 : i32 to index
        %swap3A_37 = arith.constant 0 : index
        %swap3A_38 = tpu.vector_load %arg12[%swap3A, %swap3A_37] {strides = array<i32>} : memref<128x128xf32, #tpu.memory_space<vmem>>, vector<1x16xf32>,
        %swap3A_39 = vector.shape_cast %swap3A_38 : vector<1x16xf32> to vector<16xf32>
        %swap3A_40 = vector.shape_cast %mul3A_36 : vector<16xf32> to vector<1x16xf32>
        tpu.vector_store %arg12[%swap3A, %swap3A_37], %swap3A_40 {strides = array<i32>} : memref<128x128xf32, #tpu.memory_space<vmem>>, vector<1x16xf32>,
        %broadcast_in_dim3A_41 = arith.constant 1 : i32
        %broadcast_in_dim3A_42 = vector.broadcast %broadcast_in_dim3A_41 : i32 to vector<16xi32>
        %broadcast_in_dim3A_43 = vector.shape_cast %broadcast_in_dim3A_42 : vector<16xi32> to vector<16x1xi32>
        %gather3A_44 = vector.shape_cast %broadcast_in_dim3A_43 : vector<16x1xi32> to vector<16xi32>
        %gather3A_45 = tpu.dynamic_gather %get3A_28[%gather3A_44] in [0] : vector<16xf32>, vector<16xi32> -> vector<16xf32>
        %get3A_46 = arith.index_cast %scan3A_25 : i32 to index
        %get3A_47 = arith.constant 16 : index
        %get3A_48 = tpu.vector_load %arg12[%get3A_46, %get3A_47] {strides = array<i32>} : memref<128x128xf32, #tpu.memory_space<vmem>>, vector<1x16xf32>,
        %get3A_49 = vector.shape_cast %get3A_48 : vector<1x16xf32> to vector<16xf32>
        %mul3A_50 = arith.mulf %get3A_49, %gather3A_45 : vector<16xf32>
        %swap3A_51 = arith.index_cast %scan3A_25 : i32 to index
        %swap3A_52 = arith.constant 16 : index
        %swap3A_53 = tpu.vector_load %arg12[%swap3A_51, %swap3A_52] {strides = array<i32>} : memref<128x128xf32, #tpu.memory_space<vmem>>, vector<1x16xf32>,
        %swap3A_54 = vector.shape_cast %swap3A_53 : vector<1x16xf32> to vector<16xf32>
        %swap3A_55 = vector.shape_cast %mul3A_50 : vector<16xf32> to vector<1x16xf32>
        tpu.vector_store %arg12[%swap3A_51, %swap3A_52], %swap3A_55 {strides = array<i32>} : memref<128x128xf32, #tpu.memory_space<vmem>>, vector<1x16xf32>,
        %broadcast_in_dim3A_56 = arith.constant 2 : i32
        %broadcast_in_dim3A_57 = vector.broadcast %broadcast_in_dim3A_56 : i32 to vector<16xi32>
        %broadcast_in_dim3A_58 = vector.shape_cast %broadcast_in_dim3A_57 : vector<16xi32> to vector<16x1xi32>
        %gather3A_59 = vector.shape_cast %broadcast_in_dim3A_58 : vector<16x1xi32> to vector<16xi32>
        %gather3A_60 = tpu.dynamic_gather %get3A_28[%gather3A_59] in [0] : vector<16xf32>, vector<16xi32> -> vector<16xf32>
        %get3A_61 = arith.index_cast %scan3A_25 : i32 to index
        %get3A_62 = arith.constant 32 : index
        %get3A_63 = tpu.vector_load %arg12[%get3A_61, %get3A_62] {strides = array<i32>} : memref<128x128xf32, #tpu.memory_space<vmem>>, vector<1x16xf32>,
        %get3A_64 = vector.shape_cast %get3A_63 : vector<1x16xf32> to vector<16xf32>
        %mul3A_65 = arith.mulf %get3A_64, %gather3A_60 : vector<16xf32>
        %swap3A_66 = arith.index_cast %scan3A_25 : i32 to index
        %swap3A_67 = arith.constant 32 : index
        %swap3A_68 = tpu.vector_load %arg12[%swap3A_66, %swap3A_67] {strides = array<i32>} : memref<128x128xf32, #tpu.memory_space<vmem>>, vector<1x16xf32>,
        %swap3A_69 = vector.shape_cast %swap3A_68 : vector<1x16xf32> to vector<16xf32>
        %swap3A_70 = vector.shape_cast %mul3A_65 : vector<16xf32> to vector<1x16xf32>
        tpu.vector_store %arg12[%swap3A_66, %swap3A_67], %swap3A_70 {strides = array<i32>} : memref<128x128xf32, #tpu.memory_space<vmem>>, vector<1x16xf32>,
        %broadcast_in_dim3A_71 = arith.constant 3 : i32
        %broadcast_in_dim3A_72 = vector.broadcast %broadcast_in_dim3A_71 : i32 to vector<16xi32>
        %broadcast_in_dim3A_73 = vector.shape_cast %broadcast_in_dim3A_72 : vector<16xi32> to vector<16x1xi32>
        %gather3A_74 = vector.shape_cast %broadcast_in_dim3A_73 : vector<16x1xi32> to vector<16xi32>
        %gather3A_75 = tpu.dynamic_gather %get3A_28[%gather3A_74] in [0] : vector<16xf32>, vector<16xi32> -> vector<16xf32>
        %get3A_76 = arith.index_cast %scan3A_25 : i32 to index
        %get3A_77 = arith.constant 48 : index
        %get3A_78 = tpu.vector_load %arg12[%get3A_76, %get3A_77] {strides = array<i32>} : memref<128x128xf32, #tpu.memory_space<vmem>>, vector<1x16xf32>,
        %get3A_79 = vector.shape_cast %get3A_78 : vector<1x16xf32> to vector<16xf32>
        %mul3A_80 = arith.mulf %get3A_79, %gather3A_75 : vector<16xf32>
        %swap3A_81 = arith.index_cast %scan3A_25 : i32 to index
        %swap3A_82 = arith.constant 48 : index
        %swap3A_83 = tpu.vector_load %arg12[%swap3A_81, %swap3A_82] {strides = array<i32>} : memref<128x128xf32, #tpu.memory_space<vmem>>, vector<1x16xf32>,
        %swap3A_84 = vector.shape_cast %swap3A_83 : vector<1x16xf32> to vector<16xf32>
        %swap3A_85 = vector.shape_cast %mul3A_80 : vector<16xf32> to vector<1x16xf32>
        tpu.vector_store %arg12[%swap3A_81, %swap3A_82], %swap3A_85 {strides = array<i32>} : memref<128x128xf32, #tpu.memory_space<vmem>>, vector<1x16xf32>,
        %broadcast_in_dim3A_86 = arith.constant 4 : i32
        %broadcast_in_dim3A_87 = vector.broadcast %broadcast_in_dim3A_86 : i32 to vector<16xi32>
        %broadcast_in_dim3A_88 = vector.shape_cast %broadcast_in_dim3A_87 : vector<16xi32> to vector<16x1xi32>
        %gather3A_89 = vector.shape_cast %broadcast_in_dim3A_88 : vector<16x1xi32> to vector<16xi32>
        %gather3A_90 = tpu.dynamic_gather %get3A_28[%gather3A_89] in [0] : vector<16xf32>, vector<16xi32> -> vector<16xf32>
        %get3A_91 = arith.index_cast %scan3A_25 : i32 to index
        %get3A_92 = arith.constant 64 : index
        %get3A_93 = tpu.vector_load %arg12[%get3A_91, %get3A_92] {strides = array<i32>} : memref<128x128xf32, #tpu.memory_space<vmem>>, vector<1x16xf32>,
        %get3A_94 = vector.shape_cast %get3A_93 : vector<1x16xf32> to vector<16xf32>
        %mul3A_95 = arith.mulf %get3A_94, %gather3A_90 : vector<16xf32>
        %swap3A_96 = arith.index_cast %scan3A_25 : i32 to index
        %swap3A_97 = arith.constant 64 : index
        %swap3A_98 = tpu.vector_load %arg12[%swap3A_96, %swap3A_97] {strides = array<i32>} : memref<128x128xf32, #tpu.memory_space<vmem>>, vector<1x16xf32>,
        %swap3A_99 = vector.shape_cast %swap3A_98 : vector<1x16xf32> to vector<16xf32>
        %swap3A_100 = vector.shape_cast %mul3A_95 : vector<16xf32> to vector<1x16xf32>
        tpu.vector_store %arg12[%swap3A_96, %swap3A_97], %swap3A_100 {strides = array<i32>} : memref<128x128xf32, #tpu.memory_space<vmem>>, vector<1x16xf32>,
        %broadcast_in_dim3A_101 = arith.constant 5 : i32
        %broadcast_in_dim3A_102 = vector.broadcast %broadcast_in_dim3A_101 : i32 to vector<16xi32>
        %broadcast_in_dim3A_103 = vector.shape_cast %broadcast_in_dim3A_102 : vector<16xi32> to vector<16x1xi32>
        %gather3A_104 = vector.shape_cast %broadcast_in_dim3A_103 : vector<16x1xi32> to vector<16xi32>
        %gather3A_105 = tpu.dynamic_gather %get3A_28[%gather3A_104] in [0] : vector<16xf32>, vector<16xi32> -> vector<16xf32>
        %get3A_106 = arith.index_cast %scan3A_25 : i32 to index
        %get3A_107 = arith.constant 80 : index
        %get3A_108 = tpu.vector_load %arg12[%get3A_106, %get3A_107] {strides = array<i32>} : memref<128x128xf32, #tpu.memory_space<vmem>>, vector<1x16xf32>,
        %get3A_109 = vector.shape_cast %get3A_108 : vector<1x16xf32> to vector<16xf32>
        %mul3A_110 = arith.mulf %get3A_109, %gather3A_105 : vector<16xf32>
        %swap3A_111 = arith.index_cast %scan3A_25 : i32 to index
        %swap3A_112 = arith.constant 80 : index
        %swap3A_113 = tpu.vector_load %arg12[%swap3A_111, %swap3A_112] {strides = array<i32>} : memref<128x128xf32, #tpu.memory_space<vmem>>, vector<1x16xf32>,
        %swap3A_114 = vector.shape_cast %swap3A_113 : vector<1x16xf32> to vector<16xf32>
        %swap3A_115 = vector.shape_cast %mul3A_110 : vector<16xf32> to vector<1x16xf32>
        tpu.vector_store %arg12[%swap3A_111, %swap3A_112], %swap3A_115 {strides = array<i32>} : memref<128x128xf32, #tpu.memory_space<vmem>>, vector<1x16xf32>,
        %broadcast_in_dim3A_116 = arith.constant 6 : i32
        %broadcast_in_dim3A_117 = vector.broadcast %broadcast_in_dim3A_116 : i32 to vector<16xi32>
        %broadcast_in_dim3A_118 = vector.shape_cast %broadcast_in_dim3A_117 : vector<16xi32> to vector<16x1xi32>
        %gather3A_119 = vector.shape_cast %broadcast_in_dim3A_118 : vector<16x1xi32> to vector<16xi32>
        %gather3A_120 = tpu.dynamic_gather %get3A_28[%gather3A_119] in [0] : vector<16xf32>, vector<16xi32> -> vector<16xf32>
        %get3A_121 = arith.index_cast %scan3A_25 : i32 to index
        %get3A_122 = arith.constant 96 : index
        %get3A_123 = tpu.vector_load %arg12[%get3A_121, %get3A_122] {strides = array<i32>} : memref<128x128xf32, #tpu.memory_space<vmem>>, vector<1x16xf32>,
        %get3A_124 = vector.shape_cast %get3A_123 : vector<1x16xf32> to vector<16xf32>
        %mul3A_125 = arith.mulf %get3A_124, %gather3A_120 : vector<16xf32>
        %swap3A_126 = arith.index_cast %scan3A_25 : i32 to index
        %swap3A_127 = arith.constant 96 : index
        %swap3A_128 = tpu.vector_load %arg12[%swap3A_126, %swap3A_127] {strides = array<i32>} : memref<128x128xf32, #tpu.memory_space<vmem>>, vector<1x16xf32>,
        %swap3A_129 = vector.shape_cast %swap3A_128 : vector<1x16xf32> to vector<16xf32>
        %swap3A_130 = vector.shape_cast %mul3A_125 : vector<16xf32> to vector<1x16xf32>
        tpu.vector_store %arg12[%swap3A_126, %swap3A_127], %swap3A_130 {strides = array<i32>} : memref<128x128xf32, #tpu.memory_space<vmem>>, vector<1x16xf32>,
        %broadcast_in_dim3A_131 = arith.constant 7 : i32
        %broadcast_in_dim3A_132 = vector.broadcast %broadcast_in_dim3A_131 : i32 to vector<16xi32>
        %broadcast_in_dim3A_133 = vector.shape_cast %broadcast_in_dim3A_132 : vector<16xi32> to vector<16x1xi32>
        %gather3A_134 = vector.shape_cast %broadcast_in_dim3A_133 : vector<16x1xi32> to vector<16xi32>
        %gather3A_135 = tpu.dynamic_gather %get3A_28[%gather3A_134] in [0] : vector<16xf32>, vector<16xi32> -> vector<16xf32>
        %get3A_136 = arith.index_cast %scan3A_25 : i32 to index
        %get3A_137 = arith.constant 112 : index
        %get3A_138 = tpu.vector_load %arg12[%get3A_136, %get3A_137] {strides = array<i32>} : memref<128x128xf32, #tpu.memory_space<vmem>>, vector<1x16xf32>,
        %get3A_139 = vector.shape_cast %get3A_138 : vector<1x16xf32> to vector<16xf32>
        %mul3A_140 = arith.mulf %get3A_139, %gather3A_135 : vector<16xf32>
        %swap3A_141 = arith.index_cast %scan3A_25 : i32 to index
        %swap3A_142 = arith.constant 112 : index
        %swap3A_143 = tpu.vector_load %arg12[%swap3A_141, %swap3A_142] {strides = array<i32>} : memref<128x128xf32, #tpu.memory_space<vmem>>, vector<1x16xf32>,
        %swap3A_144 = vector.shape_cast %swap3A_143 : vector<1x16xf32> to vector<16xf32>
        %swap3A_145 = vector.shape_cast %mul3A_140 : vector<16xf32> to vector<1x16xf32>
        tpu.vector_store %arg12[%swap3A_141, %swap3A_142], %swap3A_145 {strides = array<i32>} : memref<128x128xf32, #tpu.memory_space<vmem>>, vector<1x16xf32>,
      }
      %scan3A_24 = arith.constant 128 : i32
      "tpu.region"() ({
        %run_scoped3A = tpu.sem_alloc : memref<!tpu.dma_semaphore, #tpu.memory_space<semaphore_mem>>
        %dma_start3A_25 = arith.constant 0 : i32
        %dma_start3A_26 = arith.constant 0 : i32
        %dma_start3A_27 = tpu.memref_slice %arg8[%dma_start3A_25, %dma_start3A_26] : memref<10240x128xf32, #tpu.memory_space<vmem_shared>> -> memref<10240x128xf32, #tpu.memory_space<vmem_shared>>
        tpu.enqueue_indirect_dma source(%arg12 : memref<128x128xf32, #tpu.memory_space<vmem>>) target(%dma_start3A_27 : memref<10240x128xf32, #tpu.memory_space<vmem_shared>>) offsets(%arg10 : memref<128xi32, #tpu.memory_space<vmem>>) semaphore(%run_scoped3A : memref<!tpu.dma_semaphore, #tpu.memory_space<semaphore_mem>>) {add = true}
        %dma_wait3A_28 = arith.constant 0 : i32
        %dma_wait3A_29 = arith.constant 0 : i32
        %dma_wait3A_30 = tpu.memref_slice %arg8[%dma_wait3A_28, %dma_wait3A_29] : memref<10240x128xf32, #tpu.memory_space<vmem_shared>> -> memref<10240x128xf32, #tpu.memory_space<vmem_shared>>
        tpu.wait_indirect_dma semaphore(%run_scoped3A : memref<!tpu.dma_semaphore, #tpu.memory_space<semaphore_mem>>) src(%arg12 : memref<128x128xf32, #tpu.memory_space<vmem>>) dst(%dma_wait3A_30 : memref<10240x128xf32, #tpu.memory_space<vmem_shared>>)
        tpu.yield
      }) : () -> ()
    }
    %scan3A_7 = arith.constant 42 : i32
    %barrier3A_8 = arith.constant 0 : index
    tpu.barrier barrier_id(%barrier3A_8)
    "tpu.region"() ({
      %run_scoped3A = tpu.sem_alloc : memref<!tpu.dma_semaphore, #tpu.memory_space<semaphore_mem>>
      %dma_start3A = arith.constant 0 : i32
      %dma_start3A_9 = tpu.memref_slice %arg7[%arg0, %mul3A_2, %dma_start3A] : memref<2x10240x128xf32, #tpu.memory_space<hbm>> -> memref<1x640x128xf32, #tpu.memory_space<hbm>>
      %dma_start3A_10 = tpu.memref_squeeze %dma_start3A_9 : memref<1x640x128xf32, #tpu.memory_space<hbm>> -> memref<640x128xf32, #tpu.memory_space<hbm>>
      %dma_start3A_11 = arith.constant 0 : i32
      %dma_start3A_12 = tpu.memref_slice %arg8[%mul3A_2, %dma_start3A_11] : memref<10240x128xf32, #tpu.memory_space<vmem_shared>> -> memref<640x128xf32, #tpu.memory_space<vmem_shared>>
      tpu.enqueue_dma source(%dma_start3A_12 : memref<640x128xf32, #tpu.memory_space<vmem_shared>>) target(%dma_start3A_10 : memref<640x128xf32, #tpu.memory_space<hbm>>) target_semaphore(%run_scoped3A : memref<!tpu.dma_semaphore, #tpu.memory_space<semaphore_mem>>)
      %dma_wait3A = arith.constant 0 : i32
      %dma_wait3A_13 = tpu.memref_slice %arg7[%arg0, %mul3A_2, %dma_wait3A] : memref<2x10240x128xf32, #tpu.memory_space<hbm>> -> memref<1x640x128xf32, #tpu.memory_space<hbm>>
      %dma_wait3A_14 = tpu.memref_squeeze %dma_wait3A_13 : memref<1x640x128xf32, #tpu.memory_space<hbm>> -> memref<640x128xf32, #tpu.memory_space<hbm>>
      %dma_wait3A_15 = arith.constant 0 : i32
      %dma_wait3A_16 = tpu.memref_slice %arg8[%mul3A_2, %dma_wait3A_15] : memref<10240x128xf32, #tpu.memory_space<vmem_shared>> -> memref<640x128xf32, #tpu.memory_space<vmem_shared>>
      tpu.wait_dma2 semaphore(%run_scoped3A : memref<!tpu.dma_semaphore, #tpu.memory_space<semaphore_mem>>) src(%dma_wait3A_16 : memref<640x128xf32, #tpu.memory_space<vmem_shared>>) dst(%dma_wait3A_14 : memref<640x128xf32, #tpu.memory_space<hbm>>)
      tpu.yield
    }) : () -> ()
    return
  }
}

module attributes {stable_mosaic.version = 14 : i64} {
  func.func @body(%arg0: i32, %arg1: memref<1024x256xf32, #tpu.memory_space<vmem>>, %arg2: memref<256x512xf32, #tpu.memory_space<vmem>>, %arg3: memref<1x512xf32, #tpu.memory_space<vmem>>, %arg4: memref<1024x512xf32, #tpu.memory_space<vmem>>) attributes {dimension_semantics = [#tpu.dimension_semantics<arbitrary>], iteration_bounds = array<i64: 10>, scalar_prefetch = 0 : i64, scratch_operands = 0 : i64, tpu.core_type = #tpu.core_type<tc>, window_params = [{transform_indices = @transform_0, window_bounds = array<i64: 1024, 256>}, {pipeline_mode = #tpu.pipeline_mode<synchronous>, transform_indices = @transform_1, window_bounds = array<i64: 256, 512>}, {pipeline_mode = #tpu.pipeline_mode<synchronous>, transform_indices = @transform_2, window_bounds = array<i64: 1, 512>}, {transform_indices = @transform_3, window_bounds = array<i64: 1024, 512>}]} {
    %get3A = arith.constant 0 : index
    %get3A_0 = arith.constant 0 : index
    %get3A_1 = vector.load %arg1[%get3A, %get3A_0] : memref<1024x256xf32, #tpu.memory_space<vmem>>, vector<1024x256xf32>
    %get3A_2 = arith.constant 0 : index
    %get3A_3 = arith.constant 0 : index
    %get3A_4 = vector.load %arg2[%get3A_2, %get3A_3] : memref<256x512xf32, #tpu.memory_space<vmem>>, vector<256x512xf32>
    %dot_general3A = arith.constant dense<0.000000e+00> : vector<1024x512xf32>
    %dot_general3A_5 = tpu.matmul %get3A_1, %get3A_4, %dot_general3A {dimension_numbers = #tpu.dot_dimension_numbers<[1], [0], [0], [1], [0, 0, 1, 1], [], []>, transpose_lhs_hint = false} : vector<1024x256xf32>, vector<256x512xf32>, vector<1024x512xf32> -> vector<1024x512xf32>
    %get3A_6 = arith.constant 0 : index
    %get3A_7 = arith.constant 0 : index
    %get3A_8 = vector.load %arg3[%get3A_6, %get3A_7] : memref<1x512xf32, #tpu.memory_space<vmem>>, vector<1x512xf32>
    %add3A = vector.broadcast %get3A_8 : vector<1x512xf32> to vector<1024x512xf32>
    %add3A_9 = arith.addf %dot_general3A_5, %add3A : vector<1024x512xf32>
    %max3A = arith.constant 0.000000e+00 : f32
    %max3A_10 = vector.broadcast %max3A : f32 to vector<1024x512xf32>
    %max3A_11 = arith.maximumf %add3A_9, %max3A_10 : vector<1024x512xf32>
    %swap3A = arith.constant 0 : index
    %swap3A_12 = arith.constant 0 : index
    %swap3A_13 = vector.load %arg4[%swap3A, %swap3A_12] : memref<1024x512xf32, #tpu.memory_space<vmem>>, vector<1024x512xf32>
    tpu.vector_store %arg4[%swap3A, %swap3A_12], %max3A_11 {strides = array<i32>} : memref<1024x512xf32, #tpu.memory_space<vmem>>, vector<1024x512xf32>,
    return
  }
  func.func @transform_0(%arg0: i32) -> (i32, i32) {
    %c0_i32 = arith.constant 0 : i32
    %c0_i32_0 = arith.constant 0 : i32
    return %arg0, %c0_i32 : i32, i32
  }
  func.func @transform_1(%arg0: i32) -> (i32, i32) {
    %c0_i32 = arith.constant 0 : i32
    %c0_i32_0 = arith.constant 0 : i32
    %c0_i32_1 = arith.constant 0 : i32
    return %c0_i32, %c0_i32_0 : i32, i32
  }
  func.func @transform_2(%arg0: i32) -> (i32, i32) {
    %c0_i32 = arith.constant 0 : i32
    %c0_i32_0 = arith.constant 0 : i32
    %c0_i32_1 = arith.constant 0 : i32
    return %c0_i32, %c0_i32_0 : i32, i32
  }
  func.func @transform_3(%arg0: i32) -> (i32, i32) {
    %c0_i32 = arith.constant 0 : i32
    %c0_i32_0 = arith.constant 0 : i32
    return %arg0, %c0_i32 : i32, i32
  }
}

module attributes {stable_mosaic.version = 14 : i64} {
  func.func @body(%arg0: i32, %arg1: memref<1024x512xf32, #tpu.memory_space<vmem>>, %arg2: memref<512x256xf32, #tpu.memory_space<vmem>>, %arg3: memref<1x256xf32, #tpu.memory_space<vmem>>, %arg4: memref<1024x256xf32, #tpu.memory_space<vmem>>) attributes {dimension_semantics = [#tpu.dimension_semantics<arbitrary>], iteration_bounds = array<i64: 10>, scalar_prefetch = 0 : i64, scratch_operands = 0 : i64, tpu.core_type = #tpu.core_type<tc>, window_params = [{transform_indices = @transform_0, window_bounds = array<i64: 1024, 512>}, {pipeline_mode = #tpu.pipeline_mode<synchronous>, transform_indices = @transform_1, window_bounds = array<i64: 512, 256>}, {pipeline_mode = #tpu.pipeline_mode<synchronous>, transform_indices = @transform_2, window_bounds = array<i64: 1, 256>}, {transform_indices = @transform_3, window_bounds = array<i64: 1024, 256>}]} {
    %get3A = arith.constant 0 : index
    %get3A_0 = arith.constant 0 : index
    %get3A_1 = vector.load %arg1[%get3A, %get3A_0] : memref<1024x512xf32, #tpu.memory_space<vmem>>, vector<1024x512xf32>
    %get3A_2 = arith.constant 0 : index
    %get3A_3 = arith.constant 0 : index
    %get3A_4 = vector.load %arg2[%get3A_2, %get3A_3] : memref<512x256xf32, #tpu.memory_space<vmem>>, vector<512x256xf32>
    %dot_general3A = arith.constant dense<0.000000e+00> : vector<1024x256xf32>
    %dot_general3A_5 = tpu.matmul %get3A_1, %get3A_4, %dot_general3A {dimension_numbers = #tpu.dot_dimension_numbers<[1], [0], [0], [1], [0, 0, 1, 1], [], []>, transpose_lhs_hint = false} : vector<1024x512xf32>, vector<512x256xf32>, vector<1024x256xf32> -> vector<1024x256xf32>
    %get3A_6 = arith.constant 0 : index
    %get3A_7 = arith.constant 0 : index
    %get3A_8 = vector.load %arg3[%get3A_6, %get3A_7] : memref<1x256xf32, #tpu.memory_space<vmem>>, vector<1x256xf32>
    %add3A = vector.broadcast %get3A_8 : vector<1x256xf32> to vector<1024x256xf32>
    %add3A_9 = arith.addf %dot_general3A_5, %add3A : vector<1024x256xf32>
    %max3A = arith.constant 0.000000e+00 : f32
    %max3A_10 = vector.broadcast %max3A : f32 to vector<1024x256xf32>
    %max3A_11 = arith.maximumf %add3A_9, %max3A_10 : vector<1024x256xf32>
    %swap3A = arith.constant 0 : index
    %swap3A_12 = arith.constant 0 : index
    %swap3A_13 = vector.load %arg4[%swap3A, %swap3A_12] : memref<1024x256xf32, #tpu.memory_space<vmem>>, vector<1024x256xf32>
    tpu.vector_store %arg4[%swap3A, %swap3A_12], %max3A_11 {strides = array<i32>} : memref<1024x256xf32, #tpu.memory_space<vmem>>, vector<1024x256xf32>,
    return
  }
  func.func @transform_0(%arg0: i32) -> (i32, i32) {
    %c0_i32 = arith.constant 0 : i32
    %c0_i32_0 = arith.constant 0 : i32
    return %arg0, %c0_i32 : i32, i32
  }
  func.func @transform_1(%arg0: i32) -> (i32, i32) {
    %c0_i32 = arith.constant 0 : i32
    %c0_i32_0 = arith.constant 0 : i32
    %c0_i32_1 = arith.constant 0 : i32
    return %c0_i32, %c0_i32_0 : i32, i32
  }
  func.func @transform_2(%arg0: i32) -> (i32, i32) {
    %c0_i32 = arith.constant 0 : i32
    %c0_i32_0 = arith.constant 0 : i32
    %c0_i32_1 = arith.constant 0 : i32
    return %c0_i32, %c0_i32_0 : i32, i32
  }
  func.func @transform_3(%arg0: i32) -> (i32, i32) {
    %c0_i32 = arith.constant 0 : i32
    %c0_i32_0 = arith.constant 0 : i32
    return %arg0, %c0_i32 : i32, i32
  }
}

module attributes {stable_mosaic.version = 14 : i64} {
  func.func @body(%arg0: i32, %arg1: memref<1024x256xf32, #tpu.memory_space<vmem>>, %arg2: memref<256x128xf32, #tpu.memory_space<vmem>>, %arg3: memref<1x128xf32, #tpu.memory_space<vmem>>, %arg4: memref<1024x128xf32, #tpu.memory_space<vmem>>) attributes {dimension_semantics = [#tpu.dimension_semantics<arbitrary>], iteration_bounds = array<i64: 10>, scalar_prefetch = 0 : i64, scratch_operands = 0 : i64, tpu.core_type = #tpu.core_type<tc>, window_params = [{transform_indices = @transform_0, window_bounds = array<i64: 1024, 256>}, {pipeline_mode = #tpu.pipeline_mode<synchronous>, transform_indices = @transform_1, window_bounds = array<i64: 256, 128>}, {pipeline_mode = #tpu.pipeline_mode<synchronous>, transform_indices = @transform_2, window_bounds = array<i64: 1, 128>}, {transform_indices = @transform_3, window_bounds = array<i64: 1024, 128>}]} {
    %get3A = arith.constant 0 : index
    %get3A_0 = arith.constant 0 : index
    %get3A_1 = vector.load %arg1[%get3A, %get3A_0] : memref<1024x256xf32, #tpu.memory_space<vmem>>, vector<1024x256xf32>
    %get3A_2 = arith.constant 0 : index
    %get3A_3 = arith.constant 0 : index
    %get3A_4 = vector.load %arg2[%get3A_2, %get3A_3] : memref<256x128xf32, #tpu.memory_space<vmem>>, vector<256x128xf32>
    %dot_general3A = arith.constant dense<0.000000e+00> : vector<1024x128xf32>
    %dot_general3A_5 = tpu.matmul %get3A_1, %get3A_4, %dot_general3A {dimension_numbers = #tpu.dot_dimension_numbers<[1], [0], [0], [1], [0, 0, 1, 1], [], []>, transpose_lhs_hint = false} : vector<1024x256xf32>, vector<256x128xf32>, vector<1024x128xf32> -> vector<1024x128xf32>
    %get3A_6 = arith.constant 0 : index
    %get3A_7 = arith.constant 0 : index
    %get3A_8 = vector.load %arg3[%get3A_6, %get3A_7] : memref<1x128xf32, #tpu.memory_space<vmem>>, vector<1x128xf32>
    %add3A = vector.broadcast %get3A_8 : vector<1x128xf32> to vector<1024x128xf32>
    %add3A_9 = arith.addf %dot_general3A_5, %add3A : vector<1024x128xf32>
    %max3A = arith.constant 0.000000e+00 : f32
    %max3A_10 = vector.broadcast %max3A : f32 to vector<1024x128xf32>
    %max3A_11 = arith.maximumf %add3A_9, %max3A_10 : vector<1024x128xf32>
    %swap3A = arith.constant 0 : index
    %swap3A_12 = arith.constant 0 : index
    %swap3A_13 = vector.load %arg4[%swap3A, %swap3A_12] : memref<1024x128xf32, #tpu.memory_space<vmem>>, vector<1024x128xf32>
    tpu.vector_store %arg4[%swap3A, %swap3A_12], %max3A_11 {strides = array<i32>} : memref<1024x128xf32, #tpu.memory_space<vmem>>, vector<1024x128xf32>,
    return
  }
  func.func @transform_0(%arg0: i32) -> (i32, i32) {
    %c0_i32 = arith.constant 0 : i32
    %c0_i32_0 = arith.constant 0 : i32
    return %arg0, %c0_i32 : i32, i32
  }
  func.func @transform_1(%arg0: i32) -> (i32, i32) {
    %c0_i32 = arith.constant 0 : i32
    %c0_i32_0 = arith.constant 0 : i32
    %c0_i32_1 = arith.constant 0 : i32
    return %c0_i32, %c0_i32_0 : i32, i32
  }
  func.func @transform_2(%arg0: i32) -> (i32, i32) {
    %c0_i32 = arith.constant 0 : i32
    %c0_i32_0 = arith.constant 0 : i32
    %c0_i32_1 = arith.constant 0 : i32
    return %c0_i32, %c0_i32_0 : i32, i32
  }
  func.func @transform_3(%arg0: i32) -> (i32, i32) {
    %c0_i32 = arith.constant 0 : i32
    %c0_i32_0 = arith.constant 0 : i32
    return %arg0, %c0_i32 : i32, i32
  }
}

module attributes {stable_mosaic.version = 14 : i64} {
  func.func @body(%arg0: i32, %arg1: memref<1024x128xf32, #tpu.memory_space<vmem>>, %arg2: memref<128x256xf32, #tpu.memory_space<vmem>>, %arg3: memref<1024x256xf32, #tpu.memory_space<vmem>>) attributes {dimension_semantics = [#tpu.dimension_semantics<arbitrary>], iteration_bounds = array<i64: 10>, scalar_prefetch = 0 : i64, scratch_operands = 0 : i64, tpu.core_type = #tpu.core_type<tc>, window_params = [{transform_indices = @transform_0, window_bounds = array<i64: 1024, 128>}, {pipeline_mode = #tpu.pipeline_mode<synchronous>, transform_indices = @transform_1, window_bounds = array<i64: 128, 256>}, {transform_indices = @transform_2, window_bounds = array<i64: 1024, 256>}]} {
    %get3A = arith.constant 0 : index
    %get3A_0 = arith.constant 0 : index
    %get3A_1 = vector.load %arg1[%get3A, %get3A_0] : memref<1024x128xf32, #tpu.memory_space<vmem>>, vector<1024x128xf32>
    %get3A_2 = arith.constant 0 : index
    %get3A_3 = arith.constant 0 : index
    %get3A_4 = vector.load %arg2[%get3A_2, %get3A_3] : memref<128x256xf32, #tpu.memory_space<vmem>>, vector<128x256xf32>
    %dot_general3A = arith.constant dense<0.000000e+00> : vector<1024x256xf32>
    %dot_general3A_5 = tpu.matmul %get3A_1, %get3A_4, %dot_general3A {dimension_numbers = #tpu.dot_dimension_numbers<[1], [0], [0], [1], [0, 0, 1, 1], [], []>, transpose_lhs_hint = false} : vector<1024x128xf32>, vector<128x256xf32>, vector<1024x256xf32> -> vector<1024x256xf32>
    %swap3A = arith.constant 0 : index
    %swap3A_6 = arith.constant 0 : index
    %swap3A_7 = vector.load %arg3[%swap3A, %swap3A_6] : memref<1024x256xf32, #tpu.memory_space<vmem>>, vector<1024x256xf32>
    tpu.vector_store %arg3[%swap3A, %swap3A_6], %dot_general3A_5 {strides = array<i32>} : memref<1024x256xf32, #tpu.memory_space<vmem>>, vector<1024x256xf32>,
    return
  }
  func.func @transform_0(%arg0: i32) -> (i32, i32) {
    %c0_i32 = arith.constant 0 : i32
    %c0_i32_0 = arith.constant 0 : i32
    return %arg0, %c0_i32 : i32, i32
  }
  func.func @transform_1(%arg0: i32) -> (i32, i32) {
    %c0_i32 = arith.constant 0 : i32
    %c0_i32_0 = arith.constant 0 : i32
    %c0_i32_1 = arith.constant 0 : i32
    return %c0_i32, %c0_i32_0 : i32, i32
  }
  func.func @transform_2(%arg0: i32) -> (i32, i32) {
    %c0_i32 = arith.constant 0 : i32
    %c0_i32_0 = arith.constant 0 : i32
    return %arg0, %c0_i32 : i32, i32
  }
}

module attributes {stable_mosaic.version = 14 : i64} {
  func.func @body(%arg0: i32, %arg1: memref<1024x256xf32, #tpu.memory_space<vmem>>, %arg2: memref<256x8xf32, #tpu.memory_space<vmem>>, %arg3: memref<1024x8xf32, #tpu.memory_space<vmem>>, %arg4: memref<1x8xf32, #tpu.memory_space<vmem>>) attributes {dimension_semantics = [#tpu.dimension_semantics<arbitrary>], iteration_bounds = array<i64: 10>, scalar_prefetch = 0 : i64, scratch_operands = 0 : i64, tpu.core_type = #tpu.core_type<tc>, window_params = [{transform_indices = @transform_0, window_bounds = array<i64: 1024, 256>}, {pipeline_mode = #tpu.pipeline_mode<synchronous>, transform_indices = @transform_1, window_bounds = array<i64: 256, 8>}, {transform_indices = @transform_2, window_bounds = array<i64: 1024, 8>}, {pipeline_mode = #tpu.pipeline_mode<synchronous>, transform_indices = @transform_3, window_bounds = array<i64: 1, 8>}]} {
    %get3A = arith.constant 0 : index
    %get3A_0 = arith.constant 0 : index
    %get3A_1 = vector.load %arg1[%get3A, %get3A_0] : memref<1024x256xf32, #tpu.memory_space<vmem>>, vector<1024x256xf32>
    %get3A_2 = arith.constant 0 : index
    %get3A_3 = arith.constant 0 : index
    %get3A_4 = vector.load %arg2[%get3A_2, %get3A_3] : memref<256x8xf32, #tpu.memory_space<vmem>>, vector<256x8xf32>
    %dot_general3A = arith.constant dense<0.000000e+00> : vector<1024x8xf32>
    %dot_general3A_5 = tpu.matmul %get3A_1, %get3A_4, %dot_general3A {dimension_numbers = #tpu.dot_dimension_numbers<[1], [0], [0], [1], [0, 0, 1, 1], [], []>, transpose_lhs_hint = false} : vector<1024x256xf32>, vector<256x8xf32>, vector<1024x8xf32> -> vector<1024x8xf32>
    %swap3A = arith.constant 0 : index
    %swap3A_6 = arith.constant 0 : index
    %swap3A_7 = vector.load %arg3[%swap3A, %swap3A_6] : memref<1024x8xf32, #tpu.memory_space<vmem>>, vector<1024x8xf32>
    tpu.vector_store %arg3[%swap3A, %swap3A_6], %dot_general3A_5 {strides = array<i32>} : memref<1024x8xf32, #tpu.memory_space<vmem>>, vector<1024x8xf32>,
    %reduce_max3A = arith.constant dense<0xFF800000> : vector<8xf32>
    %reduce_max3A_8 = vector.multi_reduction <maximumf>, %dot_general3A_5, %reduce_max3A [0] : vector<1024x8xf32> to vector<8xf32>
    %broadcast_in_dim3A = vector.shape_cast %reduce_max3A_8 : vector<8xf32> to vector<1x8xf32>
    %eq3A = arith.constant 0 : i32
    %eq3A_9 = arith.cmpi eq, %arg0, %eq3A : i32
    %convert_element_type3A = arith.extui %eq3A_9 : i1 to i32
    %cond3A = arith.constant 0 : i32
    %cond3A_10 = arith.cmpi ne, %convert_element_type3A, %cond3A : i32
    scf.if %cond3A_10 {
      %swap3A_15 = arith.constant 0 : index
      %swap3A_16 = arith.constant 0 : index
      %swap3A_17 = vector.load %arg4[%swap3A_15, %swap3A_16] : memref<1x8xf32, #tpu.memory_space<vmem>>, vector<1x8xf32>
      tpu.vector_store %arg4[%swap3A_15, %swap3A_16], %broadcast_in_dim3A {strides = array<i32>} : memref<1x8xf32, #tpu.memory_space<vmem>>, vector<1x8xf32>,
    } else {
    }
    %ne3A = arith.constant 0 : i32
    %ne3A_11 = arith.cmpi ne, %arg0, %ne3A : i32
    %convert_element_type3A_12 = arith.extui %ne3A_11 : i1 to i32
    %cond3A_13 = arith.constant 0 : i32
    %cond3A_14 = arith.cmpi ne, %convert_element_type3A_12, %cond3A_13 : i32
    scf.if %cond3A_14 {
      %get3A_15 = arith.constant 0 : index
      %get3A_16 = arith.constant 0 : index
      %get3A_17 = vector.load %arg4[%get3A_15, %get3A_16] : memref<1x8xf32, #tpu.memory_space<vmem>>, vector<1x8xf32>
      %max3A = arith.maximumf %get3A_17, %broadcast_in_dim3A : vector<1x8xf32>
      %swap3A_18 = arith.constant 0 : index
      %swap3A_19 = arith.constant 0 : index
      %swap3A_20 = vector.load %arg4[%swap3A_18, %swap3A_19] : memref<1x8xf32, #tpu.memory_space<vmem>>, vector<1x8xf32>
      tpu.vector_store %arg4[%swap3A_18, %swap3A_19], %max3A {strides = array<i32>} : memref<1x8xf32, #tpu.memory_space<vmem>>, vector<1x8xf32>,
    } else {
    }
    return
  }
  func.func @transform_0(%arg0: i32) -> (i32, i32) {
    %c0_i32 = arith.constant 0 : i32
    %c0_i32_0 = arith.constant 0 : i32
    return %arg0, %c0_i32 : i32, i32
  }
  func.func @transform_1(%arg0: i32) -> (i32, i32) {
    %c0_i32 = arith.constant 0 : i32
    %c0_i32_0 = arith.constant 0 : i32
    %c0_i32_1 = arith.constant 0 : i32
    return %c0_i32, %c0_i32_0 : i32, i32
  }
  func.func @transform_2(%arg0: i32) -> (i32, i32) {
    %c0_i32 = arith.constant 0 : i32
    %c0_i32_0 = arith.constant 0 : i32
    return %arg0, %c0_i32 : i32, i32
  }
  func.func @transform_3(%arg0: i32) -> (i32, i32) {
    %c0_i32 = arith.constant 0 : i32
    %c0_i32_0 = arith.constant 0 : i32
    %c0_i32_1 = arith.constant 0 : i32
    return %c0_i32, %c0_i32_0 : i32, i32
  }
}

module attributes {stable_mosaic.version = 14 : i64} {
  func.func @body(%arg0: i32, %arg1: memref<1x1024x128xf32, #tpu.memory_space<vmem>>, %arg2: memref<1x1024x128xf32, #tpu.memory_space<vmem>>, %arg3: memref<128x256xf32, #tpu.memory_space<vmem>>, %arg4: memref<1x256xf32, #tpu.memory_space<vmem>>, %arg5: memref<1x1024x128xf32, #tpu.memory_space<vmem>>, %arg6: memref<1x1024x128xf32, #tpu.memory_space<vmem>>, %arg7: memref<1x1024x128xf32, #tpu.memory_space<vmem>>, %arg8: memref<1x1024x128xf32, #tpu.memory_space<vmem>>, %arg9: memref<1024x256xf32, #tpu.memory_space<vmem>>) attributes {dimension_semantics = [#tpu.dimension_semantics<arbitrary>], iteration_bounds = array<i64: 10>, scalar_prefetch = 0 : i64, scratch_operands = 0 : i64, tpu.core_type = #tpu.core_type<tc>, window_params = [{transform_indices = @transform_0, window_bounds = array<i64: 1, 1024, 128>}, {transform_indices = @transform_1, window_bounds = array<i64: 1, 1024, 128>}, {pipeline_mode = #tpu.pipeline_mode<synchronous>, transform_indices = @transform_2, window_bounds = array<i64: 128, 256>}, {pipeline_mode = #tpu.pipeline_mode<synchronous>, transform_indices = @transform_3, window_bounds = array<i64: 1, 256>}, {transform_indices = @transform_4, window_bounds = array<i64: 1, 1024, 128>}, {transform_indices = @transform_5, window_bounds = array<i64: 1, 1024, 128>}, {transform_indices = @transform_6, window_bounds = array<i64: 1, 1024, 128>}, {transform_indices = @transform_7, window_bounds = array<i64: 1, 1024, 128>}, {transform_indices = @transform_8, window_bounds = array<i64: 1024, 256>}]} {
    %get3A = arith.constant 0 : index
    %get3A_0 = arith.constant 0 : index
    %get3A_1 = arith.constant 0 : index
    %get3A_2 = vector.load %arg1[%get3A, %get3A_0, %get3A_1] : memref<1x1024x128xf32, #tpu.memory_space<vmem>>, vector<1x1024x128xf32>
    %get3A_3 = vector.shape_cast %get3A_2 : vector<1x1024x128xf32> to vector<1024x128xf32>
    %get3A_4 = arith.constant 0 : index
    %get3A_5 = arith.constant 0 : index
    %get3A_6 = arith.constant 0 : index
    %get3A_7 = vector.load %arg2[%get3A_4, %get3A_5, %get3A_6] : memref<1x1024x128xf32, #tpu.memory_space<vmem>>, vector<1x1024x128xf32>
    %get3A_8 = vector.shape_cast %get3A_7 : vector<1x1024x128xf32> to vector<1024x128xf32>
    %add3A = arith.addf %get3A_3, %get3A_8 : vector<1024x128xf32>
    %get3A_9 = arith.constant 0 : index
    %get3A_10 = arith.constant 0 : index
    %get3A_11 = vector.load %arg3[%get3A_9, %get3A_10] : memref<128x256xf32, #tpu.memory_space<vmem>>, vector<128x256xf32>
    %dot_general3A = arith.constant dense<0.000000e+00> : vector<1024x256xf32>
    %dot_general3A_12 = tpu.matmul %add3A, %get3A_11, %dot_general3A {dimension_numbers = #tpu.dot_dimension_numbers<[1], [0], [0], [1], [0, 0, 1, 1], [], []>, transpose_lhs_hint = false} : vector<1024x128xf32>, vector<128x256xf32>, vector<1024x256xf32> -> vector<1024x256xf32>
    %add3A_13 = arith.constant 1.000000e-16 : f32
    %add3A_14 = vector.broadcast %add3A_13 : f32 to vector<1024x256xf32>
    %add3A_15 = arith.addf %dot_general3A_12, %add3A_14 : vector<1024x256xf32>
    %get3A_16 = arith.constant 0 : index
    %get3A_17 = arith.constant 0 : index
    %get3A_18 = arith.constant 0 : index
    %get3A_19 = vector.load %arg5[%get3A_16, %get3A_17, %get3A_18] : memref<1x1024x128xf32, #tpu.memory_space<vmem>>, vector<1x1024x128xf32>
    %get3A_20 = vector.shape_cast %get3A_19 : vector<1x1024x128xf32> to vector<1024x128xf32>
    %get3A_21 = arith.constant 0 : index
    %get3A_22 = arith.constant 0 : index
    %get3A_23 = arith.constant 0 : index
    %get3A_24 = vector.load %arg6[%get3A_21, %get3A_22, %get3A_23] : memref<1x1024x128xf32, #tpu.memory_space<vmem>>, vector<1x1024x128xf32>
    %get3A_25 = vector.shape_cast %get3A_24 : vector<1x1024x128xf32> to vector<1024x128xf32>
    %add3A_26 = arith.addf %get3A_20, %get3A_25 : vector<1024x128xf32>
    %get3A_27 = arith.constant 0 : index
    %get3A_28 = arith.constant 0 : index
    %get3A_29 = arith.constant 0 : index
    %get3A_30 = vector.load %arg7[%get3A_27, %get3A_28, %get3A_29] : memref<1x1024x128xf32, #tpu.memory_space<vmem>>, vector<1x1024x128xf32>
    %get3A_31 = vector.shape_cast %get3A_30 : vector<1x1024x128xf32> to vector<1024x128xf32>
    %get3A_32 = arith.constant 0 : index
    %get3A_33 = arith.constant 0 : index
    %get3A_34 = arith.constant 0 : index
    %get3A_35 = vector.load %arg8[%get3A_32, %get3A_33, %get3A_34] : memref<1x1024x128xf32, #tpu.memory_space<vmem>>, vector<1x1024x128xf32>
    %get3A_36 = vector.shape_cast %get3A_35 : vector<1x1024x128xf32> to vector<1024x128xf32>
    %add3A_37 = arith.addf %get3A_31, %get3A_36 : vector<1024x128xf32>
    %concatenate3A = tpu.concatenate %add3A_26, %add3A_37 in 1 : vector<1024x128xf32>, vector<1024x128xf32> -> vector<1024x256xf32>
    %div3A = arith.divf %concatenate3A, %add3A_15 : vector<1024x256xf32>
    %get3A_38 = arith.constant 0 : index
    %get3A_39 = arith.constant 0 : index
    %get3A_40 = vector.load %arg4[%get3A_38, %get3A_39] : memref<1x256xf32, #tpu.memory_space<vmem>>, vector<1x256xf32>
    %add3A_41 = vector.broadcast %get3A_40 : vector<1x256xf32> to vector<1024x256xf32>
    %add3A_42 = arith.addf %div3A, %add3A_41 : vector<1024x256xf32>
    %gt3A = arith.constant 0.000000e+00 : f32
    %gt3A_43 = vector.broadcast %gt3A : f32 to vector<1024x256xf32>
    %gt3A_44 = arith.cmpf ogt, %add3A_42, %gt3A_43 : vector<1024x256xf32>
    %min3A = arith.constant 0.000000e+00 : f32
    %min3A_45 = vector.broadcast %min3A : f32 to vector<1024x256xf32>
    %min3A_46 = arith.minimumf %add3A_42, %min3A_45 : vector<1024x256xf32>
    %exp3A = math.exp %min3A_46 : vector<1024x256xf32>
    %sub3A = arith.constant 1.000000e+00 : f32
    %sub3A_47 = vector.broadcast %sub3A : f32 to vector<1024x256xf32>
    %sub3A_48 = arith.subf %exp3A, %sub3A_47 : vector<1024x256xf32>
    %select_n3A = arith.select %gt3A_44, %add3A_42, %sub3A_48 : vector<1024x256xi1>, vector<1024x256xf32>
    %swap3A = arith.constant 0 : index
    %swap3A_49 = arith.constant 0 : index
    %swap3A_50 = vector.load %arg9[%swap3A, %swap3A_49] : memref<1024x256xf32, #tpu.memory_space<vmem>>, vector<1024x256xf32>
    tpu.vector_store %arg9[%swap3A, %swap3A_49], %select_n3A {strides = array<i32>} : memref<1024x256xf32, #tpu.memory_space<vmem>>, vector<1024x256xf32>,
    return
  }
  func.func @transform_0(%arg0: i32) -> (i32, i32, i32) {
    %c0_i32 = arith.constant 0 : i32
    %c0_i32_0 = arith.constant 0 : i32
    %c0_i32_1 = arith.constant 0 : i32
    return %c0_i32, %arg0, %c0_i32_0 : i32, i32, i32
  }
  func.func @transform_1(%arg0: i32) -> (i32, i32, i32) {
    %c1_i32 = arith.constant 1 : i32
    %c0_i32 = arith.constant 0 : i32
    %c0_i32_0 = arith.constant 0 : i32
    return %c1_i32, %arg0, %c0_i32 : i32, i32, i32
  }
  func.func @transform_2(%arg0: i32) -> (i32, i32) {
    %c0_i32 = arith.constant 0 : i32
    %c0_i32_0 = arith.constant 0 : i32
    %c0_i32_1 = arith.constant 0 : i32
    return %c0_i32, %c0_i32_0 : i32, i32
  }
  func.func @transform_3(%arg0: i32) -> (i32, i32) {
    %c0_i32 = arith.constant 0 : i32
    %c0_i32_0 = arith.constant 0 : i32
    %c0_i32_1 = arith.constant 0 : i32
    return %c0_i32, %c0_i32_0 : i32, i32
  }
  func.func @transform_4(%arg0: i32) -> (i32, i32, i32) {
    %c0_i32 = arith.constant 0 : i32
    %c0_i32_0 = arith.constant 0 : i32
    %c0_i32_1 = arith.constant 0 : i32
    return %c0_i32, %arg0, %c0_i32_0 : i32, i32, i32
  }
  func.func @transform_5(%arg0: i32) -> (i32, i32, i32) {
    %c1_i32 = arith.constant 1 : i32
    %c0_i32 = arith.constant 0 : i32
    %c0_i32_0 = arith.constant 0 : i32
    return %c1_i32, %arg0, %c0_i32 : i32, i32, i32
  }
  func.func @transform_6(%arg0: i32) -> (i32, i32, i32) {
    %c0_i32 = arith.constant 0 : i32
    %c0_i32_0 = arith.constant 0 : i32
    %c0_i32_1 = arith.constant 0 : i32
    return %c0_i32, %arg0, %c0_i32_0 : i32, i32, i32
  }
  func.func @transform_7(%arg0: i32) -> (i32, i32, i32) {
    %c1_i32 = arith.constant 1 : i32
    %c0_i32 = arith.constant 0 : i32
    %c0_i32_0 = arith.constant 0 : i32
    return %c1_i32, %arg0, %c0_i32 : i32, i32, i32
  }
  func.func @transform_8(%arg0: i32) -> (i32, i32) {
    %c0_i32 = arith.constant 0 : i32
    %c0_i32_0 = arith.constant 0 : i32
    return %arg0, %c0_i32 : i32, i32
  }
}

module attributes {stable_mosaic.version = 14 : i64} {
  func.func @body(%arg0: i32, %arg1: memref<1024x256xf32, #tpu.memory_space<vmem>>, %arg2: memref<256x128xf32, #tpu.memory_space<vmem>>, %arg3: memref<1024x128xf32, #tpu.memory_space<vmem>>) attributes {dimension_semantics = [#tpu.dimension_semantics<arbitrary>], iteration_bounds = array<i64: 10>, scalar_prefetch = 0 : i64, scratch_operands = 0 : i64, tpu.core_type = #tpu.core_type<tc>, window_params = [{transform_indices = @transform_0, window_bounds = array<i64: 1024, 256>}, {pipeline_mode = #tpu.pipeline_mode<synchronous>, transform_indices = @transform_1, window_bounds = array<i64: 256, 128>}, {transform_indices = @transform_2, window_bounds = array<i64: 1024, 128>}]} {
    %get3A = arith.constant 0 : index
    %get3A_0 = arith.constant 0 : index
    %get3A_1 = vector.load %arg1[%get3A, %get3A_0] : memref<1024x256xf32, #tpu.memory_space<vmem>>, vector<1024x256xf32>
    %get3A_2 = arith.constant 0 : index
    %get3A_3 = arith.constant 0 : index
    %get3A_4 = vector.load %arg2[%get3A_2, %get3A_3] : memref<256x128xf32, #tpu.memory_space<vmem>>, vector<256x128xf32>
    %dot_general3A = arith.constant dense<0.000000e+00> : vector<1024x128xf32>
    %dot_general3A_5 = tpu.matmul %get3A_1, %get3A_4, %dot_general3A {dimension_numbers = #tpu.dot_dimension_numbers<[1], [0], [0], [1], [0, 0, 1, 1], [], []>, transpose_lhs_hint = false} : vector<1024x256xf32>, vector<256x128xf32>, vector<1024x128xf32> -> vector<1024x128xf32>
    %swap3A = arith.constant 0 : index
    %swap3A_6 = arith.constant 0 : index
    %swap3A_7 = vector.load %arg3[%swap3A, %swap3A_6] : memref<1024x128xf32, #tpu.memory_space<vmem>>, vector<1024x128xf32>
    tpu.vector_store %arg3[%swap3A, %swap3A_6], %dot_general3A_5 {strides = array<i32>} : memref<1024x128xf32, #tpu.memory_space<vmem>>, vector<1024x128xf32>,
    return
  }
  func.func @transform_0(%arg0: i32) -> (i32, i32) {
    %c0_i32 = arith.constant 0 : i32
    %c0_i32_0 = arith.constant 0 : i32
    return %arg0, %c0_i32 : i32, i32
  }
  func.func @transform_1(%arg0: i32) -> (i32, i32) {
    %c0_i32 = arith.constant 0 : i32
    %c0_i32_0 = arith.constant 0 : i32
    %c0_i32_1 = arith.constant 0 : i32
    return %c0_i32, %c0_i32_0 : i32, i32
  }
  func.func @transform_2(%arg0: i32) -> (i32, i32) {
    %c0_i32 = arith.constant 0 : i32
    %c0_i32_0 = arith.constant 0 : i32
    return %arg0, %c0_i32 : i32, i32
  }
}

module attributes {stable_mosaic.version = 14 : i64} {
  func.func @body(%arg0: i32, %arg1: memref<1024x128xf32, #tpu.memory_space<vmem>>, %arg2: memref<128x8xf32, #tpu.memory_space<vmem>>, %arg3: memref<1024x8xf32, #tpu.memory_space<vmem>>, %arg4: memref<1x8xf32, #tpu.memory_space<vmem>>) attributes {dimension_semantics = [#tpu.dimension_semantics<arbitrary>], iteration_bounds = array<i64: 10>, scalar_prefetch = 0 : i64, scratch_operands = 0 : i64, tpu.core_type = #tpu.core_type<tc>, window_params = [{transform_indices = @transform_0, window_bounds = array<i64: 1024, 128>}, {pipeline_mode = #tpu.pipeline_mode<synchronous>, transform_indices = @transform_1, window_bounds = array<i64: 128, 8>}, {transform_indices = @transform_2, window_bounds = array<i64: 1024, 8>}, {pipeline_mode = #tpu.pipeline_mode<synchronous>, transform_indices = @transform_3, window_bounds = array<i64: 1, 8>}]} {
    %get3A = arith.constant 0 : index
    %get3A_0 = arith.constant 0 : index
    %get3A_1 = vector.load %arg1[%get3A, %get3A_0] : memref<1024x128xf32, #tpu.memory_space<vmem>>, vector<1024x128xf32>
    %get3A_2 = arith.constant 0 : index
    %get3A_3 = arith.constant 0 : index
    %get3A_4 = vector.load %arg2[%get3A_2, %get3A_3] : memref<128x8xf32, #tpu.memory_space<vmem>>, vector<128x8xf32>
    %dot_general3A = arith.constant dense<0.000000e+00> : vector<1024x8xf32>
    %dot_general3A_5 = tpu.matmul %get3A_1, %get3A_4, %dot_general3A {dimension_numbers = #tpu.dot_dimension_numbers<[1], [0], [0], [1], [0, 0, 1, 1], [], []>, transpose_lhs_hint = false} : vector<1024x128xf32>, vector<128x8xf32>, vector<1024x8xf32> -> vector<1024x8xf32>
    %swap3A = arith.constant 0 : index
    %swap3A_6 = arith.constant 0 : index
    %swap3A_7 = vector.load %arg3[%swap3A, %swap3A_6] : memref<1024x8xf32, #tpu.memory_space<vmem>>, vector<1024x8xf32>
    tpu.vector_store %arg3[%swap3A, %swap3A_6], %dot_general3A_5 {strides = array<i32>} : memref<1024x8xf32, #tpu.memory_space<vmem>>, vector<1024x8xf32>,
    %reduce_max3A = arith.constant dense<0xFF800000> : vector<8xf32>
    %reduce_max3A_8 = vector.multi_reduction <maximumf>, %dot_general3A_5, %reduce_max3A [0] : vector<1024x8xf32> to vector<8xf32>
    %broadcast_in_dim3A = vector.shape_cast %reduce_max3A_8 : vector<8xf32> to vector<1x8xf32>
    %eq3A = arith.constant 0 : i32
    %eq3A_9 = arith.cmpi eq, %arg0, %eq3A : i32
    %convert_element_type3A = arith.extui %eq3A_9 : i1 to i32
    %cond3A = arith.constant 0 : i32
    %cond3A_10 = arith.cmpi ne, %convert_element_type3A, %cond3A : i32
    scf.if %cond3A_10 {
      %swap3A_15 = arith.constant 0 : index
      %swap3A_16 = arith.constant 0 : index
      %swap3A_17 = vector.load %arg4[%swap3A_15, %swap3A_16] : memref<1x8xf32, #tpu.memory_space<vmem>>, vector<1x8xf32>
      tpu.vector_store %arg4[%swap3A_15, %swap3A_16], %broadcast_in_dim3A {strides = array<i32>} : memref<1x8xf32, #tpu.memory_space<vmem>>, vector<1x8xf32>,
    } else {
    }
    %ne3A = arith.constant 0 : i32
    %ne3A_11 = arith.cmpi ne, %arg0, %ne3A : i32
    %convert_element_type3A_12 = arith.extui %ne3A_11 : i1 to i32
    %cond3A_13 = arith.constant 0 : i32
    %cond3A_14 = arith.cmpi ne, %convert_element_type3A_12, %cond3A_13 : i32
    scf.if %cond3A_14 {
      %get3A_15 = arith.constant 0 : index
      %get3A_16 = arith.constant 0 : index
      %get3A_17 = vector.load %arg4[%get3A_15, %get3A_16] : memref<1x8xf32, #tpu.memory_space<vmem>>, vector<1x8xf32>
      %max3A = arith.maximumf %get3A_17, %broadcast_in_dim3A : vector<1x8xf32>
      %swap3A_18 = arith.constant 0 : index
      %swap3A_19 = arith.constant 0 : index
      %swap3A_20 = vector.load %arg4[%swap3A_18, %swap3A_19] : memref<1x8xf32, #tpu.memory_space<vmem>>, vector<1x8xf32>
      tpu.vector_store %arg4[%swap3A_18, %swap3A_19], %max3A {strides = array<i32>} : memref<1x8xf32, #tpu.memory_space<vmem>>, vector<1x8xf32>,
    } else {
    }
    return
  }
  func.func @transform_0(%arg0: i32) -> (i32, i32) {
    %c0_i32 = arith.constant 0 : i32
    %c0_i32_0 = arith.constant 0 : i32
    return %arg0, %c0_i32 : i32, i32
  }
  func.func @transform_1(%arg0: i32) -> (i32, i32) {
    %c0_i32 = arith.constant 0 : i32
    %c0_i32_0 = arith.constant 0 : i32
    %c0_i32_1 = arith.constant 0 : i32
    return %c0_i32, %c0_i32_0 : i32, i32
  }
  func.func @transform_2(%arg0: i32) -> (i32, i32) {
    %c0_i32 = arith.constant 0 : i32
    %c0_i32_0 = arith.constant 0 : i32
    return %arg0, %c0_i32 : i32, i32
  }
  func.func @transform_3(%arg0: i32) -> (i32, i32) {
    %c0_i32 = arith.constant 0 : i32
    %c0_i32_0 = arith.constant 0 : i32
    %c0_i32_1 = arith.constant 0 : i32
    return %c0_i32, %c0_i32_0 : i32, i32
  }
}

module attributes {stable_mosaic.version = 14 : i64} {
  func.func @body(%arg0: i32, %arg1: memref<1x1024x128xf32, #tpu.memory_space<vmem>>, %arg2: memref<1x1024x128xf32, #tpu.memory_space<vmem>>, %arg3: memref<128x128xf32, #tpu.memory_space<vmem>>, %arg4: memref<1x128xf32, #tpu.memory_space<vmem>>, %arg5: memref<1x1024x128xf32, #tpu.memory_space<vmem>>, %arg6: memref<1x1024x128xf32, #tpu.memory_space<vmem>>, %arg7: memref<1024x128xf32, #tpu.memory_space<vmem>>) attributes {dimension_semantics = [#tpu.dimension_semantics<arbitrary>], iteration_bounds = array<i64: 10>, scalar_prefetch = 0 : i64, scratch_operands = 0 : i64, tpu.core_type = #tpu.core_type<tc>, window_params = [{transform_indices = @transform_0, window_bounds = array<i64: 1, 1024, 128>}, {transform_indices = @transform_1, window_bounds = array<i64: 1, 1024, 128>}, {pipeline_mode = #tpu.pipeline_mode<synchronous>, transform_indices = @transform_2, window_bounds = array<i64: 128, 128>}, {pipeline_mode = #tpu.pipeline_mode<synchronous>, transform_indices = @transform_3, window_bounds = array<i64: 1, 128>}, {transform_indices = @transform_4, window_bounds = array<i64: 1, 1024, 128>}, {transform_indices = @transform_5, window_bounds = array<i64: 1, 1024, 128>}, {transform_indices = @transform_6, window_bounds = array<i64: 1024, 128>}]} {
    %get3A = arith.constant 0 : index
    %get3A_0 = arith.constant 0 : index
    %get3A_1 = arith.constant 0 : index
    %get3A_2 = vector.load %arg1[%get3A, %get3A_0, %get3A_1] : memref<1x1024x128xf32, #tpu.memory_space<vmem>>, vector<1x1024x128xf32>
    %get3A_3 = vector.shape_cast %get3A_2 : vector<1x1024x128xf32> to vector<1024x128xf32>
    %get3A_4 = arith.constant 0 : index
    %get3A_5 = arith.constant 0 : index
    %get3A_6 = arith.constant 0 : index
    %get3A_7 = vector.load %arg2[%get3A_4, %get3A_5, %get3A_6] : memref<1x1024x128xf32, #tpu.memory_space<vmem>>, vector<1x1024x128xf32>
    %get3A_8 = vector.shape_cast %get3A_7 : vector<1x1024x128xf32> to vector<1024x128xf32>
    %add3A = arith.addf %get3A_3, %get3A_8 : vector<1024x128xf32>
    %get3A_9 = arith.constant 0 : index
    %get3A_10 = arith.constant 0 : index
    %get3A_11 = vector.load %arg3[%get3A_9, %get3A_10] : memref<128x128xf32, #tpu.memory_space<vmem>>, vector<128x128xf32>
    %dot_general3A = arith.constant dense<0.000000e+00> : vector<1024x128xf32>
    %dot_general3A_12 = tpu.matmul %add3A, %get3A_11, %dot_general3A {dimension_numbers = #tpu.dot_dimension_numbers<[1], [0], [0], [1], [0, 0, 1, 1], [], []>, transpose_lhs_hint = false} : vector<1024x128xf32>, vector<128x128xf32>, vector<1024x128xf32> -> vector<1024x128xf32>
    %add3A_13 = arith.constant 1.000000e-16 : f32
    %add3A_14 = vector.broadcast %add3A_13 : f32 to vector<1024x128xf32>
    %add3A_15 = arith.addf %dot_general3A_12, %add3A_14 : vector<1024x128xf32>
    %get3A_16 = arith.constant 0 : index
    %get3A_17 = arith.constant 0 : index
    %get3A_18 = arith.constant 0 : index
    %get3A_19 = vector.load %arg5[%get3A_16, %get3A_17, %get3A_18] : memref<1x1024x128xf32, #tpu.memory_space<vmem>>, vector<1x1024x128xf32>
    %get3A_20 = vector.shape_cast %get3A_19 : vector<1x1024x128xf32> to vector<1024x128xf32>
    %get3A_21 = arith.constant 0 : index
    %get3A_22 = arith.constant 0 : index
    %get3A_23 = arith.constant 0 : index
    %get3A_24 = vector.load %arg6[%get3A_21, %get3A_22, %get3A_23] : memref<1x1024x128xf32, #tpu.memory_space<vmem>>, vector<1x1024x128xf32>
    %get3A_25 = vector.shape_cast %get3A_24 : vector<1x1024x128xf32> to vector<1024x128xf32>
    %add3A_26 = arith.addf %get3A_20, %get3A_25 : vector<1024x128xf32>
    %div3A = arith.divf %add3A_26, %add3A_15 : vector<1024x128xf32>
    %get3A_27 = arith.constant 0 : index
    %get3A_28 = arith.constant 0 : index
    %get3A_29 = vector.load %arg4[%get3A_27, %get3A_28] : memref<1x128xf32, #tpu.memory_space<vmem>>, vector<1x128xf32>
    %add3A_30 = vector.broadcast %get3A_29 : vector<1x128xf32> to vector<1024x128xf32>
    %add3A_31 = arith.addf %div3A, %add3A_30 : vector<1024x128xf32>
    %gt3A = arith.constant 0.000000e+00 : f32
    %gt3A_32 = vector.broadcast %gt3A : f32 to vector<1024x128xf32>
    %gt3A_33 = arith.cmpf ogt, %add3A_31, %gt3A_32 : vector<1024x128xf32>
    %min3A = arith.constant 0.000000e+00 : f32
    %min3A_34 = vector.broadcast %min3A : f32 to vector<1024x128xf32>
    %min3A_35 = arith.minimumf %add3A_31, %min3A_34 : vector<1024x128xf32>
    %exp3A = math.exp %min3A_35 : vector<1024x128xf32>
    %sub3A = arith.constant 1.000000e+00 : f32
    %sub3A_36 = vector.broadcast %sub3A : f32 to vector<1024x128xf32>
    %sub3A_37 = arith.subf %exp3A, %sub3A_36 : vector<1024x128xf32>
    %select_n3A = arith.select %gt3A_33, %add3A_31, %sub3A_37 : vector<1024x128xi1>, vector<1024x128xf32>
    %swap3A = arith.constant 0 : index
    %swap3A_38 = arith.constant 0 : index
    %swap3A_39 = vector.load %arg7[%swap3A, %swap3A_38] : memref<1024x128xf32, #tpu.memory_space<vmem>>, vector<1024x128xf32>
    tpu.vector_store %arg7[%swap3A, %swap3A_38], %select_n3A {strides = array<i32>} : memref<1024x128xf32, #tpu.memory_space<vmem>>, vector<1024x128xf32>,
    return
  }
  func.func @transform_0(%arg0: i32) -> (i32, i32, i32) {
    %c0_i32 = arith.constant 0 : i32
    %c0_i32_0 = arith.constant 0 : i32
    %c0_i32_1 = arith.constant 0 : i32
    return %c0_i32, %arg0, %c0_i32_0 : i32, i32, i32
  }
  func.func @transform_1(%arg0: i32) -> (i32, i32, i32) {
    %c1_i32 = arith.constant 1 : i32
    %c0_i32 = arith.constant 0 : i32
    %c0_i32_0 = arith.constant 0 : i32
    return %c1_i32, %arg0, %c0_i32 : i32, i32, i32
  }
  func.func @transform_2(%arg0: i32) -> (i32, i32) {
    %c0_i32 = arith.constant 0 : i32
    %c0_i32_0 = arith.constant 0 : i32
    %c0_i32_1 = arith.constant 0 : i32
    return %c0_i32, %c0_i32_0 : i32, i32
  }
  func.func @transform_3(%arg0: i32) -> (i32, i32) {
    %c0_i32 = arith.constant 0 : i32
    %c0_i32_0 = arith.constant 0 : i32
    %c0_i32_1 = arith.constant 0 : i32
    return %c0_i32, %c0_i32_0 : i32, i32
  }
  func.func @transform_4(%arg0: i32) -> (i32, i32, i32) {
    %c0_i32 = arith.constant 0 : i32
    %c0_i32_0 = arith.constant 0 : i32
    %c0_i32_1 = arith.constant 0 : i32
    return %c0_i32, %arg0, %c0_i32_0 : i32, i32, i32
  }
  func.func @transform_5(%arg0: i32) -> (i32, i32, i32) {
    %c1_i32 = arith.constant 1 : i32
    %c0_i32 = arith.constant 0 : i32
    %c0_i32_0 = arith.constant 0 : i32
    return %c1_i32, %arg0, %c0_i32 : i32, i32, i32
  }
  func.func @transform_6(%arg0: i32) -> (i32, i32) {
    %c0_i32 = arith.constant 0 : i32
    %c0_i32_0 = arith.constant 0 : i32
    return %arg0, %c0_i32 : i32, i32
  }
}

module attributes {stable_mosaic.version = 14 : i64} {
  func.func @body(%arg0: i32, %arg1: memref<1024x128xf32, #tpu.memory_space<vmem>>, %arg2: memref<128x16xf32, #tpu.memory_space<vmem>>, %arg3: memref<1024x16xf32, #tpu.memory_space<vmem>>) attributes {dimension_semantics = [#tpu.dimension_semantics<arbitrary>], iteration_bounds = array<i64: 10>, scalar_prefetch = 0 : i64, scratch_operands = 0 : i64, tpu.core_type = #tpu.core_type<tc>, window_params = [{transform_indices = @transform_0, window_bounds = array<i64: 1024, 128>}, {pipeline_mode = #tpu.pipeline_mode<synchronous>, transform_indices = @transform_1, window_bounds = array<i64: 128, 16>}, {transform_indices = @transform_2, window_bounds = array<i64: 1024, 16>}]} {
    %get3A = arith.constant 0 : index
    %get3A_0 = arith.constant 0 : index
    %get3A_1 = vector.load %arg1[%get3A, %get3A_0] : memref<1024x128xf32, #tpu.memory_space<vmem>>, vector<1024x128xf32>
    %get3A_2 = arith.constant 0 : index
    %get3A_3 = arith.constant 0 : index
    %get3A_4 = vector.load %arg2[%get3A_2, %get3A_3] : memref<128x16xf32, #tpu.memory_space<vmem>>, vector<128x16xf32>
    %dot_general3A = arith.constant dense<0.000000e+00> : vector<1024x16xf32>
    %dot_general3A_5 = tpu.matmul %get3A_1, %get3A_4, %dot_general3A {dimension_numbers = #tpu.dot_dimension_numbers<[1], [0], [0], [1], [0, 0, 1, 1], [], []>, transpose_lhs_hint = false} : vector<1024x128xf32>, vector<128x16xf32>, vector<1024x16xf32> -> vector<1024x16xf32>
    %swap3A = arith.constant 0 : index
    %swap3A_6 = arith.constant 0 : index
    %swap3A_7 = vector.load %arg3[%swap3A, %swap3A_6] : memref<1024x16xf32, #tpu.memory_space<vmem>>, vector<1024x16xf32>
    tpu.vector_store %arg3[%swap3A, %swap3A_6], %dot_general3A_5 {strides = array<i32>} : memref<1024x16xf32, #tpu.memory_space<vmem>>, vector<1024x16xf32>,
    return
  }
  func.func @transform_0(%arg0: i32) -> (i32, i32) {
    %c0_i32 = arith.constant 0 : i32
    %c0_i32_0 = arith.constant 0 : i32
    return %arg0, %c0_i32 : i32, i32
  }
  func.func @transform_1(%arg0: i32) -> (i32, i32) {
    %c0_i32 = arith.constant 0 : i32
    %c0_i32_0 = arith.constant 0 : i32
    %c0_i32_1 = arith.constant 0 : i32
    return %c0_i32, %c0_i32_0 : i32, i32
  }
  func.func @transform_2(%arg0: i32) -> (i32, i32) {
    %c0_i32 = arith.constant 0 : i32
    %c0_i32_0 = arith.constant 0 : i32
    return %arg0, %c0_i32 : i32, i32
  }
}

module attributes {stable_mosaic.version = 14 : i64} {
  func.func @body(%arg0: i32, %arg1: memref<1024x16xf32, #tpu.memory_space<vmem>>, %arg2: memref<16x8xf32, #tpu.memory_space<vmem>>, %arg3: memref<1024x8xf32, #tpu.memory_space<vmem>>, %arg4: memref<1x8xf32, #tpu.memory_space<vmem>>) attributes {dimension_semantics = [#tpu.dimension_semantics<arbitrary>], iteration_bounds = array<i64: 10>, scalar_prefetch = 0 : i64, scratch_operands = 0 : i64, tpu.core_type = #tpu.core_type<tc>, window_params = [{transform_indices = @transform_0, window_bounds = array<i64: 1024, 16>}, {pipeline_mode = #tpu.pipeline_mode<synchronous>, transform_indices = @transform_1, window_bounds = array<i64: 16, 8>}, {transform_indices = @transform_2, window_bounds = array<i64: 1024, 8>}, {pipeline_mode = #tpu.pipeline_mode<synchronous>, transform_indices = @transform_3, window_bounds = array<i64: 1, 8>}]} {
    %get3A = arith.constant 0 : index
    %get3A_0 = arith.constant 0 : index
    %get3A_1 = vector.load %arg1[%get3A, %get3A_0] : memref<1024x16xf32, #tpu.memory_space<vmem>>, vector<1024x16xf32>
    %get3A_2 = arith.constant 0 : index
    %get3A_3 = arith.constant 0 : index
    %get3A_4 = vector.load %arg2[%get3A_2, %get3A_3] : memref<16x8xf32, #tpu.memory_space<vmem>>, vector<16x8xf32>
    %dot_general3A = arith.constant dense<0.000000e+00> : vector<1024x8xf32>
    %dot_general3A_5 = tpu.matmul %get3A_1, %get3A_4, %dot_general3A {dimension_numbers = #tpu.dot_dimension_numbers<[1], [0], [0], [1], [0, 0, 1, 1], [], []>, transpose_lhs_hint = false} : vector<1024x16xf32>, vector<16x8xf32>, vector<1024x8xf32> -> vector<1024x8xf32>
    %swap3A = arith.constant 0 : index
    %swap3A_6 = arith.constant 0 : index
    %swap3A_7 = vector.load %arg3[%swap3A, %swap3A_6] : memref<1024x8xf32, #tpu.memory_space<vmem>>, vector<1024x8xf32>
    tpu.vector_store %arg3[%swap3A, %swap3A_6], %dot_general3A_5 {strides = array<i32>} : memref<1024x8xf32, #tpu.memory_space<vmem>>, vector<1024x8xf32>,
    %reduce_max3A = arith.constant dense<0xFF800000> : vector<8xf32>
    %reduce_max3A_8 = vector.multi_reduction <maximumf>, %dot_general3A_5, %reduce_max3A [0] : vector<1024x8xf32> to vector<8xf32>
    %broadcast_in_dim3A = vector.shape_cast %reduce_max3A_8 : vector<8xf32> to vector<1x8xf32>
    %eq3A = arith.constant 0 : i32
    %eq3A_9 = arith.cmpi eq, %arg0, %eq3A : i32
    %convert_element_type3A = arith.extui %eq3A_9 : i1 to i32
    %cond3A = arith.constant 0 : i32
    %cond3A_10 = arith.cmpi ne, %convert_element_type3A, %cond3A : i32
    scf.if %cond3A_10 {
      %swap3A_15 = arith.constant 0 : index
      %swap3A_16 = arith.constant 0 : index
      %swap3A_17 = vector.load %arg4[%swap3A_15, %swap3A_16] : memref<1x8xf32, #tpu.memory_space<vmem>>, vector<1x8xf32>
      tpu.vector_store %arg4[%swap3A_15, %swap3A_16], %broadcast_in_dim3A {strides = array<i32>} : memref<1x8xf32, #tpu.memory_space<vmem>>, vector<1x8xf32>,
    } else {
    }
    %ne3A = arith.constant 0 : i32
    %ne3A_11 = arith.cmpi ne, %arg0, %ne3A : i32
    %convert_element_type3A_12 = arith.extui %ne3A_11 : i1 to i32
    %cond3A_13 = arith.constant 0 : i32
    %cond3A_14 = arith.cmpi ne, %convert_element_type3A_12, %cond3A_13 : i32
    scf.if %cond3A_14 {
      %get3A_15 = arith.constant 0 : index
      %get3A_16 = arith.constant 0 : index
      %get3A_17 = vector.load %arg4[%get3A_15, %get3A_16] : memref<1x8xf32, #tpu.memory_space<vmem>>, vector<1x8xf32>
      %max3A = arith.maximumf %get3A_17, %broadcast_in_dim3A : vector<1x8xf32>
      %swap3A_18 = arith.constant 0 : index
      %swap3A_19 = arith.constant 0 : index
      %swap3A_20 = vector.load %arg4[%swap3A_18, %swap3A_19] : memref<1x8xf32, #tpu.memory_space<vmem>>, vector<1x8xf32>
      tpu.vector_store %arg4[%swap3A_18, %swap3A_19], %max3A {strides = array<i32>} : memref<1x8xf32, #tpu.memory_space<vmem>>, vector<1x8xf32>,
    } else {
    }
    return
  }
  func.func @transform_0(%arg0: i32) -> (i32, i32) {
    %c0_i32 = arith.constant 0 : i32
    %c0_i32_0 = arith.constant 0 : i32
    return %arg0, %c0_i32 : i32, i32
  }
  func.func @transform_1(%arg0: i32) -> (i32, i32) {
    %c0_i32 = arith.constant 0 : i32
    %c0_i32_0 = arith.constant 0 : i32
    %c0_i32_1 = arith.constant 0 : i32
    return %c0_i32, %c0_i32_0 : i32, i32
  }
  func.func @transform_2(%arg0: i32) -> (i32, i32) {
    %c0_i32 = arith.constant 0 : i32
    %c0_i32_0 = arith.constant 0 : i32
    return %arg0, %c0_i32 : i32, i32
  }
  func.func @transform_3(%arg0: i32) -> (i32, i32) {
    %c0_i32 = arith.constant 0 : i32
    %c0_i32_0 = arith.constant 0 : i32
    %c0_i32_1 = arith.constant 0 : i32
    return %c0_i32, %c0_i32_0 : i32, i32
  }
}

module attributes {stable_mosaic.version = 14 : i64} {
  func.func @body(%arg0: i32, %arg1: memref<1x1024x128xf32, #tpu.memory_space<vmem>>, %arg2: memref<1x1024x128xf32, #tpu.memory_space<vmem>>, %arg3: memref<128x16xf32, #tpu.memory_space<vmem>>, %arg4: memref<1x16xf32, #tpu.memory_space<vmem>>, %arg5: memref<1x1024x128xf32, #tpu.memory_space<vmem>>, %arg6: memref<1x1024x128xf32, #tpu.memory_space<vmem>>, %arg7: memref<1024x16xf32, #tpu.memory_space<vmem>>) attributes {dimension_semantics = [#tpu.dimension_semantics<arbitrary>], iteration_bounds = array<i64: 10>, scalar_prefetch = 0 : i64, scratch_operands = 0 : i64, tpu.core_type = #tpu.core_type<tc>, window_params = [{transform_indices = @transform_0, window_bounds = array<i64: 1, 1024, 128>}, {transform_indices = @transform_1, window_bounds = array<i64: 1, 1024, 128>}, {pipeline_mode = #tpu.pipeline_mode<synchronous>, transform_indices = @transform_2, window_bounds = array<i64: 128, 16>}, {pipeline_mode = #tpu.pipeline_mode<synchronous>, transform_indices = @transform_3, window_bounds = array<i64: 1, 16>}, {transform_indices = @transform_4, window_bounds = array<i64: 1, 1024, 128>}, {transform_indices = @transform_5, window_bounds = array<i64: 1, 1024, 128>}, {transform_indices = @transform_6, window_bounds = array<i64: 1024, 16>}]} {
    %get3A = arith.constant 0 : index
    %get3A_0 = arith.constant 0 : index
    %get3A_1 = arith.constant 0 : index
    %get3A_2 = vector.load %arg1[%get3A, %get3A_0, %get3A_1] : memref<1x1024x128xf32, #tpu.memory_space<vmem>>, vector<1x1024x128xf32>
    %get3A_3 = vector.shape_cast %get3A_2 : vector<1x1024x128xf32> to vector<1024x128xf32>
    %get3A_4 = arith.constant 0 : index
    %get3A_5 = arith.constant 0 : index
    %get3A_6 = arith.constant 0 : index
    %get3A_7 = vector.load %arg2[%get3A_4, %get3A_5, %get3A_6] : memref<1x1024x128xf32, #tpu.memory_space<vmem>>, vector<1x1024x128xf32>
    %get3A_8 = vector.shape_cast %get3A_7 : vector<1x1024x128xf32> to vector<1024x128xf32>
    %add3A = arith.addf %get3A_3, %get3A_8 : vector<1024x128xf32>
    %get3A_9 = arith.constant 0 : index
    %get3A_10 = arith.constant 0 : index
    %get3A_11 = vector.load %arg3[%get3A_9, %get3A_10] : memref<128x16xf32, #tpu.memory_space<vmem>>, vector<128x16xf32>
    %dot_general3A = arith.constant dense<0.000000e+00> : vector<1024x16xf32>
    %dot_general3A_12 = tpu.matmul %add3A, %get3A_11, %dot_general3A {dimension_numbers = #tpu.dot_dimension_numbers<[1], [0], [0], [1], [0, 0, 1, 1], [], []>, transpose_lhs_hint = false} : vector<1024x128xf32>, vector<128x16xf32>, vector<1024x16xf32> -> vector<1024x16xf32>
    %add3A_13 = arith.constant 1.000000e-16 : f32
    %add3A_14 = vector.broadcast %add3A_13 : f32 to vector<1024x16xf32>
    %add3A_15 = arith.addf %dot_general3A_12, %add3A_14 : vector<1024x16xf32>
    %get3A_16 = arith.constant 0 : index
    %get3A_17 = arith.constant 0 : index
    %get3A_18 = arith.constant 0 : index
    %get3A_19 = vector.load %arg5[%get3A_16, %get3A_17, %get3A_18] : memref<1x1024x128xf32, #tpu.memory_space<vmem>>, vector<1x1024x128xf32>
    %get3A_20 = vector.shape_cast %get3A_19 : vector<1x1024x128xf32> to vector<1024x128xf32>
    %get3A_21 = arith.constant 0 : index
    %get3A_22 = arith.constant 0 : index
    %get3A_23 = arith.constant 0 : index
    %get3A_24 = vector.load %arg6[%get3A_21, %get3A_22, %get3A_23] : memref<1x1024x128xf32, #tpu.memory_space<vmem>>, vector<1x1024x128xf32>
    %get3A_25 = vector.shape_cast %get3A_24 : vector<1x1024x128xf32> to vector<1024x128xf32>
    %add3A_26 = arith.addf %get3A_20, %get3A_25 : vector<1024x128xf32>
    %slice3A = vector.extract_strided_slice %add3A_26 {offsets = [0, 0], sizes = [1024, 16], strides = [1, 1]} : vector<1024x128xf32> to vector<1024x16xf32>
    %div3A = arith.divf %slice3A, %add3A_15 : vector<1024x16xf32>
    %get3A_27 = arith.constant 0 : index
    %get3A_28 = arith.constant 0 : index
    %get3A_29 = vector.load %arg4[%get3A_27, %get3A_28] : memref<1x16xf32, #tpu.memory_space<vmem>>, vector<1x16xf32>
    %add3A_30 = vector.broadcast %get3A_29 : vector<1x16xf32> to vector<1024x16xf32>
    %add3A_31 = arith.addf %div3A, %add3A_30 : vector<1024x16xf32>
    %swap3A = arith.constant 0 : index
    %swap3A_32 = arith.constant 0 : index
    %swap3A_33 = vector.load %arg7[%swap3A, %swap3A_32] : memref<1024x16xf32, #tpu.memory_space<vmem>>, vector<1024x16xf32>
    tpu.vector_store %arg7[%swap3A, %swap3A_32], %add3A_31 {strides = array<i32>} : memref<1024x16xf32, #tpu.memory_space<vmem>>, vector<1024x16xf32>,
    return
  }
  func.func @transform_0(%arg0: i32) -> (i32, i32, i32) {
    %c0_i32 = arith.constant 0 : i32
    %c0_i32_0 = arith.constant 0 : i32
    %c0_i32_1 = arith.constant 0 : i32
    return %c0_i32, %arg0, %c0_i32_0 : i32, i32, i32
  }
  func.func @transform_1(%arg0: i32) -> (i32, i32, i32) {
    %c1_i32 = arith.constant 1 : i32
    %c0_i32 = arith.constant 0 : i32
    %c0_i32_0 = arith.constant 0 : i32
    return %c1_i32, %arg0, %c0_i32 : i32, i32, i32
  }
  func.func @transform_2(%arg0: i32) -> (i32, i32) {
    %c0_i32 = arith.constant 0 : i32
    %c0_i32_0 = arith.constant 0 : i32
    %c0_i32_1 = arith.constant 0 : i32
    return %c0_i32, %c0_i32_0 : i32, i32
  }
  func.func @transform_3(%arg0: i32) -> (i32, i32) {
    %c0_i32 = arith.constant 0 : i32
    %c0_i32_0 = arith.constant 0 : i32
    %c0_i32_1 = arith.constant 0 : i32
    return %c0_i32, %c0_i32_0 : i32, i32
  }
  func.func @transform_4(%arg0: i32) -> (i32, i32, i32) {
    %c0_i32 = arith.constant 0 : i32
    %c0_i32_0 = arith.constant 0 : i32
    %c0_i32_1 = arith.constant 0 : i32
    return %c0_i32, %arg0, %c0_i32_0 : i32, i32, i32
  }
  func.func @transform_5(%arg0: i32) -> (i32, i32, i32) {
    %c1_i32 = arith.constant 1 : i32
    %c0_i32 = arith.constant 0 : i32
    %c0_i32_0 = arith.constant 0 : i32
    return %c1_i32, %arg0, %c0_i32 : i32, i32, i32
  }
  func.func @transform_6(%arg0: i32) -> (i32, i32) {
    %c0_i32 = arith.constant 0 : i32
    %c0_i32_0 = arith.constant 0 : i32
    return %arg0, %c0_i32 : i32, i32
  }
}

</mosaic_0001>

<sc_bundles>
// kernel: kernel.21.cloned.1.call-start
scs
__scs_entry_jumppad:
0x0: {  	(pc) =	sbr.rel $0x88, $3  }
0x1: {  	(tag) =	ssettag $0x0;
	lr =	simm.s32 $0x1  }
0x2: {  	[smem:$0x3F8D] =	sst lr;
	_ =	strace $0xD0000000  }
0x3: {  	_ = 	snop  }
0x4: {  	_ = 	snop  }
0x5: {  	_ = 	snop  }
0x6: {  	_ = 	snop  }
0x7: {  	_ = 	snop  }
__scs_overlays_trampoline_lowered:
0x8: {  	[smem:$0x3F9C] =	sst s0  }
0x9: {  	[smem:$0x3F9D] =	sst s1  }
0xa: {  	[smem:$0x3F9E] =	sst s2  }
0xb: {  	[smem:$0x3F9F] =	sst s3  }
0xc: {  	[smem:$0x3FA0] =	sst s4  }
0xd: {  	[smem:$0x3FA1] =	sst s5  }
0xe: {  	[smem:$0x3FA2] =	sst s6  }
0xf: {  	[smem:$0x3FA3] =	sst s7  }
0x10: {  	[smem:$0x3FA4] =	sst s8  }
0x11: {  	[smem:$0x3FA5] =	sst s9;
	s0 =	simm.s32 @!p0 $0x0  }
0x12: {  	s1 =	sld [smem:$0x3F8B];
	s0 =	simm.s32 @p0 $0x1  }
0x13: {  	[smem:$0x3FA6] =	sst s0;
	s0 =	simm.s32 @!p1 $0x0  }
0x14: {  	s2 =	sld [smem:$0x3F8A];
	s0 =	simm.s32 @p1 $0x1  }
0x15: {  	[smem:$0x3FA7] =	sst s0;
	s0 =	simm.s32 @!p2 $0x0  }
0x16: {  	s3 =	sld [smem:$0x3FDB];
	s0 =	simm.s32 @p2 $0x1  }
0x17: {  	s4 =	simm.s32 $0x1BF5;
	[smem:$0x3FA9] =	sst s0  }
0x18: {  	s0 =	sld [smem:$0x3F8C];
	_ =	swait.ge [sflag:s4], $0x0  }
0x19: {  	s7 =	sld [smem:$0x3F8D]  }
0x1a: {  	s8 =	sadd.s32 $0xFFFFE003, lr  }
0x1b: {  	s9 =	sadd.s32 $0xFFFFFEF7, lr;
	s5 =	simm.s32 $0xFFFFFFFF;
	p2 =	slt.u32 s8, $0xFFFFF086  }
0x1c: {  	p1 =	slt.u32 s9, $0xF7A;
	s5 =	simm.s32 @!p2 $0x0  }
0x1d: {  	s5 =	simm.s32 @p1 $0x1;
	p0 =	seq.s32 s7, s2  }
0x1e: {  	s7 =	smul.u32 @!p0 $0xF7A, s2;
	p2 =	seq.s32 @!p0 s5, $0x0  }
0x1f: {  	s9 =	smul.u32 $0xF7A, s1;
	s8 =	simm.s32 @!p0 $0x1BF5;
	p2 =	por !p2, p0  }
0x20: {  	[sflag:s8] =	ssyncset.s32 @!p0 $0xFFFFF086;
	s6 =	sadd.s32 @!p0 s3, s7;
	s7 =	simm.s32 @!p0 $0x108  }
0x21: {  	s3 =	sadd.s32 s3, s9;
	s6 =	sadd.s32 @!p0 $0x88, s6;
	s7 =	simm.s32 @p2 $0x1082  }
0x22: {  	[simem:s7], [sflag:s8] =	dma.local @!p0 [hbm:s6], $0xF7A  }
0x23: {  	s9 =	sor.u32 $0xD0000000, s2;
	s6 =	simm.s32 $0x108;
	_ =	swait.ge @!p0 [sflag:s8], $0x0  }
0x24: {  	s3 =	sadd.s32 $0x88, s3;
	s6 =	simm.s32 @!p1 $0x1082;
	[sflag:s4] =	ssyncset.s32 $0xFFFFF086  }
0x25: {  	[simem:s6], [sflag:s4] =	dma.local [hbm:s3], $0xF7A  }
0x26: {  	[smem:$0x3F8D] =	sst s1;
	(tag) =	ssettag s2;
	_ =	strace s9  }
0x27: {  	s1 =	sld [smem:$0x3F9D]  }
0x28: {  	s2 =	sld [smem:$0x3F9E]  }
0x29: {  	s4 =	sld [smem:$0x3FA0]  }
0x2a: {  	p0 =	seq.s32 s5, $0x0;
	s5 =	sld [smem:$0x3FA1]  }
0x2b: {  	s6 =	sld [smem:$0x3FA2]  }
0x2c: {  	s7 =	sld [smem:$0x3FA3]  }
0x2d: {  	s3 =	simm.s32 $0x108;
	s8 =	sld [smem:$0x3FA4]  }
0x2e: {  	s3 =	simm.s32 @!p0 $0x1082;
	s9 =	sld [smem:$0x3FA5]  }
0x2f: {  	lr =	sadd.s32 s0, s3;
	s0 =	sld [smem:$0x3F9C]  }
0x30: {  	s3 =	sld [smem:$0x3F9F]  }
0x31: {  	[smem:$0x3FA8] =	sst s10  }
0x32: {  	s10 =	sld [smem:$0x3FA6];
	_ =	sdelay $0x3  }
0x33: {  	p0 =	seq.s32 s10, $0x1;
	s10 =	sld [smem:$0x3FA8];
	_ =	sdelay $0x3  }
0x34: {  	[smem:$0x3FA8] =	sst s10  }
0x35: {  	s10 =	sld [smem:$0x3FA7];
	_ =	sdelay $0x3  }
0x36: {  	p1 =	seq.s32 s10, $0x1;
	s10 =	sld [smem:$0x3FA8];
	_ =	sdelay $0x3  }
0x37: {  	[smem:$0x3FA8] =	sst s10  }
0x38: {  	s10 =	sld [smem:$0x3FA9]  }
0x39: {  	_ = 	snop;
	(pc) =	sbr.ind lr, $3  }
0x3a: {  	_ = 	snop  }
0x3b: {  	_ = 	snop  }
0x3c: {  	p2 =	seq.s32 s10, $0x1;
	s10 =	sld [smem:$0x3FA8]  }
0x3d: {  	_ =	shalt  }
0x3e: {  	_ =	shalt  }
0x3f: {  	_ =	shalt  }
0x40: {  	_ =	shalt  }
0x41: {  	_ =	shalt  }
0x42: {  	_ =	shalt  }
0x43: {  	_ =	shalt  }
0x44: {  	_ =	shalt  }
0x45: {  	_ =	shalt  }
0x46: {  	_ =	shalt  }
0x47: {  	_ =	shalt  }
0x48: {  	_ =	shalt  }
0x49: {  	_ =	shalt  }
0x4a: {  	_ =	shalt  }
0x4b: {  	_ =	shalt  }
0x4c: {  	_ =	shalt  }
0x4d: {  	_ =	shalt  }
0x4e: {  	_ =	shalt  }
0x4f: {  	_ =	shalt  }
0x50: {  	_ =	shalt  }
0x51: {  	_ =	shalt  }
0x52: {  	_ =	shalt  }
0x53: {  	_ =	shalt  }
0x54: {  	_ =	shalt  }
0x55: {  	_ =	shalt  }
0x56: {  	_ =	shalt  }
0x57: {  	_ =	shalt  }
0x58: {  	_ =	shalt  }
0x59: {  	_ =	shalt  }
0x5a: {  	_ =	shalt  }
0x5b: {  	_ =	shalt  }
0x5c: {  	_ =	shalt  }
0x5d: {  	_ =	shalt  }
0x5e: {  	_ =	shalt  }
0x5f: {  	_ =	shalt  }
0x60: {  	_ =	shalt  }
0x61: {  	_ =	shalt  }
0x62: {  	_ =	shalt  }
0x63: {  	_ =	shalt  }
0x64: {  	_ =	shalt  }
0x65: {  	_ =	shalt  }
0x66: {  	_ =	shalt  }
0x67: {  	_ =	shalt  }
0x68: {  	_ =	shalt  }
0x69: {  	_ =	shalt  }
0x6a: {  	_ =	shalt  }
0x6b: {  	_ =	shalt  }
0x6c: {  	_ =	shalt  }
0x6d: {  	_ =	shalt  }
0x6e: {  	_ =	shalt  }
0x6f: {  	_ =	shalt  }
0x70: {  	_ =	shalt  }
0x71: {  	_ =	shalt  }
0x72: {  	_ =	shalt  }
0x73: {  	_ =	shalt  }
0x74: {  	_ =	shalt  }
0x75: {  	_ =	shalt  }
0x76: {  	_ =	shalt  }
0x77: {  	_ =	shalt  }
0x78: {  	_ =	shalt  }
0x79: {  	_ =	shalt  }
0x7a: {  	_ =	shalt  }
0x7b: {  	_ =	shalt  }
0x7c: {  	_ =	shalt  }
0x7d: {  	_ =	shalt  }
0x7e: {  	_ =	shalt  }
0x7f: {  	_ =	shalt  }
0x80: {  	_ =	shalt  }
0x81: {  	_ =	shalt  }
0x82: {  	_ =	shalt  }
0x83: {  	_ =	shalt  }
0x84: {  	_ =	shalt  }
0x85: {  	_ =	shalt  }
0x86: {  	_ =	shalt  }
0x87: {  	_ =	shalt  }
.Lfunc_end0:
.L_simem_size_0:
called_computation_lowered:
.L_overlay_start_0:
0x88: {  	s2 =	sld [smem:$0x3FD9]  }
0x89: {  	s3 =	sld [smem:$0x3FFE];
	_ =	sdelay $0x1  }
0x8a: {  	s1 =	srdreg.scid  }
0x8b: {  	s0 =	sand.u32 $0x1, s1  }
0x8c: {  	s17 =	sshll.u32 s0, $0xA;
	s2 =	sadd.s32 s3, s2  }
0x8d: {  	s2 =	sadd.s32 s2, s17  }
0x8e: {  	[smem:$0x3FB4] =	sst s2  }
0x8f: {  	_ = 	snop  }
0x90: {  	s2 =	sld [smem:$0x3FD0];
	(tm) =	ssettm $0x1  }
0x91: {  	s18 =	sld [smem:$0x3FFB];
	_ =	sdelay $0x3  }
0x92: {  	_ =	strace s18  }
0x93: {  	s3 =	sld [smem:$0x3FFC];
	_ =	sdelay $0x3  }
0x94: {  	_ =	strace s3  }
0x95: {  	s3 =	sld [smem:$0x3FFD];
	_ =	sdelay $0x3  }
0x96: {  	_ =	strace s3  }
0x97: {  	_ =	strace $0x8FFFFFFF  }
0x98: {  	s19 =	sld [smem:$0x3FDB];
	_ =	sdelay $0x1  }
0x99: {  	s4 =	simm.s32 $_scs_section_size  }
0x9a: {  	s5 =	simm.s32 $_size__tile_overlayer_lowered;
	s6 =	simm.s32 $_tile_overlayer_lowered  }
0x9b: {  	s22 =	simm.s32 $0x1BFF;
	s21 =	sshll.u32 s6, $0x1;
	s3 =	sadd.s32 s4, s19  }
0x9c: {  	s7 =	simm.s32 $0x0;
	s20 =	sshll.u32 s5, $0x1;
	s5 =	sadd.s32 s21, s3  }
0x9d: {  	[timem:s7], [sflag:s22] =	dma.local [hbm:s5], s20  }
0x9e: {  	_ =	swait.ge [sflag:s22], s20  }
0x9f: {  	s4 =	ssub.s32 $0x0, s20;
	[sflag:s22] =	ssyncset.done $0x0  }
0xa0: {  	[sflag:s22] =	ssyncadd.s32 s4;
	_ =	sdelay $0x1  }
0xa1: {  	s23 =	simm.s32 $0x1B8B  }
0xa2: {  	_ =	swait.ge [sflag:s23], $0x1  }
0xa3: {  	[sflag:s23] =	ssyncset.done $0x0  }
0xa4: {  	s25 =	simm.s32 $0x1B8E;
	s24 =	sld [smem:$0x3FFE];
	[sflag:s23] =	ssyncadd.s32 $0xFFFFFFFF  }
0xa5: {  	s26 =	simm.s32 $execute0_lowered;
	[smem:$0x3FD2] =	sst s25  }
0xa6: {  	s5 =	sshll.u32 s26, $0x1;
	_ =	strace $0x80000046;
	[dreg:$0x1] =	wrdreg $0xFFFFFFFF  }
0xa7: {  	s28 =	simm.s32 $_size_execute0_lowered;
	s3 =	sadd.s32 s3, s5;
	[dreg:$0x0] =	wrdreg $0x0  }
0xa8: {  	s5 =	sshll.u32 s28, $0x1;
	[dreg:$0x2] =	wrdreg s3  }
0xa9: {  	[dreg:$0x3] =	wrdreg s5  }
0xaa: {  	[dreg:$0x4] =	wrdreg $0xC0  }
0xab: {  	_ =	task [dreg:s7], $0x5FFFF  }
0xac: {  	[dreg:$0x1] =	wrdreg $0xFFFFFFFF  }
0xad: {  	[dreg:$0x0] =	wrdreg $0x60  }
0xae: {  	[dreg:$0x2] =	wrdreg s24  }
0xaf: {  	[dreg:$0x3] =	wrdreg s2  }
0xb0: {  	[dreg:$0x4] =	wrdreg $0x0  }
0xb1: {  	[dreg:$0x5] =	wrdreg $0x9  }
0xb2: {  	_ =	task.clear_ibuf [dreg:s7], $0x6FFFF;
	_ =	strace $0x90000046  }
0xb3: {  	s29 =	simm.s32 $0x9;
	_ =	strace $0x80000048  }
0xb4: {  	_ =	swait.ge [sflag:s29], $0x1  }
0xb5: {  	[sflag:s29] =	ssyncadd.s32 $0xFFFFFFFF  }
0xb6: {  	_ =	strace $0x90000048  }
0xb7: {  	_ =	sfence  }
0xb8: {  	s30 =	sld [smem:$0x0];
	_ =	sdelay $0x2  }
0xb9: {  	s31 =	sshll.u32 s1, $0xD;
	s1 =	sshrl.u32 s1, $0x2  }
0xba: {  	s3 =	sand.u32 $0x4000, s31;
	s1 =	sadd.s32 s1, s30  }
0xbb: {  	s0 =	sor.u32 s3, s0;
	s1 =	sshll.u32 s1, $0x11  }
0xbc: {  	s0 =	sor.u32 s1, s0  }
0xbd: {  	s0 =	sadd.s32 $0x8F2B, s0  }
0xbe: {  	[sflag:s0] =	ssyncadd.remote.s32 $0x1  }
0xbf: {  	_ =	sfence.sel $0xFFFF  }
0xc0: {  	[dreg:$0x0] =	wrdreg $0xFFFFFFFF;
	(pc) =	sbr.abs _section_cstart, $3  }
0xc1: {  	[dreg:$0x1] =	wrdreg $0xFFFFFFFF  }
0xc2: {  	_ =	task.clear_ibuf [dreg:s7], $0x2FFFF;
	_ =	strace $0x9FFFFFFF  }
0xc3: {  	(tm) =	ssettm $0x7FFFFFFF  }
tec
execute0_lowered:
.L_overlay_start_1:
0x0: {  	(tag) =	ssettag $0x1  }
0x1: {  	s0 =	rddreg [dreg:$0x0]  }
0x2: {  	s2 =	rddreg [dreg:$0x2]  }
0x3: {  	s1 =	srdreg.scid;
	s4 =	simm.s32 $0x0;
	s13 =	stileid.u32  }
0x4: {  	s16 =	simm.s32 $0x3;
	s18 =	simm.s32 $0x14000;
	s19 =	simm.s32 $0x14080  }
0x5: {  	s20 =	simm.s32 $0x40;
	s21 =	simm.s32 $0x14100;
	s28 =	simm.s32 $0x0  }
0x6: {  	s29 =	simm.s32 $0x0;
	s1 =	sand.u32 $0x1, s1;
	[smem:$0x7FF] =	sst s4  }
0x7: {  	s9 =	smul.u32 $0x14000, s13;
	s5 =	sadd.s32 $0x7E00, s0;
	s6 =	sadd.s32 $0xD200, s0  }
0x8: {  	s7 =	sadd.s32 $0x3B600, s0;
	s8 =	sadd.s32 $0x12600, s0;
	s22 =	sadd.s32 $0x7C00, s0  }
0x9: {  	s12 =	smul.u32 $0x50000, s13;
	s10 =	sadd.s32 $0x63600, s0;
	s25 =	sshll.u32 s13, $0x1  }
0xa: {  	s30 =	sshll.u32 s13, $0x6;
	s3 =	smul.u32 $0x140000, s1;
	_ =	strace $0x80000047  }
0xb: {  	[dreg:$0x4] =	wrdreg s22;
	s23 =	ssub.s32 $0x2, s1;
	s1 =	sor.u32 s1, s25  }
0xc: {  	s22 =	simm.s32 $0x16100;
	s25 =	simm.s32 $0x18100;
	s11 =	sshrl.u32 s23, $0x1  }
0xd: {  	s26 =	sshrl.u32 s12, $0x2;
	s12 =	smul.u32 $0x54, s1;
	s3 =	sadd.s32 s9, s3  }
0xe: {  	s24 =	ssub.s32 s23, s11;
	s9 =	sadd.s32 s26, s2;
	s3 =	sshrl.u32 s3, $0x3  }
0xf: {  	s11 =	sor.u32 $0x1C03, s30;
	s23 =	simm.s32 $0x1;
	s3 =	sadd.s32 s3, s0  }
0x10: {  	s26 =	simm.s32 $0x1A100;
	s14 =	smax.u32 s24, $0x1;
	s31 =	sadd.s32 $0x303600, s3  }
0x11: {  	v0 =	vimm.f32 $0.0e+00;
	s15 =	sshrl.u32 s9, $0x3;
	s24 =	simm.s32 $0x2;
	[dreg:$0x5] =	wrdreg s31  }
.LBB2_1:
0x12: {  	s0 =	rddreg [dreg:$0x1]  }
0x13: {  	[spmem:s15], [sflag:s11] =	dma.local [hbm:s0], $0x2800  }
0x14: {  	_ =	swait.ge [sflag:s16], $0x2800  }
0x15: {  	[sflag:s16] =	ssyncset.done $0x0  }
0x16: {  	s1 =	simm.s32 $0x1C100;
	s31 =	rddreg [dreg:$0x4];
	[sflag:s16] =	ssyncadd.s32 $0xFFFFD800  }
0x17: {  	[tilespmem:s1], [sflag:$0x3] =	stream.linear.gather [hbm4b:s31+s4], $0x80, $0x38;
	[tilespmem:$0x1C180] =	vst v63  }
0x18: {  	_ =	swait.ge [sflag:s16], $0x80  }
0x19: {  	[sflag:s16] =	ssyncset.done $0x0  }
0x1a: {  	[sflag:s16] =	ssyncadd.s32 $0xFFFFFF80  }
0x1b: {  	[bflag:$0x0] =	sbarrier.arrive $0xFFFF  }
0x1c: {  	v1 =	vld [tilespmem:$0x1C100];
	_ =	sdelay $0x3  }
0x1d: {  	s0 =	simm.s32 $0x0;
	s1 =	simm.s32 $0x200  }
.LBB2_2:
0x1e: {  	p0 =	sne.s32 s1, $0x7E00;
	[tilespmem:s0+$0x18170] =	vst v0  }
0x1f: {  	[tilespmem:s0+$0x18110] =	vst v0  }
.Ltmp0:
0x20: {  	[tilespmem:s0+$0x18120] =	vst v0;
	(pc) =	sbr.rel @p0 .LBB2_2-.Ltmp0, $4  }
0x21: {  	[tilespmem:s0+$0x18130] =	vst v0  }
0x22: {  	[tilespmem:s0+$0x18140] =	vst v0  }
0x23: {  	[tilespmem:s0+$0x18150] =	vst v0  }
0x24: {  	[tilespmem:s0+$0x18160] =	vst v0;
	s0 =	sshra.s32 s1, $0x2;
	s1 =	sadd.s32 $0x200, s1  }
0x25: {  	[tilespmem:s0+$0x18170] =	vst v0  }
0x26: {  	[tilespmem:s0+$0x18110] =	vst v0  }
0x27: {  	[tilespmem:s0+$0x18120] =	vst v0  }
0x28: {  	[tilespmem:s0+$0x18130] =	vst v0  }
0x29: {  	[tilespmem:s0+$0x18140] =	vst v0  }
0x2a: {  	[tilespmem:s0+$0x18150] =	vst v0  }
0x2b: {  	[tilespmem:s0+$0x18160] =	vst v0;
	s30 =	simm.s32 $0x0  }
.LBB2_4:
0x2c: {  	s31 =	sadd.s32 s12, s30  }
0x2d: {  	s0 =	sshll.u32 s31, $0x3  }
0x2e: {  	s1 =	sadd.s32 s5, s0  }
0x2f: {  	[tilespmem:s18], [sflag:$0x3] =	stream.linear.gather [hbm4b:s1+s29], $0x40, $0x38;
	[tilespmem:$0x1C180] =	vst v63  }
0x30: {  	_ =	swait.ge [sflag:s16], $0x40  }
0x31: {  	[sflag:s16] =	ssyncset.done $0x0  }
0x32: {  	s0 =	sadd.s32 s6, s0;
	[sflag:s16] =	ssyncadd.s32 $0xFFFFFFC0  }
0x33: {  	[tilespmem:s19], [sflag:$0x3] =	stream.linear.gather [hbm4b:s0+s29], $0x40, $0x38;
	[tilespmem:$0x1C180] =	vst v63  }
0x34: {  	_ =	swait.ge [sflag:s16], $0x40  }
0x35: {  	[sflag:s16] =	ssyncset.done $0x0  }
0x36: {  	[sflag:s16] =	ssyncadd.s32 $0xFFFFFFC0  }
0x37: {  	[tilespmem:s21], [sflag:$0x1] =	stream.indirect.gather [hbm4b:s7+s20], $0x80, s18, s20, $0xb8;
	[tilespmem:$0x1C180] =	vst v63  }
0x38: {  	_ = 	snop  }
0x39: {  	[tilespmem:s22], [sflag:$0x2] =	stream.indirect.gather [hbm4b:s8+s20], $0x80, s19, s20, $0xb8;
	[tilespmem:$0x1C180] =	vst v63  }
0x3a: {  	_ =	swait.ge [sflag:s23], $0x2000  }
0x3b: {  	[sflag:s23] =	ssyncset.done $0x0  }
0x3c: {  	[sflag:s23] =	ssyncadd.s32 $0xFFFFE000  }
0x3d: {  	_ =	swait.ge [sflag:s24], $0x2000  }
0x3e: {  	[sflag:s24] =	ssyncset.done $0x0  }
0x3f: {  	s0 =	simm.s32 $0x0;
	[sflag:s24] =	ssyncadd.s32 $0xFFFFE000  }
0x40: {  	v2 =	vld [tilespmem:s0+$0x14100]  }
0x41: {  	v3 =	vld [tilespmem:s0+$0x16100];
	_ =	sdelay $0x1  }
0x42: {  	s3 =	simm.s32 $0x80  }
0x43: {  	v4 =	vld [tilespmem:s3+$0x14100]  }
0x44: {  	v5 =	vld [tilespmem:s3+$0x16100]  }
0x45: {  	v2 =	vadd.f32 v3, v2;
	_ =	sdelay $0x1  }
0x46: {  	v6 =	vmul.f32 $2.000000030e-01, v2;
	_ =	sdelay $0x1  }
0x47: {  	v4 =	vadd.f32 v5, v4;
	v2 =	vmax.f32 v2, v6  }
0x48: {  	s1 =	simm.s32 $0x100;
	v2 =	vsub.f32 v2, v1  }
0x49: {  	v3 =	vld [tilespmem:s1+$0x14100];
	v7 =	vmul.f32 $2.000000030e-01, v4  }
0x4a: {  	v5 =	vld [tilespmem:s1+$0x16100];
	v2 =	vmul.f32 $1.442695020e+00, v2  }
0x4b: {  	v4 =	vmax.f32 v4, v7  }
0x4c: {  	v4 =	vsub.f32 v4, v1;
	(erf) = vpow2.f32 v2;
	_ =	sdelay $0x1  }
0x4d: {  	s17 =	simm.s32 $0x180;
	v4 =	vmul.f32 $1.442695020e+00, v4  }
0x4e: {  	v5 =	vadd.f32 v5, v3;
	v3 =	vld [tilespmem:s17+$0x16100]  }
0x4f: {  	v2 =	vld [tilespmem:s17+$0x14100];
	(erf) = vpow2.f32 v4  }
0x50: {  	v6 =	vmul.f32 $2.000000030e-01, v5;
	_ =	sdelay $0x1  }
0x51: {  	s9 =	simm.s32 $0x800;
	v4 =	vmax.f32 v5, v6  }
.LBB2_5:
0x52: {  	s13 =	sshra.s32 s9, $0x2;
	v4 =	vsub.f32 v4, v1;
	p0 =	sne.s32 s9, $0x7E00  }
.Ltmp1:
0x53: {  	s9 =	sadd.s32 $0x200, s9;
	v5 =	vadd.f32 v3, v2;
	v2 =	vld [tilespmem:s13+$0x14100];
	v6 =	vpop (erf);
	(pc) =	sbr.rel @p0 .LBB2_5-.Ltmp1, $4  }
0x54: {  	v3 =	vld [tilespmem:s13+$0x16100];
	v4 =	vmul.f32 $1.442695020e+00, v4;
	[tilespmem:s0+$0x1A100] =	vst v6  }
0x55: {  	v7 =	vmul.f32 $2.000000030e-01, v5;
	[tilespmem:s0+$0x18100] =	vst v6;
	s0 =	smov.u32 s3;
	s3 =	smov.u32 s1;
	s1 =	smov.u32 s17  }
0x56: {  	s17 =	smov.u32 s13;
	(erf) = vpow2.f32 v4  }
0x57: {  	v4 =	vmax.f32 v5, v7  }
0x58: {  	_ = 	snop  }
0x59: {  	v2 =	vadd.f32 v3, v2;
	_ =	sdelay $0x1  }
0x5a: {  	v3 =	vmul.f32 $2.000000030e-01, v2  }
0x5b: {  	v4 =	vsub.f32 v4, v1  }
0x5c: {  	v2 =	vmax.f32 v2, v3  }
0x5d: {  	v3 =	vmul.f32 $1.442695020e+00, v4;
	v2 =	vsub.f32 v2, v1;
	_ =	sdelay $0x1  }
0x5e: {  	(erf) = vpow2.f32 v3;
	v2 =	vmul.f32 $1.442695020e+00, v2;
	_ =	sdelay $0x1  }
0x5f: {  	(erf) = vpow2.f32 v2;
	_ =	sdelay $0x2  }
0x60: {  	v2 =	vpop (erf)  }
0x61: {  	[tilespmem:s0+$0x1A100] =	vst v2  }
0x62: {  	v3 =	vpop (erf);
	[tilespmem:s0+$0x18100] =	vst v2  }
0x63: {  	[tilespmem:s3+$0x1A100] =	vst v3  }
0x64: {  	[tilespmem:s3+$0x18100] =	vst v3;
	v2 =	vpop (erf)  }
0x65: {  	[tilespmem:s1+$0x1A100] =	vst v2  }
0x66: {  	[tilespmem:s1+$0x18100] =	vst v2;
	v2 =	vpop (erf)  }
0x67: {  	[tilespmem:s17+$0x1A100] =	vst v2  }
0x68: {  	[tilespmem:s17+$0x18100] =	vst v2  }
0x69: {  	[spmem:s2] =	stream.indirect.scatter.add.f32 [tilespmem:s25], [sflag:$0x3], $0x80, s19, s20, $0xb8;
	[tilespmem:$0x1C180] =	vst v63  }
0x6a: {  	s30 =	sadd.s32 $0x1, s30;
	_ =	swait.ge [sflag:s16], $0x2000  }
0x6b: {  	s31 =	sshll.u32 s31, $0xA;
	p0 =	sne.s32 s30, $0x54;
	[sflag:s16] =	ssyncset.done $0x0  }
.Ltmp2:
0x6c: {  	s0 =	sadd.s32 s10, s31;
	[sflag:s16] =	ssyncadd.s32 $0xFFFFE000;
	(pc) =	sbr.rel @p0 .LBB2_4-.Ltmp2, $4  }
0x6d: {  	[hbm4b:s0+s4] =	stream.linear.scatter [tilespmem:s26], [sflag:$0x3], $0x2000, $0x38;
	[tilespmem:$0x1C180] =	vst v63  }
0x6e: {  	_ =	swait.ge [sflag:s16], $0x2000  }
0x6f: {  	[sflag:s16] =	ssyncset.done $0x0  }
0x70: {  	[sflag:s16] =	ssyncadd.s32 $0xFFFFE000  }
0x71: {  	s28 =	sadd.s32 $0x1, s28  }
0x72: {  	[bflag:$0x0] =	sbarrier.arrive $0xFFFF;
	p0 =	sne.s32 s28, s14  }
.Ltmp3:
0x73: {  	s0 =	rddreg [dreg:$0x5];
	(pc) =	sbr.rel @p0 .LBB2_1-.Ltmp3, $4  }
0x74: {  	[hbm:s0], [sflag:s11] =	dma.local [spmem:s15], $0x2800  }
0x75: {  	_ =	swait.ge [sflag:s16], $0x2800  }
0x76: {  	[sflag:s16] =	ssyncset.done $0x0  }
0x77: {  	[sflag:s16] =	ssyncadd.s32 $0xFFFFD800  }
0x78: {  	_ =	sfence.sel $0x180000  }
0x79: {  	[bflag:$0x0] =	sbarrier.arrive $0xFFFF  }
0x7a: {  	_ =	strace $0x90000047  }
0x7b: {  	s0 =	stileid.u32;
	[bflag:$0x2] =	sbarrier.arrive $0xFFFF  }
0x7c: {  	p0 =	sne.s32 s0, $0x0;
	s0 =	rddreg [dreg:$0x3]  }
0x7d: {  	s0 =	sadd.s32 @!p0 $0x100000, s0  }
0x7e: {  	[sflag:s0] =	ssyncadd.tile.s32 @!p0 $0x1;
	_ =	shalt  }
.Lfunc_end2:
_tile_overlayer_lowered:
.L_overlay_start_2:
0x7f: {  	(tag) =	ssettag $0x2  }
0x80: {  	s0 =	rddreg [dreg:$0x0];
	s2 =	stileid.u32  }
0x81: {  	s1 =	rddreg [dreg:$0x1];
	p0 =	sne.s32 s2, $0x0  }
0x82: {  	s3 =	rddreg [dreg:$0x2];
	[bflag:$0x3] =	sbarrier.arrive $0xFFFF;
	s2 =	simm.s32 @!p0 $0x1C03  }
0x83: {  	[timem:s3], [sflag:s2] =	dma.local @!p0 [hbm:s0], s1  }
0x84: {  	s0 =	simm.s32 @!p0 $0x3  }
0x85: {  	_ =	swait.ge @!p0 [sflag:s0], s1  }
0x86: {  	s1 =	ssub.s32 @!p0 $0x0, s1;
	[sflag:s0] =	ssyncset.done @!p0 $0x0  }
0x87: {  	[sflag:s0] =	ssyncadd.s32 @!p0 s1  }
0x88: {  	[bflag:$0x3] =	sbarrier.arrive $0xFFFF  }
0x89: {  	_ =	shalt  }

// kernel: kernel.24.cloned.1.call-start
scs
__scs_entry_jumppad:
0x0: {  	(pc) =	sbr.rel $0x88, $3  }
0x1: {  	(tag) =	ssettag $0x0;
	lr =	simm.s32 $0x1  }
0x2: {  	[smem:$0x3F8D] =	sst lr;
	_ =	strace $0xD0000000  }
0x3: {  	_ = 	snop  }
0x4: {  	_ = 	snop  }
0x5: {  	_ = 	snop  }
0x6: {  	_ = 	snop  }
0x7: {  	_ = 	snop  }
__scs_overlays_trampoline_lowered:
0x8: {  	[smem:$0x3F9C] =	sst s0  }
0x9: {  	[smem:$0x3F9D] =	sst s1  }
0xa: {  	[smem:$0x3F9E] =	sst s2  }
0xb: {  	[smem:$0x3F9F] =	sst s3  }
0xc: {  	[smem:$0x3FA0] =	sst s4  }
0xd: {  	[smem:$0x3FA1] =	sst s5  }
0xe: {  	[smem:$0x3FA2] =	sst s6  }
0xf: {  	[smem:$0x3FA3] =	sst s7  }
0x10: {  	[smem:$0x3FA4] =	sst s8  }
0x11: {  	[smem:$0x3FA5] =	sst s9;
	s0 =	simm.s32 @!p0 $0x0  }
0x12: {  	s1 =	sld [smem:$0x3F8B];
	s0 =	simm.s32 @p0 $0x1  }
0x13: {  	[smem:$0x3FA6] =	sst s0;
	s0 =	simm.s32 @!p1 $0x0  }
0x14: {  	s2 =	sld [smem:$0x3F8A];
	s0 =	simm.s32 @p1 $0x1  }
0x15: {  	[smem:$0x3FA7] =	sst s0;
	s0 =	simm.s32 @!p2 $0x0  }
0x16: {  	s3 =	sld [smem:$0x3FDB];
	s0 =	simm.s32 @p2 $0x1  }
0x17: {  	s4 =	simm.s32 $0x1BF5;
	[smem:$0x3FA9] =	sst s0  }
0x18: {  	s0 =	sld [smem:$0x3F8C];
	_ =	swait.ge [sflag:s4], $0x0  }
0x19: {  	s7 =	sld [smem:$0x3F8D]  }
0x1a: {  	s8 =	sadd.s32 $0xFFFFE003, lr  }
0x1b: {  	s9 =	sadd.s32 $0xFFFFFEF7, lr;
	s5 =	simm.s32 $0xFFFFFFFF;
	p2 =	slt.u32 s8, $0xFFFFF086  }
0x1c: {  	p1 =	slt.u32 s9, $0xF7A;
	s5 =	simm.s32 @!p2 $0x0  }
0x1d: {  	s5 =	simm.s32 @p1 $0x1;
	p0 =	seq.s32 s7, s2  }
0x1e: {  	s7 =	smul.u32 @!p0 $0xF7A, s2;
	p2 =	seq.s32 @!p0 s5, $0x0  }
0x1f: {  	s9 =	smul.u32 $0xF7A, s1;
	s8 =	simm.s32 @!p0 $0x1BF5;
	p2 =	por !p2, p0  }
0x20: {  	[sflag:s8] =	ssyncset.s32 @!p0 $0xFFFFF086;
	s6 =	sadd.s32 @!p0 s3, s7;
	s7 =	simm.s32 @!p0 $0x108  }
0x21: {  	s3 =	sadd.s32 s3, s9;
	s6 =	sadd.s32 @!p0 $0x88, s6;
	s7 =	simm.s32 @p2 $0x1082  }
0x22: {  	[simem:s7], [sflag:s8] =	dma.local @!p0 [hbm:s6], $0xF7A  }
0x23: {  	s9 =	sor.u32 $0xD0000000, s2;
	s6 =	simm.s32 $0x108;
	_ =	swait.ge @!p0 [sflag:s8], $0x0  }
0x24: {  	s3 =	sadd.s32 $0x88, s3;
	s6 =	simm.s32 @!p1 $0x1082;
	[sflag:s4] =	ssyncset.s32 $0xFFFFF086  }
0x25: {  	[simem:s6], [sflag:s4] =	dma.local [hbm:s3], $0xF7A  }
0x26: {  	[smem:$0x3F8D] =	sst s1;
	(tag) =	ssettag s2;
	_ =	strace s9  }
0x27: {  	s1 =	sld [smem:$0x3F9D]  }
0x28: {  	s2 =	sld [smem:$0x3F9E]  }
0x29: {  	s4 =	sld [smem:$0x3FA0]  }
0x2a: {  	p0 =	seq.s32 s5, $0x0;
	s5 =	sld [smem:$0x3FA1]  }
0x2b: {  	s6 =	sld [smem:$0x3FA2]  }
0x2c: {  	s7 =	sld [smem:$0x3FA3]  }
0x2d: {  	s3 =	simm.s32 $0x108;
	s8 =	sld [smem:$0x3FA4]  }
0x2e: {  	s3 =	simm.s32 @!p0 $0x1082;
	s9 =	sld [smem:$0x3FA5]  }
0x2f: {  	lr =	sadd.s32 s0, s3;
	s0 =	sld [smem:$0x3F9C]  }
0x30: {  	s3 =	sld [smem:$0x3F9F]  }
0x31: {  	[smem:$0x3FA8] =	sst s10  }
0x32: {  	s10 =	sld [smem:$0x3FA6];
	_ =	sdelay $0x3  }
0x33: {  	p0 =	seq.s32 s10, $0x1;
	s10 =	sld [smem:$0x3FA8];
	_ =	sdelay $0x3  }
0x34: {  	[smem:$0x3FA8] =	sst s10  }
0x35: {  	s10 =	sld [smem:$0x3FA7];
	_ =	sdelay $0x3  }
0x36: {  	p1 =	seq.s32 s10, $0x1;
	s10 =	sld [smem:$0x3FA8];
	_ =	sdelay $0x3  }
0x37: {  	[smem:$0x3FA8] =	sst s10  }
0x38: {  	s10 =	sld [smem:$0x3FA9]  }
0x39: {  	_ = 	snop;
	(pc) =	sbr.ind lr, $3  }
0x3a: {  	_ = 	snop  }
0x3b: {  	_ = 	snop  }
0x3c: {  	p2 =	seq.s32 s10, $0x1;
	s10 =	sld [smem:$0x3FA8]  }
0x3d: {  	_ =	shalt  }
0x3e: {  	_ =	shalt  }
0x3f: {  	_ =	shalt  }
0x40: {  	_ =	shalt  }
0x41: {  	_ =	shalt  }
0x42: {  	_ =	shalt  }
0x43: {  	_ =	shalt  }
0x44: {  	_ =	shalt  }
0x45: {  	_ =	shalt  }
0x46: {  	_ =	shalt  }
0x47: {  	_ =	shalt  }
0x48: {  	_ =	shalt  }
0x49: {  	_ =	shalt  }
0x4a: {  	_ =	shalt  }
0x4b: {  	_ =	shalt  }
0x4c: {  	_ =	shalt  }
0x4d: {  	_ =	shalt  }
0x4e: {  	_ =	shalt  }
0x4f: {  	_ =	shalt  }
0x50: {  	_ =	shalt  }
0x51: {  	_ =	shalt  }
0x52: {  	_ =	shalt  }
0x53: {  	_ =	shalt  }
0x54: {  	_ =	shalt  }
0x55: {  	_ =	shalt  }
0x56: {  	_ =	shalt  }
0x57: {  	_ =	shalt  }
0x58: {  	_ =	shalt  }
0x59: {  	_ =	shalt  }
0x5a: {  	_ =	shalt  }
0x5b: {  	_ =	shalt  }
0x5c: {  	_ =	shalt  }
0x5d: {  	_ =	shalt  }
0x5e: {  	_ =	shalt  }
0x5f: {  	_ =	shalt  }
0x60: {  	_ =	shalt  }
0x61: {  	_ =	shalt  }
0x62: {  	_ =	shalt  }
0x63: {  	_ =	shalt  }
0x64: {  	_ =	shalt  }
0x65: {  	_ =	shalt  }
0x66: {  	_ =	shalt  }
0x67: {  	_ =	shalt  }
0x68: {  	_ =	shalt  }
0x69: {  	_ =	shalt  }
0x6a: {  	_ =	shalt  }
0x6b: {  	_ =	shalt  }
0x6c: {  	_ =	shalt  }
0x6d: {  	_ =	shalt  }
0x6e: {  	_ =	shalt  }
0x6f: {  	_ =	shalt  }
0x70: {  	_ =	shalt  }
0x71: {  	_ =	shalt  }
0x72: {  	_ =	shalt  }
0x73: {  	_ =	shalt  }
0x74: {  	_ =	shalt  }
0x75: {  	_ =	shalt  }
0x76: {  	_ =	shalt  }
0x77: {  	_ =	shalt  }
0x78: {  	_ =	shalt  }
0x79: {  	_ =	shalt  }
0x7a: {  	_ =	shalt  }
0x7b: {  	_ =	shalt  }
0x7c: {  	_ =	shalt  }
0x7d: {  	_ =	shalt  }
0x7e: {  	_ =	shalt  }
0x7f: {  	_ =	shalt  }
0x80: {  	_ =	shalt  }
0x81: {  	_ =	shalt  }
0x82: {  	_ =	shalt  }
0x83: {  	_ =	shalt  }
0x84: {  	_ =	shalt  }
0x85: {  	_ =	shalt  }
0x86: {  	_ =	shalt  }
0x87: {  	_ =	shalt  }
.Lfunc_end0:
.L_simem_size_0:
called_computation.1_lowered:
.L_overlay_start_0:
0x88: {  	s2 =	sld [smem:$0x3FD9]  }
0x89: {  	s3 =	sld [smem:$0x3FFE];
	_ =	sdelay $0x1  }
0x8a: {  	s1 =	srdreg.scid  }
0x8b: {  	s0 =	sand.u32 $0x1, s1  }
0x8c: {  	s17 =	sshll.u32 s0, $0xA;
	s2 =	sadd.s32 s3, s2  }
0x8d: {  	s2 =	sadd.s32 s2, s17  }
0x8e: {  	[smem:$0x3FB4] =	sst s2  }
0x8f: {  	_ = 	snop  }
0x90: {  	s18 =	sld [smem:$0x3FD0];
	(tm) =	ssettm $0x1  }
0x91: {  	s19 =	sld [smem:$0x3FFB];
	_ =	sdelay $0x3  }
0x92: {  	_ =	strace s19  }
0x93: {  	s2 =	sld [smem:$0x3FFC];
	_ =	sdelay $0x3  }
0x94: {  	_ =	strace s2  }
0x95: {  	s2 =	sld [smem:$0x3FFD];
	_ =	sdelay $0x3  }
0x96: {  	_ =	strace s2  }
0x97: {  	_ =	strace $0x8FFFFFFF  }
0x98: {  	s20 =	sld [smem:$0x3FDB];
	_ =	sdelay $0x1  }
0x99: {  	s4 =	simm.s32 $_scs_section_size  }
0x9a: {  	s5 =	simm.s32 $_size__tile_overlayer_lowered;
	s6 =	simm.s32 $_tile_overlayer_lowered  }
0x9b: {  	s7 =	simm.s32 $0x1BFF;
	s21 =	sshll.u32 s6, $0x1;
	s4 =	sadd.s32 s4, s20  }
0x9c: {  	s22 =	simm.s32 $0x0;
	s5 =	sshll.u32 s5, $0x1;
	s6 =	sadd.s32 s21, s4  }
0x9d: {  	[timem:s22], [sflag:s7] =	dma.local [hbm:s6], s5  }
0x9e: {  	_ =	swait.ge [sflag:s7], s5  }
0x9f: {  	s5 =	ssub.s32 $0x0, s5;
	[sflag:s7] =	ssyncset.done $0x0  }
0xa0: {  	[sflag:s7] =	ssyncadd.s32 s5;
	_ =	sdelay $0x1  }
0xa1: {  	s23 =	simm.s32 $0x1B8B  }
0xa2: {  	_ =	swait.ge [sflag:s23], $0x1  }
0xa3: {  	[sflag:s23] =	ssyncset.done $0x0  }
0xa4: {  	[sflag:s23] =	ssyncadd.s32 $0xFFFFFFFF  }
0xa5: {  	s5 =	sld [smem:$0x0]  }
0xa6: {  	s6 =	sand.u32 $0xFFFFFFFE, s1  }
0xa7: {  	p0 =	sne.s32 s1, s6  }
0xa8: {  	s6 =	sshll.u32 @p0 s6, $0xE  }
0xa9: {  	s6 =	sadd.s32 @p0 $0x11B8D, s6;
	s7 =	sshll.u32 @p0 s5, $0x11  }
0xaa: {  	s6 =	sor.u32 @p0 s7, s6  }
0xab: {  	[sflag:s6] =	ssyncadd.remote.s32 @p0 $0x1;
	_ =	sdelay $0x1  }
0xac: {  	s6 =	simm.s32 @p0 $0x1B8D  }
0xad: {  	_ =	swait.eq @p0 [sflag:s6], $0x1  }
0xae: {  	[sflag:s6] =	ssyncadd.s32 @p0 $0xFFFFFFFF  }
0xaf: {  	s7 =	sshll.u32 @!p0 s1, $0xE  }
0xb0: {  	s7 =	sor.u32 @!p0 $0x4000, s7;
	s6 =	simm.s32 @!p0 $0x1B8D  }
0xb1: {  	s5 =	sshll.u32 @!p0 s5, $0x11;
	s7 =	sadd.s32 @!p0 $0x11B8D, s7;
	_ =	swait.eq @!p0 [sflag:s6], $0x1  }
0xb2: {  	s5 =	sor.u32 @!p0 s5, s7;
	[sflag:s6] =	ssyncadd.s32 @!p0 $0xFFFFFFFF  }
0xb3: {  	s25 =	simm.s32 $0x1B8E;
	s24 =	sld [smem:$0x3FFE];
	[sflag:s5] =	ssyncadd.remote.s32 @!p0 $0x1  }
0xb4: {  	s26 =	simm.s32 $execute0_lowered;
	[smem:$0x3FD2] =	sst s25  }
0xb5: {  	s6 =	sshll.u32 s26, $0x1;
	_ =	strace $0x8000004C;
	[dreg:$0x1] =	wrdreg $0xFFFFFFFF  }
0xb6: {  	s28 =	simm.s32 $_size_execute0_lowered;
	s4 =	sadd.s32 s4, s6;
	[dreg:$0x0] =	wrdreg $0x0  }
0xb7: {  	s6 =	sshll.u32 s28, $0x1;
	[dreg:$0x2] =	wrdreg s4  }
0xb8: {  	[dreg:$0x3] =	wrdreg s6  }
0xb9: {  	[dreg:$0x4] =	wrdreg $0xC0  }
0xba: {  	_ =	task [dreg:s22], $0x5FFFF  }
0xbb: {  	[dreg:$0x1] =	wrdreg $0xFFFFFFFF  }
0xbc: {  	[dreg:$0x0] =	wrdreg $0x60  }
0xbd: {  	[dreg:$0x2] =	wrdreg s24  }
0xbe: {  	[dreg:$0x3] =	wrdreg s18  }
0xbf: {  	[dreg:$0x4] =	wrdreg $0x0  }
0xc0: {  	[dreg:$0x5] =	wrdreg $0x9  }
0xc1: {  	_ =	task.clear_ibuf [dreg:s22], $0x6FFFF;
	_ =	strace $0x9000004C  }
0xc2: {  	s29 =	simm.s32 $0x9;
	_ =	strace $0x8000004E  }
0xc3: {  	_ =	swait.ge [sflag:s29], $0x1  }
0xc4: {  	[sflag:s29] =	ssyncadd.s32 $0xFFFFFFFF  }
0xc5: {  	_ =	strace $0x9000004E  }
0xc6: {  	_ =	sfence  }
0xc7: {  	s30 =	sld [smem:$0x0];
	_ =	sdelay $0x2  }
0xc8: {  	s31 =	sshll.u32 s1, $0xD;
	s1 =	sshrl.u32 s1, $0x2  }
0xc9: {  	s4 =	sand.u32 $0x4000, s31;
	s1 =	sadd.s32 s1, s30  }
0xca: {  	s0 =	sor.u32 s4, s0;
	s1 =	sshll.u32 s1, $0x11  }
0xcb: {  	s0 =	sor.u32 s1, s0  }
0xcc: {  	s0 =	sadd.s32 $0x8F2B, s0  }
0xcd: {  	[sflag:s0] =	ssyncadd.remote.s32 $0x1  }
0xce: {  	_ =	sfence.sel $0xFFFF  }
0xcf: {  	[dreg:$0x0] =	wrdreg $0xFFFFFFFF;
	(pc) =	sbr.abs _section_cstart, $3  }
0xd0: {  	[dreg:$0x1] =	wrdreg $0xFFFFFFFF  }
0xd1: {  	_ =	task.clear_ibuf [dreg:s22], $0x2FFFF;
	_ =	strace $0x9FFFFFFF  }
0xd2: {  	(tm) =	ssettm $0x7FFFFFFF  }
0xd3: {  	_ =	shalt  }
tec
execute0_lowered:
.L_overlay_start_1:
0x0: {  	(tag) =	ssettag $0x1  }
0x1: {  	s9 =	rddreg [dreg:$0x0]  }
0x2: {  	s1 =	rddreg [dreg:$0x1]  }
0x3: {  	s2 =	rddreg [dreg:$0x2]  }
0x4: {  	s3 =	srdreg.scid;
	s0 =	rddreg [dreg:$0x3]  }
0x5: {  	s4 =	simm.s32 $0x0;
	s14 =	simm.s32 $0x2;
	s15 =	simm.s32 $0x14000  }
0x6: {  	s16 =	simm.s32 $0x14080;
	s17 =	simm.s32 $0x80;
	s18 =	simm.s32 $0x18100  }
0x7: {  	s19 =	simm.s32 $0x14100;
	s20 =	simm.s32 $0x1;
	s25 =	simm.s32 $0x0  }
0x8: {  	s10 =	sand.u32 $0x1, s3;
	s3 =	stileid.u32;
	[smem:$0x7FF] =	sst s4  }
0x9: {  	s5 =	sadd.s32 $0x7E00, s9;
	s6 =	sadd.s32 $0xD200, s9;
	s8 =	smul.u32 $0x140000, s10  }
0xa: {  	s7 =	sadd.s32 $0x63600, s9;
	s11 =	smul.u32 $0x14000, s3;
	_ =	strace $0x8000004D  }
0xb: {  	s12 =	ssub.s32 $0x2, s10;
	s13 =	smul.u32 $0x50000, s3;
	s30 =	sshll.u32 s3, $0x1  }
0xc: {  	s31 =	sshll.u32 s3, $0x6;
	s29 =	sshrl.u32 s12, $0x1;
	s10 =	sor.u32 s10, s30  }
0xd: {  	s8 =	sadd.s32 s11, s8;
	s12 =	ssub.s32 s12, s29;
	s13 =	sshrl.u32 s13, $0x2  }
0xe: {  	s10 =	smul.u32 $0x2A, s10;
	s11 =	sshrl.u32 s8, $0x3;
	s8 =	sadd.s32 $0x37B600, s9  }
0xf: {  	v0 =	vimm.s32 $0x0;
	s13 =	sadd.s32 s13, s2;
	s12 =	smax.u32 s12, $0x1;
	s11 =	sadd.s32 s11, s9  }
0x10: {  	v1 =	vimm.s32 $0x1;
	v2 =	vimm.s32 $0x2;
	v3 =	vimm.s32 $0x3;
	s9 =	sor.u32 $0x1C02, s31;
	s13 =	sshrl.u32 s13, $0x3;
	s11 =	sadd.s32 $0x3F3600, s11  }
.LBB2_1:
0x11: {  	[spmem:s13], [sflag:s9] =	dma.local [hbm:s1], $0x2800  }
0x12: {  	_ =	swait.ge [sflag:s14], $0x2800  }
0x13: {  	[sflag:s14] =	ssyncset.done $0x0  }
0x14: {  	[sflag:s14] =	ssyncadd.s32 $0xFFFFD800  }
0x15: {  	s21 =	simm.s32 $0x0;
	[bflag:$0x0] =	sbarrier.arrive $0xFFFF  }
.LBB2_2:
0x16: {  	s22 =	sadd.s32 s10, s21  }
0x17: {  	s23 =	sshll.u32 s22, $0x4  }
0x18: {  	s24 =	sadd.s32 s5, s23  }
0x19: {  	[tilespmem:s15], [sflag:$0x2] =	stream.linear.gather [hbm4b:s24+s25], $0x80, $0x38;
	[tilespmem:$0x1C100] =	vst v63  }
0x1a: {  	_ =	swait.ge [sflag:s14], $0x80  }
0x1b: {  	[sflag:s14] =	ssyncset.done $0x0  }
0x1c: {  	s23 =	sadd.s32 s6, s23;
	[sflag:s14] =	ssyncadd.s32 $0xFFFFFF80  }
0x1d: {  	[tilespmem:s16], [sflag:$0x2] =	stream.linear.gather [hbm4b:s23+s25], $0x80, $0x38;
	[tilespmem:$0x1C100] =	vst v63  }
0x1e: {  	_ =	swait.ge [sflag:s14], $0x80  }
0x1f: {  	[sflag:s14] =	ssyncset.done $0x0  }
0x20: {  	s22 =	sshll.u32 s22, $0xB;
	[sflag:s14] =	ssyncadd.s32 $0xFFFFFF80  }
0x21: {  	[tilespmem:s18], [sflag:$0x1] =	stream.indirect.gather [hbm4b:s8+s17], $0x80, s15, s17, $0xb8;
	[tilespmem:$0x1C100] =	vst v63  }
0x22: {  	s22 =	sadd.s32 s7, s22  }
0x23: {  	[tilespmem:s19], [sflag:$0x2] =	stream.linear.gather [hbm4b:s22+s25], $0x4000, $0x38;
	[tilespmem:$0x1C100] =	vst v63  }
0x24: {  	_ =	swait.ge [sflag:s14], $0x4000  }
0x25: {  	[sflag:s14] =	ssyncset.done $0x0  }
0x26: {  	[sflag:s14] =	ssyncadd.s32 $0xFFFFC000  }
0x27: {  	_ =	swait.ge [sflag:s20], $0x4000  }
0x28: {  	[sflag:s20] =	ssyncset.done $0x0  }
0x29: {  	s22 =	simm.s32 $0x0;
	[sflag:s20] =	ssyncadd.s32 $0xFFFFC000  }
0x2a: {  	v4 =	vld [tilespmem:s22+$0x14100]  }
0x2b: {  	v8 =	vld [tilespmem:s22+$0x18100]  }
0x2c: {  	v12 =	vld [tilespmem:s22+$0x18110]  }
0x2d: {  	v6 =	vld [tilespmem:s22+$0x18120]  }
0x2e: {  	v7 =	vld [tilespmem:s22+$0x18130]  }
0x2f: {  	v9 =	vld [tilespmem:s22+$0x18140];
	v14 =	vperm.xlane v4, v0  }
0x30: {  	v10 =	vld [tilespmem:s22+$0x18150];
	v5 =	vperm.xlane v4, v2;
	v11 =	vperm.xlane v4, v1  }
0x31: {  	s23 =	simm.s32 $0x200;
	v13 =	vmul.f32 v8, v14;
	v12 =	vmul.f32 v12, v14;
	v8 =	vld [tilespmem:s22+$0x18160]  }
.LBB2_3:
0x32: {  	s24 =	sshra.s32 s23, $0x2;
	p0 =	sne.s32 s23, $0xFE00;
	s23 =	sadd.s32 $0x200, s23;
	v14 =	vld [tilespmem:s22+$0x18170]  }
0x33: {  	v6 =	vmul.f32 v6, v11;
	v15 =	vld [tilespmem:s24+$0x14100];
	[tilespmem:s22+$0x18100] =	vst v13;
	v7 =	vmul.f32 v7, v11  }
0x34: {  	v13 =	vld [tilespmem:s24+$0x18100];
	[tilespmem:s22+$0x18110] =	vst v12;
	v9 =	vmul.f32 v9, v5  }
0x35: {  	v11 =	vperm.xlane v4, v3;
	v12 =	vld [tilespmem:s24+$0x18110];
	[tilespmem:s22+$0x18120] =	vst v6;
	v10 =	vmul.f32 v10, v5  }
.Ltmp0:
0x36: {  	v6 =	vld [tilespmem:s24+$0x18120];
	[tilespmem:s22+$0x18130] =	vst v7;
	(pc) =	sbr.rel @p0 .LBB2_3-.Ltmp0, $4  }
0x37: {  	v8 =	vmul.f32 v8, v11;
	v7 =	vld [tilespmem:s24+$0x18130];
	[tilespmem:s22+$0x18140] =	vst v9;
	v14 =	vmul.f32 v14, v11  }
0x38: {  	v16 =	vperm.xlane v15, v0;
	v5 =	vperm.xlane v15, v2;
	v9 =	vld [tilespmem:s24+$0x18140];
	[tilespmem:s22+$0x18150] =	vst v10;
	v4 =	vmov v15  }
0x39: {  	v11 =	vperm.xlane v4, v1;
	v10 =	vld [tilespmem:s24+$0x18150];
	[tilespmem:s22+$0x18160] =	vst v8  }
0x3a: {  	v13 =	vmul.f32 v13, v16;
	v12 =	vmul.f32 v12, v16;
	v8 =	vld [tilespmem:s24+$0x18160];
	[tilespmem:s22+$0x18170] =	vst v14;
	s22 =	smov.u32 s24  }
0x3b: {  	_ = 	snop  }
0x3c: {  	v14 =	vld [tilespmem:s22+$0x18170];
	v6 =	vmul.f32 v6, v11;
	[tilespmem:s22+$0x18100] =	vst v13  }
0x3d: {  	v7 =	vmul.f32 v7, v11;
	[tilespmem:s22+$0x18110] =	vst v12  }
0x3e: {  	v4 =	vperm.xlane v4, v3;
	v9 =	vmul.f32 v9, v5;
	[tilespmem:s22+$0x18120] =	vst v6  }
0x3f: {  	v5 =	vmul.f32 v10, v5;
	[tilespmem:s22+$0x18130] =	vst v7  }
0x40: {  	[tilespmem:s22+$0x18140] =	vst v9;
	v63 =	vmul.f32 v8, v4  }
0x41: {  	s21 =	sadd.s32 $0x1, s21;
	v4 =	vmul.f32 v14, v4;
	[tilespmem:s22+$0x18150] =	vst v5  }
0x42: {  	p0 =	sne.s32 s21, $0x2A;
	[tilespmem:s22+$0x18160] =	vst v63  }
.Ltmp1:
0x43: {  	[tilespmem:s22+$0x18170] =	vst v4;
	(pc) =	sbr.rel @p0 .LBB2_2-.Ltmp1, $4  }
0x44: {  	[spmem:s2] =	stream.indirect.scatter.add.f32 [tilespmem:s18], [sflag:$0x2], $0x80, s16, s17, $0xb8;
	[tilespmem:$0x1C100] =	vst v63  }
0x45: {  	_ =	swait.ge [sflag:s14], $0x4000  }
0x46: {  	[sflag:s14] =	ssyncset.done $0x0  }
0x47: {  	[sflag:s14] =	ssyncadd.s32 $0xFFFFC000  }
0x48: {  	s4 =	sadd.s32 $0x1, s4  }
0x49: {  	p0 =	sne.s32 s4, s12  }
.Ltmp2:
0x4a: {  	[bflag:$0x0] =	sbarrier.arrive $0xFFFF;
	(pc) =	sbr.rel @p0 .LBB2_1-.Ltmp2, $4  }
0x4b: {  	[hbm:s11], [sflag:s9] =	dma.local [spmem:s13], $0x2800  }
0x4c: {  	_ =	swait.ge [sflag:s14], $0x2800  }
0x4d: {  	[sflag:s14] =	ssyncset.done $0x0  }
0x4e: {  	[sflag:s14] =	ssyncadd.s32 $0xFFFFD800  }
0x4f: {  	_ =	sfence.sel $0x180000  }
0x50: {  	[bflag:$0x0] =	sbarrier.arrive $0xFFFF  }
0x51: {  	p0 =	sne.s32 s3, $0x0;
	_ =	strace $0x9000004D  }
0x52: {  	s0 =	sadd.s32 @!p0 $0x100000, s0;
	[bflag:$0x2] =	sbarrier.arrive $0xFFFF  }
0x53: {  	[sflag:s0] =	ssyncadd.tile.s32 @!p0 $0x1;
	_ =	shalt  }
.Lfunc_end2:
_tile_overlayer_lowered:
.L_overlay_start_2:
0x54: {  	(tag) =	ssettag $0x2  }
0x55: {  	s0 =	rddreg [dreg:$0x0];
	s2 =	stileid.u32  }
0x56: {  	s1 =	rddreg [dreg:$0x1];
	p0 =	sne.s32 s2, $0x0  }
0x57: {  	s3 =	rddreg [dreg:$0x2];
	[bflag:$0x3] =	sbarrier.arrive $0xFFFF;
	s2 =	simm.s32 @!p0 $0x1C02  }
0x58: {  	[timem:s3], [sflag:s2] =	dma.local @!p0 [hbm:s0], s1  }
0x59: {  	s0 =	simm.s32 @!p0 $0x2  }
0x5a: {  	_ =	swait.ge @!p0 [sflag:s0], s1  }
0x5b: {  	s1 =	ssub.s32 @!p0 $0x0, s1;
	[sflag:s0] =	ssyncset.done @!p0 $0x0  }
0x5c: {  	[sflag:s0] =	ssyncadd.s32 @!p0 s1  }
0x5d: {  	[bflag:$0x3] =	sbarrier.arrive $0xFFFF  }
0x5e: {  	_ =	shalt  }

// kernel: kernel.27.cloned.1.call-start
scs
__scs_entry_jumppad:
0x0: {  	(pc) =	sbr.rel $0x88, $3  }
0x1: {  	(tag) =	ssettag $0x0;
	lr =	simm.s32 $0x1  }
0x2: {  	[smem:$0x3F8D] =	sst lr;
	_ =	strace $0xD0000000  }
0x3: {  	_ = 	snop  }
0x4: {  	_ = 	snop  }
0x5: {  	_ = 	snop  }
0x6: {  	_ = 	snop  }
0x7: {  	_ = 	snop  }
__scs_overlays_trampoline_lowered:
0x8: {  	[smem:$0x3F9C] =	sst s0  }
0x9: {  	[smem:$0x3F9D] =	sst s1  }
0xa: {  	[smem:$0x3F9E] =	sst s2  }
0xb: {  	[smem:$0x3F9F] =	sst s3  }
0xc: {  	[smem:$0x3FA0] =	sst s4  }
0xd: {  	[smem:$0x3FA1] =	sst s5  }
0xe: {  	[smem:$0x3FA2] =	sst s6  }
0xf: {  	[smem:$0x3FA3] =	sst s7  }
0x10: {  	[smem:$0x3FA4] =	sst s8  }
0x11: {  	[smem:$0x3FA5] =	sst s9;
	s0 =	simm.s32 @!p0 $0x0  }
0x12: {  	s1 =	sld [smem:$0x3F8B];
	s0 =	simm.s32 @p0 $0x1  }
0x13: {  	[smem:$0x3FA6] =	sst s0;
	s0 =	simm.s32 @!p1 $0x0  }
0x14: {  	s2 =	sld [smem:$0x3F8A];
	s0 =	simm.s32 @p1 $0x1  }
0x15: {  	[smem:$0x3FA7] =	sst s0;
	s0 =	simm.s32 @!p2 $0x0  }
0x16: {  	s3 =	sld [smem:$0x3FDB];
	s0 =	simm.s32 @p2 $0x1  }
0x17: {  	s4 =	simm.s32 $0x1BF5;
	[smem:$0x3FA9] =	sst s0  }
0x18: {  	s0 =	sld [smem:$0x3F8C];
	_ =	swait.ge [sflag:s4], $0x0  }
0x19: {  	s7 =	sld [smem:$0x3F8D]  }
0x1a: {  	s8 =	sadd.s32 $0xFFFFE003, lr  }
0x1b: {  	s9 =	sadd.s32 $0xFFFFFEF7, lr;
	s5 =	simm.s32 $0xFFFFFFFF;
	p2 =	slt.u32 s8, $0xFFFFF086  }
0x1c: {  	p1 =	slt.u32 s9, $0xF7A;
	s5 =	simm.s32 @!p2 $0x0  }
0x1d: {  	s5 =	simm.s32 @p1 $0x1;
	p0 =	seq.s32 s7, s2  }
0x1e: {  	s7 =	smul.u32 @!p0 $0xF7A, s2;
	p2 =	seq.s32 @!p0 s5, $0x0  }
0x1f: {  	s9 =	smul.u32 $0xF7A, s1;
	s8 =	simm.s32 @!p0 $0x1BF5;
	p2 =	por !p2, p0  }
0x20: {  	[sflag:s8] =	ssyncset.s32 @!p0 $0xFFFFF086;
	s6 =	sadd.s32 @!p0 s3, s7;
	s7 =	simm.s32 @!p0 $0x108  }
0x21: {  	s3 =	sadd.s32 s3, s9;
	s6 =	sadd.s32 @!p0 $0x88, s6;
	s7 =	simm.s32 @p2 $0x1082  }
0x22: {  	[simem:s7], [sflag:s8] =	dma.local @!p0 [hbm:s6], $0xF7A  }
0x23: {  	s9 =	sor.u32 $0xD0000000, s2;
	s6 =	simm.s32 $0x108;
	_ =	swait.ge @!p0 [sflag:s8], $0x0  }
0x24: {  	s3 =	sadd.s32 $0x88, s3;
	s6 =	simm.s32 @!p1 $0x1082;
	[sflag:s4] =	ssyncset.s32 $0xFFFFF086  }
0x25: {  	[simem:s6], [sflag:s4] =	dma.local [hbm:s3], $0xF7A  }
0x26: {  	[smem:$0x3F8D] =	sst s1;
	(tag) =	ssettag s2;
	_ =	strace s9  }
0x27: {  	s1 =	sld [smem:$0x3F9D]  }
0x28: {  	s2 =	sld [smem:$0x3F9E]  }
0x29: {  	s4 =	sld [smem:$0x3FA0]  }
0x2a: {  	p0 =	seq.s32 s5, $0x0;
	s5 =	sld [smem:$0x3FA1]  }
0x2b: {  	s6 =	sld [smem:$0x3FA2]  }
0x2c: {  	s7 =	sld [smem:$0x3FA3]  }
0x2d: {  	s3 =	simm.s32 $0x108;
	s8 =	sld [smem:$0x3FA4]  }
0x2e: {  	s3 =	simm.s32 @!p0 $0x1082;
	s9 =	sld [smem:$0x3FA5]  }
0x2f: {  	lr =	sadd.s32 s0, s3;
	s0 =	sld [smem:$0x3F9C]  }
0x30: {  	s3 =	sld [smem:$0x3F9F]  }
0x31: {  	[smem:$0x3FA8] =	sst s10  }
0x32: {  	s10 =	sld [smem:$0x3FA6];
	_ =	sdelay $0x3  }
0x33: {  	p0 =	seq.s32 s10, $0x1;
	s10 =	sld [smem:$0x3FA8];
	_ =	sdelay $0x3  }
0x34: {  	[smem:$0x3FA8] =	sst s10  }
0x35: {  	s10 =	sld [smem:$0x3FA7];
	_ =	sdelay $0x3  }
0x36: {  	p1 =	seq.s32 s10, $0x1;
	s10 =	sld [smem:$0x3FA8];
	_ =	sdelay $0x3  }
0x37: {  	[smem:$0x3FA8] =	sst s10  }
0x38: {  	s10 =	sld [smem:$0x3FA9]  }
0x39: {  	_ = 	snop;
	(pc) =	sbr.ind lr, $3  }
0x3a: {  	_ = 	snop  }
0x3b: {  	_ = 	snop  }
0x3c: {  	p2 =	seq.s32 s10, $0x1;
	s10 =	sld [smem:$0x3FA8]  }
0x3d: {  	_ =	shalt  }
0x3e: {  	_ =	shalt  }
0x3f: {  	_ =	shalt  }
0x40: {  	_ =	shalt  }
0x41: {  	_ =	shalt  }
0x42: {  	_ =	shalt  }
0x43: {  	_ =	shalt  }
0x44: {  	_ =	shalt  }
0x45: {  	_ =	shalt  }
0x46: {  	_ =	shalt  }
0x47: {  	_ =	shalt  }
0x48: {  	_ =	shalt  }
0x49: {  	_ =	shalt  }
0x4a: {  	_ =	shalt  }
0x4b: {  	_ =	shalt  }
0x4c: {  	_ =	shalt  }
0x4d: {  	_ =	shalt  }
0x4e: {  	_ =	shalt  }
0x4f: {  	_ =	shalt  }
0x50: {  	_ =	shalt  }
0x51: {  	_ =	shalt  }
0x52: {  	_ =	shalt  }
0x53: {  	_ =	shalt  }
0x54: {  	_ =	shalt  }
0x55: {  	_ =	shalt  }
0x56: {  	_ =	shalt  }
0x57: {  	_ =	shalt  }
0x58: {  	_ =	shalt  }
0x59: {  	_ =	shalt  }
0x5a: {  	_ =	shalt  }
0x5b: {  	_ =	shalt  }
0x5c: {  	_ =	shalt  }
0x5d: {  	_ =	shalt  }
0x5e: {  	_ =	shalt  }
0x5f: {  	_ =	shalt  }
0x60: {  	_ =	shalt  }
0x61: {  	_ =	shalt  }
0x62: {  	_ =	shalt  }
0x63: {  	_ =	shalt  }
0x64: {  	_ =	shalt  }
0x65: {  	_ =	shalt  }
0x66: {  	_ =	shalt  }
0x67: {  	_ =	shalt  }
0x68: {  	_ =	shalt  }
0x69: {  	_ =	shalt  }
0x6a: {  	_ =	shalt  }
0x6b: {  	_ =	shalt  }
0x6c: {  	_ =	shalt  }
0x6d: {  	_ =	shalt  }
0x6e: {  	_ =	shalt  }
0x6f: {  	_ =	shalt  }
0x70: {  	_ =	shalt  }
0x71: {  	_ =	shalt  }
0x72: {  	_ =	shalt  }
0x73: {  	_ =	shalt  }
0x74: {  	_ =	shalt  }
0x75: {  	_ =	shalt  }
0x76: {  	_ =	shalt  }
0x77: {  	_ =	shalt  }
0x78: {  	_ =	shalt  }
0x79: {  	_ =	shalt  }
0x7a: {  	_ =	shalt  }
0x7b: {  	_ =	shalt  }
0x7c: {  	_ =	shalt  }
0x7d: {  	_ =	shalt  }
0x7e: {  	_ =	shalt  }
0x7f: {  	_ =	shalt  }
0x80: {  	_ =	shalt  }
0x81: {  	_ =	shalt  }
0x82: {  	_ =	shalt  }
0x83: {  	_ =	shalt  }
0x84: {  	_ =	shalt  }
0x85: {  	_ =	shalt  }
0x86: {  	_ =	shalt  }
0x87: {  	_ =	shalt  }
.Lfunc_end0:
.L_simem_size_0:
called_computation.2_lowered:
.L_overlay_start_0:
0x88: {  	s2 =	sld [smem:$0x3FD9]  }
0x89: {  	s3 =	sld [smem:$0x3FFE];
	_ =	sdelay $0x1  }
0x8a: {  	s1 =	srdreg.scid  }
0x8b: {  	s0 =	sand.u32 $0x1, s1  }
0x8c: {  	s17 =	sshll.u32 s0, $0xA;
	s2 =	sadd.s32 s3, s2  }
0x8d: {  	s2 =	sadd.s32 s2, s17  }
0x8e: {  	[smem:$0x3FB4] =	sst s2  }
0x8f: {  	_ = 	snop  }
0x90: {  	s2 =	sld [smem:$0x3FD0];
	(tm) =	ssettm $0x1  }
0x91: {  	s18 =	sld [smem:$0x3FFB];
	_ =	sdelay $0x3  }
0x92: {  	_ =	strace s18  }
0x93: {  	s3 =	sld [smem:$0x3FFC];
	_ =	sdelay $0x3  }
0x94: {  	_ =	strace s3  }
0x95: {  	s3 =	sld [smem:$0x3FFD];
	_ =	sdelay $0x3  }
0x96: {  	_ =	strace s3  }
0x97: {  	_ =	strace $0x8FFFFFFF  }
0x98: {  	s19 =	sld [smem:$0x3FDB];
	_ =	sdelay $0x1  }
0x99: {  	s4 =	simm.s32 $_scs_section_size  }
0x9a: {  	s5 =	simm.s32 $_size__tile_overlayer_lowered;
	s6 =	simm.s32 $_tile_overlayer_lowered  }
0x9b: {  	s22 =	simm.s32 $0x1BFF;
	s21 =	sshll.u32 s6, $0x1;
	s3 =	sadd.s32 s4, s19  }
0x9c: {  	s7 =	simm.s32 $0x0;
	s20 =	sshll.u32 s5, $0x1;
	s5 =	sadd.s32 s21, s3  }
0x9d: {  	[timem:s7], [sflag:s22] =	dma.local [hbm:s5], s20  }
0x9e: {  	_ =	swait.ge [sflag:s22], s20  }
0x9f: {  	s4 =	ssub.s32 $0x0, s20;
	[sflag:s22] =	ssyncset.done $0x0  }
0xa0: {  	[sflag:s22] =	ssyncadd.s32 s4;
	_ =	sdelay $0x1  }
0xa1: {  	s23 =	simm.s32 $0x1B8B  }
0xa2: {  	_ =	swait.ge [sflag:s23], $0x1  }
0xa3: {  	[sflag:s23] =	ssyncset.done $0x0  }
0xa4: {  	s25 =	simm.s32 $0x1B8E;
	s24 =	sld [smem:$0x3FFE];
	[sflag:s23] =	ssyncadd.s32 $0xFFFFFFFF  }
0xa5: {  	s26 =	simm.s32 $execute0_lowered;
	[smem:$0x3FD2] =	sst s25  }
0xa6: {  	s5 =	sshll.u32 s26, $0x1;
	_ =	strace $0x80000049;
	[dreg:$0x1] =	wrdreg $0xFFFFFFFF  }
0xa7: {  	s28 =	simm.s32 $_size_execute0_lowered;
	s3 =	sadd.s32 s3, s5;
	[dreg:$0x0] =	wrdreg $0x0  }
0xa8: {  	s5 =	sshll.u32 s28, $0x1;
	[dreg:$0x2] =	wrdreg s3  }
0xa9: {  	[dreg:$0x3] =	wrdreg s5  }
0xaa: {  	[dreg:$0x4] =	wrdreg $0xC0  }
0xab: {  	_ =	task [dreg:s7], $0x5FFFF  }
0xac: {  	[dreg:$0x1] =	wrdreg $0xFFFFFFFF  }
0xad: {  	[dreg:$0x0] =	wrdreg $0x60  }
0xae: {  	[dreg:$0x2] =	wrdreg s24  }
0xaf: {  	[dreg:$0x3] =	wrdreg s2  }
0xb0: {  	[dreg:$0x4] =	wrdreg $0x0  }
0xb1: {  	[dreg:$0x5] =	wrdreg $0xA  }
0xb2: {  	_ =	task.clear_ibuf [dreg:s7], $0x6FFFF;
	_ =	strace $0x90000049  }
0xb3: {  	s29 =	simm.s32 $0xA;
	_ =	strace $0x8000004B  }
0xb4: {  	_ =	swait.ge [sflag:s29], $0x1  }
0xb5: {  	[sflag:s29] =	ssyncadd.s32 $0xFFFFFFFF  }
0xb6: {  	_ =	strace $0x9000004B  }
0xb7: {  	_ =	sfence  }
0xb8: {  	s30 =	sld [smem:$0x0];
	_ =	sdelay $0x2  }
0xb9: {  	s31 =	sshll.u32 s1, $0xD;
	s1 =	sshrl.u32 s1, $0x2  }
0xba: {  	s3 =	sand.u32 $0x4000, s31;
	s1 =	sadd.s32 s1, s30  }
0xbb: {  	s0 =	sor.u32 s3, s0;
	s1 =	sshll.u32 s1, $0x11  }
0xbc: {  	s0 =	sor.u32 s1, s0  }
0xbd: {  	s0 =	sadd.s32 $0x8F2B, s0  }
0xbe: {  	[sflag:s0] =	ssyncadd.remote.s32 $0x1  }
0xbf: {  	_ =	sfence.sel $0xFFFF  }
0xc0: {  	[dreg:$0x0] =	wrdreg $0xFFFFFFFF;
	(pc) =	sbr.abs _section_cstart, $3  }
0xc1: {  	[dreg:$0x1] =	wrdreg $0xFFFFFFFF  }
0xc2: {  	_ =	task.clear_ibuf [dreg:s7], $0x2FFFF;
	_ =	strace $0x9FFFFFFF  }
0xc3: {  	(tm) =	ssettm $0x7FFFFFFF  }
tec
execute0_lowered:
.L_overlay_start_1:
0x0: {  	(tag) =	ssettag $0x1  }
0x1: {  	s9 =	rddreg [dreg:$0x0]  }
0x2: {  	s1 =	rddreg [dreg:$0x1]  }
0x3: {  	s2 =	rddreg [dreg:$0x2]  }
0x4: {  	s3 =	srdreg.scid;
	s0 =	rddreg [dreg:$0x3]  }
0x5: {  	s4 =	simm.s32 $0x0;
	s14 =	simm.s32 $0x2;
	s15 =	simm.s32 $0x14000  }
0x6: {  	s16 =	simm.s32 $0x14080;
	s17 =	simm.s32 $0x80;
	s18 =	simm.s32 $0x18100  }
0x7: {  	s19 =	simm.s32 $0x14100;
	s20 =	simm.s32 $0x1;
	s25 =	simm.s32 $0x0  }
0x8: {  	s10 =	sand.u32 $0x1, s3;
	s3 =	stileid.u32;
	[smem:$0x7FF] =	sst s4  }
0x9: {  	s5 =	sadd.s32 $0x7E00, s9;
	s6 =	sadd.s32 $0xD200, s9;
	s8 =	smul.u32 $0x140000, s10  }
0xa: {  	s7 =	sadd.s32 $0x63600, s9;
	s11 =	smul.u32 $0x14000, s3;
	_ =	strace $0x8000004A  }
0xb: {  	s12 =	ssub.s32 $0x2, s10;
	s13 =	smul.u32 $0x50000, s3;
	s30 =	sshll.u32 s3, $0x1  }
0xc: {  	s31 =	sshll.u32 s3, $0x6;
	s29 =	sshrl.u32 s12, $0x1;
	s10 =	sor.u32 s10, s30  }
0xd: {  	s8 =	sadd.s32 s11, s8;
	s12 =	ssub.s32 s12, s29;
	s13 =	sshrl.u32 s13, $0x2  }
0xe: {  	s10 =	smul.u32 $0x2A, s10;
	s11 =	sshrl.u32 s8, $0x3;
	s8 =	sadd.s32 $0x353600, s9  }
0xf: {  	v0 =	vimm.s32 $0x0;
	s13 =	sadd.s32 s13, s2;
	s12 =	smax.u32 s12, $0x1;
	s11 =	sadd.s32 s11, s9  }
0x10: {  	v1 =	vimm.s32 $0x1;
	v2 =	vimm.s32 $0x2;
	v3 =	vimm.s32 $0x3;
	s9 =	sor.u32 $0x1C02, s31;
	s13 =	sshrl.u32 s13, $0x3;
	s11 =	sadd.s32 $0x3A3600, s11  }
.LBB2_1:
0x11: {  	[spmem:s13], [sflag:s9] =	dma.local [hbm:s1], $0x2800  }
0x12: {  	_ =	swait.ge [sflag:s14], $0x2800  }
0x13: {  	[sflag:s14] =	ssyncset.done $0x0  }
0x14: {  	[sflag:s14] =	ssyncadd.s32 $0xFFFFD800  }
0x15: {  	s21 =	simm.s32 $0x0;
	[bflag:$0x0] =	sbarrier.arrive $0xFFFF  }
.LBB2_2:
0x16: {  	s22 =	sadd.s32 s10, s21  }
0x17: {  	s23 =	sshll.u32 s22, $0x4  }
0x18: {  	s24 =	sadd.s32 s5, s23  }
0x19: {  	[tilespmem:s15], [sflag:$0x2] =	stream.linear.gather [hbm4b:s24+s25], $0x80, $0x38;
	[tilespmem:$0x1C100] =	vst v63  }
0x1a: {  	_ =	swait.ge [sflag:s14], $0x80  }
0x1b: {  	[sflag:s14] =	ssyncset.done $0x0  }
0x1c: {  	s23 =	sadd.s32 s6, s23;
	[sflag:s14] =	ssyncadd.s32 $0xFFFFFF80  }
0x1d: {  	[tilespmem:s16], [sflag:$0x2] =	stream.linear.gather [hbm4b:s23+s25], $0x80, $0x38;
	[tilespmem:$0x1C100] =	vst v63  }
0x1e: {  	_ =	swait.ge [sflag:s14], $0x80  }
0x1f: {  	[sflag:s14] =	ssyncset.done $0x0  }
0x20: {  	s22 =	sshll.u32 s22, $0xB;
	[sflag:s14] =	ssyncadd.s32 $0xFFFFFF80  }
0x21: {  	[tilespmem:s18], [sflag:$0x1] =	stream.indirect.gather [hbm4b:s8+s17], $0x80, s15, s17, $0xb8;
	[tilespmem:$0x1C100] =	vst v63  }
0x22: {  	s22 =	sadd.s32 s7, s22  }
0x23: {  	[tilespmem:s19], [sflag:$0x2] =	stream.linear.gather [hbm4b:s22+s25], $0x4000, $0x38;
	[tilespmem:$0x1C100] =	vst v63  }
0x24: {  	_ =	swait.ge [sflag:s14], $0x4000  }
0x25: {  	[sflag:s14] =	ssyncset.done $0x0  }
0x26: {  	[sflag:s14] =	ssyncadd.s32 $0xFFFFC000  }
0x27: {  	_ =	swait.ge [sflag:s20], $0x4000  }
0x28: {  	[sflag:s20] =	ssyncset.done $0x0  }
0x29: {  	s22 =	simm.s32 $0x0;
	[sflag:s20] =	ssyncadd.s32 $0xFFFFC000  }
0x2a: {  	v4 =	vld [tilespmem:s22+$0x14100]  }
0x2b: {  	v8 =	vld [tilespmem:s22+$0x18100]  }
0x2c: {  	v12 =	vld [tilespmem:s22+$0x18110]  }
0x2d: {  	v6 =	vld [tilespmem:s22+$0x18120]  }
0x2e: {  	v7 =	vld [tilespmem:s22+$0x18130]  }
0x2f: {  	v9 =	vld [tilespmem:s22+$0x18140];
	v14 =	vperm.xlane v4, v0  }
0x30: {  	v10 =	vld [tilespmem:s22+$0x18150];
	v5 =	vperm.xlane v4, v2;
	v11 =	vperm.xlane v4, v1  }
0x31: {  	s23 =	simm.s32 $0x200;
	v13 =	vmul.f32 v8, v14;
	v12 =	vmul.f32 v12, v14;
	v8 =	vld [tilespmem:s22+$0x18160]  }
.LBB2_3:
0x32: {  	s24 =	sshra.s32 s23, $0x2;
	p0 =	sne.s32 s23, $0xFE00;
	s23 =	sadd.s32 $0x200, s23;
	v14 =	vld [tilespmem:s22+$0x18170]  }
0x33: {  	v6 =	vmul.f32 v6, v11;
	v15 =	vld [tilespmem:s24+$0x14100];
	[tilespmem:s22+$0x18100] =	vst v13;
	v7 =	vmul.f32 v7, v11  }
0x34: {  	v13 =	vld [tilespmem:s24+$0x18100];
	[tilespmem:s22+$0x18110] =	vst v12;
	v9 =	vmul.f32 v9, v5  }
0x35: {  	v11 =	vperm.xlane v4, v3;
	v12 =	vld [tilespmem:s24+$0x18110];
	[tilespmem:s22+$0x18120] =	vst v6;
	v10 =	vmul.f32 v10, v5  }
.Ltmp0:
0x36: {  	v6 =	vld [tilespmem:s24+$0x18120];
	[tilespmem:s22+$0x18130] =	vst v7;
	(pc) =	sbr.rel @p0 .LBB2_3-.Ltmp0, $4  }
0x37: {  	v8 =	vmul.f32 v8, v11;
	v7 =	vld [tilespmem:s24+$0x18130];
	[tilespmem:s22+$0x18140] =	vst v9;
	v14 =	vmul.f32 v14, v11  }
0x38: {  	v16 =	vperm.xlane v15, v0;
	v5 =	vperm.xlane v15, v2;
	v9 =	vld [tilespmem:s24+$0x18140];
	[tilespmem:s22+$0x18150] =	vst v10;
	v4 =	vmov v15  }
0x39: {  	v11 =	vperm.xlane v4, v1;
	v10 =	vld [tilespmem:s24+$0x18150];
	[tilespmem:s22+$0x18160] =	vst v8  }
0x3a: {  	v13 =	vmul.f32 v13, v16;
	v12 =	vmul.f32 v12, v16;
	v8 =	vld [tilespmem:s24+$0x18160];
	[tilespmem:s22+$0x18170] =	vst v14;
	s22 =	smov.u32 s24  }
0x3b: {  	_ = 	snop  }
0x3c: {  	v14 =	vld [tilespmem:s22+$0x18170];
	v6 =	vmul.f32 v6, v11;
	[tilespmem:s22+$0x18100] =	vst v13  }
0x3d: {  	v7 =	vmul.f32 v7, v11;
	[tilespmem:s22+$0x18110] =	vst v12  }
0x3e: {  	v4 =	vperm.xlane v4, v3;
	v9 =	vmul.f32 v9, v5;
	[tilespmem:s22+$0x18120] =	vst v6  }
0x3f: {  	v5 =	vmul.f32 v10, v5;
	[tilespmem:s22+$0x18130] =	vst v7  }
0x40: {  	[tilespmem:s22+$0x18140] =	vst v9;
	v63 =	vmul.f32 v8, v4  }
0x41: {  	s21 =	sadd.s32 $0x1, s21;
	v4 =	vmul.f32 v14, v4;
	[tilespmem:s22+$0x18150] =	vst v5  }
0x42: {  	p0 =	sne.s32 s21, $0x2A;
	[tilespmem:s22+$0x18160] =	vst v63  }
.Ltmp1:
0x43: {  	[tilespmem:s22+$0x18170] =	vst v4;
	(pc) =	sbr.rel @p0 .LBB2_2-.Ltmp1, $4  }
0x44: {  	[spmem:s2] =	stream.indirect.scatter.add.f32 [tilespmem:s18], [sflag:$0x2], $0x80, s16, s17, $0xb8;
	[tilespmem:$0x1C100] =	vst v63  }
0x45: {  	_ =	swait.ge [sflag:s14], $0x4000  }
0x46: {  	[sflag:s14] =	ssyncset.done $0x0  }
0x47: {  	[sflag:s14] =	ssyncadd.s32 $0xFFFFC000  }
0x48: {  	s4 =	sadd.s32 $0x1, s4  }
0x49: {  	p0 =	sne.s32 s4, s12  }
.Ltmp2:
0x4a: {  	[bflag:$0x0] =	sbarrier.arrive $0xFFFF;
	(pc) =	sbr.rel @p0 .LBB2_1-.Ltmp2, $4  }
0x4b: {  	[hbm:s11], [sflag:s9] =	dma.local [spmem:s13], $0x2800  }
0x4c: {  	_ =	swait.ge [sflag:s14], $0x2800  }
0x4d: {  	[sflag:s14] =	ssyncset.done $0x0  }
0x4e: {  	[sflag:s14] =	ssyncadd.s32 $0xFFFFD800  }
0x4f: {  	_ =	sfence.sel $0x180000  }
0x50: {  	[bflag:$0x0] =	sbarrier.arrive $0xFFFF  }
0x51: {  	p0 =	sne.s32 s3, $0x0;
	_ =	strace $0x9000004A  }
0x52: {  	s0 =	sadd.s32 @!p0 $0x100000, s0;
	[bflag:$0x2] =	sbarrier.arrive $0xFFFF  }
0x53: {  	[sflag:s0] =	ssyncadd.tile.s32 @!p0 $0x1;
	_ =	shalt  }
.Lfunc_end2:
_tile_overlayer_lowered:
.L_overlay_start_2:
0x54: {  	(tag) =	ssettag $0x2  }
0x55: {  	s0 =	rddreg [dreg:$0x0];
	s2 =	stileid.u32  }
0x56: {  	s1 =	rddreg [dreg:$0x1];
	p0 =	sne.s32 s2, $0x0  }
0x57: {  	s3 =	rddreg [dreg:$0x2];
	[bflag:$0x3] =	sbarrier.arrive $0xFFFF;
	s2 =	simm.s32 @!p0 $0x1C02  }
0x58: {  	[timem:s3], [sflag:s2] =	dma.local @!p0 [hbm:s0], s1  }
0x59: {  	s0 =	simm.s32 @!p0 $0x2  }
0x5a: {  	_ =	swait.ge @!p0 [sflag:s0], s1  }
0x5b: {  	s1 =	ssub.s32 @!p0 $0x0, s1;
	[sflag:s0] =	ssyncset.done @!p0 $0x0  }
0x5c: {  	[sflag:s0] =	ssyncadd.s32 @!p0 s1  }
0x5d: {  	[bflag:$0x3] =	sbarrier.arrive $0xFFFF  }
0x5e: {  	_ =	shalt  }

// kernel: kernel.30.cloned.1.call-start
scs
__scs_entry_jumppad:
0x0: {  	(pc) =	sbr.rel $0x88, $3  }
0x1: {  	(tag) =	ssettag $0x0;
	lr =	simm.s32 $0x1  }
0x2: {  	[smem:$0x3F8D] =	sst lr;
	_ =	strace $0xD0000000  }
0x3: {  	_ = 	snop  }
0x4: {  	_ = 	snop  }
0x5: {  	_ = 	snop  }
0x6: {  	_ = 	snop  }
0x7: {  	_ = 	snop  }
__scs_overlays_trampoline_lowered:
0x8: {  	[smem:$0x3F9C] =	sst s0  }
0x9: {  	[smem:$0x3F9D] =	sst s1  }
0xa: {  	[smem:$0x3F9E] =	sst s2  }
0xb: {  	[smem:$0x3F9F] =	sst s3  }
0xc: {  	[smem:$0x3FA0] =	sst s4  }
0xd: {  	[smem:$0x3FA1] =	sst s5  }
0xe: {  	[smem:$0x3FA2] =	sst s6  }
0xf: {  	[smem:$0x3FA3] =	sst s7  }
0x10: {  	[smem:$0x3FA4] =	sst s8  }
0x11: {  	[smem:$0x3FA5] =	sst s9;
	s0 =	simm.s32 @!p0 $0x0  }
0x12: {  	s1 =	sld [smem:$0x3F8B];
	s0 =	simm.s32 @p0 $0x1  }
0x13: {  	[smem:$0x3FA6] =	sst s0;
	s0 =	simm.s32 @!p1 $0x0  }
0x14: {  	s2 =	sld [smem:$0x3F8A];
	s0 =	simm.s32 @p1 $0x1  }
0x15: {  	[smem:$0x3FA7] =	sst s0;
	s0 =	simm.s32 @!p2 $0x0  }
0x16: {  	s3 =	sld [smem:$0x3FDB];
	s0 =	simm.s32 @p2 $0x1  }
0x17: {  	s4 =	simm.s32 $0x1BF5;
	[smem:$0x3FA9] =	sst s0  }
0x18: {  	s0 =	sld [smem:$0x3F8C];
	_ =	swait.ge [sflag:s4], $0x0  }
0x19: {  	s7 =	sld [smem:$0x3F8D]  }
0x1a: {  	s8 =	sadd.s32 $0xFFFFE003, lr  }
0x1b: {  	s9 =	sadd.s32 $0xFFFFFEF7, lr;
	s5 =	simm.s32 $0xFFFFFFFF;
	p2 =	slt.u32 s8, $0xFFFFF086  }
0x1c: {  	p1 =	slt.u32 s9, $0xF7A;
	s5 =	simm.s32 @!p2 $0x0  }
0x1d: {  	s5 =	simm.s32 @p1 $0x1;
	p0 =	seq.s32 s7, s2  }
0x1e: {  	s7 =	smul.u32 @!p0 $0xF7A, s2;
	p2 =	seq.s32 @!p0 s5, $0x0  }
0x1f: {  	s9 =	smul.u32 $0xF7A, s1;
	s8 =	simm.s32 @!p0 $0x1BF5;
	p2 =	por !p2, p0  }
0x20: {  	[sflag:s8] =	ssyncset.s32 @!p0 $0xFFFFF086;
	s6 =	sadd.s32 @!p0 s3, s7;
	s7 =	simm.s32 @!p0 $0x108  }
0x21: {  	s3 =	sadd.s32 s3, s9;
	s6 =	sadd.s32 @!p0 $0x88, s6;
	s7 =	simm.s32 @p2 $0x1082  }
0x22: {  	[simem:s7], [sflag:s8] =	dma.local @!p0 [hbm:s6], $0xF7A  }
0x23: {  	s9 =	sor.u32 $0xD0000000, s2;
	s6 =	simm.s32 $0x108;
	_ =	swait.ge @!p0 [sflag:s8], $0x0  }
0x24: {  	s3 =	sadd.s32 $0x88, s3;
	s6 =	simm.s32 @!p1 $0x1082;
	[sflag:s4] =	ssyncset.s32 $0xFFFFF086  }
0x25: {  	[simem:s6], [sflag:s4] =	dma.local [hbm:s3], $0xF7A  }
0x26: {  	[smem:$0x3F8D] =	sst s1;
	(tag) =	ssettag s2;
	_ =	strace s9  }
0x27: {  	s1 =	sld [smem:$0x3F9D]  }
0x28: {  	s2 =	sld [smem:$0x3F9E]  }
0x29: {  	s4 =	sld [smem:$0x3FA0]  }
0x2a: {  	p0 =	seq.s32 s5, $0x0;
	s5 =	sld [smem:$0x3FA1]  }
0x2b: {  	s6 =	sld [smem:$0x3FA2]  }
0x2c: {  	s7 =	sld [smem:$0x3FA3]  }
0x2d: {  	s3 =	simm.s32 $0x108;
	s8 =	sld [smem:$0x3FA4]  }
0x2e: {  	s3 =	simm.s32 @!p0 $0x1082;
	s9 =	sld [smem:$0x3FA5]  }
0x2f: {  	lr =	sadd.s32 s0, s3;
	s0 =	sld [smem:$0x3F9C]  }
0x30: {  	s3 =	sld [smem:$0x3F9F]  }
0x31: {  	[smem:$0x3FA8] =	sst s10  }
0x32: {  	s10 =	sld [smem:$0x3FA6];
	_ =	sdelay $0x3  }
0x33: {  	p0 =	seq.s32 s10, $0x1;
	s10 =	sld [smem:$0x3FA8];
	_ =	sdelay $0x3  }
0x34: {  	[smem:$0x3FA8] =	sst s10  }
0x35: {  	s10 =	sld [smem:$0x3FA7];
	_ =	sdelay $0x3  }
0x36: {  	p1 =	seq.s32 s10, $0x1;
	s10 =	sld [smem:$0x3FA8];
	_ =	sdelay $0x3  }
0x37: {  	[smem:$0x3FA8] =	sst s10  }
0x38: {  	s10 =	sld [smem:$0x3FA9]  }
0x39: {  	_ = 	snop;
	(pc) =	sbr.ind lr, $3  }
0x3a: {  	_ = 	snop  }
0x3b: {  	_ = 	snop  }
0x3c: {  	p2 =	seq.s32 s10, $0x1;
	s10 =	sld [smem:$0x3FA8]  }
0x3d: {  	_ =	shalt  }
0x3e: {  	_ =	shalt  }
0x3f: {  	_ =	shalt  }
0x40: {  	_ =	shalt  }
0x41: {  	_ =	shalt  }
0x42: {  	_ =	shalt  }
0x43: {  	_ =	shalt  }
0x44: {  	_ =	shalt  }
0x45: {  	_ =	shalt  }
0x46: {  	_ =	shalt  }
0x47: {  	_ =	shalt  }
0x48: {  	_ =	shalt  }
0x49: {  	_ =	shalt  }
0x4a: {  	_ =	shalt  }
0x4b: {  	_ =	shalt  }
0x4c: {  	_ =	shalt  }
0x4d: {  	_ =	shalt  }
0x4e: {  	_ =	shalt  }
0x4f: {  	_ =	shalt  }
0x50: {  	_ =	shalt  }
0x51: {  	_ =	shalt  }
0x52: {  	_ =	shalt  }
0x53: {  	_ =	shalt  }
0x54: {  	_ =	shalt  }
0x55: {  	_ =	shalt  }
0x56: {  	_ =	shalt  }
0x57: {  	_ =	shalt  }
0x58: {  	_ =	shalt  }
0x59: {  	_ =	shalt  }
0x5a: {  	_ =	shalt  }
0x5b: {  	_ =	shalt  }
0x5c: {  	_ =	shalt  }
0x5d: {  	_ =	shalt  }
0x5e: {  	_ =	shalt  }
0x5f: {  	_ =	shalt  }
0x60: {  	_ =	shalt  }
0x61: {  	_ =	shalt  }
0x62: {  	_ =	shalt  }
0x63: {  	_ =	shalt  }
0x64: {  	_ =	shalt  }
0x65: {  	_ =	shalt  }
0x66: {  	_ =	shalt  }
0x67: {  	_ =	shalt  }
0x68: {  	_ =	shalt  }
0x69: {  	_ =	shalt  }
0x6a: {  	_ =	shalt  }
0x6b: {  	_ =	shalt  }
0x6c: {  	_ =	shalt  }
0x6d: {  	_ =	shalt  }
0x6e: {  	_ =	shalt  }
0x6f: {  	_ =	shalt  }
0x70: {  	_ =	shalt  }
0x71: {  	_ =	shalt  }
0x72: {  	_ =	shalt  }
0x73: {  	_ =	shalt  }
0x74: {  	_ =	shalt  }
0x75: {  	_ =	shalt  }
0x76: {  	_ =	shalt  }
0x77: {  	_ =	shalt  }
0x78: {  	_ =	shalt  }
0x79: {  	_ =	shalt  }
0x7a: {  	_ =	shalt  }
0x7b: {  	_ =	shalt  }
0x7c: {  	_ =	shalt  }
0x7d: {  	_ =	shalt  }
0x7e: {  	_ =	shalt  }
0x7f: {  	_ =	shalt  }
0x80: {  	_ =	shalt  }
0x81: {  	_ =	shalt  }
0x82: {  	_ =	shalt  }
0x83: {  	_ =	shalt  }
0x84: {  	_ =	shalt  }
0x85: {  	_ =	shalt  }
0x86: {  	_ =	shalt  }
0x87: {  	_ =	shalt  }
.Lfunc_end0:
.L_simem_size_0:
called_computation.3_lowered:
.L_overlay_start_0:
0x88: {  	s2 =	sld [smem:$0x3FD9]  }
0x89: {  	s3 =	sld [smem:$0x3FFE];
	_ =	sdelay $0x1  }
0x8a: {  	s1 =	srdreg.scid  }
0x8b: {  	s0 =	sand.u32 $0x1, s1  }
0x8c: {  	s17 =	sshll.u32 s0, $0xA;
	s2 =	sadd.s32 s3, s2  }
0x8d: {  	s2 =	sadd.s32 s2, s17  }
0x8e: {  	[smem:$0x3FB4] =	sst s2  }
0x8f: {  	_ = 	snop  }
0x90: {  	s2 =	sld [smem:$0x3FD0];
	(tm) =	ssettm $0x1  }
0x91: {  	s18 =	sld [smem:$0x3FFB];
	_ =	sdelay $0x3  }
0x92: {  	_ =	strace s18  }
0x93: {  	s3 =	sld [smem:$0x3FFC];
	_ =	sdelay $0x3  }
0x94: {  	_ =	strace s3  }
0x95: {  	s3 =	sld [smem:$0x3FFD];
	_ =	sdelay $0x3  }
0x96: {  	_ =	strace s3  }
0x97: {  	_ =	strace $0x8FFFFFFF  }
0x98: {  	s19 =	sld [smem:$0x3FDB];
	_ =	sdelay $0x1  }
0x99: {  	s4 =	simm.s32 $_scs_section_size  }
0x9a: {  	s5 =	simm.s32 $_size__tile_overlayer_lowered;
	s6 =	simm.s32 $_tile_overlayer_lowered  }
0x9b: {  	s22 =	simm.s32 $0x1BFF;
	s21 =	sshll.u32 s6, $0x1;
	s3 =	sadd.s32 s4, s19  }
0x9c: {  	s7 =	simm.s32 $0x0;
	s20 =	sshll.u32 s5, $0x1;
	s5 =	sadd.s32 s21, s3  }
0x9d: {  	[timem:s7], [sflag:s22] =	dma.local [hbm:s5], s20  }
0x9e: {  	_ =	swait.ge [sflag:s22], s20  }
0x9f: {  	s4 =	ssub.s32 $0x0, s20;
	[sflag:s22] =	ssyncset.done $0x0  }
0xa0: {  	[sflag:s22] =	ssyncadd.s32 s4;
	_ =	sdelay $0x1  }
0xa1: {  	s23 =	simm.s32 $0x1B8B  }
0xa2: {  	_ =	swait.ge [sflag:s23], $0x1  }
0xa3: {  	[sflag:s23] =	ssyncset.done $0x0  }
0xa4: {  	s25 =	simm.s32 $0x1B8E;
	s24 =	sld [smem:$0x3FFE];
	[sflag:s23] =	ssyncadd.s32 $0xFFFFFFFF  }
0xa5: {  	s26 =	simm.s32 $execute0_lowered;
	[smem:$0x3FD2] =	sst s25  }
0xa6: {  	s5 =	sshll.u32 s26, $0x1;
	_ =	strace $0x8000004F;
	[dreg:$0x1] =	wrdreg $0xFFFFFFFF  }
0xa7: {  	s28 =	simm.s32 $_size_execute0_lowered;
	s3 =	sadd.s32 s3, s5;
	[dreg:$0x0] =	wrdreg $0x0  }
0xa8: {  	s5 =	sshll.u32 s28, $0x1;
	[dreg:$0x2] =	wrdreg s3  }
0xa9: {  	[dreg:$0x3] =	wrdreg s5  }
0xaa: {  	[dreg:$0x4] =	wrdreg $0xC0  }
0xab: {  	_ =	task [dreg:s7], $0x5FFFF  }
0xac: {  	[dreg:$0x1] =	wrdreg $0xFFFFFFFF  }
0xad: {  	[dreg:$0x0] =	wrdreg $0x60  }
0xae: {  	[dreg:$0x2] =	wrdreg s24  }
0xaf: {  	[dreg:$0x3] =	wrdreg s2  }
0xb0: {  	[dreg:$0x4] =	wrdreg $0x0  }
0xb1: {  	[dreg:$0x5] =	wrdreg $0x9  }
0xb2: {  	_ =	task.clear_ibuf [dreg:s7], $0x6FFFF;
	_ =	strace $0x9000004F  }
0xb3: {  	s29 =	simm.s32 $0x9;
	_ =	strace $0x80000051  }
0xb4: {  	_ =	swait.ge [sflag:s29], $0x1  }
0xb5: {  	[sflag:s29] =	ssyncadd.s32 $0xFFFFFFFF  }
0xb6: {  	_ =	strace $0x90000051  }
0xb7: {  	_ =	sfence  }
0xb8: {  	s30 =	sld [smem:$0x0];
	_ =	sdelay $0x2  }
0xb9: {  	s31 =	sshll.u32 s1, $0xD;
	s1 =	sshrl.u32 s1, $0x2  }
0xba: {  	s3 =	sand.u32 $0x4000, s31;
	s1 =	sadd.s32 s1, s30  }
0xbb: {  	s0 =	sor.u32 s3, s0;
	s1 =	sshll.u32 s1, $0x11  }
0xbc: {  	s0 =	sor.u32 s1, s0  }
0xbd: {  	s0 =	sadd.s32 $0x8F2B, s0  }
0xbe: {  	[sflag:s0] =	ssyncadd.remote.s32 $0x1  }
0xbf: {  	_ =	sfence.sel $0xFFFF  }
0xc0: {  	[dreg:$0x0] =	wrdreg $0xFFFFFFFF;
	(pc) =	sbr.abs _section_cstart, $3  }
0xc1: {  	[dreg:$0x1] =	wrdreg $0xFFFFFFFF  }
0xc2: {  	_ =	task.clear_ibuf [dreg:s7], $0x2FFFF;
	_ =	strace $0x9FFFFFFF  }
0xc3: {  	(tm) =	ssettm $0x7FFFFFFF  }
tec
execute0_lowered:
.L_overlay_start_1:
0x0: {  	(tag) =	ssettag $0x1  }
0x1: {  	s0 =	rddreg [dreg:$0x0]  }
0x2: {  	s2 =	rddreg [dreg:$0x2]  }
0x3: {  	s1 =	srdreg.scid;
	s4 =	simm.s32 $0x0;
	s13 =	stileid.u32  }
0x4: {  	s16 =	simm.s32 $0x3;
	s18 =	simm.s32 $0x14000;
	s19 =	simm.s32 $0x14080  }
0x5: {  	s20 =	simm.s32 $0x40;
	s21 =	simm.s32 $0x14100;
	s28 =	simm.s32 $0x0  }
0x6: {  	s29 =	simm.s32 $0x0;
	s1 =	sand.u32 $0x1, s1;
	[smem:$0x7FF] =	sst s4  }
0x7: {  	s9 =	smul.u32 $0x14000, s13;
	s5 =	sadd.s32 $0x7E00, s0;
	s6 =	sadd.s32 $0xD200, s0  }
0x8: {  	s7 =	sadd.s32 $0x3A600, s0;
	s8 =	sadd.s32 $0x62600, s0;
	s22 =	sadd.s32 $0x7A00, s0  }
0x9: {  	s12 =	smul.u32 $0x50000, s13;
	s10 =	sadd.s32 $0x8A600, s0;
	s25 =	sshll.u32 s13, $0x1  }
0xa: {  	s30 =	sshll.u32 s13, $0x6;
	s3 =	smul.u32 $0x140000, s1;
	_ =	strace $0x80000050  }
0xb: {  	[dreg:$0x4] =	wrdreg s22;
	s23 =	ssub.s32 $0x2, s1;
	s1 =	sor.u32 s1, s25  }
0xc: {  	s22 =	simm.s32 $0x16100;
	s25 =	simm.s32 $0x18100;
	s11 =	sshrl.u32 s23, $0x1  }
0xd: {  	s26 =	sshrl.u32 s12, $0x2;
	s12 =	smul.u32 $0x54, s1;
	s3 =	sadd.s32 s9, s3  }
0xe: {  	s24 =	ssub.s32 s23, s11;
	s9 =	sadd.s32 s26, s2;
	s3 =	sshrl.u32 s3, $0x3  }
0xf: {  	s11 =	sor.u32 $0x1C03, s30;
	s23 =	simm.s32 $0x1;
	s3 =	sadd.s32 s3, s0  }
0x10: {  	s26 =	simm.s32 $0x1A100;
	s14 =	smax.u32 s24, $0x1;
	s31 =	sadd.s32 $0x32A600, s3  }
0x11: {  	v0 =	vimm.f32 $0.0e+00;
	s15 =	sshrl.u32 s9, $0x3;
	s24 =	simm.s32 $0x2;
	[dreg:$0x5] =	wrdreg s31  }
.LBB2_1:
0x12: {  	s0 =	rddreg [dreg:$0x1]  }
0x13: {  	[spmem:s15], [sflag:s11] =	dma.local [hbm:s0], $0x2800  }
0x14: {  	_ =	swait.ge [sflag:s16], $0x2800  }
0x15: {  	[sflag:s16] =	ssyncset.done $0x0  }
0x16: {  	s1 =	simm.s32 $0x1C100;
	s31 =	rddreg [dreg:$0x4];
	[sflag:s16] =	ssyncadd.s32 $0xFFFFD800  }
0x17: {  	[tilespmem:s1], [sflag:$0x3] =	stream.linear.gather [hbm4b:s31+s4], $0x80, $0x38;
	[tilespmem:$0x1C180] =	vst v63  }
0x18: {  	_ =	swait.ge [sflag:s16], $0x80  }
0x19: {  	[sflag:s16] =	ssyncset.done $0x0  }
0x1a: {  	[sflag:s16] =	ssyncadd.s32 $0xFFFFFF80  }
0x1b: {  	[bflag:$0x0] =	sbarrier.arrive $0xFFFF  }
0x1c: {  	v1 =	vld [tilespmem:$0x1C100];
	_ =	sdelay $0x3  }
0x1d: {  	s0 =	simm.s32 $0x0;
	s1 =	simm.s32 $0x200  }
.LBB2_2:
0x1e: {  	p0 =	sne.s32 s1, $0x7E00;
	[tilespmem:s0+$0x18170] =	vst v0  }
0x1f: {  	[tilespmem:s0+$0x18110] =	vst v0  }
.Ltmp0:
0x20: {  	[tilespmem:s0+$0x18120] =	vst v0;
	(pc) =	sbr.rel @p0 .LBB2_2-.Ltmp0, $4  }
0x21: {  	[tilespmem:s0+$0x18130] =	vst v0  }
0x22: {  	[tilespmem:s0+$0x18140] =	vst v0  }
0x23: {  	[tilespmem:s0+$0x18150] =	vst v0  }
0x24: {  	[tilespmem:s0+$0x18160] =	vst v0;
	s0 =	sshra.s32 s1, $0x2;
	s1 =	sadd.s32 $0x200, s1  }
0x25: {  	[tilespmem:s0+$0x18170] =	vst v0  }
0x26: {  	[tilespmem:s0+$0x18110] =	vst v0  }
0x27: {  	[tilespmem:s0+$0x18120] =	vst v0  }
0x28: {  	[tilespmem:s0+$0x18130] =	vst v0  }
0x29: {  	[tilespmem:s0+$0x18140] =	vst v0  }
0x2a: {  	[tilespmem:s0+$0x18150] =	vst v0  }
0x2b: {  	[tilespmem:s0+$0x18160] =	vst v0;
	s30 =	simm.s32 $0x0  }
.LBB2_4:
0x2c: {  	s31 =	sadd.s32 s12, s30  }
0x2d: {  	s0 =	sshll.u32 s31, $0x3  }
0x2e: {  	s1 =	sadd.s32 s5, s0  }
0x2f: {  	[tilespmem:s18], [sflag:$0x3] =	stream.linear.gather [hbm4b:s1+s29], $0x40, $0x38;
	[tilespmem:$0x1C180] =	vst v63  }
0x30: {  	_ =	swait.ge [sflag:s16], $0x40  }
0x31: {  	[sflag:s16] =	ssyncset.done $0x0  }
0x32: {  	s0 =	sadd.s32 s6, s0;
	[sflag:s16] =	ssyncadd.s32 $0xFFFFFFC0  }
0x33: {  	[tilespmem:s19], [sflag:$0x3] =	stream.linear.gather [hbm4b:s0+s29], $0x40, $0x38;
	[tilespmem:$0x1C180] =	vst v63  }
0x34: {  	_ =	swait.ge [sflag:s16], $0x40  }
0x35: {  	[sflag:s16] =	ssyncset.done $0x0  }
0x36: {  	[sflag:s16] =	ssyncadd.s32 $0xFFFFFFC0  }
0x37: {  	[tilespmem:s21], [sflag:$0x1] =	stream.indirect.gather [hbm4b:s7+s20], $0x80, s18, s20, $0xb8;
	[tilespmem:$0x1C180] =	vst v63  }
0x38: {  	_ = 	snop  }
0x39: {  	[tilespmem:s22], [sflag:$0x2] =	stream.indirect.gather [hbm4b:s8+s20], $0x80, s19, s20, $0xb8;
	[tilespmem:$0x1C180] =	vst v63  }
0x3a: {  	_ =	swait.ge [sflag:s23], $0x2000  }
0x3b: {  	[sflag:s23] =	ssyncset.done $0x0  }
0x3c: {  	[sflag:s23] =	ssyncadd.s32 $0xFFFFE000  }
0x3d: {  	_ =	swait.ge [sflag:s24], $0x2000  }
0x3e: {  	[sflag:s24] =	ssyncset.done $0x0  }
0x3f: {  	s0 =	simm.s32 $0x0;
	[sflag:s24] =	ssyncadd.s32 $0xFFFFE000  }
0x40: {  	v2 =	vld [tilespmem:s0+$0x14100]  }
0x41: {  	v3 =	vld [tilespmem:s0+$0x16100];
	_ =	sdelay $0x1  }
0x42: {  	s3 =	simm.s32 $0x80  }
0x43: {  	v4 =	vld [tilespmem:s3+$0x14100]  }
0x44: {  	v5 =	vld [tilespmem:s3+$0x16100]  }
0x45: {  	v2 =	vadd.f32 v3, v2;
	_ =	sdelay $0x1  }
0x46: {  	v6 =	vmul.f32 $2.000000030e-01, v2;
	_ =	sdelay $0x1  }
0x47: {  	v4 =	vadd.f32 v5, v4;
	v2 =	vmax.f32 v2, v6  }
0x48: {  	s1 =	simm.s32 $0x100;
	v2 =	vsub.f32 v2, v1  }
0x49: {  	v3 =	vld [tilespmem:s1+$0x14100];
	v7 =	vmul.f32 $2.000000030e-01, v4  }
0x4a: {  	v5 =	vld [tilespmem:s1+$0x16100];
	v2 =	vmul.f32 $1.442695020e+00, v2  }
0x4b: {  	v4 =	vmax.f32 v4, v7  }
0x4c: {  	v4 =	vsub.f32 v4, v1;
	(erf) = vpow2.f32 v2;
	_ =	sdelay $0x1  }
0x4d: {  	s17 =	simm.s32 $0x180;
	v4 =	vmul.f32 $1.442695020e+00, v4  }
0x4e: {  	v5 =	vadd.f32 v5, v3;
	v3 =	vld [tilespmem:s17+$0x16100]  }
0x4f: {  	v2 =	vld [tilespmem:s17+$0x14100];
	(erf) = vpow2.f32 v4  }
0x50: {  	v6 =	vmul.f32 $2.000000030e-01, v5;
	_ =	sdelay $0x1  }
0x51: {  	s9 =	simm.s32 $0x800;
	v4 =	vmax.f32 v5, v6  }
.LBB2_5:
0x52: {  	s13 =	sshra.s32 s9, $0x2;
	v4 =	vsub.f32 v4, v1;
	p0 =	sne.s32 s9, $0x7E00  }
.Ltmp1:
0x53: {  	s9 =	sadd.s32 $0x200, s9;
	v5 =	vadd.f32 v3, v2;
	v2 =	vld [tilespmem:s13+$0x14100];
	v6 =	vpop (erf);
	(pc) =	sbr.rel @p0 .LBB2_5-.Ltmp1, $4  }
0x54: {  	v3 =	vld [tilespmem:s13+$0x16100];
	v4 =	vmul.f32 $1.442695020e+00, v4;
	[tilespmem:s0+$0x1A100] =	vst v6  }
0x55: {  	v7 =	vmul.f32 $2.000000030e-01, v5;
	[tilespmem:s0+$0x18100] =	vst v6;
	s0 =	smov.u32 s3;
	s3 =	smov.u32 s1;
	s1 =	smov.u32 s17  }
0x56: {  	s17 =	smov.u32 s13;
	(erf) = vpow2.f32 v4  }
0x57: {  	v4 =	vmax.f32 v5, v7  }
0x58: {  	_ = 	snop  }
0x59: {  	v2 =	vadd.f32 v3, v2;
	_ =	sdelay $0x1  }
0x5a: {  	v3 =	vmul.f32 $2.000000030e-01, v2  }
0x5b: {  	v4 =	vsub.f32 v4, v1  }
0x5c: {  	v2 =	vmax.f32 v2, v3  }
0x5d: {  	v3 =	vmul.f32 $1.442695020e+00, v4;
	v2 =	vsub.f32 v2, v1;
	_ =	sdelay $0x1  }
0x5e: {  	(erf) = vpow2.f32 v3;
	v2 =	vmul.f32 $1.442695020e+00, v2;
	_ =	sdelay $0x1  }
0x5f: {  	(erf) = vpow2.f32 v2;
	_ =	sdelay $0x2  }
0x60: {  	v2 =	vpop (erf)  }
0x61: {  	[tilespmem:s0+$0x1A100] =	vst v2  }
0x62: {  	v3 =	vpop (erf);
	[tilespmem:s0+$0x18100] =	vst v2  }
0x63: {  	[tilespmem:s3+$0x1A100] =	vst v3  }
0x64: {  	[tilespmem:s3+$0x18100] =	vst v3;
	v2 =	vpop (erf)  }
0x65: {  	[tilespmem:s1+$0x1A100] =	vst v2  }
0x66: {  	[tilespmem:s1+$0x18100] =	vst v2;
	v2 =	vpop (erf)  }
0x67: {  	[tilespmem:s17+$0x1A100] =	vst v2  }
0x68: {  	[tilespmem:s17+$0x18100] =	vst v2  }
0x69: {  	[spmem:s2] =	stream.indirect.scatter.add.f32 [tilespmem:s25], [sflag:$0x3], $0x80, s19, s20, $0xb8;
	[tilespmem:$0x1C180] =	vst v63  }
0x6a: {  	s30 =	sadd.s32 $0x1, s30;
	_ =	swait.ge [sflag:s16], $0x2000  }
0x6b: {  	s31 =	sshll.u32 s31, $0xA;
	p0 =	sne.s32 s30, $0x54;
	[sflag:s16] =	ssyncset.done $0x0  }
.Ltmp2:
0x6c: {  	s0 =	sadd.s32 s10, s31;
	[sflag:s16] =	ssyncadd.s32 $0xFFFFE000;
	(pc) =	sbr.rel @p0 .LBB2_4-.Ltmp2, $4  }
0x6d: {  	[hbm4b:s0+s4] =	stream.linear.scatter [tilespmem:s26], [sflag:$0x3], $0x2000, $0x38;
	[tilespmem:$0x1C180] =	vst v63  }
0x6e: {  	_ =	swait.ge [sflag:s16], $0x2000  }
0x6f: {  	[sflag:s16] =	ssyncset.done $0x0  }
0x70: {  	[sflag:s16] =	ssyncadd.s32 $0xFFFFE000  }
0x71: {  	s28 =	sadd.s32 $0x1, s28  }
0x72: {  	[bflag:$0x0] =	sbarrier.arrive $0xFFFF;
	p0 =	sne.s32 s28, s14  }
.Ltmp3:
0x73: {  	s0 =	rddreg [dreg:$0x5];
	(pc) =	sbr.rel @p0 .LBB2_1-.Ltmp3, $4  }
0x74: {  	[hbm:s0], [sflag:s11] =	dma.local [spmem:s15], $0x2800  }
0x75: {  	_ =	swait.ge [sflag:s16], $0x2800  }
0x76: {  	[sflag:s16] =	ssyncset.done $0x0  }
0x77: {  	[sflag:s16] =	ssyncadd.s32 $0xFFFFD800  }
0x78: {  	_ =	sfence.sel $0x180000  }
0x79: {  	[bflag:$0x0] =	sbarrier.arrive $0xFFFF  }
0x7a: {  	_ =	strace $0x90000050  }
0x7b: {  	s0 =	stileid.u32;
	[bflag:$0x2] =	sbarrier.arrive $0xFFFF  }
0x7c: {  	p0 =	sne.s32 s0, $0x0;
	s0 =	rddreg [dreg:$0x3]  }
0x7d: {  	s0 =	sadd.s32 @!p0 $0x100000, s0  }
0x7e: {  	[sflag:s0] =	ssyncadd.tile.s32 @!p0 $0x1;
	_ =	shalt  }
.Lfunc_end2:
_tile_overlayer_lowered:
.L_overlay_start_2:
0x7f: {  	(tag) =	ssettag $0x2  }
0x80: {  	s0 =	rddreg [dreg:$0x0];
	s2 =	stileid.u32  }
0x81: {  	s1 =	rddreg [dreg:$0x1];
	p0 =	sne.s32 s2, $0x0  }
0x82: {  	s3 =	rddreg [dreg:$0x2];
	[bflag:$0x3] =	sbarrier.arrive $0xFFFF;
	s2 =	simm.s32 @!p0 $0x1C03  }
0x83: {  	[timem:s3], [sflag:s2] =	dma.local @!p0 [hbm:s0], s1  }
0x84: {  	s0 =	simm.s32 @!p0 $0x3  }
0x85: {  	_ =	swait.ge @!p0 [sflag:s0], s1  }
0x86: {  	s1 =	ssub.s32 @!p0 $0x0, s1;
	[sflag:s0] =	ssyncset.done @!p0 $0x0  }
0x87: {  	[sflag:s0] =	ssyncadd.s32 @!p0 s1  }
0x88: {  	[bflag:$0x3] =	sbarrier.arrive $0xFFFF  }
0x89: {  	_ =	shalt  }

// kernel: kernel.33.cloned.1.call-start
scs
__scs_entry_jumppad:
0x0: {  	(pc) =	sbr.rel $0x88, $3  }
0x1: {  	(tag) =	ssettag $0x0;
	lr =	simm.s32 $0x1  }
0x2: {  	[smem:$0x3F8D] =	sst lr;
	_ =	strace $0xD0000000  }
0x3: {  	_ = 	snop  }
0x4: {  	_ = 	snop  }
0x5: {  	_ = 	snop  }
0x6: {  	_ = 	snop  }
0x7: {  	_ = 	snop  }
__scs_overlays_trampoline_lowered:
0x8: {  	[smem:$0x3F9C] =	sst s0  }
0x9: {  	[smem:$0x3F9D] =	sst s1  }
0xa: {  	[smem:$0x3F9E] =	sst s2  }
0xb: {  	[smem:$0x3F9F] =	sst s3  }
0xc: {  	[smem:$0x3FA0] =	sst s4  }
0xd: {  	[smem:$0x3FA1] =	sst s5  }
0xe: {  	[smem:$0x3FA2] =	sst s6  }
0xf: {  	[smem:$0x3FA3] =	sst s7  }
0x10: {  	[smem:$0x3FA4] =	sst s8  }
0x11: {  	[smem:$0x3FA5] =	sst s9;
	s0 =	simm.s32 @!p0 $0x0  }
0x12: {  	s1 =	sld [smem:$0x3F8B];
	s0 =	simm.s32 @p0 $0x1  }
0x13: {  	[smem:$0x3FA6] =	sst s0;
	s0 =	simm.s32 @!p1 $0x0  }
0x14: {  	s2 =	sld [smem:$0x3F8A];
	s0 =	simm.s32 @p1 $0x1  }
0x15: {  	[smem:$0x3FA7] =	sst s0;
	s0 =	simm.s32 @!p2 $0x0  }
0x16: {  	s3 =	sld [smem:$0x3FDB];
	s0 =	simm.s32 @p2 $0x1  }
0x17: {  	s4 =	simm.s32 $0x1BF5;
	[smem:$0x3FA9] =	sst s0  }
0x18: {  	s0 =	sld [smem:$0x3F8C];
	_ =	swait.ge [sflag:s4], $0x0  }
0x19: {  	s7 =	sld [smem:$0x3F8D]  }
0x1a: {  	s8 =	sadd.s32 $0xFFFFE003, lr  }
0x1b: {  	s9 =	sadd.s32 $0xFFFFFEF7, lr;
	s5 =	simm.s32 $0xFFFFFFFF;
	p2 =	slt.u32 s8, $0xFFFFF086  }
0x1c: {  	p1 =	slt.u32 s9, $0xF7A;
	s5 =	simm.s32 @!p2 $0x0  }
0x1d: {  	s5 =	simm.s32 @p1 $0x1;
	p0 =	seq.s32 s7, s2  }
0x1e: {  	s7 =	smul.u32 @!p0 $0xF7A, s2;
	p2 =	seq.s32 @!p0 s5, $0x0  }
0x1f: {  	s9 =	smul.u32 $0xF7A, s1;
	s8 =	simm.s32 @!p0 $0x1BF5;
	p2 =	por !p2, p0  }
0x20: {  	[sflag:s8] =	ssyncset.s32 @!p0 $0xFFFFF086;
	s6 =	sadd.s32 @!p0 s3, s7;
	s7 =	simm.s32 @!p0 $0x108  }
0x21: {  	s3 =	sadd.s32 s3, s9;
	s6 =	sadd.s32 @!p0 $0x88, s6;
	s7 =	simm.s32 @p2 $0x1082  }
0x22: {  	[simem:s7], [sflag:s8] =	dma.local @!p0 [hbm:s6], $0xF7A  }
0x23: {  	s9 =	sor.u32 $0xD0000000, s2;
	s6 =	simm.s32 $0x108;
	_ =	swait.ge @!p0 [sflag:s8], $0x0  }
0x24: {  	s3 =	sadd.s32 $0x88, s3;
	s6 =	simm.s32 @!p1 $0x1082;
	[sflag:s4] =	ssyncset.s32 $0xFFFFF086  }
0x25: {  	[simem:s6], [sflag:s4] =	dma.local [hbm:s3], $0xF7A  }
0x26: {  	[smem:$0x3F8D] =	sst s1;
	(tag) =	ssettag s2;
	_ =	strace s9  }
0x27: {  	s1 =	sld [smem:$0x3F9D]  }
0x28: {  	s2 =	sld [smem:$0x3F9E]  }
0x29: {  	s4 =	sld [smem:$0x3FA0]  }
0x2a: {  	p0 =	seq.s32 s5, $0x0;
	s5 =	sld [smem:$0x3FA1]  }
0x2b: {  	s6 =	sld [smem:$0x3FA2]  }
0x2c: {  	s7 =	sld [smem:$0x3FA3]  }
0x2d: {  	s3 =	simm.s32 $0x108;
	s8 =	sld [smem:$0x3FA4]  }
0x2e: {  	s3 =	simm.s32 @!p0 $0x1082;
	s9 =	sld [smem:$0x3FA5]  }
0x2f: {  	lr =	sadd.s32 s0, s3;
	s0 =	sld [smem:$0x3F9C]  }
0x30: {  	s3 =	sld [smem:$0x3F9F]  }
0x31: {  	[smem:$0x3FA8] =	sst s10  }
0x32: {  	s10 =	sld [smem:$0x3FA6];
	_ =	sdelay $0x3  }
0x33: {  	p0 =	seq.s32 s10, $0x1;
	s10 =	sld [smem:$0x3FA8];
	_ =	sdelay $0x3  }
0x34: {  	[smem:$0x3FA8] =	sst s10  }
0x35: {  	s10 =	sld [smem:$0x3FA7];
	_ =	sdelay $0x3  }
0x36: {  	p1 =	seq.s32 s10, $0x1;
	s10 =	sld [smem:$0x3FA8];
	_ =	sdelay $0x3  }
0x37: {  	[smem:$0x3FA8] =	sst s10  }
0x38: {  	s10 =	sld [smem:$0x3FA9]  }
0x39: {  	_ = 	snop;
	(pc) =	sbr.ind lr, $3  }
0x3a: {  	_ = 	snop  }
0x3b: {  	_ = 	snop  }
0x3c: {  	p2 =	seq.s32 s10, $0x1;
	s10 =	sld [smem:$0x3FA8]  }
0x3d: {  	_ =	shalt  }
0x3e: {  	_ =	shalt  }
0x3f: {  	_ =	shalt  }
0x40: {  	_ =	shalt  }
0x41: {  	_ =	shalt  }
0x42: {  	_ =	shalt  }
0x43: {  	_ =	shalt  }
0x44: {  	_ =	shalt  }
0x45: {  	_ =	shalt  }
0x46: {  	_ =	shalt  }
0x47: {  	_ =	shalt  }
0x48: {  	_ =	shalt  }
0x49: {  	_ =	shalt  }
0x4a: {  	_ =	shalt  }
0x4b: {  	_ =	shalt  }
0x4c: {  	_ =	shalt  }
0x4d: {  	_ =	shalt  }
0x4e: {  	_ =	shalt  }
0x4f: {  	_ =	shalt  }
0x50: {  	_ =	shalt  }
0x51: {  	_ =	shalt  }
0x52: {  	_ =	shalt  }
0x53: {  	_ =	shalt  }
0x54: {  	_ =	shalt  }
0x55: {  	_ =	shalt  }
0x56: {  	_ =	shalt  }
0x57: {  	_ =	shalt  }
0x58: {  	_ =	shalt  }
0x59: {  	_ =	shalt  }
0x5a: {  	_ =	shalt  }
0x5b: {  	_ =	shalt  }
0x5c: {  	_ =	shalt  }
0x5d: {  	_ =	shalt  }
0x5e: {  	_ =	shalt  }
0x5f: {  	_ =	shalt  }
0x60: {  	_ =	shalt  }
0x61: {  	_ =	shalt  }
0x62: {  	_ =	shalt  }
0x63: {  	_ =	shalt  }
0x64: {  	_ =	shalt  }
0x65: {  	_ =	shalt  }
0x66: {  	_ =	shalt  }
0x67: {  	_ =	shalt  }
0x68: {  	_ =	shalt  }
0x69: {  	_ =	shalt  }
0x6a: {  	_ =	shalt  }
0x6b: {  	_ =	shalt  }
0x6c: {  	_ =	shalt  }
0x6d: {  	_ =	shalt  }
0x6e: {  	_ =	shalt  }
0x6f: {  	_ =	shalt  }
0x70: {  	_ =	shalt  }
0x71: {  	_ =	shalt  }
0x72: {  	_ =	shalt  }
0x73: {  	_ =	shalt  }
0x74: {  	_ =	shalt  }
0x75: {  	_ =	shalt  }
0x76: {  	_ =	shalt  }
0x77: {  	_ =	shalt  }
0x78: {  	_ =	shalt  }
0x79: {  	_ =	shalt  }
0x7a: {  	_ =	shalt  }
0x7b: {  	_ =	shalt  }
0x7c: {  	_ =	shalt  }
0x7d: {  	_ =	shalt  }
0x7e: {  	_ =	shalt  }
0x7f: {  	_ =	shalt  }
0x80: {  	_ =	shalt  }
0x81: {  	_ =	shalt  }
0x82: {  	_ =	shalt  }
0x83: {  	_ =	shalt  }
0x84: {  	_ =	shalt  }
0x85: {  	_ =	shalt  }
0x86: {  	_ =	shalt  }
0x87: {  	_ =	shalt  }
.Lfunc_end0:
.L_simem_size_0:
called_computation.4_lowered:
.L_overlay_start_0:
0x88: {  	s2 =	sld [smem:$0x3FD9]  }
0x89: {  	s3 =	sld [smem:$0x3FFE];
	_ =	sdelay $0x1  }
0x8a: {  	s1 =	srdreg.scid  }
0x8b: {  	s0 =	sand.u32 $0x1, s1  }
0x8c: {  	s17 =	sshll.u32 s0, $0xA;
	s2 =	sadd.s32 s3, s2  }
0x8d: {  	s2 =	sadd.s32 s2, s17  }
0x8e: {  	[smem:$0x3FB4] =	sst s2  }
0x8f: {  	_ = 	snop  }
0x90: {  	s2 =	sld [smem:$0x3FD0];
	(tm) =	ssettm $0x1  }
0x91: {  	s18 =	sld [smem:$0x3FFB];
	_ =	sdelay $0x3  }
0x92: {  	_ =	strace s18  }
0x93: {  	s3 =	sld [smem:$0x3FFC];
	_ =	sdelay $0x3  }
0x94: {  	_ =	strace s3  }
0x95: {  	s3 =	sld [smem:$0x3FFD];
	_ =	sdelay $0x3  }
0x96: {  	_ =	strace s3  }
0x97: {  	_ =	strace $0x8FFFFFFF  }
0x98: {  	s19 =	sld [smem:$0x3FDB];
	_ =	sdelay $0x1  }
0x99: {  	s4 =	simm.s32 $_scs_section_size  }
0x9a: {  	s5 =	simm.s32 $_size__tile_overlayer_lowered;
	s6 =	simm.s32 $_tile_overlayer_lowered  }
0x9b: {  	s22 =	simm.s32 $0x1BFF;
	s21 =	sshll.u32 s6, $0x1;
	s3 =	sadd.s32 s4, s19  }
0x9c: {  	s7 =	simm.s32 $0x0;
	s20 =	sshll.u32 s5, $0x1;
	s5 =	sadd.s32 s21, s3  }
0x9d: {  	[timem:s7], [sflag:s22] =	dma.local [hbm:s5], s20  }
0x9e: {  	_ =	swait.ge [sflag:s22], s20  }
0x9f: {  	s4 =	ssub.s32 $0x0, s20;
	[sflag:s22] =	ssyncset.done $0x0  }
0xa0: {  	[sflag:s22] =	ssyncadd.s32 s4;
	_ =	sdelay $0x1  }
0xa1: {  	s23 =	simm.s32 $0x1B8B  }
0xa2: {  	_ =	swait.ge [sflag:s23], $0x1  }
0xa3: {  	[sflag:s23] =	ssyncset.done $0x0  }
0xa4: {  	s25 =	simm.s32 $0x1B8E;
	s24 =	sld [smem:$0x3FFE];
	[sflag:s23] =	ssyncadd.s32 $0xFFFFFFFF  }
0xa5: {  	s26 =	simm.s32 $execute0_lowered;
	[smem:$0x3FD2] =	sst s25  }
0xa6: {  	s5 =	sshll.u32 s26, $0x1;
	_ =	strace $0x80000052;
	[dreg:$0x1] =	wrdreg $0xFFFFFFFF  }
0xa7: {  	s28 =	simm.s32 $_size_execute0_lowered;
	s3 =	sadd.s32 s3, s5;
	[dreg:$0x0] =	wrdreg $0x0  }
0xa8: {  	s5 =	sshll.u32 s28, $0x1;
	[dreg:$0x2] =	wrdreg s3  }
0xa9: {  	[dreg:$0x3] =	wrdreg s5  }
0xaa: {  	[dreg:$0x4] =	wrdreg $0xC0  }
0xab: {  	_ =	task [dreg:s7], $0x5FFFF  }
0xac: {  	[dreg:$0x1] =	wrdreg $0xFFFFFFFF  }
0xad: {  	[dreg:$0x0] =	wrdreg $0x60  }
0xae: {  	[dreg:$0x2] =	wrdreg s24  }
0xaf: {  	[dreg:$0x3] =	wrdreg s2  }
0xb0: {  	[dreg:$0x4] =	wrdreg $0x0  }
0xb1: {  	[dreg:$0x5] =	wrdreg $0x9  }
0xb2: {  	_ =	task.clear_ibuf [dreg:s7], $0x6FFFF;
	_ =	strace $0x90000052  }
0xb3: {  	s29 =	simm.s32 $0x9;
	_ =	strace $0x80000054  }
0xb4: {  	_ =	swait.ge [sflag:s29], $0x1  }
0xb5: {  	[sflag:s29] =	ssyncadd.s32 $0xFFFFFFFF  }
0xb6: {  	_ =	strace $0x90000054  }
0xb7: {  	_ =	sfence  }
0xb8: {  	s30 =	sld [smem:$0x0];
	_ =	sdelay $0x2  }
0xb9: {  	s31 =	sshll.u32 s1, $0xD;
	s1 =	sshrl.u32 s1, $0x2  }
0xba: {  	s3 =	sand.u32 $0x4000, s31;
	s1 =	sadd.s32 s1, s30  }
0xbb: {  	s0 =	sor.u32 s3, s0;
	s1 =	sshll.u32 s1, $0x11  }
0xbc: {  	s0 =	sor.u32 s1, s0  }
0xbd: {  	s0 =	sadd.s32 $0x8F2B, s0  }
0xbe: {  	[sflag:s0] =	ssyncadd.remote.s32 $0x1  }
0xbf: {  	_ =	sfence.sel $0xFFFF  }
0xc0: {  	[dreg:$0x0] =	wrdreg $0xFFFFFFFF;
	(pc) =	sbr.abs _section_cstart, $3  }
0xc1: {  	[dreg:$0x1] =	wrdreg $0xFFFFFFFF  }
0xc2: {  	_ =	task.clear_ibuf [dreg:s7], $0x2FFFF;
	_ =	strace $0x9FFFFFFF  }
0xc3: {  	(tm) =	ssettm $0x7FFFFFFF  }
tec
execute0_lowered:
.L_overlay_start_1:
0x0: {  	(tag) =	ssettag $0x1  }
0x1: {  	s9 =	rddreg [dreg:$0x0]  }
0x2: {  	s1 =	rddreg [dreg:$0x1]  }
0x3: {  	s2 =	rddreg [dreg:$0x2]  }
0x4: {  	s3 =	srdreg.scid;
	s0 =	rddreg [dreg:$0x3]  }
0x5: {  	s4 =	simm.s32 $0x0;
	s14 =	simm.s32 $0x2;
	s15 =	simm.s32 $0x14000  }
0x6: {  	s16 =	simm.s32 $0x14080;
	s17 =	simm.s32 $0x80;
	s18 =	simm.s32 $0x18100  }
0x7: {  	s19 =	simm.s32 $0x14100;
	s20 =	simm.s32 $0x1;
	s25 =	simm.s32 $0x0  }
0x8: {  	s10 =	sand.u32 $0x1, s3;
	s3 =	stileid.u32;
	[smem:$0x7FF] =	sst s4  }
0x9: {  	s5 =	sadd.s32 $0x7E00, s9;
	s6 =	sadd.s32 $0xD200, s9;
	s8 =	smul.u32 $0x140000, s10  }
0xa: {  	s7 =	sadd.s32 $0x8A600, s9;
	s11 =	smul.u32 $0x14000, s3;
	_ =	strace $0x80000053  }
0xb: {  	s12 =	ssub.s32 $0x2, s10;
	s13 =	smul.u32 $0x50000, s3;
	s30 =	sshll.u32 s3, $0x1  }
0xc: {  	s31 =	sshll.u32 s3, $0x6;
	s29 =	sshrl.u32 s12, $0x1;
	s10 =	sor.u32 s10, s30  }
0xd: {  	s8 =	sadd.s32 s11, s8;
	s12 =	ssub.s32 s12, s29;
	s13 =	sshrl.u32 s13, $0x2  }
0xe: {  	s10 =	smul.u32 $0x2A, s10;
	s11 =	sshrl.u32 s8, $0x3;
	s8 =	sadd.s32 $0x12600, s9  }
0xf: {  	v0 =	vimm.s32 $0x0;
	s13 =	sadd.s32 s13, s2;
	s12 =	smax.u32 s12, $0x1;
	s11 =	sadd.s32 s11, s9  }
0x10: {  	v1 =	vimm.s32 $0x1;
	v2 =	vimm.s32 $0x2;
	v3 =	vimm.s32 $0x3;
	s9 =	sor.u32 $0x1C02, s31;
	s13 =	sshrl.u32 s13, $0x3;
	s11 =	sadd.s32 $0x3A600, s11  }
.LBB2_1:
0x11: {  	[spmem:s13], [sflag:s9] =	dma.local [hbm:s1], $0x2800  }
0x12: {  	_ =	swait.ge [sflag:s14], $0x2800  }
0x13: {  	[sflag:s14] =	ssyncset.done $0x0  }
0x14: {  	[sflag:s14] =	ssyncadd.s32 $0xFFFFD800  }
0x15: {  	s21 =	simm.s32 $0x0;
	[bflag:$0x0] =	sbarrier.arrive $0xFFFF  }
.LBB2_2:
0x16: {  	s22 =	sadd.s32 s10, s21  }
0x17: {  	s23 =	sshll.u32 s22, $0x4  }
0x18: {  	s24 =	sadd.s32 s5, s23  }
0x19: {  	[tilespmem:s15], [sflag:$0x2] =	stream.linear.gather [hbm4b:s24+s25], $0x80, $0x38;
	[tilespmem:$0x1C100] =	vst v63  }
0x1a: {  	_ =	swait.ge [sflag:s14], $0x80  }
0x1b: {  	[sflag:s14] =	ssyncset.done $0x0  }
0x1c: {  	s23 =	sadd.s32 s6, s23;
	[sflag:s14] =	ssyncadd.s32 $0xFFFFFF80  }
0x1d: {  	[tilespmem:s16], [sflag:$0x2] =	stream.linear.gather [hbm4b:s23+s25], $0x80, $0x38;
	[tilespmem:$0x1C100] =	vst v63  }
0x1e: {  	_ =	swait.ge [sflag:s14], $0x80  }
0x1f: {  	[sflag:s14] =	ssyncset.done $0x0  }
0x20: {  	s22 =	sshll.u32 s22, $0xB;
	[sflag:s14] =	ssyncadd.s32 $0xFFFFFF80  }
0x21: {  	[tilespmem:s18], [sflag:$0x1] =	stream.indirect.gather [hbm4b:s8+s17], $0x80, s15, s17, $0xb8;
	[tilespmem:$0x1C100] =	vst v63  }
0x22: {  	s22 =	sadd.s32 s7, s22  }
0x23: {  	[tilespmem:s19], [sflag:$0x2] =	stream.linear.gather [hbm4b:s22+s25], $0x4000, $0x38;
	[tilespmem:$0x1C100] =	vst v63  }
0x24: {  	_ =	swait.ge [sflag:s14], $0x4000  }
0x25: {  	[sflag:s14] =	ssyncset.done $0x0  }
0x26: {  	[sflag:s14] =	ssyncadd.s32 $0xFFFFC000  }
0x27: {  	_ =	swait.ge [sflag:s20], $0x4000  }
0x28: {  	[sflag:s20] =	ssyncset.done $0x0  }
0x29: {  	s22 =	simm.s32 $0x0;
	[sflag:s20] =	ssyncadd.s32 $0xFFFFC000  }
0x2a: {  	v4 =	vld [tilespmem:s22+$0x14100]  }
0x2b: {  	v8 =	vld [tilespmem:s22+$0x18100]  }
0x2c: {  	v12 =	vld [tilespmem:s22+$0x18110]  }
0x2d: {  	v6 =	vld [tilespmem:s22+$0x18120]  }
0x2e: {  	v7 =	vld [tilespmem:s22+$0x18130]  }
0x2f: {  	v9 =	vld [tilespmem:s22+$0x18140];
	v14 =	vperm.xlane v4, v0  }
0x30: {  	v10 =	vld [tilespmem:s22+$0x18150];
	v5 =	vperm.xlane v4, v2;
	v11 =	vperm.xlane v4, v1  }
0x31: {  	s23 =	simm.s32 $0x200;
	v13 =	vmul.f32 v8, v14;
	v12 =	vmul.f32 v12, v14;
	v8 =	vld [tilespmem:s22+$0x18160]  }
.LBB2_3:
0x32: {  	s24 =	sshra.s32 s23, $0x2;
	p0 =	sne.s32 s23, $0xFE00;
	s23 =	sadd.s32 $0x200, s23;
	v14 =	vld [tilespmem:s22+$0x18170]  }
0x33: {  	v6 =	vmul.f32 v6, v11;
	v15 =	vld [tilespmem:s24+$0x14100];
	[tilespmem:s22+$0x18100] =	vst v13;
	v7 =	vmul.f32 v7, v11  }
0x34: {  	v13 =	vld [tilespmem:s24+$0x18100];
	[tilespmem:s22+$0x18110] =	vst v12;
	v9 =	vmul.f32 v9, v5  }
0x35: {  	v11 =	vperm.xlane v4, v3;
	v12 =	vld [tilespmem:s24+$0x18110];
	[tilespmem:s22+$0x18120] =	vst v6;
	v10 =	vmul.f32 v10, v5  }
.Ltmp0:
0x36: {  	v6 =	vld [tilespmem:s24+$0x18120];
	[tilespmem:s22+$0x18130] =	vst v7;
	(pc) =	sbr.rel @p0 .LBB2_3-.Ltmp0, $4  }
0x37: {  	v8 =	vmul.f32 v8, v11;
	v7 =	vld [tilespmem:s24+$0x18130];
	[tilespmem:s22+$0x18140] =	vst v9;
	v14 =	vmul.f32 v14, v11  }
0x38: {  	v16 =	vperm.xlane v15, v0;
	v5 =	vperm.xlane v15, v2;
	v9 =	vld [tilespmem:s24+$0x18140];
	[tilespmem:s22+$0x18150] =	vst v10;
	v4 =	vmov v15  }
0x39: {  	v11 =	vperm.xlane v4, v1;
	v10 =	vld [tilespmem:s24+$0x18150];
	[tilespmem:s22+$0x18160] =	vst v8  }
0x3a: {  	v13 =	vmul.f32 v13, v16;
	v12 =	vmul.f32 v12, v16;
	v8 =	vld [tilespmem:s24+$0x18160];
	[tilespmem:s22+$0x18170] =	vst v14;
	s22 =	smov.u32 s24  }
0x3b: {  	_ = 	snop  }
0x3c: {  	v14 =	vld [tilespmem:s22+$0x18170];
	v6 =	vmul.f32 v6, v11;
	[tilespmem:s22+$0x18100] =	vst v13  }
0x3d: {  	v7 =	vmul.f32 v7, v11;
	[tilespmem:s22+$0x18110] =	vst v12  }
0x3e: {  	v4 =	vperm.xlane v4, v3;
	v9 =	vmul.f32 v9, v5;
	[tilespmem:s22+$0x18120] =	vst v6  }
0x3f: {  	v5 =	vmul.f32 v10, v5;
	[tilespmem:s22+$0x18130] =	vst v7  }
0x40: {  	[tilespmem:s22+$0x18140] =	vst v9;
	v63 =	vmul.f32 v8, v4  }
0x41: {  	s21 =	sadd.s32 $0x1, s21;
	v4 =	vmul.f32 v14, v4;
	[tilespmem:s22+$0x18150] =	vst v5  }
0x42: {  	p0 =	sne.s32 s21, $0x2A;
	[tilespmem:s22+$0x18160] =	vst v63  }
.Ltmp1:
0x43: {  	[tilespmem:s22+$0x18170] =	vst v4;
	(pc) =	sbr.rel @p0 .LBB2_2-.Ltmp1, $4  }
0x44: {  	[spmem:s2] =	stream.indirect.scatter.add.f32 [tilespmem:s18], [sflag:$0x2], $0x80, s16, s17, $0xb8;
	[tilespmem:$0x1C100] =	vst v63  }
0x45: {  	_ =	swait.ge [sflag:s14], $0x4000  }
0x46: {  	[sflag:s14] =	ssyncset.done $0x0  }
0x47: {  	[sflag:s14] =	ssyncadd.s32 $0xFFFFC000  }
0x48: {  	s4 =	sadd.s32 $0x1, s4  }
0x49: {  	p0 =	sne.s32 s4, s12  }
.Ltmp2:
0x4a: {  	[bflag:$0x0] =	sbarrier.arrive $0xFFFF;
	(pc) =	sbr.rel @p0 .LBB2_1-.Ltmp2, $4  }
0x4b: {  	[hbm:s11], [sflag:s9] =	dma.local [spmem:s13], $0x2800  }
0x4c: {  	_ =	swait.ge [sflag:s14], $0x2800  }
0x4d: {  	[sflag:s14] =	ssyncset.done $0x0  }
0x4e: {  	[sflag:s14] =	ssyncadd.s32 $0xFFFFD800  }
0x4f: {  	_ =	sfence.sel $0x180000  }
0x50: {  	[bflag:$0x0] =	sbarrier.arrive $0xFFFF  }
0x51: {  	p0 =	sne.s32 s3, $0x0;
	_ =	strace $0x90000053  }
0x52: {  	s0 =	sadd.s32 @!p0 $0x100000, s0;
	[bflag:$0x2] =	sbarrier.arrive $0xFFFF  }
0x53: {  	[sflag:s0] =	ssyncadd.tile.s32 @!p0 $0x1;
	_ =	shalt  }
.Lfunc_end2:
_tile_overlayer_lowered:
.L_overlay_start_2:
0x54: {  	(tag) =	ssettag $0x2  }
0x55: {  	s0 =	rddreg [dreg:$0x0];
	s2 =	stileid.u32  }
0x56: {  	s1 =	rddreg [dreg:$0x1];
	p0 =	sne.s32 s2, $0x0  }
0x57: {  	s3 =	rddreg [dreg:$0x2];
	[bflag:$0x3] =	sbarrier.arrive $0xFFFF;
	s2 =	simm.s32 @!p0 $0x1C02  }
0x58: {  	[timem:s3], [sflag:s2] =	dma.local @!p0 [hbm:s0], s1  }
0x59: {  	s0 =	simm.s32 @!p0 $0x2  }
0x5a: {  	_ =	swait.ge @!p0 [sflag:s0], s1  }
0x5b: {  	s1 =	ssub.s32 @!p0 $0x0, s1;
	[sflag:s0] =	ssyncset.done @!p0 $0x0  }
0x5c: {  	[sflag:s0] =	ssyncadd.s32 @!p0 s1  }
0x5d: {  	[bflag:$0x3] =	sbarrier.arrive $0xFFFF  }
0x5e: {  	_ =	shalt  }

// kernel: kernel.36.cloned.1.call-start
scs
__scs_entry_jumppad:
0x0: {  	(pc) =	sbr.rel $0x88, $3  }
0x1: {  	(tag) =	ssettag $0x0;
	lr =	simm.s32 $0x1  }
0x2: {  	[smem:$0x3F8D] =	sst lr;
	_ =	strace $0xD0000000  }
0x3: {  	_ = 	snop  }
0x4: {  	_ = 	snop  }
0x5: {  	_ = 	snop  }
0x6: {  	_ = 	snop  }
0x7: {  	_ = 	snop  }
__scs_overlays_trampoline_lowered:
0x8: {  	[smem:$0x3F9C] =	sst s0  }
0x9: {  	[smem:$0x3F9D] =	sst s1  }
0xa: {  	[smem:$0x3F9E] =	sst s2  }
0xb: {  	[smem:$0x3F9F] =	sst s3  }
0xc: {  	[smem:$0x3FA0] =	sst s4  }
0xd: {  	[smem:$0x3FA1] =	sst s5  }
0xe: {  	[smem:$0x3FA2] =	sst s6  }
0xf: {  	[smem:$0x3FA3] =	sst s7  }
0x10: {  	[smem:$0x3FA4] =	sst s8  }
0x11: {  	[smem:$0x3FA5] =	sst s9;
	s0 =	simm.s32 @!p0 $0x0  }
0x12: {  	s1 =	sld [smem:$0x3F8B];
	s0 =	simm.s32 @p0 $0x1  }
0x13: {  	[smem:$0x3FA6] =	sst s0;
	s0 =	simm.s32 @!p1 $0x0  }
0x14: {  	s2 =	sld [smem:$0x3F8A];
	s0 =	simm.s32 @p1 $0x1  }
0x15: {  	[smem:$0x3FA7] =	sst s0;
	s0 =	simm.s32 @!p2 $0x0  }
0x16: {  	s3 =	sld [smem:$0x3FDB];
	s0 =	simm.s32 @p2 $0x1  }
0x17: {  	s4 =	simm.s32 $0x1BF5;
	[smem:$0x3FA9] =	sst s0  }
0x18: {  	s0 =	sld [smem:$0x3F8C];
	_ =	swait.ge [sflag:s4], $0x0  }
0x19: {  	s7 =	sld [smem:$0x3F8D]  }
0x1a: {  	s8 =	sadd.s32 $0xFFFFE003, lr  }
0x1b: {  	s9 =	sadd.s32 $0xFFFFFEF7, lr;
	s5 =	simm.s32 $0xFFFFFFFF;
	p2 =	slt.u32 s8, $0xFFFFF086  }
0x1c: {  	p1 =	slt.u32 s9, $0xF7A;
	s5 =	simm.s32 @!p2 $0x0  }
0x1d: {  	s5 =	simm.s32 @p1 $0x1;
	p0 =	seq.s32 s7, s2  }
0x1e: {  	s7 =	smul.u32 @!p0 $0xF7A, s2;
	p2 =	seq.s32 @!p0 s5, $0x0  }
0x1f: {  	s9 =	smul.u32 $0xF7A, s1;
	s8 =	simm.s32 @!p0 $0x1BF5;
	p2 =	por !p2, p0  }
0x20: {  	[sflag:s8] =	ssyncset.s32 @!p0 $0xFFFFF086;
	s6 =	sadd.s32 @!p0 s3, s7;
	s7 =	simm.s32 @!p0 $0x108  }
0x21: {  	s3 =	sadd.s32 s3, s9;
	s6 =	sadd.s32 @!p0 $0x88, s6;
	s7 =	simm.s32 @p2 $0x1082  }
0x22: {  	[simem:s7], [sflag:s8] =	dma.local @!p0 [hbm:s6], $0xF7A  }
0x23: {  	s9 =	sor.u32 $0xD0000000, s2;
	s6 =	simm.s32 $0x108;
	_ =	swait.ge @!p0 [sflag:s8], $0x0  }
0x24: {  	s3 =	sadd.s32 $0x88, s3;
	s6 =	simm.s32 @!p1 $0x1082;
	[sflag:s4] =	ssyncset.s32 $0xFFFFF086  }
0x25: {  	[simem:s6], [sflag:s4] =	dma.local [hbm:s3], $0xF7A  }
0x26: {  	[smem:$0x3F8D] =	sst s1;
	(tag) =	ssettag s2;
	_ =	strace s9  }
0x27: {  	s1 =	sld [smem:$0x3F9D]  }
0x28: {  	s2 =	sld [smem:$0x3F9E]  }
0x29: {  	s4 =	sld [smem:$0x3FA0]  }
0x2a: {  	p0 =	seq.s32 s5, $0x0;
	s5 =	sld [smem:$0x3FA1]  }
0x2b: {  	s6 =	sld [smem:$0x3FA2]  }
0x2c: {  	s7 =	sld [smem:$0x3FA3]  }
0x2d: {  	s3 =	simm.s32 $0x108;
	s8 =	sld [smem:$0x3FA4]  }
0x2e: {  	s3 =	simm.s32 @!p0 $0x1082;
	s9 =	sld [smem:$0x3FA5]  }
0x2f: {  	lr =	sadd.s32 s0, s3;
	s0 =	sld [smem:$0x3F9C]  }
0x30: {  	s3 =	sld [smem:$0x3F9F]  }
0x31: {  	[smem:$0x3FA8] =	sst s10  }
0x32: {  	s10 =	sld [smem:$0x3FA6];
	_ =	sdelay $0x3  }
0x33: {  	p0 =	seq.s32 s10, $0x1;
	s10 =	sld [smem:$0x3FA8];
	_ =	sdelay $0x3  }
0x34: {  	[smem:$0x3FA8] =	sst s10  }
0x35: {  	s10 =	sld [smem:$0x3FA7];
	_ =	sdelay $0x3  }
0x36: {  	p1 =	seq.s32 s10, $0x1;
	s10 =	sld [smem:$0x3FA8];
	_ =	sdelay $0x3  }
0x37: {  	[smem:$0x3FA8] =	sst s10  }
0x38: {  	s10 =	sld [smem:$0x3FA9]  }
0x39: {  	_ = 	snop;
	(pc) =	sbr.ind lr, $3  }
0x3a: {  	_ = 	snop  }
0x3b: {  	_ = 	snop  }
0x3c: {  	p2 =	seq.s32 s10, $0x1;
	s10 =	sld [smem:$0x3FA8]  }
0x3d: {  	_ =	shalt  }
0x3e: {  	_ =	shalt  }
0x3f: {  	_ =	shalt  }
0x40: {  	_ =	shalt  }
0x41: {  	_ =	shalt  }
0x42: {  	_ =	shalt  }
0x43: {  	_ =	shalt  }
0x44: {  	_ =	shalt  }
0x45: {  	_ =	shalt  }
0x46: {  	_ =	shalt  }
0x47: {  	_ =	shalt  }
0x48: {  	_ =	shalt  }
0x49: {  	_ =	shalt  }
0x4a: {  	_ =	shalt  }
0x4b: {  	_ =	shalt  }
0x4c: {  	_ =	shalt  }
0x4d: {  	_ =	shalt  }
0x4e: {  	_ =	shalt  }
0x4f: {  	_ =	shalt  }
0x50: {  	_ =	shalt  }
0x51: {  	_ =	shalt  }
0x52: {  	_ =	shalt  }
0x53: {  	_ =	shalt  }
0x54: {  	_ =	shalt  }
0x55: {  	_ =	shalt  }
0x56: {  	_ =	shalt  }
0x57: {  	_ =	shalt  }
0x58: {  	_ =	shalt  }
0x59: {  	_ =	shalt  }
0x5a: {  	_ =	shalt  }
0x5b: {  	_ =	shalt  }
0x5c: {  	_ =	shalt  }
0x5d: {  	_ =	shalt  }
0x5e: {  	_ =	shalt  }
0x5f: {  	_ =	shalt  }
0x60: {  	_ =	shalt  }
0x61: {  	_ =	shalt  }
0x62: {  	_ =	shalt  }
0x63: {  	_ =	shalt  }
0x64: {  	_ =	shalt  }
0x65: {  	_ =	shalt  }
0x66: {  	_ =	shalt  }
0x67: {  	_ =	shalt  }
0x68: {  	_ =	shalt  }
0x69: {  	_ =	shalt  }
0x6a: {  	_ =	shalt  }
0x6b: {  	_ =	shalt  }
0x6c: {  	_ =	shalt  }
0x6d: {  	_ =	shalt  }
0x6e: {  	_ =	shalt  }
0x6f: {  	_ =	shalt  }
0x70: {  	_ =	shalt  }
0x71: {  	_ =	shalt  }
0x72: {  	_ =	shalt  }
0x73: {  	_ =	shalt  }
0x74: {  	_ =	shalt  }
0x75: {  	_ =	shalt  }
0x76: {  	_ =	shalt  }
0x77: {  	_ =	shalt  }
0x78: {  	_ =	shalt  }
0x79: {  	_ =	shalt  }
0x7a: {  	_ =	shalt  }
0x7b: {  	_ =	shalt  }
0x7c: {  	_ =	shalt  }
0x7d: {  	_ =	shalt  }
0x7e: {  	_ =	shalt  }
0x7f: {  	_ =	shalt  }
0x80: {  	_ =	shalt  }
0x81: {  	_ =	shalt  }
0x82: {  	_ =	shalt  }
0x83: {  	_ =	shalt  }
0x84: {  	_ =	shalt  }
0x85: {  	_ =	shalt  }
0x86: {  	_ =	shalt  }
0x87: {  	_ =	shalt  }
.Lfunc_end0:
.L_simem_size_0:
called_computation.5_lowered:
.L_overlay_start_0:
0x88: {  	s2 =	sld [smem:$0x3FD9]  }
0x89: {  	s3 =	sld [smem:$0x3FFE];
	_ =	sdelay $0x1  }
0x8a: {  	s1 =	srdreg.scid  }
0x8b: {  	s0 =	sand.u32 $0x1, s1  }
0x8c: {  	s17 =	sshll.u32 s0, $0xA;
	s2 =	sadd.s32 s3, s2  }
0x8d: {  	s2 =	sadd.s32 s2, s17  }
0x8e: {  	[smem:$0x3FB4] =	sst s2  }
0x8f: {  	_ = 	snop  }
0x90: {  	s2 =	sld [smem:$0x3FD0];
	(tm) =	ssettm $0x1  }
0x91: {  	s18 =	sld [smem:$0x3FFB];
	_ =	sdelay $0x3  }
0x92: {  	_ =	strace s18  }
0x93: {  	s3 =	sld [smem:$0x3FFC];
	_ =	sdelay $0x3  }
0x94: {  	_ =	strace s3  }
0x95: {  	s3 =	sld [smem:$0x3FFD];
	_ =	sdelay $0x3  }
0x96: {  	_ =	strace s3  }
0x97: {  	_ =	strace $0x8FFFFFFF  }
0x98: {  	s19 =	sld [smem:$0x3FDB];
	_ =	sdelay $0x1  }
0x99: {  	s4 =	simm.s32 $_scs_section_size  }
0x9a: {  	s5 =	simm.s32 $_size__tile_overlayer_lowered;
	s6 =	simm.s32 $_tile_overlayer_lowered  }
0x9b: {  	s22 =	simm.s32 $0x1BFF;
	s21 =	sshll.u32 s6, $0x1;
	s3 =	sadd.s32 s4, s19  }
0x9c: {  	s7 =	simm.s32 $0x0;
	s20 =	sshll.u32 s5, $0x1;
	s5 =	sadd.s32 s21, s3  }
0x9d: {  	[timem:s7], [sflag:s22] =	dma.local [hbm:s5], s20  }
0x9e: {  	_ =	swait.ge [sflag:s22], s20  }
0x9f: {  	s4 =	ssub.s32 $0x0, s20;
	[sflag:s22] =	ssyncset.done $0x0  }
0xa0: {  	[sflag:s22] =	ssyncadd.s32 s4;
	_ =	sdelay $0x1  }
0xa1: {  	s23 =	simm.s32 $0x1B8B  }
0xa2: {  	_ =	swait.ge [sflag:s23], $0x1  }
0xa3: {  	[sflag:s23] =	ssyncset.done $0x0  }
0xa4: {  	s25 =	simm.s32 $0x1B8E;
	s24 =	sld [smem:$0x3FFE];
	[sflag:s23] =	ssyncadd.s32 $0xFFFFFFFF  }
0xa5: {  	s26 =	simm.s32 $execute0_lowered;
	[smem:$0x3FD2] =	sst s25  }
0xa6: {  	s5 =	sshll.u32 s26, $0x1;
	_ =	strace $0x80000055;
	[dreg:$0x1] =	wrdreg $0xFFFFFFFF  }
0xa7: {  	s28 =	simm.s32 $_size_execute0_lowered;
	s3 =	sadd.s32 s3, s5;
	[dreg:$0x0] =	wrdreg $0x0  }
0xa8: {  	s5 =	sshll.u32 s28, $0x1;
	[dreg:$0x2] =	wrdreg s3  }
0xa9: {  	[dreg:$0x3] =	wrdreg s5  }
0xaa: {  	[dreg:$0x4] =	wrdreg $0xC0  }
0xab: {  	_ =	task [dreg:s7], $0x5FFFF  }
0xac: {  	[dreg:$0x1] =	wrdreg $0xFFFFFFFF  }
0xad: {  	[dreg:$0x0] =	wrdreg $0x60  }
0xae: {  	[dreg:$0x2] =	wrdreg s24  }
0xaf: {  	[dreg:$0x3] =	wrdreg s2  }
0xb0: {  	[dreg:$0x4] =	wrdreg $0x0  }
0xb1: {  	[dreg:$0x5] =	wrdreg $0x9  }
0xb2: {  	_ =	task.clear_ibuf [dreg:s7], $0x6FFFF;
	_ =	strace $0x90000055  }
0xb3: {  	s29 =	simm.s32 $0x9;
	_ =	strace $0x80000057  }
0xb4: {  	_ =	swait.ge [sflag:s29], $0x1  }
0xb5: {  	[sflag:s29] =	ssyncadd.s32 $0xFFFFFFFF  }
0xb6: {  	_ =	strace $0x90000057  }
0xb7: {  	_ =	sfence  }
0xb8: {  	s30 =	sld [smem:$0x0];
	_ =	sdelay $0x2  }
0xb9: {  	s31 =	sshll.u32 s1, $0xD;
	s1 =	sshrl.u32 s1, $0x2  }
0xba: {  	s3 =	sand.u32 $0x4000, s31;
	s1 =	sadd.s32 s1, s30  }
0xbb: {  	s0 =	sor.u32 s3, s0;
	s1 =	sshll.u32 s1, $0x11  }
0xbc: {  	s0 =	sor.u32 s1, s0  }
0xbd: {  	s0 =	sadd.s32 $0x8F2B, s0  }
0xbe: {  	[sflag:s0] =	ssyncadd.remote.s32 $0x1  }
0xbf: {  	_ =	sfence.sel $0xFFFF  }
0xc0: {  	[dreg:$0x0] =	wrdreg $0xFFFFFFFF;
	(pc) =	sbr.abs _section_cstart, $3  }
0xc1: {  	[dreg:$0x1] =	wrdreg $0xFFFFFFFF  }
0xc2: {  	_ =	task.clear_ibuf [dreg:s7], $0x2FFFF;
	_ =	strace $0x9FFFFFFF  }
0xc3: {  	(tm) =	ssettm $0x7FFFFFFF  }
tec
execute0_lowered:
.L_overlay_start_1:
0x0: {  	(tag) =	ssettag $0x1  }
0x1: {  	s0 =	rddreg [dreg:$0x0]  }
0x2: {  	s2 =	rddreg [dreg:$0x2]  }
0x3: {  	s1 =	srdreg.scid;
	s4 =	simm.s32 $0x0;
	s13 =	stileid.u32  }
0x4: {  	s16 =	simm.s32 $0x3;
	s18 =	simm.s32 $0x14000;
	s19 =	simm.s32 $0x14080  }
0x5: {  	s20 =	simm.s32 $0x40;
	s21 =	simm.s32 $0x14100;
	s28 =	simm.s32 $0x0  }
0x6: {  	s29 =	simm.s32 $0x0;
	s1 =	sand.u32 $0x1, s1;
	[smem:$0x7FF] =	sst s4  }
0x7: {  	s9 =	smul.u32 $0x14000, s13;
	s5 =	sadd.s32 $0x7E00, s0;
	s6 =	sadd.s32 $0xD200, s0  }
0x8: {  	s7 =	sadd.s32 $0x12600, s0;
	s8 =	sadd.s32 $0x3A600, s0;
	s22 =	sadd.s32 $0x7800, s0  }
0x9: {  	s12 =	smul.u32 $0x50000, s13;
	s10 =	sadd.s32 $0x62600, s0;
	s25 =	sshll.u32 s13, $0x1  }
0xa: {  	s30 =	sshll.u32 s13, $0x6;
	s3 =	smul.u32 $0x140000, s1;
	_ =	strace $0x80000056  }
0xb: {  	[dreg:$0x4] =	wrdreg s22;
	s23 =	ssub.s32 $0x2, s1;
	s1 =	sor.u32 s1, s25  }
0xc: {  	s22 =	simm.s32 $0x16100;
	s25 =	simm.s32 $0x18100;
	s11 =	sshrl.u32 s23, $0x1  }
0xd: {  	s26 =	sshrl.u32 s12, $0x2;
	s12 =	smul.u32 $0x54, s1;
	s3 =	sadd.s32 s9, s3  }
0xe: {  	s24 =	ssub.s32 s23, s11;
	s9 =	sadd.s32 s26, s2;
	s3 =	sshrl.u32 s3, $0x3  }
0xf: {  	s11 =	sor.u32 $0x1C03, s30;
	s23 =	simm.s32 $0x1;
	s3 =	sadd.s32 s3, s0  }
0x10: {  	s26 =	simm.s32 $0x1A100;
	s14 =	smax.u32 s24, $0x1;
	s31 =	sadd.s32 $0x302600, s3  }
0x11: {  	v0 =	vimm.f32 $0.0e+00;
	s15 =	sshrl.u32 s9, $0x3;
	s24 =	simm.s32 $0x2;
	[dreg:$0x5] =	wrdreg s31  }
.LBB2_1:
0x12: {  	s0 =	rddreg [dreg:$0x1]  }
0x13: {  	[spmem:s15], [sflag:s11] =	dma.local [hbm:s0], $0x2800  }
0x14: {  	_ =	swait.ge [sflag:s16], $0x2800  }
0x15: {  	[sflag:s16] =	ssyncset.done $0x0  }
0x16: {  	s1 =	simm.s32 $0x1C100;
	s31 =	rddreg [dreg:$0x4];
	[sflag:s16] =	ssyncadd.s32 $0xFFFFD800  }
0x17: {  	[tilespmem:s1], [sflag:$0x3] =	stream.linear.gather [hbm4b:s31+s4], $0x80, $0x38;
	[tilespmem:$0x1C180] =	vst v63  }
0x18: {  	_ =	swait.ge [sflag:s16], $0x80  }
0x19: {  	[sflag:s16] =	ssyncset.done $0x0  }
0x1a: {  	[sflag:s16] =	ssyncadd.s32 $0xFFFFFF80  }
0x1b: {  	[bflag:$0x0] =	sbarrier.arrive $0xFFFF  }
0x1c: {  	v1 =	vld [tilespmem:$0x1C100];
	_ =	sdelay $0x3  }
0x1d: {  	s0 =	simm.s32 $0x0;
	s1 =	simm.s32 $0x200  }
.LBB2_2:
0x1e: {  	p0 =	sne.s32 s1, $0x7E00;
	[tilespmem:s0+$0x18170] =	vst v0  }
0x1f: {  	[tilespmem:s0+$0x18110] =	vst v0  }
.Ltmp0:
0x20: {  	[tilespmem:s0+$0x18120] =	vst v0;
	(pc) =	sbr.rel @p0 .LBB2_2-.Ltmp0, $4  }
0x21: {  	[tilespmem:s0+$0x18130] =	vst v0  }
0x22: {  	[tilespmem:s0+$0x18140] =	vst v0  }
0x23: {  	[tilespmem:s0+$0x18150] =	vst v0  }
0x24: {  	[tilespmem:s0+$0x18160] =	vst v0;
	s0 =	sshra.s32 s1, $0x2;
	s1 =	sadd.s32 $0x200, s1  }
0x25: {  	[tilespmem:s0+$0x18170] =	vst v0  }
0x26: {  	[tilespmem:s0+$0x18110] =	vst v0  }
0x27: {  	[tilespmem:s0+$0x18120] =	vst v0  }
0x28: {  	[tilespmem:s0+$0x18130] =	vst v0  }
0x29: {  	[tilespmem:s0+$0x18140] =	vst v0  }
0x2a: {  	[tilespmem:s0+$0x18150] =	vst v0  }
0x2b: {  	[tilespmem:s0+$0x18160] =	vst v0;
	s30 =	simm.s32 $0x0  }
.LBB2_4:
0x2c: {  	s31 =	sadd.s32 s12, s30  }
0x2d: {  	s0 =	sshll.u32 s31, $0x3  }
0x2e: {  	s1 =	sadd.s32 s5, s0  }
0x2f: {  	[tilespmem:s18], [sflag:$0x3] =	stream.linear.gather [hbm4b:s1+s29], $0x40, $0x38;
	[tilespmem:$0x1C180] =	vst v63  }
0x30: {  	_ =	swait.ge [sflag:s16], $0x40  }
0x31: {  	[sflag:s16] =	ssyncset.done $0x0  }
0x32: {  	s0 =	sadd.s32 s6, s0;
	[sflag:s16] =	ssyncadd.s32 $0xFFFFFFC0  }
0x33: {  	[tilespmem:s19], [sflag:$0x3] =	stream.linear.gather [hbm4b:s0+s29], $0x40, $0x38;
	[tilespmem:$0x1C180] =	vst v63  }
0x34: {  	_ =	swait.ge [sflag:s16], $0x40  }
0x35: {  	[sflag:s16] =	ssyncset.done $0x0  }
0x36: {  	[sflag:s16] =	ssyncadd.s32 $0xFFFFFFC0  }
0x37: {  	[tilespmem:s21], [sflag:$0x1] =	stream.indirect.gather [hbm4b:s7+s20], $0x80, s18, s20, $0xb8;
	[tilespmem:$0x1C180] =	vst v63  }
0x38: {  	_ = 	snop  }
0x39: {  	[tilespmem:s22], [sflag:$0x2] =	stream.indirect.gather [hbm4b:s8+s20], $0x80, s19, s20, $0xb8;
	[tilespmem:$0x1C180] =	vst v63  }
0x3a: {  	_ =	swait.ge [sflag:s23], $0x2000  }
0x3b: {  	[sflag:s23] =	ssyncset.done $0x0  }
0x3c: {  	[sflag:s23] =	ssyncadd.s32 $0xFFFFE000  }
0x3d: {  	_ =	swait.ge [sflag:s24], $0x2000  }
0x3e: {  	[sflag:s24] =	ssyncset.done $0x0  }
0x3f: {  	s0 =	simm.s32 $0x0;
	[sflag:s24] =	ssyncadd.s32 $0xFFFFE000  }
0x40: {  	v2 =	vld [tilespmem:s0+$0x14100]  }
0x41: {  	v3 =	vld [tilespmem:s0+$0x16100];
	_ =	sdelay $0x1  }
0x42: {  	s3 =	simm.s32 $0x80  }
0x43: {  	v4 =	vld [tilespmem:s3+$0x14100]  }
0x44: {  	v5 =	vld [tilespmem:s3+$0x16100]  }
0x45: {  	v2 =	vadd.f32 v3, v2;
	_ =	sdelay $0x1  }
0x46: {  	v6 =	vmul.f32 $2.000000030e-01, v2;
	_ =	sdelay $0x1  }
0x47: {  	v4 =	vadd.f32 v5, v4;
	v2 =	vmax.f32 v2, v6  }
0x48: {  	s1 =	simm.s32 $0x100;
	v2 =	vsub.f32 v2, v1  }
0x49: {  	v3 =	vld [tilespmem:s1+$0x14100];
	v7 =	vmul.f32 $2.000000030e-01, v4  }
0x4a: {  	v5 =	vld [tilespmem:s1+$0x16100];
	v2 =	vmul.f32 $1.442695020e+00, v2  }
0x4b: {  	v4 =	vmax.f32 v4, v7  }
0x4c: {  	v4 =	vsub.f32 v4, v1;
	(erf) = vpow2.f32 v2;
	_ =	sdelay $0x1  }
0x4d: {  	s17 =	simm.s32 $0x180;
	v4 =	vmul.f32 $1.442695020e+00, v4  }
0x4e: {  	v5 =	vadd.f32 v5, v3;
	v3 =	vld [tilespmem:s17+$0x16100]  }
0x4f: {  	v2 =	vld [tilespmem:s17+$0x14100];
	(erf) = vpow2.f32 v4  }
0x50: {  	v6 =	vmul.f32 $2.000000030e-01, v5;
	_ =	sdelay $0x1  }
0x51: {  	s9 =	simm.s32 $0x800;
	v4 =	vmax.f32 v5, v6  }
.LBB2_5:
0x52: {  	s13 =	sshra.s32 s9, $0x2;
	v4 =	vsub.f32 v4, v1;
	p0 =	sne.s32 s9, $0x7E00  }
.Ltmp1:
0x53: {  	s9 =	sadd.s32 $0x200, s9;
	v5 =	vadd.f32 v3, v2;
	v2 =	vld [tilespmem:s13+$0x14100];
	v6 =	vpop (erf);
	(pc) =	sbr.rel @p0 .LBB2_5-.Ltmp1, $4  }
0x54: {  	v3 =	vld [tilespmem:s13+$0x16100];
	v4 =	vmul.f32 $1.442695020e+00, v4;
	[tilespmem:s0+$0x1A100] =	vst v6  }
0x55: {  	v7 =	vmul.f32 $2.000000030e-01, v5;
	[tilespmem:s0+$0x18100] =	vst v6;
	s0 =	smov.u32 s3;
	s3 =	smov.u32 s1;
	s1 =	smov.u32 s17  }
0x56: {  	s17 =	smov.u32 s13;
	(erf) = vpow2.f32 v4  }
0x57: {  	v4 =	vmax.f32 v5, v7  }
0x58: {  	_ = 	snop  }
0x59: {  	v2 =	vadd.f32 v3, v2;
	_ =	sdelay $0x1  }
0x5a: {  	v3 =	vmul.f32 $2.000000030e-01, v2  }
0x5b: {  	v4 =	vsub.f32 v4, v1  }
0x5c: {  	v2 =	vmax.f32 v2, v3  }
0x5d: {  	v3 =	vmul.f32 $1.442695020e+00, v4;
	v2 =	vsub.f32 v2, v1;
	_ =	sdelay $0x1  }
0x5e: {  	(erf) = vpow2.f32 v3;
	v2 =	vmul.f32 $1.442695020e+00, v2;
	_ =	sdelay $0x1  }
0x5f: {  	(erf) = vpow2.f32 v2;
	_ =	sdelay $0x2  }
0x60: {  	v2 =	vpop (erf)  }
0x61: {  	[tilespmem:s0+$0x1A100] =	vst v2  }
0x62: {  	v3 =	vpop (erf);
	[tilespmem:s0+$0x18100] =	vst v2  }
0x63: {  	[tilespmem:s3+$0x1A100] =	vst v3  }
0x64: {  	[tilespmem:s3+$0x18100] =	vst v3;
	v2 =	vpop (erf)  }
0x65: {  	[tilespmem:s1+$0x1A100] =	vst v2  }
0x66: {  	[tilespmem:s1+$0x18100] =	vst v2;
	v2 =	vpop (erf)  }
0x67: {  	[tilespmem:s17+$0x1A100] =	vst v2  }
0x68: {  	[tilespmem:s17+$0x18100] =	vst v2  }
0x69: {  	[spmem:s2] =	stream.indirect.scatter.add.f32 [tilespmem:s25], [sflag:$0x3], $0x80, s19, s20, $0xb8;
	[tilespmem:$0x1C180] =	vst v63  }
0x6a: {  	s30 =	sadd.s32 $0x1, s30;
	_ =	swait.ge [sflag:s16], $0x2000  }
0x6b: {  	s31 =	sshll.u32 s31, $0xA;
	p0 =	sne.s32 s30, $0x54;
	[sflag:s16] =	ssyncset.done $0x0  }
.Ltmp2:
0x6c: {  	s0 =	sadd.s32 s10, s31;
	[sflag:s16] =	ssyncadd.s32 $0xFFFFE000;
	(pc) =	sbr.rel @p0 .LBB2_4-.Ltmp2, $4  }
0x6d: {  	[hbm4b:s0+s4] =	stream.linear.scatter [tilespmem:s26], [sflag:$0x3], $0x2000, $0x38;
	[tilespmem:$0x1C180] =	vst v63  }
0x6e: {  	_ =	swait.ge [sflag:s16], $0x2000  }
0x6f: {  	[sflag:s16] =	ssyncset.done $0x0  }
0x70: {  	[sflag:s16] =	ssyncadd.s32 $0xFFFFE000  }
0x71: {  	s28 =	sadd.s32 $0x1, s28  }
0x72: {  	[bflag:$0x0] =	sbarrier.arrive $0xFFFF;
	p0 =	sne.s32 s28, s14  }
.Ltmp3:
0x73: {  	s0 =	rddreg [dreg:$0x5];
	(pc) =	sbr.rel @p0 .LBB2_1-.Ltmp3, $4  }
0x74: {  	[hbm:s0], [sflag:s11] =	dma.local [spmem:s15], $0x2800  }
0x75: {  	_ =	swait.ge [sflag:s16], $0x2800  }
0x76: {  	[sflag:s16] =	ssyncset.done $0x0  }
0x77: {  	[sflag:s16] =	ssyncadd.s32 $0xFFFFD800  }
0x78: {  	_ =	sfence.sel $0x180000  }
0x79: {  	[bflag:$0x0] =	sbarrier.arrive $0xFFFF  }
0x7a: {  	_ =	strace $0x90000056  }
0x7b: {  	s0 =	stileid.u32;
	[bflag:$0x2] =	sbarrier.arrive $0xFFFF  }
0x7c: {  	p0 =	sne.s32 s0, $0x0;
	s0 =	rddreg [dreg:$0x3]  }
0x7d: {  	s0 =	sadd.s32 @!p0 $0x100000, s0  }
0x7e: {  	[sflag:s0] =	ssyncadd.tile.s32 @!p0 $0x1;
	_ =	shalt  }
.Lfunc_end2:
_tile_overlayer_lowered:
.L_overlay_start_2:
0x7f: {  	(tag) =	ssettag $0x2  }
0x80: {  	s0 =	rddreg [dreg:$0x0];
	s2 =	stileid.u32  }
0x81: {  	s1 =	rddreg [dreg:$0x1];
	p0 =	sne.s32 s2, $0x0  }
0x82: {  	s3 =	rddreg [dreg:$0x2];
	[bflag:$0x3] =	sbarrier.arrive $0xFFFF;
	s2 =	simm.s32 @!p0 $0x1C03  }
0x83: {  	[timem:s3], [sflag:s2] =	dma.local @!p0 [hbm:s0], s1  }
0x84: {  	s0 =	simm.s32 @!p0 $0x3  }
0x85: {  	_ =	swait.ge @!p0 [sflag:s0], s1  }
0x86: {  	s1 =	ssub.s32 @!p0 $0x0, s1;
	[sflag:s0] =	ssyncset.done @!p0 $0x0  }
0x87: {  	[sflag:s0] =	ssyncadd.s32 @!p0 s1  }
0x88: {  	[bflag:$0x3] =	sbarrier.arrive $0xFFFF  }
0x89: {  	_ =	shalt  }

// kernel: kernel.39.cloned.1.call-start
scs
__scs_entry_jumppad:
0x0: {  	(pc) =	sbr.rel $0x88, $3  }
0x1: {  	(tag) =	ssettag $0x0;
	lr =	simm.s32 $0x1  }
0x2: {  	[smem:$0x3F8D] =	sst lr;
	_ =	strace $0xD0000000  }
0x3: {  	_ = 	snop  }
0x4: {  	_ = 	snop  }
0x5: {  	_ = 	snop  }
0x6: {  	_ = 	snop  }
0x7: {  	_ = 	snop  }
__scs_overlays_trampoline_lowered:
0x8: {  	[smem:$0x3F9C] =	sst s0  }
0x9: {  	[smem:$0x3F9D] =	sst s1  }
0xa: {  	[smem:$0x3F9E] =	sst s2  }
0xb: {  	[smem:$0x3F9F] =	sst s3  }
0xc: {  	[smem:$0x3FA0] =	sst s4  }
0xd: {  	[smem:$0x3FA1] =	sst s5  }
0xe: {  	[smem:$0x3FA2] =	sst s6  }
0xf: {  	[smem:$0x3FA3] =	sst s7  }
0x10: {  	[smem:$0x3FA4] =	sst s8  }
0x11: {  	[smem:$0x3FA5] =	sst s9;
	s0 =	simm.s32 @!p0 $0x0  }
0x12: {  	s1 =	sld [smem:$0x3F8B];
	s0 =	simm.s32 @p0 $0x1  }
0x13: {  	[smem:$0x3FA6] =	sst s0;
	s0 =	simm.s32 @!p1 $0x0  }
0x14: {  	s2 =	sld [smem:$0x3F8A];
	s0 =	simm.s32 @p1 $0x1  }
0x15: {  	[smem:$0x3FA7] =	sst s0;
	s0 =	simm.s32 @!p2 $0x0  }
0x16: {  	s3 =	sld [smem:$0x3FDB];
	s0 =	simm.s32 @p2 $0x1  }
0x17: {  	s4 =	simm.s32 $0x1BF5;
	[smem:$0x3FA9] =	sst s0  }
0x18: {  	s0 =	sld [smem:$0x3F8C];
	_ =	swait.ge [sflag:s4], $0x0  }
0x19: {  	s7 =	sld [smem:$0x3F8D]  }
0x1a: {  	s8 =	sadd.s32 $0xFFFFE003, lr  }
0x1b: {  	s9 =	sadd.s32 $0xFFFFFEF7, lr;
	s5 =	simm.s32 $0xFFFFFFFF;
	p2 =	slt.u32 s8, $0xFFFFF086  }
0x1c: {  	p1 =	slt.u32 s9, $0xF7A;
	s5 =	simm.s32 @!p2 $0x0  }
0x1d: {  	s5 =	simm.s32 @p1 $0x1;
	p0 =	seq.s32 s7, s2  }
0x1e: {  	s7 =	smul.u32 @!p0 $0xF7A, s2;
	p2 =	seq.s32 @!p0 s5, $0x0  }
0x1f: {  	s9 =	smul.u32 $0xF7A, s1;
	s8 =	simm.s32 @!p0 $0x1BF5;
	p2 =	por !p2, p0  }
0x20: {  	[sflag:s8] =	ssyncset.s32 @!p0 $0xFFFFF086;
	s6 =	sadd.s32 @!p0 s3, s7;
	s7 =	simm.s32 @!p0 $0x108  }
0x21: {  	s3 =	sadd.s32 s3, s9;
	s6 =	sadd.s32 @!p0 $0x88, s6;
	s7 =	simm.s32 @p2 $0x1082  }
0x22: {  	[simem:s7], [sflag:s8] =	dma.local @!p0 [hbm:s6], $0xF7A  }
0x23: {  	s9 =	sor.u32 $0xD0000000, s2;
	s6 =	simm.s32 $0x108;
	_ =	swait.ge @!p0 [sflag:s8], $0x0  }
0x24: {  	s3 =	sadd.s32 $0x88, s3;
	s6 =	simm.s32 @!p1 $0x1082;
	[sflag:s4] =	ssyncset.s32 $0xFFFFF086  }
0x25: {  	[simem:s6], [sflag:s4] =	dma.local [hbm:s3], $0xF7A  }
0x26: {  	[smem:$0x3F8D] =	sst s1;
	(tag) =	ssettag s2;
	_ =	strace s9  }
0x27: {  	s1 =	sld [smem:$0x3F9D]  }
0x28: {  	s2 =	sld [smem:$0x3F9E]  }
0x29: {  	s4 =	sld [smem:$0x3FA0]  }
0x2a: {  	p0 =	seq.s32 s5, $0x0;
	s5 =	sld [smem:$0x3FA1]  }
0x2b: {  	s6 =	sld [smem:$0x3FA2]  }
0x2c: {  	s7 =	sld [smem:$0x3FA3]  }
0x2d: {  	s3 =	simm.s32 $0x108;
	s8 =	sld [smem:$0x3FA4]  }
0x2e: {  	s3 =	simm.s32 @!p0 $0x1082;
	s9 =	sld [smem:$0x3FA5]  }
0x2f: {  	lr =	sadd.s32 s0, s3;
	s0 =	sld [smem:$0x3F9C]  }
0x30: {  	s3 =	sld [smem:$0x3F9F]  }
0x31: {  	[smem:$0x3FA8] =	sst s10  }
0x32: {  	s10 =	sld [smem:$0x3FA6];
	_ =	sdelay $0x3  }
0x33: {  	p0 =	seq.s32 s10, $0x1;
	s10 =	sld [smem:$0x3FA8];
	_ =	sdelay $0x3  }
0x34: {  	[smem:$0x3FA8] =	sst s10  }
0x35: {  	s10 =	sld [smem:$0x3FA7];
	_ =	sdelay $0x3  }
0x36: {  	p1 =	seq.s32 s10, $0x1;
	s10 =	sld [smem:$0x3FA8];
	_ =	sdelay $0x3  }
0x37: {  	[smem:$0x3FA8] =	sst s10  }
0x38: {  	s10 =	sld [smem:$0x3FA9]  }
0x39: {  	_ = 	snop;
	(pc) =	sbr.ind lr, $3  }
0x3a: {  	_ = 	snop  }
0x3b: {  	_ = 	snop  }
0x3c: {  	p2 =	seq.s32 s10, $0x1;
	s10 =	sld [smem:$0x3FA8]  }
0x3d: {  	_ =	shalt  }
0x3e: {  	_ =	shalt  }
0x3f: {  	_ =	shalt  }
0x40: {  	_ =	shalt  }
0x41: {  	_ =	shalt  }
0x42: {  	_ =	shalt  }
0x43: {  	_ =	shalt  }
0x44: {  	_ =	shalt  }
0x45: {  	_ =	shalt  }
0x46: {  	_ =	shalt  }
0x47: {  	_ =	shalt  }
0x48: {  	_ =	shalt  }
0x49: {  	_ =	shalt  }
0x4a: {  	_ =	shalt  }
0x4b: {  	_ =	shalt  }
0x4c: {  	_ =	shalt  }
0x4d: {  	_ =	shalt  }
0x4e: {  	_ =	shalt  }
0x4f: {  	_ =	shalt  }
0x50: {  	_ =	shalt  }
0x51: {  	_ =	shalt  }
0x52: {  	_ =	shalt  }
0x53: {  	_ =	shalt  }
0x54: {  	_ =	shalt  }
0x55: {  	_ =	shalt  }
0x56: {  	_ =	shalt  }
0x57: {  	_ =	shalt  }
0x58: {  	_ =	shalt  }
0x59: {  	_ =	shalt  }
0x5a: {  	_ =	shalt  }
0x5b: {  	_ =	shalt  }
0x5c: {  	_ =	shalt  }
0x5d: {  	_ =	shalt  }
0x5e: {  	_ =	shalt  }
0x5f: {  	_ =	shalt  }
0x60: {  	_ =	shalt  }
0x61: {  	_ =	shalt  }
0x62: {  	_ =	shalt  }
0x63: {  	_ =	shalt  }
0x64: {  	_ =	shalt  }
0x65: {  	_ =	shalt  }
0x66: {  	_ =	shalt  }
0x67: {  	_ =	shalt  }
0x68: {  	_ =	shalt  }
0x69: {  	_ =	shalt  }
0x6a: {  	_ =	shalt  }
0x6b: {  	_ =	shalt  }
0x6c: {  	_ =	shalt  }
0x6d: {  	_ =	shalt  }
0x6e: {  	_ =	shalt  }
0x6f: {  	_ =	shalt  }
0x70: {  	_ =	shalt  }
0x71: {  	_ =	shalt  }
0x72: {  	_ =	shalt  }
0x73: {  	_ =	shalt  }
0x74: {  	_ =	shalt  }
0x75: {  	_ =	shalt  }
0x76: {  	_ =	shalt  }
0x77: {  	_ =	shalt  }
0x78: {  	_ =	shalt  }
0x79: {  	_ =	shalt  }
0x7a: {  	_ =	shalt  }
0x7b: {  	_ =	shalt  }
0x7c: {  	_ =	shalt  }
0x7d: {  	_ =	shalt  }
0x7e: {  	_ =	shalt  }
0x7f: {  	_ =	shalt  }
0x80: {  	_ =	shalt  }
0x81: {  	_ =	shalt  }
0x82: {  	_ =	shalt  }
0x83: {  	_ =	shalt  }
0x84: {  	_ =	shalt  }
0x85: {  	_ =	shalt  }
0x86: {  	_ =	shalt  }
0x87: {  	_ =	shalt  }
.Lfunc_end0:
.L_simem_size_0:
called_computation.6_lowered:
.L_overlay_start_0:
0x88: {  	s2 =	sld [smem:$0x3FD9]  }
0x89: {  	s3 =	sld [smem:$0x3FFE];
	_ =	sdelay $0x1  }
0x8a: {  	s1 =	srdreg.scid  }
0x8b: {  	s0 =	sand.u32 $0x1, s1  }
0x8c: {  	s17 =	sshll.u32 s0, $0xA;
	s2 =	sadd.s32 s3, s2  }
0x8d: {  	s2 =	sadd.s32 s2, s17  }
0x8e: {  	[smem:$0x3FB4] =	sst s2  }
0x8f: {  	_ = 	snop  }
0x90: {  	s2 =	sld [smem:$0x3FD0];
	(tm) =	ssettm $0x1  }
0x91: {  	s18 =	sld [smem:$0x3FFB];
	_ =	sdelay $0x3  }
0x92: {  	_ =	strace s18  }
0x93: {  	s3 =	sld [smem:$0x3FFC];
	_ =	sdelay $0x3  }
0x94: {  	_ =	strace s3  }
0x95: {  	s3 =	sld [smem:$0x3FFD];
	_ =	sdelay $0x3  }
0x96: {  	_ =	strace s3  }
0x97: {  	_ =	strace $0x8FFFFFFF  }
0x98: {  	s19 =	sld [smem:$0x3FDB];
	_ =	sdelay $0x1  }
0x99: {  	s4 =	simm.s32 $_scs_section_size  }
0x9a: {  	s5 =	simm.s32 $_size__tile_overlayer_lowered;
	s6 =	simm.s32 $_tile_overlayer_lowered  }
0x9b: {  	s22 =	simm.s32 $0x1BFF;
	s21 =	sshll.u32 s6, $0x1;
	s3 =	sadd.s32 s4, s19  }
0x9c: {  	s7 =	simm.s32 $0x0;
	s20 =	sshll.u32 s5, $0x1;
	s5 =	sadd.s32 s21, s3  }
0x9d: {  	[timem:s7], [sflag:s22] =	dma.local [hbm:s5], s20  }
0x9e: {  	_ =	swait.ge [sflag:s22], s20  }
0x9f: {  	s4 =	ssub.s32 $0x0, s20;
	[sflag:s22] =	ssyncset.done $0x0  }
0xa0: {  	[sflag:s22] =	ssyncadd.s32 s4;
	_ =	sdelay $0x1  }
0xa1: {  	s23 =	simm.s32 $0x1B8B  }
0xa2: {  	_ =	swait.ge [sflag:s23], $0x1  }
0xa3: {  	[sflag:s23] =	ssyncset.done $0x0  }
0xa4: {  	s25 =	simm.s32 $0x1B8E;
	s24 =	sld [smem:$0x3FFE];
	[sflag:s23] =	ssyncadd.s32 $0xFFFFFFFF  }
0xa5: {  	s26 =	simm.s32 $execute0_lowered;
	[smem:$0x3FD2] =	sst s25  }
0xa6: {  	s5 =	sshll.u32 s26, $0x1;
	_ =	strace $0x80000058;
	[dreg:$0x1] =	wrdreg $0xFFFFFFFF  }
0xa7: {  	s28 =	simm.s32 $_size_execute0_lowered;
	s3 =	sadd.s32 s3, s5;
	[dreg:$0x0] =	wrdreg $0x0  }
0xa8: {  	s5 =	sshll.u32 s28, $0x1;
	[dreg:$0x2] =	wrdreg s3  }
0xa9: {  	[dreg:$0x3] =	wrdreg s5  }
0xaa: {  	[dreg:$0x4] =	wrdreg $0xC0  }
0xab: {  	_ =	task [dreg:s7], $0x5FFFF  }
0xac: {  	[dreg:$0x1] =	wrdreg $0xFFFFFFFF  }
0xad: {  	[dreg:$0x0] =	wrdreg $0x60  }
0xae: {  	[dreg:$0x2] =	wrdreg s24  }
0xaf: {  	[dreg:$0x3] =	wrdreg s2  }
0xb0: {  	[dreg:$0x4] =	wrdreg $0x0  }
0xb1: {  	[dreg:$0x5] =	wrdreg $0x9  }
0xb2: {  	_ =	task.clear_ibuf [dreg:s7], $0x6FFFF;
	_ =	strace $0x90000058  }
0xb3: {  	s29 =	simm.s32 $0x9;
	_ =	strace $0x8000005A  }
0xb4: {  	_ =	swait.ge [sflag:s29], $0x1  }
0xb5: {  	[sflag:s29] =	ssyncadd.s32 $0xFFFFFFFF  }
0xb6: {  	_ =	strace $0x9000005A  }
0xb7: {  	_ =	sfence  }
0xb8: {  	s30 =	sld [smem:$0x0];
	_ =	sdelay $0x2  }
0xb9: {  	s31 =	sshll.u32 s1, $0xD;
	s1 =	sshrl.u32 s1, $0x2  }
0xba: {  	s3 =	sand.u32 $0x4000, s31;
	s1 =	sadd.s32 s1, s30  }
0xbb: {  	s0 =	sor.u32 s3, s0;
	s1 =	sshll.u32 s1, $0x11  }
0xbc: {  	s0 =	sor.u32 s1, s0  }
0xbd: {  	s0 =	sadd.s32 $0x8F2B, s0  }
0xbe: {  	[sflag:s0] =	ssyncadd.remote.s32 $0x1  }
0xbf: {  	_ =	sfence.sel $0xFFFF  }
0xc0: {  	[dreg:$0x0] =	wrdreg $0xFFFFFFFF;
	(pc) =	sbr.abs _section_cstart, $3  }
0xc1: {  	[dreg:$0x1] =	wrdreg $0xFFFFFFFF  }
0xc2: {  	_ =	task.clear_ibuf [dreg:s7], $0x2FFFF;
	_ =	strace $0x9FFFFFFF  }
0xc3: {  	(tm) =	ssettm $0x7FFFFFFF  }
tec
execute0_lowered:
.L_overlay_start_1:
0x0: {  	(tag) =	ssettag $0x1  }
0x1: {  	s9 =	rddreg [dreg:$0x0]  }
0x2: {  	s1 =	rddreg [dreg:$0x1]  }
0x3: {  	s2 =	rddreg [dreg:$0x2]  }
0x4: {  	s3 =	srdreg.scid;
	s0 =	rddreg [dreg:$0x3]  }
0x5: {  	s4 =	simm.s32 $0x0;
	s14 =	simm.s32 $0x2;
	s15 =	simm.s32 $0x14000  }
0x6: {  	s16 =	simm.s32 $0x14080;
	s17 =	simm.s32 $0x80;
	s18 =	simm.s32 $0x18100  }
0x7: {  	s19 =	simm.s32 $0x14100;
	s20 =	simm.s32 $0x1;
	s25 =	simm.s32 $0x0  }
0x8: {  	s10 =	sand.u32 $0x1, s3;
	s3 =	stileid.u32;
	[smem:$0x7FF] =	sst s4  }
0x9: {  	s5 =	sadd.s32 $0x7E00, s9;
	s6 =	sadd.s32 $0xD200, s9;
	s8 =	smul.u32 $0x140000, s10  }
0xa: {  	s7 =	sadd.s32 $0x62600, s9;
	s11 =	smul.u32 $0x14000, s3;
	_ =	strace $0x80000059  }
0xb: {  	s12 =	ssub.s32 $0x2, s10;
	s13 =	smul.u32 $0x50000, s3;
	s30 =	sshll.u32 s3, $0x1  }
0xc: {  	s31 =	sshll.u32 s3, $0x6;
	s29 =	sshrl.u32 s12, $0x1;
	s10 =	sor.u32 s10, s30  }
0xd: {  	s8 =	sadd.s32 s11, s8;
	s12 =	ssub.s32 s12, s29;
	s13 =	sshrl.u32 s13, $0x2  }
0xe: {  	v0 =	vimm.s32 $0x0;
	v1 =	vimm.s32 $0x1;
	s10 =	smul.u32 $0x2A, s10;
	s11 =	sshrl.u32 s8, $0x3;
	s8 =	sadd.s32 $0x352600, s9  }
0xf: {  	v2 =	vimm.s32 $0x2;
	v3 =	vimm.s32 $0x3;
	v4 =	vimm.s32 $0x4;
	s13 =	sadd.s32 s13, s2;
	s12 =	smax.u32 s12, $0x1;
	s11 =	sadd.s32 s11, s9  }
0x10: {  	v5 =	vimm.s32 $0x5;
	v6 =	vimm.s32 $0x6;
	v7 =	vimm.s32 $0x7;
	s9 =	sor.u32 $0x1C02, s31;
	s13 =	sshrl.u32 s13, $0x3;
	s11 =	sadd.s32 $0x12600, s11  }
.LBB2_1:
0x11: {  	[spmem:s13], [sflag:s9] =	dma.local [hbm:s1], $0x2800  }
0x12: {  	_ =	swait.ge [sflag:s14], $0x2800  }
0x13: {  	[sflag:s14] =	ssyncset.done $0x0  }
0x14: {  	[sflag:s14] =	ssyncadd.s32 $0xFFFFD800  }
0x15: {  	s21 =	simm.s32 $0x0;
	[bflag:$0x0] =	sbarrier.arrive $0xFFFF  }
.LBB2_2:
0x16: {  	s22 =	sadd.s32 s10, s21  }
0x17: {  	s23 =	sshll.u32 s22, $0x4  }
0x18: {  	s24 =	sadd.s32 s5, s23  }
0x19: {  	[tilespmem:s15], [sflag:$0x2] =	stream.linear.gather [hbm4b:s24+s25], $0x80, $0x38;
	[tilespmem:$0x1C100] =	vst v63  }
0x1a: {  	_ =	swait.ge [sflag:s14], $0x80  }
0x1b: {  	[sflag:s14] =	ssyncset.done $0x0  }
0x1c: {  	s23 =	sadd.s32 s6, s23;
	[sflag:s14] =	ssyncadd.s32 $0xFFFFFF80  }
0x1d: {  	[tilespmem:s16], [sflag:$0x2] =	stream.linear.gather [hbm4b:s23+s25], $0x80, $0x38;
	[tilespmem:$0x1C100] =	vst v63  }
0x1e: {  	_ =	swait.ge [sflag:s14], $0x80  }
0x1f: {  	[sflag:s14] =	ssyncset.done $0x0  }
0x20: {  	s22 =	sshll.u32 s22, $0xB;
	[sflag:s14] =	ssyncadd.s32 $0xFFFFFF80  }
0x21: {  	[tilespmem:s18], [sflag:$0x1] =	stream.indirect.gather [hbm4b:s8+s17], $0x80, s15, s17, $0xb8;
	[tilespmem:$0x1C100] =	vst v63  }
0x22: {  	s22 =	sadd.s32 s7, s22  }
0x23: {  	[tilespmem:s19], [sflag:$0x2] =	stream.linear.gather [hbm4b:s22+s25], $0x4000, $0x38;
	[tilespmem:$0x1C100] =	vst v63  }
0x24: {  	_ =	swait.ge [sflag:s14], $0x4000  }
0x25: {  	[sflag:s14] =	ssyncset.done $0x0  }
0x26: {  	[sflag:s14] =	ssyncadd.s32 $0xFFFFC000  }
0x27: {  	_ =	swait.ge [sflag:s20], $0x4000  }
0x28: {  	[sflag:s20] =	ssyncset.done $0x0  }
0x29: {  	s22 =	simm.s32 $0x0;
	[sflag:s20] =	ssyncadd.s32 $0xFFFFC000  }
0x2a: {  	v8 =	vld [tilespmem:s22+$0x14100]  }
0x2b: {  	v12 =	vld [tilespmem:s22+$0x18100]  }
0x2c: {  	v11 =	vld [tilespmem:s22+$0x18110]  }
0x2d: {  	v9 =	vld [tilespmem:s22+$0x18120]  }
0x2e: {  	v10 =	vld [tilespmem:s22+$0x18130]  }
0x2f: {  	v13 =	vld [tilespmem:s22+$0x18140];
	v17 =	vperm.xlane v8, v0;
	v15 =	vperm.xlane v8, v2  }
0x30: {  	v14 =	vld [tilespmem:s22+$0x18150];
	v18 =	vperm.xlane v8, v1;
	v16 =	vperm.xlane v8, v4  }
0x31: {  	s23 =	simm.s32 $0x200;
	v19 =	vmul.f32 v12, v17;
	v17 =	vperm.xlane v8, v3;
	v12 =	vld [tilespmem:s22+$0x18160]  }
.LBB2_3:
0x32: {  	s24 =	sshra.s32 s23, $0x2;
	p0 =	sne.s32 s23, $0xFE00;
	s23 =	sadd.s32 $0x200, s23;
	v11 =	vmul.f32 v11, v18;
	v18 =	vperm.xlane v8, v5;
	v20 =	vld [tilespmem:s22+$0x18170]  }
0x33: {  	v9 =	vmul.f32 v9, v15;
	v21 =	vld [tilespmem:s24+$0x14100];
	[tilespmem:s22+$0x18100] =	vst v19;
	v10 =	vmul.f32 v10, v17  }
0x34: {  	v15 =	vperm.xlane v8, v7;
	v17 =	vld [tilespmem:s24+$0x18100];
	[tilespmem:s22+$0x18110] =	vst v11;
	v13 =	vmul.f32 v13, v16  }
0x35: {  	v16 =	vperm.xlane v8, v6;
	v11 =	vld [tilespmem:s24+$0x18110];
	[tilespmem:s22+$0x18120] =	vst v9;
	v14 =	vmul.f32 v14, v18  }
.Ltmp0:
0x36: {  	v9 =	vld [tilespmem:s24+$0x18120];
	[tilespmem:s22+$0x18130] =	vst v10;
	(pc) =	sbr.rel @p0 .LBB2_3-.Ltmp0, $4  }
0x37: {  	v12 =	vmul.f32 v12, v16;
	v10 =	vld [tilespmem:s24+$0x18130];
	[tilespmem:s22+$0x18140] =	vst v13;
	v20 =	vmul.f32 v20, v15  }
0x38: {  	v19 =	vperm.xlane v21, v0;
	v15 =	vperm.xlane v21, v2;
	v13 =	vld [tilespmem:s24+$0x18140];
	[tilespmem:s22+$0x18150] =	vst v14;
	v8 =	vmov v21  }
0x39: {  	v18 =	vperm.xlane v8, v1;
	v16 =	vperm.xlane v8, v4;
	v14 =	vld [tilespmem:s24+$0x18150];
	[tilespmem:s22+$0x18160] =	vst v12  }
0x3a: {  	v19 =	vmul.f32 v17, v19;
	v17 =	vperm.xlane v8, v3;
	v12 =	vld [tilespmem:s24+$0x18160];
	[tilespmem:s22+$0x18170] =	vst v20;
	s22 =	smov.u32 s24  }
0x3b: {  	v11 =	vmul.f32 v11, v18  }
0x3c: {  	v59 =	vld [tilespmem:s22+$0x18170];
	v9 =	vmul.f32 v9, v15;
	[tilespmem:s22+$0x18100] =	vst v19  }
0x3d: {  	v60 =	vperm.xlane v8, v5;
	v10 =	vmul.f32 v10, v17;
	[tilespmem:s22+$0x18110] =	vst v11  }
0x3e: {  	v62 =	vperm.xlane v8, v6;
	v61 =	vmul.f32 v13, v16;
	[tilespmem:s22+$0x18120] =	vst v9  }
0x3f: {  	v8 =	vperm.xlane v8, v7;
	v63 =	vmul.f32 v14, v60;
	[tilespmem:s22+$0x18130] =	vst v10  }
0x40: {  	[tilespmem:s22+$0x18140] =	vst v61;
	v9 =	vmul.f32 v12, v62  }
0x41: {  	s21 =	sadd.s32 $0x1, s21;
	v8 =	vmul.f32 v59, v8;
	[tilespmem:s22+$0x18150] =	vst v63  }
0x42: {  	p0 =	sne.s32 s21, $0x2A;
	[tilespmem:s22+$0x18160] =	vst v9  }
.Ltmp1:
0x43: {  	[tilespmem:s22+$0x18170] =	vst v8;
	(pc) =	sbr.rel @p0 .LBB2_2-.Ltmp1, $4  }
0x44: {  	[spmem:s2] =	stream.indirect.scatter.add.f32 [tilespmem:s18], [sflag:$0x2], $0x80, s16, s17, $0xb8;
	[tilespmem:$0x1C100] =	vst v63  }
0x45: {  	_ =	swait.ge [sflag:s14], $0x4000  }
0x46: {  	[sflag:s14] =	ssyncset.done $0x0  }
0x47: {  	[sflag:s14] =	ssyncadd.s32 $0xFFFFC000  }
0x48: {  	s4 =	sadd.s32 $0x1, s4  }
0x49: {  	p0 =	sne.s32 s4, s12  }
.Ltmp2:
0x4a: {  	[bflag:$0x0] =	sbarrier.arrive $0xFFFF;
	(pc) =	sbr.rel @p0 .LBB2_1-.Ltmp2, $4  }
0x4b: {  	[hbm:s11], [sflag:s9] =	dma.local [spmem:s13], $0x2800  }
0x4c: {  	_ =	swait.ge [sflag:s14], $0x2800  }
0x4d: {  	[sflag:s14] =	ssyncset.done $0x0  }
0x4e: {  	[sflag:s14] =	ssyncadd.s32 $0xFFFFD800  }
0x4f: {  	_ =	sfence.sel $0x180000  }
0x50: {  	[bflag:$0x0] =	sbarrier.arrive $0xFFFF  }
0x51: {  	p0 =	sne.s32 s3, $0x0;
	_ =	strace $0x90000059  }
0x52: {  	s0 =	sadd.s32 @!p0 $0x100000, s0;
	[bflag:$0x2] =	sbarrier.arrive $0xFFFF  }
0x53: {  	[sflag:s0] =	ssyncadd.tile.s32 @!p0 $0x1;
	_ =	shalt  }
.Lfunc_end2:
_tile_overlayer_lowered:
.L_overlay_start_2:
0x54: {  	(tag) =	ssettag $0x2  }
0x55: {  	s0 =	rddreg [dreg:$0x0];
	s2 =	stileid.u32  }
0x56: {  	s1 =	rddreg [dreg:$0x1];
	p0 =	sne.s32 s2, $0x0  }
0x57: {  	s3 =	rddreg [dreg:$0x2];
	[bflag:$0x3] =	sbarrier.arrive $0xFFFF;
	s2 =	simm.s32 @!p0 $0x1C02  }
0x58: {  	[timem:s3], [sflag:s2] =	dma.local @!p0 [hbm:s0], s1  }
0x59: {  	s0 =	simm.s32 @!p0 $0x2  }
0x5a: {  	_ =	swait.ge @!p0 [sflag:s0], s1  }
0x5b: {  	s1 =	ssub.s32 @!p0 $0x0, s1;
	[sflag:s0] =	ssyncset.done @!p0 $0x0  }
0x5c: {  	[sflag:s0] =	ssyncadd.s32 @!p0 s1  }
0x5d: {  	[bflag:$0x3] =	sbarrier.arrive $0xFFFF  }
0x5e: {  	_ =	shalt  }

</sc_bundles>
